<compile_context>
chip_gen: v7x
topology: tpu7x:2x2x1
jax: 0.10.2.dev20260603
libtpu: 0.0.44.dev20260713+nightly
codegen_flags: <defaults>
</compile_context>

<pallas_src>
import jax
import jax.numpy as jnp
from jax import lax
from jax.experimental import pallas as pl
from jax.experimental.pallas import tpu as pltpu
from jax.experimental.pallas import tpu_sc as plsc

_B = 16384
_L = 20
_E = 64
_N = _B * _L
_CHUNK = 128
_NW = 32
_NCHUNK = _N // _CHUNK
_CPW = _NCHUNK // _NW
_NET = 9
_WPAD = 2 * _E + 4
_OSLAB = 8 * 1024 + 2 * 128
_KTILES = _B // 128
_LSTRIDE = _NET * _KTILES * 1024


def _hash_embed_body(ids_hbm, hcol0_hbm, hcol1_hbm, w_hbm, pcol0_hbm,
                     pcol1_hbm, out_hbm,
                     ids3_v, h0_v, h1_v, p0_v, p1_v,
                     pv0_v, pv1_v, w0_v, w1_v, tm_v, outb_v,
                     sem_i, sem_a, sem_b, sem_out):
  wid = lax.axis_index("s") * 2 + lax.axis_index("c")
  row0 = wid * _CPW

  iota16 = lax.iota(jnp.int32, 16)

  def start_i(c):
    pltpu.async_copy(ids_hbm.at[row0 + c], ids3_v.at[lax.rem(c, 3)], sem_i)

  def wait_i():
    pltpu.make_async_copy(ids_hbm.at[0], ids3_v.at[0], sem_i).wait()

  def start_a(c):
    s = lax.rem(c, 3)
    idx = ids3_v.at[s]
    pltpu.async_copy(hcol0_hbm.at[idx], h0_v.at[s], sem_a)
    pltpu.async_copy(hcol1_hbm.at[idx], h1_v.at[s], sem_a)
    pltpu.async_copy(pcol0_hbm.at[idx], p0_v.at[s], sem_a)
    pltpu.async_copy(pcol1_hbm.at[idx], p1_v.at[s], sem_a)

  def wait_a():
    idx = ids3_v.at[0]
    pltpu.make_async_copy(hcol0_hbm.at[idx], h0_v.at[0], sem_a).wait()
    pltpu.make_async_copy(hcol1_hbm.at[idx], h1_v.at[0], sem_a).wait()
    pltpu.make_async_copy(pcol0_hbm.at[idx], p0_v.at[0], sem_a).wait()
    pltpu.make_async_copy(pcol1_hbm.at[idx], p1_v.at[0], sem_a).wait()

  def start_b(c):
    s = lax.rem(c, 3)
    b = c & 1
    pltpu.async_copy(w_hbm.at[h0_v.at[s]], w0_v.at[b], sem_b)
    pltpu.async_copy(w_hbm.at[h1_v.at[s]], w1_v.at[b], sem_b)
    pltpu.async_copy(pcol0_hbm.at[h0_v.at[s]], pv0_v.at[b], sem_b)
    pltpu.async_copy(pcol1_hbm.at[h1_v.at[s]], pv1_v.at[b], sem_b)

  def wait_b():
    pltpu.make_async_copy(w_hbm.at[h0_v.at[0]], w0_v.at[0], sem_b).wait()
    pltpu.make_async_copy(w_hbm.at[h1_v.at[0]], w1_v.at[0], sem_b).wait()
    pltpu.make_async_copy(pcol0_hbm.at[h0_v.at[0]], pv0_v.at[0], sem_b).wait()
    pltpu.make_async_copy(pcol1_hbm.at[h1_v.at[0]], pv1_v.at[0], sem_b).wait()

  def start_d(c):
    boff = (c & 1) * _OSLAB
    r = row0 + c
    l = lax.div(r, _KTILES)
    k = lax.rem(r, _KTILES)
    base = l * _LSTRIDE + k * 1024
    for t in range(8):
      pltpu.async_copy(outb_v.at[pl.ds(boff + t * 1024, 1024)],
                       out_hbm.at[pl.ds(base + t * 131072, 1024)], sem_out)
    pltpu.async_copy(outb_v.at[pl.ds(boff + 8 * 1024, 256)],
                     out_hbm.at[pl.ds(base + 8 * 131072, 256)], sem_out)

  def wait_d():
    for t in range(8):
      pltpu.make_async_copy(outb_v.at[pl.ds(0, 1024)],
                            out_hbm.at[pl.ds(0, 1024)], sem_out).wait()
    pltpu.make_async_copy(outb_v.at[pl.ds(0, 256)],
                          out_hbm.at[pl.ds(0, 256)], sem_out).wait()

  def compute(c):
    s = lax.rem(c, 3)
    b = c & 1
    boff = b * _OSLAB

    @plsc.parallel_loop(0, _CHUNK // 16, step=1)
    def tok_group(g):
      base = g * 16
      p0vec = p0_v[s, pl.ds(base, 16)]
      p1vec = p1_v[s, pl.ds(base, 16)]
      for r16 in range(16):
        tok = base + r16
        p0s = p0vec[r16]
        p1s = p1vec[r16]
        t65 = tok * (_E + 1)
        for j in range(_E // 16):
          tm_v[pl.ds(t65 + j * 16, 16)] = (
              w0_v[b, tok, pl.ds(j * 16, 16)] * p0s
              + w1_v[b, tok, pl.ds(j * 16, 16)] * p1s)

    def e_group(g, carry2):
      base = g * 16
      toks65 = (iota16 + base) * (_E + 1)
      sbase = boff + base

      @plsc.parallel_loop(0, _E, step=1, unroll=4)
      def _(e):
        ge = plsc.load_gather(tm_v, [toks65 + e])
        outb_v[pl.ds(sbase + e * 128, 16)] = ge

      pb = boff + 8 * 1024 + base
      outb_v[pl.ds(pb, 16)] = pv0_v[b, pl.ds(base, 16)]
      outb_v[pl.ds(pb + 128, 16)] = pv1_v[b, pl.ds(base, 16)]
      return carry2

    lax.fori_loop(0, _CHUNK // 16, e_group, 0)

  start_i(jnp.int32(0))
  start_i(jnp.int32(1))
  start_i(jnp.int32(2))
  wait_i()
  start_a(jnp.int32(0))
  wait_i()
  start_a(jnp.int32(1))
  wait_a()
  start_b(jnp.int32(0))

  def chunk_body(c, carry):
    @pl.when(c < _CPW - 3)
    def _():
      start_i(c + 3)

    @pl.when(c < _CPW - 2)
    def _():
      wait_i()
      start_a(c + 2)

    @pl.when(c < _CPW - 1)
    def _():
      wait_a()
      start_b(c + 1)

    wait_b()

    @pl.when(c >= 2)
    def _():
      wait_d()

    compute(c)
    start_d(c)
    return carry

  lax.fori_loop(0, _CPW, chunk_body, 0)
  wait_d()
  wait_d()


def kernel(words_as_ids, hash_table, W, P):
  ids = words_as_ids.astype(jnp.int32).T.reshape(_NCHUNK, _CHUNK)
  hcol0 = hash_table[:, 0].astype(jnp.int32)
  hcol1 = hash_table[:, 1].astype(jnp.int32)
  pcol0 = P[:, 0]
  pcol1 = P[:, 1]
  w2 = W

  mesh = plsc.VectorSubcoreMesh(core_axis_name="c", subcore_axis_name="s")
  run = pl.kernel(
      _hash_embed_body,
      out_type=jax.ShapeDtypeStruct((_L * _LSTRIDE,), jnp.float32),
      mesh=mesh,
      compiler_params=pltpu.CompilerParams(needs_layout_passes=False,
                                           use_tc_tiling_on_sc=False),
      scratch_types=[
          pltpu.VMEM((3, _CHUNK), jnp.int32),
          pltpu.VMEM((3, _CHUNK), jnp.int32),
          pltpu.VMEM((3, _CHUNK), jnp.int32),
          pltpu.VMEM((3, _CHUNK), jnp.float32),
          pltpu.VMEM((3, _CHUNK), jnp.float32),
          pltpu.VMEM((2, _CHUNK), jnp.float32),
          pltpu.VMEM((2, _CHUNK), jnp.float32),
          pltpu.VMEM((2, _CHUNK, _E), jnp.float32),
          pltpu.VMEM((2, _CHUNK, _E), jnp.float32),
          pltpu.VMEM((_CHUNK * (_E + 1),), jnp.float32),
          pltpu.VMEM((2 * _OSLAB,), jnp.float32),
          pltpu.SemaphoreType.DMA,
          pltpu.SemaphoreType.DMA,
          pltpu.SemaphoreType.DMA,
          pltpu.SemaphoreType.DMA,
      ],
  )
  raw = run(ids, hcol0, hcol1, w2, pcol0, pcol1)
  out = raw.reshape(_L, _NET, _KTILES, 8, _CHUNK)
  out = out.transpose(2, 4, 0, 1, 3).reshape(_B, _L, _NET * 8)
  return out[:, :, :_E + 2]

# --- scband reference (transcript-rebuilt; emitter-appended) ---
"""Pipeline reference for scband-hash-embedding-32401233281223 (READ-ONLY COPY).

The authoritative reference and input builder live on the scoring server;
editing this copy changes nothing except your own understanding.
"""

import jax, jax.numpy as jnp
import numpy as np

NUM_WORDS = 1000000
NUM_BUCKETS = 100000
NUM_HASH = 2
EMBED = 64
B = 16384
L = 20


def setup_inputs(seed: int = 0) -> dict:
    key = jax.random.key(seed)
    k1, k2, k3, k4 = jax.random.split(key, 4)
    words_as_ids = jax.random.randint(k1, (B, L), 0, NUM_WORDS, dtype=jnp.int64 if jax.config.read('jax_enable_x64') else jnp.int32)
    hash_table = jax.random.randint(k2, (NUM_WORDS, NUM_HASH), 0, NUM_BUCKETS, dtype=jnp.int64 if jax.config.read('jax_enable_x64') else jnp.int32)
    W = jax.random.normal(k3, (NUM_BUCKETS, EMBED), dtype=jnp.float32) * 0.1
    P = jax.random.normal(k4, (NUM_WORDS, NUM_HASH), dtype=jnp.float32) * 0.0005
    return {"words_as_ids": words_as_ids, "hash_table": hash_table, "W": W, "P": P}


def reference(words_as_ids, hash_table, W, P):
    num_hash = hash_table.shape[1]
    p_words = jnp.take(P, words_as_ids, axis=0)  # [B, L, num_hash]
    embeddings = []
    pvals = []
    for i in range(num_hash):
        # torch.take(self.hash_table[:, i], words_as_ids): flat gather on a 1-D column
        hashes = jnp.take(hash_table[:, i], words_as_ids)  # [B, L]
        emb_i = jnp.take(W, hashes, axis=0) * p_words[:, :, i][..., None]  # [B, L, E]
        embeddings.append(emb_i)
        pvals.append(jnp.take(P, hashes, axis=0)[:, :, i][..., None])  # [B, L, 1]
    cat_embeddings = jnp.stack(embeddings, -1)  # [B, L, E, num_hash]
    cat_embeddings = jnp.sum(cat_embeddings, -1)  # agg_function = torch.sum over last dim
    cat_pvals = jnp.concatenate(pvals, -1)  # [B, L, num_hash]
    output = jnp.concatenate([cat_embeddings, cat_pvals], -1)  # [B, L, E + num_hash]
    return output

if __name__ == "__main__":
    import jax
    _d = setup_inputs()
    print(jax.jit(kernel)(*tuple(_d.values())))

</pallas_src>

<mosaic_0001>
#map = affine_map<(d0, d1) -> (0, 0)>
#map1 = affine_map<(d0, d1) -> (0)>
module attributes {stable_mosaic.version = 14 : i64} {
  func.func @_hash_embed_body(%arg0: i32, %arg1: i32, %arg2: memref<2560x128xi32, #tpu.memory_space<hbm>>, %arg3: memref<1000000xi32, #tpu.memory_space<hbm>>, %arg4: memref<1000000xi32, #tpu.memory_space<hbm>>, %arg5: memref<100000x64xf32, #tpu.memory_space<hbm>>, %arg6: memref<1000000xf32, #tpu.memory_space<hbm>>, %arg7: memref<1000000xf32, #tpu.memory_space<hbm>>, %arg8: memref<23592960xf32, #tpu.memory_space<hbm>>, %arg9: memref<3x128xi32, #tpu.memory_space<vmem>>, %arg10: memref<3x128xi32, #tpu.memory_space<vmem>>, %arg11: memref<3x128xi32, #tpu.memory_space<vmem>>, %arg12: memref<3x128xf32, #tpu.memory_space<vmem>>, %arg13: memref<3x128xf32, #tpu.memory_space<vmem>>, %arg14: memref<2x128xf32, #tpu.memory_space<vmem>>, %arg15: memref<2x128xf32, #tpu.memory_space<vmem>>, %arg16: memref<2x128x64xf32, #tpu.memory_space<vmem>>, %arg17: memref<2x128x64xf32, #tpu.memory_space<vmem>>, %arg18: memref<8320xf32, #tpu.memory_space<vmem>>, %arg19: memref<16896xf32, #tpu.memory_space<vmem>>, %arg20: memref<!tpu.dma_semaphore, #tpu.memory_space<semaphore_mem>>, %arg21: memref<!tpu.dma_semaphore, #tpu.memory_space<semaphore_mem>>, %arg22: memref<!tpu.dma_semaphore, #tpu.memory_space<semaphore_mem>>, %arg23: memref<!tpu.dma_semaphore, #tpu.memory_space<semaphore_mem>>) attributes {dimension_semantics = [#tpu.dimension_semantics<core_parallel>, #tpu.dimension_semantics<subcore_parallel>], iteration_bounds = array<i64: 2, 16>, scalar_prefetch = 0 : i64, scratch_operands = 15 : i64, tpu.core_type = #tpu.core_type<sc_vector_subcore>, window_params = [{transform_indices = #map}, {transform_indices = #map1}, {transform_indices = #map1}, {transform_indices = #map}, {transform_indices = #map1}, {transform_indices = #map1}, {transform_indices = #map1}]} {
    %mul3A = arith.constant 2 : i32
    %mul3A_0 = arith.muli %arg1, %mul3A : i32
    %add3A = arith.addi %mul3A_0, %arg0 : i32
    %mul3A_1 = arith.constant 80 : i32
    %mul3A_2 = arith.muli %add3A, %mul3A_1 : i32
    %iota3A = tpu.iota {dimensions = array<i32: 0>} : vector<16xi32>
    %add3A_3 = arith.constant 0 : i32
    %add3A_4 = arith.addi %mul3A_2, %add3A_3 : i32
    %rem3A = arith.constant 0 : i32
    %rem3A_5 = arith.constant 3 : i32
    %rem3A_6 = arith.remsi %rem3A, %rem3A_5 : i32
    %dma_start3A = arith.constant 0 : i32
    %dma_start3A_7 = tpu.memref_slice %arg9[%rem3A_6, %dma_start3A] : memref<3x128xi32, #tpu.memory_space<vmem>> -> memref<1x128xi32, #tpu.memory_space<vmem>>
    %dma_start3A_8 = tpu.memref_squeeze %dma_start3A_7 : memref<1x128xi32, #tpu.memory_space<vmem>> -> memref<128xi32, #tpu.memory_space<vmem>>
    %dma_start3A_9 = arith.constant 0 : i32
    %dma_start3A_10 = tpu.memref_slice %arg2[%add3A_4, %dma_start3A_9] : memref<2560x128xi32, #tpu.memory_space<hbm>> -> memref<1x128xi32, #tpu.memory_space<hbm>>
    %dma_start3A_11 = tpu.memref_squeeze %dma_start3A_10 : memref<1x128xi32, #tpu.memory_space<hbm>> -> memref<128xi32, #tpu.memory_space<hbm>>
    %dma_start3A_12 = arith.constant 0 : i32
    %dma_start3A_13 = tpu.memref_slice %arg9[%rem3A_6, %dma_start3A_12] : memref<3x128xi32, #tpu.memory_space<vmem>> -> memref<1x128xi32, #tpu.memory_space<vmem>>
    %dma_start3A_14 = tpu.memref_squeeze %dma_start3A_13 : memref<1x128xi32, #tpu.memory_space<vmem>> -> memref<128xi32, #tpu.memory_space<vmem>>
    %dma_start3A_15 = arith.constant 0 : i32
    %dma_start3A_16 = tpu.memref_slice %arg2[%add3A_4, %dma_start3A_15] : memref<2560x128xi32, #tpu.memory_space<hbm>> -> memref<1x128xi32, #tpu.memory_space<hbm>>
    %dma_start3A_17 = tpu.memref_squeeze %dma_start3A_16 : memref<1x128xi32, #tpu.memory_space<hbm>> -> memref<128xi32, #tpu.memory_space<hbm>>
    tpu.enqueue_dma source(%dma_start3A_17 : memref<128xi32, #tpu.memory_space<hbm>>) target(%dma_start3A_14 : memref<128xi32, #tpu.memory_space<vmem>>) target_semaphore(%arg20 : memref<!tpu.dma_semaphore, #tpu.memory_space<semaphore_mem>>)
    %add3A_18 = arith.constant 1 : i32
    %add3A_19 = arith.addi %mul3A_2, %add3A_18 : i32
    %rem3A_20 = arith.constant 1 : i32
    %rem3A_21 = arith.constant 3 : i32
    %rem3A_22 = arith.remsi %rem3A_20, %rem3A_21 : i32
    %dma_start3A_23 = arith.constant 0 : i32
    %dma_start3A_24 = tpu.memref_slice %arg9[%rem3A_22, %dma_start3A_23] : memref<3x128xi32, #tpu.memory_space<vmem>> -> memref<1x128xi32, #tpu.memory_space<vmem>>
    %dma_start3A_25 = tpu.memref_squeeze %dma_start3A_24 : memref<1x128xi32, #tpu.memory_space<vmem>> -> memref<128xi32, #tpu.memory_space<vmem>>
    %dma_start3A_26 = arith.constant 0 : i32
    %dma_start3A_27 = tpu.memref_slice %arg2[%add3A_19, %dma_start3A_26] : memref<2560x128xi32, #tpu.memory_space<hbm>> -> memref<1x128xi32, #tpu.memory_space<hbm>>
    %dma_start3A_28 = tpu.memref_squeeze %dma_start3A_27 : memref<1x128xi32, #tpu.memory_space<hbm>> -> memref<128xi32, #tpu.memory_space<hbm>>
    %dma_start3A_29 = arith.constant 0 : i32
    %dma_start3A_30 = tpu.memref_slice %arg9[%rem3A_22, %dma_start3A_29] : memref<3x128xi32, #tpu.memory_space<vmem>> -> memref<1x128xi32, #tpu.memory_space<vmem>>
    %dma_start3A_31 = tpu.memref_squeeze %dma_start3A_30 : memref<1x128xi32, #tpu.memory_space<vmem>> -> memref<128xi32, #tpu.memory_space<vmem>>
    %dma_start3A_32 = arith.constant 0 : i32
    %dma_start3A_33 = tpu.memref_slice %arg2[%add3A_19, %dma_start3A_32] : memref<2560x128xi32, #tpu.memory_space<hbm>> -> memref<1x128xi32, #tpu.memory_space<hbm>>
    %dma_start3A_34 = tpu.memref_squeeze %dma_start3A_33 : memref<1x128xi32, #tpu.memory_space<hbm>> -> memref<128xi32, #tpu.memory_space<hbm>>
    tpu.enqueue_dma source(%dma_start3A_34 : memref<128xi32, #tpu.memory_space<hbm>>) target(%dma_start3A_31 : memref<128xi32, #tpu.memory_space<vmem>>) target_semaphore(%arg20 : memref<!tpu.dma_semaphore, #tpu.memory_space<semaphore_mem>>)
    %add3A_35 = arith.constant 2 : i32
    %add3A_36 = arith.addi %mul3A_2, %add3A_35 : i32
    %rem3A_37 = arith.constant 2 : i32
    %rem3A_38 = arith.constant 3 : i32
    %rem3A_39 = arith.remsi %rem3A_37, %rem3A_38 : i32
    %dma_start3A_40 = arith.constant 0 : i32
    %dma_start3A_41 = tpu.memref_slice %arg9[%rem3A_39, %dma_start3A_40] : memref<3x128xi32, #tpu.memory_space<vmem>> -> memref<1x128xi32, #tpu.memory_space<vmem>>
    %dma_start3A_42 = tpu.memref_squeeze %dma_start3A_41 : memref<1x128xi32, #tpu.memory_space<vmem>> -> memref<128xi32, #tpu.memory_space<vmem>>
    %dma_start3A_43 = arith.constant 0 : i32
    %dma_start3A_44 = tpu.memref_slice %arg2[%add3A_36, %dma_start3A_43] : memref<2560x128xi32, #tpu.memory_space<hbm>> -> memref<1x128xi32, #tpu.memory_space<hbm>>
    %dma_start3A_45 = tpu.memref_squeeze %dma_start3A_44 : memref<1x128xi32, #tpu.memory_space<hbm>> -> memref<128xi32, #tpu.memory_space<hbm>>
    %dma_start3A_46 = arith.constant 0 : i32
    %dma_start3A_47 = tpu.memref_slice %arg9[%rem3A_39, %dma_start3A_46] : memref<3x128xi32, #tpu.memory_space<vmem>> -> memref<1x128xi32, #tpu.memory_space<vmem>>
    %dma_start3A_48 = tpu.memref_squeeze %dma_start3A_47 : memref<1x128xi32, #tpu.memory_space<vmem>> -> memref<128xi32, #tpu.memory_space<vmem>>
    %dma_start3A_49 = arith.constant 0 : i32
    %dma_start3A_50 = tpu.memref_slice %arg2[%add3A_36, %dma_start3A_49] : memref<2560x128xi32, #tpu.memory_space<hbm>> -> memref<1x128xi32, #tpu.memory_space<hbm>>
    %dma_start3A_51 = tpu.memref_squeeze %dma_start3A_50 : memref<1x128xi32, #tpu.memory_space<hbm>> -> memref<128xi32, #tpu.memory_space<hbm>>
    tpu.enqueue_dma source(%dma_start3A_51 : memref<128xi32, #tpu.memory_space<hbm>>) target(%dma_start3A_48 : memref<128xi32, #tpu.memory_space<vmem>>) target_semaphore(%arg20 : memref<!tpu.dma_semaphore, #tpu.memory_space<semaphore_mem>>)
    %dma_wait3A = arith.constant 0 : i32
    %dma_wait3A_52 = arith.constant 0 : i32
    %dma_wait3A_53 = arith.constant 0 : i32
    %dma_wait3A_54 = tpu.memref_slice %arg9[%dma_wait3A_52, %dma_wait3A_53] : memref<3x128xi32, #tpu.memory_space<vmem>> -> memref<1x128xi32, #tpu.memory_space<vmem>>
    %dma_wait3A_55 = tpu.memref_squeeze %dma_wait3A_54 : memref<1x128xi32, #tpu.memory_space<vmem>> -> memref<128xi32, #tpu.memory_space<vmem>>
    %dma_wait3A_56 = arith.constant 0 : i32
    %dma_wait3A_57 = tpu.memref_slice %arg2[%dma_wait3A, %dma_wait3A_56] : memref<2560x128xi32, #tpu.memory_space<hbm>> -> memref<1x128xi32, #tpu.memory_space<hbm>>
    %dma_wait3A_58 = tpu.memref_squeeze %dma_wait3A_57 : memref<1x128xi32, #tpu.memory_space<hbm>> -> memref<128xi32, #tpu.memory_space<hbm>>
    %dma_wait3A_59 = arith.constant 0 : i32
    %dma_wait3A_60 = tpu.memref_slice %arg9[%dma_wait3A_52, %dma_wait3A_59] : memref<3x128xi32, #tpu.memory_space<vmem>> -> memref<1x128xi32, #tpu.memory_space<vmem>>
    %dma_wait3A_61 = tpu.memref_squeeze %dma_wait3A_60 : memref<1x128xi32, #tpu.memory_space<vmem>> -> memref<128xi32, #tpu.memory_space<vmem>>
    %dma_wait3A_62 = arith.constant 0 : i32
    %dma_wait3A_63 = tpu.memref_slice %arg2[%dma_wait3A, %dma_wait3A_62] : memref<2560x128xi32, #tpu.memory_space<hbm>> -> memref<1x128xi32, #tpu.memory_space<hbm>>
    %dma_wait3A_64 = tpu.memref_squeeze %dma_wait3A_63 : memref<1x128xi32, #tpu.memory_space<hbm>> -> memref<128xi32, #tpu.memory_space<hbm>>
    tpu.wait_dma2 semaphore(%arg20 : memref<!tpu.dma_semaphore, #tpu.memory_space<semaphore_mem>>) src(%dma_wait3A_64 : memref<128xi32, #tpu.memory_space<hbm>>) dst(%dma_wait3A_61 : memref<128xi32, #tpu.memory_space<vmem>>)
    %rem3A_65 = arith.constant 0 : i32
    %rem3A_66 = arith.constant 3 : i32
    %rem3A_67 = arith.remsi %rem3A_65, %rem3A_66 : i32
    %dma_start3A_68 = arith.constant 0 : i32
    %dma_start3A_69 = tpu.memref_slice %arg10[%rem3A_67, %dma_start3A_68] : memref<3x128xi32, #tpu.memory_space<vmem>> -> memref<1x128xi32, #tpu.memory_space<vmem>>
    %dma_start3A_70 = tpu.memref_squeeze %dma_start3A_69 : memref<1x128xi32, #tpu.memory_space<vmem>> -> memref<128xi32, #tpu.memory_space<vmem>>
    %dma_start3A_71 = arith.constant 0 : i32
    %dma_start3A_72 = tpu.memref_slice %arg9[%rem3A_67, %dma_start3A_71] : memref<3x128xi32, #tpu.memory_space<vmem>> -> memref<1x128xi32, #tpu.memory_space<vmem>>
    %dma_start3A_73 = tpu.memref_squeeze %dma_start3A_72 : memref<1x128xi32, #tpu.memory_space<vmem>> -> memref<128xi32, #tpu.memory_space<vmem>>
    %dma_start3A_74 = arith.constant 0 : i32
    %dma_start3A_75 = tpu.memref_slice %arg3[%dma_start3A_74] : memref<1000000xi32, #tpu.memory_space<hbm>> -> memref<1000000xi32, #tpu.memory_space<hbm>>
    tpu.enqueue_indirect_dma source(%dma_start3A_75 : memref<1000000xi32, #tpu.memory_space<hbm>>) target(%dma_start3A_70 : memref<128xi32, #tpu.memory_space<vmem>>) offsets(%dma_start3A_73 : memref<128xi32, #tpu.memory_space<vmem>>) semaphore(%arg21 : memref<!tpu.dma_semaphore, #tpu.memory_space<semaphore_mem>>)
    %dma_start3A_76 = arith.constant 0 : i32
    %dma_start3A_77 = tpu.memref_slice %arg11[%rem3A_67, %dma_start3A_76] : memref<3x128xi32, #tpu.memory_space<vmem>> -> memref<1x128xi32, #tpu.memory_space<vmem>>
    %dma_start3A_78 = tpu.memref_squeeze %dma_start3A_77 : memref<1x128xi32, #tpu.memory_space<vmem>> -> memref<128xi32, #tpu.memory_space<vmem>>
    %dma_start3A_79 = arith.constant 0 : i32
    %dma_start3A_80 = tpu.memref_slice %arg9[%rem3A_67, %dma_start3A_79] : memref<3x128xi32, #tpu.memory_space<vmem>> -> memref<1x128xi32, #tpu.memory_space<vmem>>
    %dma_start3A_81 = tpu.memref_squeeze %dma_start3A_80 : memref<1x128xi32, #tpu.memory_space<vmem>> -> memref<128xi32, #tpu.memory_space<vmem>>
    %dma_start3A_82 = arith.constant 0 : i32
    %dma_start3A_83 = tpu.memref_slice %arg4[%dma_start3A_82] : memref<1000000xi32, #tpu.memory_space<hbm>> -> memref<1000000xi32, #tpu.memory_space<hbm>>
    tpu.enqueue_indirect_dma source(%dma_start3A_83 : memref<1000000xi32, #tpu.memory_space<hbm>>) target(%dma_start3A_78 : memref<128xi32, #tpu.memory_space<vmem>>) offsets(%dma_start3A_81 : memref<128xi32, #tpu.memory_space<vmem>>) semaphore(%arg21 : memref<!tpu.dma_semaphore, #tpu.memory_space<semaphore_mem>>)
    %dma_start3A_84 = arith.constant 0 : i32
    %dma_start3A_85 = tpu.memref_slice %arg12[%rem3A_67, %dma_start3A_84] : memref<3x128xf32, #tpu.memory_space<vmem>> -> memref<1x128xf32, #tpu.memory_space<vmem>>
    %dma_start3A_86 = tpu.memref_squeeze %dma_start3A_85 : memref<1x128xf32, #tpu.memory_space<vmem>> -> memref<128xf32, #tpu.memory_space<vmem>>
    %dma_start3A_87 = arith.constant 0 : i32
    %dma_start3A_88 = tpu.memref_slice %arg9[%rem3A_67, %dma_start3A_87] : memref<3x128xi32, #tpu.memory_space<vmem>> -> memref<1x128xi32, #tpu.memory_space<vmem>>
    %dma_start3A_89 = tpu.memref_squeeze %dma_start3A_88 : memref<1x128xi32, #tpu.memory_space<vmem>> -> memref<128xi32, #tpu.memory_space<vmem>>
    %dma_start3A_90 = arith.constant 0 : i32
    %dma_start3A_91 = tpu.memref_slice %arg6[%dma_start3A_90] : memref<1000000xf32, #tpu.memory_space<hbm>> -> memref<1000000xf32, #tpu.memory_space<hbm>>
    tpu.enqueue_indirect_dma source(%dma_start3A_91 : memref<1000000xf32, #tpu.memory_space<hbm>>) target(%dma_start3A_86 : memref<128xf32, #tpu.memory_space<vmem>>) offsets(%dma_start3A_89 : memref<128xi32, #tpu.memory_space<vmem>>) semaphore(%arg21 : memref<!tpu.dma_semaphore, #tpu.memory_space<semaphore_mem>>)
    %dma_start3A_92 = arith.constant 0 : i32
    %dma_start3A_93 = tpu.memref_slice %arg13[%rem3A_67, %dma_start3A_92] : memref<3x128xf32, #tpu.memory_space<vmem>> -> memref<1x128xf32, #tpu.memory_space<vmem>>
    %dma_start3A_94 = tpu.memref_squeeze %dma_start3A_93 : memref<1x128xf32, #tpu.memory_space<vmem>> -> memref<128xf32, #tpu.memory_space<vmem>>
    %dma_start3A_95 = arith.constant 0 : i32
    %dma_start3A_96 = tpu.memref_slice %arg9[%rem3A_67, %dma_start3A_95] : memref<3x128xi32, #tpu.memory_space<vmem>> -> memref<1x128xi32, #tpu.memory_space<vmem>>
    %dma_start3A_97 = tpu.memref_squeeze %dma_start3A_96 : memref<1x128xi32, #tpu.memory_space<vmem>> -> memref<128xi32, #tpu.memory_space<vmem>>
    %dma_start3A_98 = arith.constant 0 : i32
    %dma_start3A_99 = tpu.memref_slice %arg7[%dma_start3A_98] : memref<1000000xf32, #tpu.memory_space<hbm>> -> memref<1000000xf32, #tpu.memory_space<hbm>>
    tpu.enqueue_indirect_dma source(%dma_start3A_99 : memref<1000000xf32, #tpu.memory_space<hbm>>) target(%dma_start3A_94 : memref<128xf32, #tpu.memory_space<vmem>>) offsets(%dma_start3A_97 : memref<128xi32, #tpu.memory_space<vmem>>) semaphore(%arg21 : memref<!tpu.dma_semaphore, #tpu.memory_space<semaphore_mem>>)
    %dma_wait3A_100 = arith.constant 0 : i32
    %dma_wait3A_101 = arith.constant 0 : i32
    %dma_wait3A_102 = arith.constant 0 : i32
    %dma_wait3A_103 = tpu.memref_slice %arg9[%dma_wait3A_101, %dma_wait3A_102] : memref<3x128xi32, #tpu.memory_space<vmem>> -> memref<1x128xi32, #tpu.memory_space<vmem>>
    %dma_wait3A_104 = tpu.memref_squeeze %dma_wait3A_103 : memref<1x128xi32, #tpu.memory_space<vmem>> -> memref<128xi32, #tpu.memory_space<vmem>>
    %dma_wait3A_105 = arith.constant 0 : i32
    %dma_wait3A_106 = tpu.memref_slice %arg2[%dma_wait3A_100, %dma_wait3A_105] : memref<2560x128xi32, #tpu.memory_space<hbm>> -> memref<1x128xi32, #tpu.memory_space<hbm>>
    %dma_wait3A_107 = tpu.memref_squeeze %dma_wait3A_106 : memref<1x128xi32, #tpu.memory_space<hbm>> -> memref<128xi32, #tpu.memory_space<hbm>>
    %dma_wait3A_108 = arith.constant 0 : i32
    %dma_wait3A_109 = tpu.memref_slice %arg9[%dma_wait3A_101, %dma_wait3A_108] : memref<3x128xi32, #tpu.memory_space<vmem>> -> memref<1x128xi32, #tpu.memory_space<vmem>>
    %dma_wait3A_110 = tpu.memref_squeeze %dma_wait3A_109 : memref<1x128xi32, #tpu.memory_space<vmem>> -> memref<128xi32, #tpu.memory_space<vmem>>
    %dma_wait3A_111 = arith.constant 0 : i32
    %dma_wait3A_112 = tpu.memref_slice %arg2[%dma_wait3A_100, %dma_wait3A_111] : memref<2560x128xi32, #tpu.memory_space<hbm>> -> memref<1x128xi32, #tpu.memory_space<hbm>>
    %dma_wait3A_113 = tpu.memref_squeeze %dma_wait3A_112 : memref<1x128xi32, #tpu.memory_space<hbm>> -> memref<128xi32, #tpu.memory_space<hbm>>
    tpu.wait_dma2 semaphore(%arg20 : memref<!tpu.dma_semaphore, #tpu.memory_space<semaphore_mem>>) src(%dma_wait3A_113 : memref<128xi32, #tpu.memory_space<hbm>>) dst(%dma_wait3A_110 : memref<128xi32, #tpu.memory_space<vmem>>)
    %rem3A_114 = arith.constant 1 : i32
    %rem3A_115 = arith.constant 3 : i32
    %rem3A_116 = arith.remsi %rem3A_114, %rem3A_115 : i32
    %dma_start3A_117 = arith.constant 0 : i32
    %dma_start3A_118 = tpu.memref_slice %arg10[%rem3A_116, %dma_start3A_117] : memref<3x128xi32, #tpu.memory_space<vmem>> -> memref<1x128xi32, #tpu.memory_space<vmem>>
    %dma_start3A_119 = tpu.memref_squeeze %dma_start3A_118 : memref<1x128xi32, #tpu.memory_space<vmem>> -> memref<128xi32, #tpu.memory_space<vmem>>
    %dma_start3A_120 = arith.constant 0 : i32
    %dma_start3A_121 = tpu.memref_slice %arg9[%rem3A_116, %dma_start3A_120] : memref<3x128xi32, #tpu.memory_space<vmem>> -> memref<1x128xi32, #tpu.memory_space<vmem>>
    %dma_start3A_122 = tpu.memref_squeeze %dma_start3A_121 : memref<1x128xi32, #tpu.memory_space<vmem>> -> memref<128xi32, #tpu.memory_space<vmem>>
    %dma_start3A_123 = arith.constant 0 : i32
    %dma_start3A_124 = tpu.memref_slice %arg3[%dma_start3A_123] : memref<1000000xi32, #tpu.memory_space<hbm>> -> memref<1000000xi32, #tpu.memory_space<hbm>>
    tpu.enqueue_indirect_dma source(%dma_start3A_124 : memref<1000000xi32, #tpu.memory_space<hbm>>) target(%dma_start3A_119 : memref<128xi32, #tpu.memory_space<vmem>>) offsets(%dma_start3A_122 : memref<128xi32, #tpu.memory_space<vmem>>) semaphore(%arg21 : memref<!tpu.dma_semaphore, #tpu.memory_space<semaphore_mem>>)
    %dma_start3A_125 = arith.constant 0 : i32
    %dma_start3A_126 = tpu.memref_slice %arg11[%rem3A_116, %dma_start3A_125] : memref<3x128xi32, #tpu.memory_space<vmem>> -> memref<1x128xi32, #tpu.memory_space<vmem>>
    %dma_start3A_127 = tpu.memref_squeeze %dma_start3A_126 : memref<1x128xi32, #tpu.memory_space<vmem>> -> memref<128xi32, #tpu.memory_space<vmem>>
    %dma_start3A_128 = arith.constant 0 : i32
    %dma_start3A_129 = tpu.memref_slice %arg9[%rem3A_116, %dma_start3A_128] : memref<3x128xi32, #tpu.memory_space<vmem>> -> memref<1x128xi32, #tpu.memory_space<vmem>>
    %dma_start3A_130 = tpu.memref_squeeze %dma_start3A_129 : memref<1x128xi32, #tpu.memory_space<vmem>> -> memref<128xi32, #tpu.memory_space<vmem>>
    %dma_start3A_131 = arith.constant 0 : i32
    %dma_start3A_132 = tpu.memref_slice %arg4[%dma_start3A_131] : memref<1000000xi32, #tpu.memory_space<hbm>> -> memref<1000000xi32, #tpu.memory_space<hbm>>
    tpu.enqueue_indirect_dma source(%dma_start3A_132 : memref<1000000xi32, #tpu.memory_space<hbm>>) target(%dma_start3A_127 : memref<128xi32, #tpu.memory_space<vmem>>) offsets(%dma_start3A_130 : memref<128xi32, #tpu.memory_space<vmem>>) semaphore(%arg21 : memref<!tpu.dma_semaphore, #tpu.memory_space<semaphore_mem>>)
    %dma_start3A_133 = arith.constant 0 : i32
    %dma_start3A_134 = tpu.memref_slice %arg12[%rem3A_116, %dma_start3A_133] : memref<3x128xf32, #tpu.memory_space<vmem>> -> memref<1x128xf32, #tpu.memory_space<vmem>>
    %dma_start3A_135 = tpu.memref_squeeze %dma_start3A_134 : memref<1x128xf32, #tpu.memory_space<vmem>> -> memref<128xf32, #tpu.memory_space<vmem>>
    %dma_start3A_136 = arith.constant 0 : i32
    %dma_start3A_137 = tpu.memref_slice %arg9[%rem3A_116, %dma_start3A_136] : memref<3x128xi32, #tpu.memory_space<vmem>> -> memref<1x128xi32, #tpu.memory_space<vmem>>
    %dma_start3A_138 = tpu.memref_squeeze %dma_start3A_137 : memref<1x128xi32, #tpu.memory_space<vmem>> -> memref<128xi32, #tpu.memory_space<vmem>>
    %dma_start3A_139 = arith.constant 0 : i32
    %dma_start3A_140 = tpu.memref_slice %arg6[%dma_start3A_139] : memref<1000000xf32, #tpu.memory_space<hbm>> -> memref<1000000xf32, #tpu.memory_space<hbm>>
    tpu.enqueue_indirect_dma source(%dma_start3A_140 : memref<1000000xf32, #tpu.memory_space<hbm>>) target(%dma_start3A_135 : memref<128xf32, #tpu.memory_space<vmem>>) offsets(%dma_start3A_138 : memref<128xi32, #tpu.memory_space<vmem>>) semaphore(%arg21 : memref<!tpu.dma_semaphore, #tpu.memory_space<semaphore_mem>>)
    %dma_start3A_141 = arith.constant 0 : i32
    %dma_start3A_142 = tpu.memref_slice %arg13[%rem3A_116, %dma_start3A_141] : memref<3x128xf32, #tpu.memory_space<vmem>> -> memref<1x128xf32, #tpu.memory_space<vmem>>
    %dma_start3A_143 = tpu.memref_squeeze %dma_start3A_142 : memref<1x128xf32, #tpu.memory_space<vmem>> -> memref<128xf32, #tpu.memory_space<vmem>>
    %dma_start3A_144 = arith.constant 0 : i32
    %dma_start3A_145 = tpu.memref_slice %arg9[%rem3A_116, %dma_start3A_144] : memref<3x128xi32, #tpu.memory_space<vmem>> -> memref<1x128xi32, #tpu.memory_space<vmem>>
    %dma_start3A_146 = tpu.memref_squeeze %dma_start3A_145 : memref<1x128xi32, #tpu.memory_space<vmem>> -> memref<128xi32, #tpu.memory_space<vmem>>
    %dma_start3A_147 = arith.constant 0 : i32
    %dma_start3A_148 = tpu.memref_slice %arg7[%dma_start3A_147] : memref<1000000xf32, #tpu.memory_space<hbm>> -> memref<1000000xf32, #tpu.memory_space<hbm>>
    tpu.enqueue_indirect_dma source(%dma_start3A_148 : memref<1000000xf32, #tpu.memory_space<hbm>>) target(%dma_start3A_143 : memref<128xf32, #tpu.memory_space<vmem>>) offsets(%dma_start3A_146 : memref<128xi32, #tpu.memory_space<vmem>>) semaphore(%arg21 : memref<!tpu.dma_semaphore, #tpu.memory_space<semaphore_mem>>)
    %dma_wait3A_149 = arith.constant 0 : i32
    %dma_wait3A_150 = arith.constant 0 : i32
    %dma_wait3A_151 = arith.constant 0 : i32
    %dma_wait3A_152 = tpu.memref_slice %arg10[%dma_wait3A_150, %dma_wait3A_151] : memref<3x128xi32, #tpu.memory_space<vmem>> -> memref<1x128xi32, #tpu.memory_space<vmem>>
    %dma_wait3A_153 = tpu.memref_squeeze %dma_wait3A_152 : memref<1x128xi32, #tpu.memory_space<vmem>> -> memref<128xi32, #tpu.memory_space<vmem>>
    %dma_wait3A_154 = arith.constant 0 : i32
    %dma_wait3A_155 = tpu.memref_slice %arg9[%dma_wait3A_149, %dma_wait3A_154] : memref<3x128xi32, #tpu.memory_space<vmem>> -> memref<1x128xi32, #tpu.memory_space<vmem>>
    %dma_wait3A_156 = tpu.memref_squeeze %dma_wait3A_155 : memref<1x128xi32, #tpu.memory_space<vmem>> -> memref<128xi32, #tpu.memory_space<vmem>>
    %dma_wait3A_157 = arith.constant 0 : i32
    %dma_wait3A_158 = tpu.memref_slice %arg3[%dma_wait3A_157] : memref<1000000xi32, #tpu.memory_space<hbm>> -> memref<1000000xi32, #tpu.memory_space<hbm>>
    tpu.wait_indirect_dma semaphore(%arg21 : memref<!tpu.dma_semaphore, #tpu.memory_space<semaphore_mem>>) src(%dma_wait3A_158 : memref<1000000xi32, #tpu.memory_space<hbm>>) dst(%dma_wait3A_153 : memref<128xi32, #tpu.memory_space<vmem>>)
    %dma_wait3A_159 = arith.constant 0 : i32
    %dma_wait3A_160 = arith.constant 0 : i32
    %dma_wait3A_161 = arith.constant 0 : i32
    %dma_wait3A_162 = tpu.memref_slice %arg11[%dma_wait3A_160, %dma_wait3A_161] : memref<3x128xi32, #tpu.memory_space<vmem>> -> memref<1x128xi32, #tpu.memory_space<vmem>>
    %dma_wait3A_163 = tpu.memref_squeeze %dma_wait3A_162 : memref<1x128xi32, #tpu.memory_space<vmem>> -> memref<128xi32, #tpu.memory_space<vmem>>
    %dma_wait3A_164 = arith.constant 0 : i32
    %dma_wait3A_165 = tpu.memref_slice %arg9[%dma_wait3A_159, %dma_wait3A_164] : memref<3x128xi32, #tpu.memory_space<vmem>> -> memref<1x128xi32, #tpu.memory_space<vmem>>
    %dma_wait3A_166 = tpu.memref_squeeze %dma_wait3A_165 : memref<1x128xi32, #tpu.memory_space<vmem>> -> memref<128xi32, #tpu.memory_space<vmem>>
    %dma_wait3A_167 = arith.constant 0 : i32
    %dma_wait3A_168 = tpu.memref_slice %arg4[%dma_wait3A_167] : memref<1000000xi32, #tpu.memory_space<hbm>> -> memref<1000000xi32, #tpu.memory_space<hbm>>
    tpu.wait_indirect_dma semaphore(%arg21 : memref<!tpu.dma_semaphore, #tpu.memory_space<semaphore_mem>>) src(%dma_wait3A_168 : memref<1000000xi32, #tpu.memory_space<hbm>>) dst(%dma_wait3A_163 : memref<128xi32, #tpu.memory_space<vmem>>)
    %dma_wait3A_169 = arith.constant 0 : i32
    %dma_wait3A_170 = arith.constant 0 : i32
    %dma_wait3A_171 = arith.constant 0 : i32
    %dma_wait3A_172 = tpu.memref_slice %arg12[%dma_wait3A_170, %dma_wait3A_171] : memref<3x128xf32, #tpu.memory_space<vmem>> -> memref<1x128xf32, #tpu.memory_space<vmem>>
    %dma_wait3A_173 = tpu.memref_squeeze %dma_wait3A_172 : memref<1x128xf32, #tpu.memory_space<vmem>> -> memref<128xf32, #tpu.memory_space<vmem>>
    %dma_wait3A_174 = arith.constant 0 : i32
    %dma_wait3A_175 = tpu.memref_slice %arg9[%dma_wait3A_169, %dma_wait3A_174] : memref<3x128xi32, #tpu.memory_space<vmem>> -> memref<1x128xi32, #tpu.memory_space<vmem>>
    %dma_wait3A_176 = tpu.memref_squeeze %dma_wait3A_175 : memref<1x128xi32, #tpu.memory_space<vmem>> -> memref<128xi32, #tpu.memory_space<vmem>>
    %dma_wait3A_177 = arith.constant 0 : i32
    %dma_wait3A_178 = tpu.memref_slice %arg6[%dma_wait3A_177] : memref<1000000xf32, #tpu.memory_space<hbm>> -> memref<1000000xf32, #tpu.memory_space<hbm>>
    tpu.wait_indirect_dma semaphore(%arg21 : memref<!tpu.dma_semaphore, #tpu.memory_space<semaphore_mem>>) src(%dma_wait3A_178 : memref<1000000xf32, #tpu.memory_space<hbm>>) dst(%dma_wait3A_173 : memref<128xf32, #tpu.memory_space<vmem>>)
    %dma_wait3A_179 = arith.constant 0 : i32
    %dma_wait3A_180 = arith.constant 0 : i32
    %dma_wait3A_181 = arith.constant 0 : i32
    %dma_wait3A_182 = tpu.memref_slice %arg13[%dma_wait3A_180, %dma_wait3A_181] : memref<3x128xf32, #tpu.memory_space<vmem>> -> memref<1x128xf32, #tpu.memory_space<vmem>>
    %dma_wait3A_183 = tpu.memref_squeeze %dma_wait3A_182 : memref<1x128xf32, #tpu.memory_space<vmem>> -> memref<128xf32, #tpu.memory_space<vmem>>
    %dma_wait3A_184 = arith.constant 0 : i32
    %dma_wait3A_185 = tpu.memref_slice %arg9[%dma_wait3A_179, %dma_wait3A_184] : memref<3x128xi32, #tpu.memory_space<vmem>> -> memref<1x128xi32, #tpu.memory_space<vmem>>
    %dma_wait3A_186 = tpu.memref_squeeze %dma_wait3A_185 : memref<1x128xi32, #tpu.memory_space<vmem>> -> memref<128xi32, #tpu.memory_space<vmem>>
    %dma_wait3A_187 = arith.constant 0 : i32
    %dma_wait3A_188 = tpu.memref_slice %arg7[%dma_wait3A_187] : memref<1000000xf32, #tpu.memory_space<hbm>> -> memref<1000000xf32, #tpu.memory_space<hbm>>
    tpu.wait_indirect_dma semaphore(%arg21 : memref<!tpu.dma_semaphore, #tpu.memory_space<semaphore_mem>>) src(%dma_wait3A_188 : memref<1000000xf32, #tpu.memory_space<hbm>>) dst(%dma_wait3A_183 : memref<128xf32, #tpu.memory_space<vmem>>)
    %rem3A_189 = arith.constant 0 : i32
    %rem3A_190 = arith.constant 3 : i32
    %rem3A_191 = arith.remsi %rem3A_189, %rem3A_190 : i32
    %and3A = arith.constant 0 : i32
    %and3A_192 = arith.constant 1 : i32
    %and3A_193 = arith.andi %and3A, %and3A_192 : i32
    %dma_start3A_194 = arith.constant 0 : i32
    %dma_start3A_195 = arith.constant 0 : i32
    %dma_start3A_196 = tpu.memref_slice %arg16[%and3A_193, %dma_start3A_194, %dma_start3A_195] : memref<2x128x64xf32, #tpu.memory_space<vmem>> -> memref<1x128x64xf32, #tpu.memory_space<vmem>>
    %dma_start3A_197 = tpu.memref_squeeze %dma_start3A_196 : memref<1x128x64xf32, #tpu.memory_space<vmem>> -> memref<128x64xf32, #tpu.memory_space<vmem>>
    %dma_start3A_198 = arith.constant 0 : i32
    %dma_start3A_199 = tpu.memref_slice %arg10[%rem3A_191, %dma_start3A_198] : memref<3x128xi32, #tpu.memory_space<vmem>> -> memref<1x128xi32, #tpu.memory_space<vmem>>
    %dma_start3A_200 = tpu.memref_squeeze %dma_start3A_199 : memref<1x128xi32, #tpu.memory_space<vmem>> -> memref<128xi32, #tpu.memory_space<vmem>>
    %dma_start3A_201 = arith.constant 0 : i32
    %dma_start3A_202 = arith.constant 0 : i32
    %dma_start3A_203 = tpu.memref_slice %arg5[%dma_start3A_201, %dma_start3A_202] : memref<100000x64xf32, #tpu.memory_space<hbm>> -> memref<100000x64xf32, #tpu.memory_space<hbm>>
    tpu.enqueue_indirect_dma source(%dma_start3A_203 : memref<100000x64xf32, #tpu.memory_space<hbm>>) target(%dma_start3A_197 : memref<128x64xf32, #tpu.memory_space<vmem>>) offsets(%dma_start3A_200 : memref<128xi32, #tpu.memory_space<vmem>>) semaphore(%arg22 : memref<!tpu.dma_semaphore, #tpu.memory_space<semaphore_mem>>)
    %dma_start3A_204 = arith.constant 0 : i32
    %dma_start3A_205 = arith.constant 0 : i32
    %dma_start3A_206 = tpu.memref_slice %arg17[%and3A_193, %dma_start3A_204, %dma_start3A_205] : memref<2x128x64xf32, #tpu.memory_space<vmem>> -> memref<1x128x64xf32, #tpu.memory_space<vmem>>
    %dma_start3A_207 = tpu.memref_squeeze %dma_start3A_206 : memref<1x128x64xf32, #tpu.memory_space<vmem>> -> memref<128x64xf32, #tpu.memory_space<vmem>>
    %dma_start3A_208 = arith.constant 0 : i32
    %dma_start3A_209 = tpu.memref_slice %arg11[%rem3A_191, %dma_start3A_208] : memref<3x128xi32, #tpu.memory_space<vmem>> -> memref<1x128xi32, #tpu.memory_space<vmem>>
    %dma_start3A_210 = tpu.memref_squeeze %dma_start3A_209 : memref<1x128xi32, #tpu.memory_space<vmem>> -> memref<128xi32, #tpu.memory_space<vmem>>
    %dma_start3A_211 = arith.constant 0 : i32
    %dma_start3A_212 = arith.constant 0 : i32
    %dma_start3A_213 = tpu.memref_slice %arg5[%dma_start3A_211, %dma_start3A_212] : memref<100000x64xf32, #tpu.memory_space<hbm>> -> memref<100000x64xf32, #tpu.memory_space<hbm>>
    tpu.enqueue_indirect_dma source(%dma_start3A_213 : memref<100000x64xf32, #tpu.memory_space<hbm>>) target(%dma_start3A_207 : memref<128x64xf32, #tpu.memory_space<vmem>>) offsets(%dma_start3A_210 : memref<128xi32, #tpu.memory_space<vmem>>) semaphore(%arg22 : memref<!tpu.dma_semaphore, #tpu.memory_space<semaphore_mem>>)
    %dma_start3A_214 = arith.constant 0 : i32
    %dma_start3A_215 = tpu.memref_slice %arg14[%and3A_193, %dma_start3A_214] : memref<2x128xf32, #tpu.memory_space<vmem>> -> memref<1x128xf32, #tpu.memory_space<vmem>>
    %dma_start3A_216 = tpu.memref_squeeze %dma_start3A_215 : memref<1x128xf32, #tpu.memory_space<vmem>> -> memref<128xf32, #tpu.memory_space<vmem>>
    %dma_start3A_217 = arith.constant 0 : i32
    %dma_start3A_218 = tpu.memref_slice %arg10[%rem3A_191, %dma_start3A_217] : memref<3x128xi32, #tpu.memory_space<vmem>> -> memref<1x128xi32, #tpu.memory_space<vmem>>
    %dma_start3A_219 = tpu.memref_squeeze %dma_start3A_218 : memref<1x128xi32, #tpu.memory_space<vmem>> -> memref<128xi32, #tpu.memory_space<vmem>>
    %dma_start3A_220 = arith.constant 0 : i32
    %dma_start3A_221 = tpu.memref_slice %arg6[%dma_start3A_220] : memref<1000000xf32, #tpu.memory_space<hbm>> -> memref<1000000xf32, #tpu.memory_space<hbm>>
    tpu.enqueue_indirect_dma source(%dma_start3A_221 : memref<1000000xf32, #tpu.memory_space<hbm>>) target(%dma_start3A_216 : memref<128xf32, #tpu.memory_space<vmem>>) offsets(%dma_start3A_219 : memref<128xi32, #tpu.memory_space<vmem>>) semaphore(%arg22 : memref<!tpu.dma_semaphore, #tpu.memory_space<semaphore_mem>>)
    %dma_start3A_222 = arith.constant 0 : i32
    %dma_start3A_223 = tpu.memref_slice %arg15[%and3A_193, %dma_start3A_222] : memref<2x128xf32, #tpu.memory_space<vmem>> -> memref<1x128xf32, #tpu.memory_space<vmem>>
    %dma_start3A_224 = tpu.memref_squeeze %dma_start3A_223 : memref<1x128xf32, #tpu.memory_space<vmem>> -> memref<128xf32, #tpu.memory_space<vmem>>
    %dma_start3A_225 = arith.constant 0 : i32
    %dma_start3A_226 = tpu.memref_slice %arg11[%rem3A_191, %dma_start3A_225] : memref<3x128xi32, #tpu.memory_space<vmem>> -> memref<1x128xi32, #tpu.memory_space<vmem>>
    %dma_start3A_227 = tpu.memref_squeeze %dma_start3A_226 : memref<1x128xi32, #tpu.memory_space<vmem>> -> memref<128xi32, #tpu.memory_space<vmem>>
    %dma_start3A_228 = arith.constant 0 : i32
    %dma_start3A_229 = tpu.memref_slice %arg7[%dma_start3A_228] : memref<1000000xf32, #tpu.memory_space<hbm>> -> memref<1000000xf32, #tpu.memory_space<hbm>>
    tpu.enqueue_indirect_dma source(%dma_start3A_229 : memref<1000000xf32, #tpu.memory_space<hbm>>) target(%dma_start3A_224 : memref<128xf32, #tpu.memory_space<vmem>>) offsets(%dma_start3A_227 : memref<128xi32, #tpu.memory_space<vmem>>) semaphore(%arg22 : memref<!tpu.dma_semaphore, #tpu.memory_space<semaphore_mem>>)
    %scan3A = arith.constant 0 : i32
    %scan3A_230 = arith.constant 0 : i32
    %scan3A_231 = arith.constant 80 : i32
    %scan3A_232 = arith.addi %scan3A_230, %scan3A_231 : i32
    %scan3A_233 = arith.constant 1 : i32
    scf.for %scan3A_379 = %scan3A_230 to %scan3A_232 step %scan3A_233  : i32 {
      %lt3A = arith.constant 77 : i32
      %lt3A_380 = arith.cmpi slt, %scan3A_379, %lt3A : i32
      %convert_element_type3A = arith.extui %lt3A_380 : i1 to i32
      %cond3A = arith.constant 0 : i32
      %cond3A_381 = arith.cmpi ne, %convert_element_type3A, %cond3A : i32
      scf.if %cond3A_381 {
        %add3A_539 = arith.constant 3 : i32
        %add3A_540 = arith.addi %scan3A_379, %add3A_539 : i32
        %add3A_541 = arith.addi %mul3A_2, %add3A_540 : i32
        %rem3A_542 = arith.constant 3 : i32
        %rem3A_543 = arith.remsi %add3A_540, %rem3A_542 : i32
        %dma_start3A_544 = arith.constant 0 : i32
        %dma_start3A_545 = tpu.memref_slice %arg9[%rem3A_543, %dma_start3A_544] : memref<3x128xi32, #tpu.memory_space<vmem>> -> memref<1x128xi32, #tpu.memory_space<vmem>>
        %dma_start3A_546 = tpu.memref_squeeze %dma_start3A_545 : memref<1x128xi32, #tpu.memory_space<vmem>> -> memref<128xi32, #tpu.memory_space<vmem>>
        %dma_start3A_547 = arith.constant 0 : i32
        %dma_start3A_548 = tpu.memref_slice %arg2[%add3A_541, %dma_start3A_547] : memref<2560x128xi32, #tpu.memory_space<hbm>> -> memref<1x128xi32, #tpu.memory_space<hbm>>
        %dma_start3A_549 = tpu.memref_squeeze %dma_start3A_548 : memref<1x128xi32, #tpu.memory_space<hbm>> -> memref<128xi32, #tpu.memory_space<hbm>>
        %dma_start3A_550 = arith.constant 0 : i32
        %dma_start3A_551 = tpu.memref_slice %arg9[%rem3A_543, %dma_start3A_550] : memref<3x128xi32, #tpu.memory_space<vmem>> -> memref<1x128xi32, #tpu.memory_space<vmem>>
        %dma_start3A_552 = tpu.memref_squeeze %dma_start3A_551 : memref<1x128xi32, #tpu.memory_space<vmem>> -> memref<128xi32, #tpu.memory_space<vmem>>
        %dma_start3A_553 = arith.constant 0 : i32
        %dma_start3A_554 = tpu.memref_slice %arg2[%add3A_541, %dma_start3A_553] : memref<2560x128xi32, #tpu.memory_space<hbm>> -> memref<1x128xi32, #tpu.memory_space<hbm>>
        %dma_start3A_555 = tpu.memref_squeeze %dma_start3A_554 : memref<1x128xi32, #tpu.memory_space<hbm>> -> memref<128xi32, #tpu.memory_space<hbm>>
        tpu.enqueue_dma source(%dma_start3A_555 : memref<128xi32, #tpu.memory_space<hbm>>) target(%dma_start3A_552 : memref<128xi32, #tpu.memory_space<vmem>>) target_semaphore(%arg20 : memref<!tpu.dma_semaphore, #tpu.memory_space<semaphore_mem>>)
      } else {
      }
      %lt3A_382 = arith.constant 78 : i32
      %lt3A_383 = arith.cmpi slt, %scan3A_379, %lt3A_382 : i32
      %convert_element_type3A_384 = arith.extui %lt3A_383 : i1 to i32
      %cond3A_385 = arith.constant 0 : i32
      %cond3A_386 = arith.cmpi ne, %convert_element_type3A_384, %cond3A_385 : i32
      scf.if %cond3A_386 {
        %dma_wait3A_539 = arith.constant 0 : i32
        %dma_wait3A_540 = arith.constant 0 : i32
        %dma_wait3A_541 = arith.constant 0 : i32
        %dma_wait3A_542 = tpu.memref_slice %arg9[%dma_wait3A_540, %dma_wait3A_541] : memref<3x128xi32, #tpu.memory_space<vmem>> -> memref<1x128xi32, #tpu.memory_space<vmem>>
        %dma_wait3A_543 = tpu.memref_squeeze %dma_wait3A_542 : memref<1x128xi32, #tpu.memory_space<vmem>> -> memref<128xi32, #tpu.memory_space<vmem>>
        %dma_wait3A_544 = arith.constant 0 : i32
        %dma_wait3A_545 = tpu.memref_slice %arg2[%dma_wait3A_539, %dma_wait3A_544] : memref<2560x128xi32, #tpu.memory_space<hbm>> -> memref<1x128xi32, #tpu.memory_space<hbm>>
        %dma_wait3A_546 = tpu.memref_squeeze %dma_wait3A_545 : memref<1x128xi32, #tpu.memory_space<hbm>> -> memref<128xi32, #tpu.memory_space<hbm>>
        %dma_wait3A_547 = arith.constant 0 : i32
        %dma_wait3A_548 = tpu.memref_slice %arg9[%dma_wait3A_540, %dma_wait3A_547] : memref<3x128xi32, #tpu.memory_space<vmem>> -> memref<1x128xi32, #tpu.memory_space<vmem>>
        %dma_wait3A_549 = tpu.memref_squeeze %dma_wait3A_548 : memref<1x128xi32, #tpu.memory_space<vmem>> -> memref<128xi32, #tpu.memory_space<vmem>>
        %dma_wait3A_550 = arith.constant 0 : i32
        %dma_wait3A_551 = tpu.memref_slice %arg2[%dma_wait3A_539, %dma_wait3A_550] : memref<2560x128xi32, #tpu.memory_space<hbm>> -> memref<1x128xi32, #tpu.memory_space<hbm>>
        %dma_wait3A_552 = tpu.memref_squeeze %dma_wait3A_551 : memref<1x128xi32, #tpu.memory_space<hbm>> -> memref<128xi32, #tpu.memory_space<hbm>>
        tpu.wait_dma2 semaphore(%arg20 : memref<!tpu.dma_semaphore, #tpu.memory_space<semaphore_mem>>) src(%dma_wait3A_552 : memref<128xi32, #tpu.memory_space<hbm>>) dst(%dma_wait3A_549 : memref<128xi32, #tpu.memory_space<vmem>>)
        %add3A_553 = arith.constant 2 : i32
        %add3A_554 = arith.addi %scan3A_379, %add3A_553 : i32
        %rem3A_555 = arith.constant 3 : i32
        %rem3A_556 = arith.remsi %add3A_554, %rem3A_555 : i32
        %dma_start3A_557 = arith.constant 0 : i32
        %dma_start3A_558 = tpu.memref_slice %arg10[%rem3A_556, %dma_start3A_557] : memref<3x128xi32, #tpu.memory_space<vmem>> -> memref<1x128xi32, #tpu.memory_space<vmem>>
        %dma_start3A_559 = tpu.memref_squeeze %dma_start3A_558 : memref<1x128xi32, #tpu.memory_space<vmem>> -> memref<128xi32, #tpu.memory_space<vmem>>
        %dma_start3A_560 = arith.constant 0 : i32
        %dma_start3A_561 = tpu.memref_slice %arg9[%rem3A_556, %dma_start3A_560] : memref<3x128xi32, #tpu.memory_space<vmem>> -> memref<1x128xi32, #tpu.memory_space<vmem>>
        %dma_start3A_562 = tpu.memref_squeeze %dma_start3A_561 : memref<1x128xi32, #tpu.memory_space<vmem>> -> memref<128xi32, #tpu.memory_space<vmem>>
        %dma_start3A_563 = arith.constant 0 : i32
        %dma_start3A_564 = tpu.memref_slice %arg3[%dma_start3A_563] : memref<1000000xi32, #tpu.memory_space<hbm>> -> memref<1000000xi32, #tpu.memory_space<hbm>>
        tpu.enqueue_indirect_dma source(%dma_start3A_564 : memref<1000000xi32, #tpu.memory_space<hbm>>) target(%dma_start3A_559 : memref<128xi32, #tpu.memory_space<vmem>>) offsets(%dma_start3A_562 : memref<128xi32, #tpu.memory_space<vmem>>) semaphore(%arg21 : memref<!tpu.dma_semaphore, #tpu.memory_space<semaphore_mem>>)
        %dma_start3A_565 = arith.constant 0 : i32
        %dma_start3A_566 = tpu.memref_slice %arg11[%rem3A_556, %dma_start3A_565] : memref<3x128xi32, #tpu.memory_space<vmem>> -> memref<1x128xi32, #tpu.memory_space<vmem>>
        %dma_start3A_567 = tpu.memref_squeeze %dma_start3A_566 : memref<1x128xi32, #tpu.memory_space<vmem>> -> memref<128xi32, #tpu.memory_space<vmem>>
        %dma_start3A_568 = arith.constant 0 : i32
        %dma_start3A_569 = tpu.memref_slice %arg9[%rem3A_556, %dma_start3A_568] : memref<3x128xi32, #tpu.memory_space<vmem>> -> memref<1x128xi32, #tpu.memory_space<vmem>>
        %dma_start3A_570 = tpu.memref_squeeze %dma_start3A_569 : memref<1x128xi32, #tpu.memory_space<vmem>> -> memref<128xi32, #tpu.memory_space<vmem>>
        %dma_start3A_571 = arith.constant 0 : i32
        %dma_start3A_572 = tpu.memref_slice %arg4[%dma_start3A_571] : memref<1000000xi32, #tpu.memory_space<hbm>> -> memref<1000000xi32, #tpu.memory_space<hbm>>
        tpu.enqueue_indirect_dma source(%dma_start3A_572 : memref<1000000xi32, #tpu.memory_space<hbm>>) target(%dma_start3A_567 : memref<128xi32, #tpu.memory_space<vmem>>) offsets(%dma_start3A_570 : memref<128xi32, #tpu.memory_space<vmem>>) semaphore(%arg21 : memref<!tpu.dma_semaphore, #tpu.memory_space<semaphore_mem>>)
        %dma_start3A_573 = arith.constant 0 : i32
        %dma_start3A_574 = tpu.memref_slice %arg12[%rem3A_556, %dma_start3A_573] : memref<3x128xf32, #tpu.memory_space<vmem>> -> memref<1x128xf32, #tpu.memory_space<vmem>>
        %dma_start3A_575 = tpu.memref_squeeze %dma_start3A_574 : memref<1x128xf32, #tpu.memory_space<vmem>> -> memref<128xf32, #tpu.memory_space<vmem>>
        %dma_start3A_576 = arith.constant 0 : i32
        %dma_start3A_577 = tpu.memref_slice %arg9[%rem3A_556, %dma_start3A_576] : memref<3x128xi32, #tpu.memory_space<vmem>> -> memref<1x128xi32, #tpu.memory_space<vmem>>
        %dma_start3A_578 = tpu.memref_squeeze %dma_start3A_577 : memref<1x128xi32, #tpu.memory_space<vmem>> -> memref<128xi32, #tpu.memory_space<vmem>>
        %dma_start3A_579 = arith.constant 0 : i32
        %dma_start3A_580 = tpu.memref_slice %arg6[%dma_start3A_579] : memref<1000000xf32, #tpu.memory_space<hbm>> -> memref<1000000xf32, #tpu.memory_space<hbm>>
        tpu.enqueue_indirect_dma source(%dma_start3A_580 : memref<1000000xf32, #tpu.memory_space<hbm>>) target(%dma_start3A_575 : memref<128xf32, #tpu.memory_space<vmem>>) offsets(%dma_start3A_578 : memref<128xi32, #tpu.memory_space<vmem>>) semaphore(%arg21 : memref<!tpu.dma_semaphore, #tpu.memory_space<semaphore_mem>>)
        %dma_start3A_581 = arith.constant 0 : i32
        %dma_start3A_582 = tpu.memref_slice %arg13[%rem3A_556, %dma_start3A_581] : memref<3x128xf32, #tpu.memory_space<vmem>> -> memref<1x128xf32, #tpu.memory_space<vmem>>
        %dma_start3A_583 = tpu.memref_squeeze %dma_start3A_582 : memref<1x128xf32, #tpu.memory_space<vmem>> -> memref<128xf32, #tpu.memory_space<vmem>>
        %dma_start3A_584 = arith.constant 0 : i32
        %dma_start3A_585 = tpu.memref_slice %arg9[%rem3A_556, %dma_start3A_584] : memref<3x128xi32, #tpu.memory_space<vmem>> -> memref<1x128xi32, #tpu.memory_space<vmem>>
        %dma_start3A_586 = tpu.memref_squeeze %dma_start3A_585 : memref<1x128xi32, #tpu.memory_space<vmem>> -> memref<128xi32, #tpu.memory_space<vmem>>
        %dma_start3A_587 = arith.constant 0 : i32
        %dma_start3A_588 = tpu.memref_slice %arg7[%dma_start3A_587] : memref<1000000xf32, #tpu.memory_space<hbm>> -> memref<1000000xf32, #tpu.memory_space<hbm>>
        tpu.enqueue_indirect_dma source(%dma_start3A_588 : memref<1000000xf32, #tpu.memory_space<hbm>>) target(%dma_start3A_583 : memref<128xf32, #tpu.memory_space<vmem>>) offsets(%dma_start3A_586 : memref<128xi32, #tpu.memory_space<vmem>>) semaphore(%arg21 : memref<!tpu.dma_semaphore, #tpu.memory_space<semaphore_mem>>)
      } else {
      }
      %lt3A_387 = arith.constant 79 : i32
      %lt3A_388 = arith.cmpi slt, %scan3A_379, %lt3A_387 : i32
      %convert_element_type3A_389 = arith.extui %lt3A_388 : i1 to i32
      %cond3A_390 = arith.constant 0 : i32
      %cond3A_391 = arith.cmpi ne, %convert_element_type3A_389, %cond3A_390 : i32
      scf.if %cond3A_391 {
        %dma_wait3A_539 = arith.constant 0 : i32
        %dma_wait3A_540 = arith.constant 0 : i32
        %dma_wait3A_541 = arith.constant 0 : i32
        %dma_wait3A_542 = tpu.memref_slice %arg10[%dma_wait3A_540, %dma_wait3A_541] : memref<3x128xi32, #tpu.memory_space<vmem>> -> memref<1x128xi32, #tpu.memory_space<vmem>>
        %dma_wait3A_543 = tpu.memref_squeeze %dma_wait3A_542 : memref<1x128xi32, #tpu.memory_space<vmem>> -> memref<128xi32, #tpu.memory_space<vmem>>
        %dma_wait3A_544 = arith.constant 0 : i32
        %dma_wait3A_545 = tpu.memref_slice %arg9[%dma_wait3A_539, %dma_wait3A_544] : memref<3x128xi32, #tpu.memory_space<vmem>> -> memref<1x128xi32, #tpu.memory_space<vmem>>
        %dma_wait3A_546 = tpu.memref_squeeze %dma_wait3A_545 : memref<1x128xi32, #tpu.memory_space<vmem>> -> memref<128xi32, #tpu.memory_space<vmem>>
        %dma_wait3A_547 = arith.constant 0 : i32
        %dma_wait3A_548 = tpu.memref_slice %arg3[%dma_wait3A_547] : memref<1000000xi32, #tpu.memory_space<hbm>> -> memref<1000000xi32, #tpu.memory_space<hbm>>
        tpu.wait_indirect_dma semaphore(%arg21 : memref<!tpu.dma_semaphore, #tpu.memory_space<semaphore_mem>>) src(%dma_wait3A_548 : memref<1000000xi32, #tpu.memory_space<hbm>>) dst(%dma_wait3A_543 : memref<128xi32, #tpu.memory_space<vmem>>)
        %dma_wait3A_549 = arith.constant 0 : i32
        %dma_wait3A_550 = arith.constant 0 : i32
        %dma_wait3A_551 = arith.constant 0 : i32
        %dma_wait3A_552 = tpu.memref_slice %arg11[%dma_wait3A_550, %dma_wait3A_551] : memref<3x128xi32, #tpu.memory_space<vmem>> -> memref<1x128xi32, #tpu.memory_space<vmem>>
        %dma_wait3A_553 = tpu.memref_squeeze %dma_wait3A_552 : memref<1x128xi32, #tpu.memory_space<vmem>> -> memref<128xi32, #tpu.memory_space<vmem>>
        %dma_wait3A_554 = arith.constant 0 : i32
        %dma_wait3A_555 = tpu.memref_slice %arg9[%dma_wait3A_549, %dma_wait3A_554] : memref<3x128xi32, #tpu.memory_space<vmem>> -> memref<1x128xi32, #tpu.memory_space<vmem>>
        %dma_wait3A_556 = tpu.memref_squeeze %dma_wait3A_555 : memref<1x128xi32, #tpu.memory_space<vmem>> -> memref<128xi32, #tpu.memory_space<vmem>>
        %dma_wait3A_557 = arith.constant 0 : i32
        %dma_wait3A_558 = tpu.memref_slice %arg4[%dma_wait3A_557] : memref<1000000xi32, #tpu.memory_space<hbm>> -> memref<1000000xi32, #tpu.memory_space<hbm>>
        tpu.wait_indirect_dma semaphore(%arg21 : memref<!tpu.dma_semaphore, #tpu.memory_space<semaphore_mem>>) src(%dma_wait3A_558 : memref<1000000xi32, #tpu.memory_space<hbm>>) dst(%dma_wait3A_553 : memref<128xi32, #tpu.memory_space<vmem>>)
        %dma_wait3A_559 = arith.constant 0 : i32
        %dma_wait3A_560 = arith.constant 0 : i32
        %dma_wait3A_561 = arith.constant 0 : i32
        %dma_wait3A_562 = tpu.memref_slice %arg12[%dma_wait3A_560, %dma_wait3A_561] : memref<3x128xf32, #tpu.memory_space<vmem>> -> memref<1x128xf32, #tpu.memory_space<vmem>>
        %dma_wait3A_563 = tpu.memref_squeeze %dma_wait3A_562 : memref<1x128xf32, #tpu.memory_space<vmem>> -> memref<128xf32, #tpu.memory_space<vmem>>
        %dma_wait3A_564 = arith.constant 0 : i32
        %dma_wait3A_565 = tpu.memref_slice %arg9[%dma_wait3A_559, %dma_wait3A_564] : memref<3x128xi32, #tpu.memory_space<vmem>> -> memref<1x128xi32, #tpu.memory_space<vmem>>
        %dma_wait3A_566 = tpu.memref_squeeze %dma_wait3A_565 : memref<1x128xi32, #tpu.memory_space<vmem>> -> memref<128xi32, #tpu.memory_space<vmem>>
        %dma_wait3A_567 = arith.constant 0 : i32
        %dma_wait3A_568 = tpu.memref_slice %arg6[%dma_wait3A_567] : memref<1000000xf32, #tpu.memory_space<hbm>> -> memref<1000000xf32, #tpu.memory_space<hbm>>
        tpu.wait_indirect_dma semaphore(%arg21 : memref<!tpu.dma_semaphore, #tpu.memory_space<semaphore_mem>>) src(%dma_wait3A_568 : memref<1000000xf32, #tpu.memory_space<hbm>>) dst(%dma_wait3A_563 : memref<128xf32, #tpu.memory_space<vmem>>)
        %dma_wait3A_569 = arith.constant 0 : i32
        %dma_wait3A_570 = arith.constant 0 : i32
        %dma_wait3A_571 = arith.constant 0 : i32
        %dma_wait3A_572 = tpu.memref_slice %arg13[%dma_wait3A_570, %dma_wait3A_571] : memref<3x128xf32, #tpu.memory_space<vmem>> -> memref<1x128xf32, #tpu.memory_space<vmem>>
        %dma_wait3A_573 = tpu.memref_squeeze %dma_wait3A_572 : memref<1x128xf32, #tpu.memory_space<vmem>> -> memref<128xf32, #tpu.memory_space<vmem>>
        %dma_wait3A_574 = arith.constant 0 : i32
        %dma_wait3A_575 = tpu.memref_slice %arg9[%dma_wait3A_569, %dma_wait3A_574] : memref<3x128xi32, #tpu.memory_space<vmem>> -> memref<1x128xi32, #tpu.memory_space<vmem>>
        %dma_wait3A_576 = tpu.memref_squeeze %dma_wait3A_575 : memref<1x128xi32, #tpu.memory_space<vmem>> -> memref<128xi32, #tpu.memory_space<vmem>>
        %dma_wait3A_577 = arith.constant 0 : i32
        %dma_wait3A_578 = tpu.memref_slice %arg7[%dma_wait3A_577] : memref<1000000xf32, #tpu.memory_space<hbm>> -> memref<1000000xf32, #tpu.memory_space<hbm>>
        tpu.wait_indirect_dma semaphore(%arg21 : memref<!tpu.dma_semaphore, #tpu.memory_space<semaphore_mem>>) src(%dma_wait3A_578 : memref<1000000xf32, #tpu.memory_space<hbm>>) dst(%dma_wait3A_573 : memref<128xf32, #tpu.memory_space<vmem>>)
        %add3A_579 = arith.constant 1 : i32
        %add3A_580 = arith.addi %scan3A_379, %add3A_579 : i32
        %rem3A_581 = arith.constant 3 : i32
        %rem3A_582 = arith.remsi %add3A_580, %rem3A_581 : i32
        %and3A_583 = arith.constant 1 : i32
        %and3A_584 = arith.andi %add3A_580, %and3A_583 : i32
        %dma_start3A_585 = arith.constant 0 : i32
        %dma_start3A_586 = arith.constant 0 : i32
        %dma_start3A_587 = tpu.memref_slice %arg16[%and3A_584, %dma_start3A_585, %dma_start3A_586] : memref<2x128x64xf32, #tpu.memory_space<vmem>> -> memref<1x128x64xf32, #tpu.memory_space<vmem>>
        %dma_start3A_588 = tpu.memref_squeeze %dma_start3A_587 : memref<1x128x64xf32, #tpu.memory_space<vmem>> -> memref<128x64xf32, #tpu.memory_space<vmem>>
        %dma_start3A_589 = arith.constant 0 : i32
        %dma_start3A_590 = tpu.memref_slice %arg10[%rem3A_582, %dma_start3A_589] : memref<3x128xi32, #tpu.memory_space<vmem>> -> memref<1x128xi32, #tpu.memory_space<vmem>>
        %dma_start3A_591 = tpu.memref_squeeze %dma_start3A_590 : memref<1x128xi32, #tpu.memory_space<vmem>> -> memref<128xi32, #tpu.memory_space<vmem>>
        %dma_start3A_592 = arith.constant 0 : i32
        %dma_start3A_593 = arith.constant 0 : i32
        %dma_start3A_594 = tpu.memref_slice %arg5[%dma_start3A_592, %dma_start3A_593] : memref<100000x64xf32, #tpu.memory_space<hbm>> -> memref<100000x64xf32, #tpu.memory_space<hbm>>
        tpu.enqueue_indirect_dma source(%dma_start3A_594 : memref<100000x64xf32, #tpu.memory_space<hbm>>) target(%dma_start3A_588 : memref<128x64xf32, #tpu.memory_space<vmem>>) offsets(%dma_start3A_591 : memref<128xi32, #tpu.memory_space<vmem>>) semaphore(%arg22 : memref<!tpu.dma_semaphore, #tpu.memory_space<semaphore_mem>>)
        %dma_start3A_595 = arith.constant 0 : i32
        %dma_start3A_596 = arith.constant 0 : i32
        %dma_start3A_597 = tpu.memref_slice %arg17[%and3A_584, %dma_start3A_595, %dma_start3A_596] : memref<2x128x64xf32, #tpu.memory_space<vmem>> -> memref<1x128x64xf32, #tpu.memory_space<vmem>>
        %dma_start3A_598 = tpu.memref_squeeze %dma_start3A_597 : memref<1x128x64xf32, #tpu.memory_space<vmem>> -> memref<128x64xf32, #tpu.memory_space<vmem>>
        %dma_start3A_599 = arith.constant 0 : i32
        %dma_start3A_600 = tpu.memref_slice %arg11[%rem3A_582, %dma_start3A_599] : memref<3x128xi32, #tpu.memory_space<vmem>> -> memref<1x128xi32, #tpu.memory_space<vmem>>
        %dma_start3A_601 = tpu.memref_squeeze %dma_start3A_600 : memref<1x128xi32, #tpu.memory_space<vmem>> -> memref<128xi32, #tpu.memory_space<vmem>>
        %dma_start3A_602 = arith.constant 0 : i32
        %dma_start3A_603 = arith.constant 0 : i32
        %dma_start3A_604 = tpu.memref_slice %arg5[%dma_start3A_602, %dma_start3A_603] : memref<100000x64xf32, #tpu.memory_space<hbm>> -> memref<100000x64xf32, #tpu.memory_space<hbm>>
        tpu.enqueue_indirect_dma source(%dma_start3A_604 : memref<100000x64xf32, #tpu.memory_space<hbm>>) target(%dma_start3A_598 : memref<128x64xf32, #tpu.memory_space<vmem>>) offsets(%dma_start3A_601 : memref<128xi32, #tpu.memory_space<vmem>>) semaphore(%arg22 : memref<!tpu.dma_semaphore, #tpu.memory_space<semaphore_mem>>)
        %dma_start3A_605 = arith.constant 0 : i32
        %dma_start3A_606 = tpu.memref_slice %arg14[%and3A_584, %dma_start3A_605] : memref<2x128xf32, #tpu.memory_space<vmem>> -> memref<1x128xf32, #tpu.memory_space<vmem>>
        %dma_start3A_607 = tpu.memref_squeeze %dma_start3A_606 : memref<1x128xf32, #tpu.memory_space<vmem>> -> memref<128xf32, #tpu.memory_space<vmem>>
        %dma_start3A_608 = arith.constant 0 : i32
        %dma_start3A_609 = tpu.memref_slice %arg10[%rem3A_582, %dma_start3A_608] : memref<3x128xi32, #tpu.memory_space<vmem>> -> memref<1x128xi32, #tpu.memory_space<vmem>>
        %dma_start3A_610 = tpu.memref_squeeze %dma_start3A_609 : memref<1x128xi32, #tpu.memory_space<vmem>> -> memref<128xi32, #tpu.memory_space<vmem>>
        %dma_start3A_611 = arith.constant 0 : i32
        %dma_start3A_612 = tpu.memref_slice %arg6[%dma_start3A_611] : memref<1000000xf32, #tpu.memory_space<hbm>> -> memref<1000000xf32, #tpu.memory_space<hbm>>
        tpu.enqueue_indirect_dma source(%dma_start3A_612 : memref<1000000xf32, #tpu.memory_space<hbm>>) target(%dma_start3A_607 : memref<128xf32, #tpu.memory_space<vmem>>) offsets(%dma_start3A_610 : memref<128xi32, #tpu.memory_space<vmem>>) semaphore(%arg22 : memref<!tpu.dma_semaphore, #tpu.memory_space<semaphore_mem>>)
        %dma_start3A_613 = arith.constant 0 : i32
        %dma_start3A_614 = tpu.memref_slice %arg15[%and3A_584, %dma_start3A_613] : memref<2x128xf32, #tpu.memory_space<vmem>> -> memref<1x128xf32, #tpu.memory_space<vmem>>
        %dma_start3A_615 = tpu.memref_squeeze %dma_start3A_614 : memref<1x128xf32, #tpu.memory_space<vmem>> -> memref<128xf32, #tpu.memory_space<vmem>>
        %dma_start3A_616 = arith.constant 0 : i32
        %dma_start3A_617 = tpu.memref_slice %arg11[%rem3A_582, %dma_start3A_616] : memref<3x128xi32, #tpu.memory_space<vmem>> -> memref<1x128xi32, #tpu.memory_space<vmem>>
        %dma_start3A_618 = tpu.memref_squeeze %dma_start3A_617 : memref<1x128xi32, #tpu.memory_space<vmem>> -> memref<128xi32, #tpu.memory_space<vmem>>
        %dma_start3A_619 = arith.constant 0 : i32
        %dma_start3A_620 = tpu.memref_slice %arg7[%dma_start3A_619] : memref<1000000xf32, #tpu.memory_space<hbm>> -> memref<1000000xf32, #tpu.memory_space<hbm>>
        tpu.enqueue_indirect_dma source(%dma_start3A_620 : memref<1000000xf32, #tpu.memory_space<hbm>>) target(%dma_start3A_615 : memref<128xf32, #tpu.memory_space<vmem>>) offsets(%dma_start3A_618 : memref<128xi32, #tpu.memory_space<vmem>>) semaphore(%arg22 : memref<!tpu.dma_semaphore, #tpu.memory_space<semaphore_mem>>)
      } else {
      }
      %dma_wait3A_392 = arith.constant 0 : i32
      %dma_wait3A_393 = arith.constant 0 : i32
      %dma_wait3A_394 = arith.constant 0 : i32
      %dma_wait3A_395 = arith.constant 0 : i32
      %dma_wait3A_396 = tpu.memref_slice %arg16[%dma_wait3A_393, %dma_wait3A_394, %dma_wait3A_395] : memref<2x128x64xf32, #tpu.memory_space<vmem>> -> memref<1x128x64xf32, #tpu.memory_space<vmem>>
      %dma_wait3A_397 = tpu.memref_squeeze %dma_wait3A_396 : memref<1x128x64xf32, #tpu.memory_space<vmem>> -> memref<128x64xf32, #tpu.memory_space<vmem>>
      %dma_wait3A_398 = arith.constant 0 : i32
      %dma_wait3A_399 = tpu.memref_slice %arg10[%dma_wait3A_392, %dma_wait3A_398] : memref<3x128xi32, #tpu.memory_space<vmem>> -> memref<1x128xi32, #tpu.memory_space<vmem>>
      %dma_wait3A_400 = tpu.memref_squeeze %dma_wait3A_399 : memref<1x128xi32, #tpu.memory_space<vmem>> -> memref<128xi32, #tpu.memory_space<vmem>>
      %dma_wait3A_401 = arith.constant 0 : i32
      %dma_wait3A_402 = arith.constant 0 : i32
      %dma_wait3A_403 = tpu.memref_slice %arg5[%dma_wait3A_401, %dma_wait3A_402] : memref<100000x64xf32, #tpu.memory_space<hbm>> -> memref<100000x64xf32, #tpu.memory_space<hbm>>
      tpu.wait_indirect_dma semaphore(%arg22 : memref<!tpu.dma_semaphore, #tpu.memory_space<semaphore_mem>>) src(%dma_wait3A_403 : memref<100000x64xf32, #tpu.memory_space<hbm>>) dst(%dma_wait3A_397 : memref<128x64xf32, #tpu.memory_space<vmem>>)
      %dma_wait3A_404 = arith.constant 0 : i32
      %dma_wait3A_405 = arith.constant 0 : i32
      %dma_wait3A_406 = arith.constant 0 : i32
      %dma_wait3A_407 = arith.constant 0 : i32
      %dma_wait3A_408 = tpu.memref_slice %arg17[%dma_wait3A_405, %dma_wait3A_406, %dma_wait3A_407] : memref<2x128x64xf32, #tpu.memory_space<vmem>> -> memref<1x128x64xf32, #tpu.memory_space<vmem>>
      %dma_wait3A_409 = tpu.memref_squeeze %dma_wait3A_408 : memref<1x128x64xf32, #tpu.memory_space<vmem>> -> memref<128x64xf32, #tpu.memory_space<vmem>>
      %dma_wait3A_410 = arith.constant 0 : i32
      %dma_wait3A_411 = tpu.memref_slice %arg11[%dma_wait3A_404, %dma_wait3A_410] : memref<3x128xi32, #tpu.memory_space<vmem>> -> memref<1x128xi32, #tpu.memory_space<vmem>>
      %dma_wait3A_412 = tpu.memref_squeeze %dma_wait3A_411 : memref<1x128xi32, #tpu.memory_space<vmem>> -> memref<128xi32, #tpu.memory_space<vmem>>
      %dma_wait3A_413 = arith.constant 0 : i32
      %dma_wait3A_414 = arith.constant 0 : i32
      %dma_wait3A_415 = tpu.memref_slice %arg5[%dma_wait3A_413, %dma_wait3A_414] : memref<100000x64xf32, #tpu.memory_space<hbm>> -> memref<100000x64xf32, #tpu.memory_space<hbm>>
      tpu.wait_indirect_dma semaphore(%arg22 : memref<!tpu.dma_semaphore, #tpu.memory_space<semaphore_mem>>) src(%dma_wait3A_415 : memref<100000x64xf32, #tpu.memory_space<hbm>>) dst(%dma_wait3A_409 : memref<128x64xf32, #tpu.memory_space<vmem>>)
      %dma_wait3A_416 = arith.constant 0 : i32
      %dma_wait3A_417 = arith.constant 0 : i32
      %dma_wait3A_418 = arith.constant 0 : i32
      %dma_wait3A_419 = tpu.memref_slice %arg14[%dma_wait3A_417, %dma_wait3A_418] : memref<2x128xf32, #tpu.memory_space<vmem>> -> memref<1x128xf32, #tpu.memory_space<vmem>>
      %dma_wait3A_420 = tpu.memref_squeeze %dma_wait3A_419 : memref<1x128xf32, #tpu.memory_space<vmem>> -> memref<128xf32, #tpu.memory_space<vmem>>
      %dma_wait3A_421 = arith.constant 0 : i32
      %dma_wait3A_422 = tpu.memref_slice %arg10[%dma_wait3A_416, %dma_wait3A_421] : memref<3x128xi32, #tpu.memory_space<vmem>> -> memref<1x128xi32, #tpu.memory_space<vmem>>
      %dma_wait3A_423 = tpu.memref_squeeze %dma_wait3A_422 : memref<1x128xi32, #tpu.memory_space<vmem>> -> memref<128xi32, #tpu.memory_space<vmem>>
      %dma_wait3A_424 = arith.constant 0 : i32
      %dma_wait3A_425 = tpu.memref_slice %arg6[%dma_wait3A_424] : memref<1000000xf32, #tpu.memory_space<hbm>> -> memref<1000000xf32, #tpu.memory_space<hbm>>
      tpu.wait_indirect_dma semaphore(%arg22 : memref<!tpu.dma_semaphore, #tpu.memory_space<semaphore_mem>>) src(%dma_wait3A_425 : memref<1000000xf32, #tpu.memory_space<hbm>>) dst(%dma_wait3A_420 : memref<128xf32, #tpu.memory_space<vmem>>)
      %dma_wait3A_426 = arith.constant 0 : i32
      %dma_wait3A_427 = arith.constant 0 : i32
      %dma_wait3A_428 = arith.constant 0 : i32
      %dma_wait3A_429 = tpu.memref_slice %arg15[%dma_wait3A_427, %dma_wait3A_428] : memref<2x128xf32, #tpu.memory_space<vmem>> -> memref<1x128xf32, #tpu.memory_space<vmem>>
      %dma_wait3A_430 = tpu.memref_squeeze %dma_wait3A_429 : memref<1x128xf32, #tpu.memory_space<vmem>> -> memref<128xf32, #tpu.memory_space<vmem>>
      %dma_wait3A_431 = arith.constant 0 : i32
      %dma_wait3A_432 = tpu.memref_slice %arg11[%dma_wait3A_426, %dma_wait3A_431] : memref<3x128xi32, #tpu.memory_space<vmem>> -> memref<1x128xi32, #tpu.memory_space<vmem>>
      %dma_wait3A_433 = tpu.memref_squeeze %dma_wait3A_432 : memref<1x128xi32, #tpu.memory_space<vmem>> -> memref<128xi32, #tpu.memory_space<vmem>>
      %dma_wait3A_434 = arith.constant 0 : i32
      %dma_wait3A_435 = tpu.memref_slice %arg7[%dma_wait3A_434] : memref<1000000xf32, #tpu.memory_space<hbm>> -> memref<1000000xf32, #tpu.memory_space<hbm>>
      tpu.wait_indirect_dma semaphore(%arg22 : memref<!tpu.dma_semaphore, #tpu.memory_space<semaphore_mem>>) src(%dma_wait3A_435 : memref<1000000xf32, #tpu.memory_space<hbm>>) dst(%dma_wait3A_430 : memref<128xf32, #tpu.memory_space<vmem>>)
      %ge3A = arith.constant 2 : i32
      %ge3A_436 = arith.cmpi sge, %scan3A_379, %ge3A : i32
      %convert_element_type3A_437 = arith.extui %ge3A_436 : i1 to i32
      %cond3A_438 = arith.constant 0 : i32
      %cond3A_439 = arith.cmpi ne, %convert_element_type3A_437, %cond3A_438 : i32
      scf.if %cond3A_439 {
        %dma_wait3A_539 = arith.constant 0 : i32
        %dma_wait3A_540 = tpu.memref_slice %arg19[%dma_wait3A_539] : memref<16896xf32, #tpu.memory_space<vmem>> -> memref<1024xf32, #tpu.memory_space<vmem>>
        %dma_wait3A_541 = arith.constant 0 : i32
        %dma_wait3A_542 = tpu.memref_slice %arg8[%dma_wait3A_541] : memref<23592960xf32, #tpu.memory_space<hbm>> -> memref<1024xf32, #tpu.memory_space<hbm>>
        %dma_wait3A_543 = arith.constant 0 : i32
        %dma_wait3A_544 = tpu.memref_slice %arg8[%dma_wait3A_543] : memref<23592960xf32, #tpu.memory_space<hbm>> -> memref<1024xf32, #tpu.memory_space<hbm>>
        %dma_wait3A_545 = arith.constant 0 : i32
        %dma_wait3A_546 = tpu.memref_slice %arg19[%dma_wait3A_545] : memref<16896xf32, #tpu.memory_space<vmem>> -> memref<1024xf32, #tpu.memory_space<vmem>>
        tpu.wait_dma2 semaphore(%arg23 : memref<!tpu.dma_semaphore, #tpu.memory_space<semaphore_mem>>) src(%dma_wait3A_546 : memref<1024xf32, #tpu.memory_space<vmem>>) dst(%dma_wait3A_544 : memref<1024xf32, #tpu.memory_space<hbm>>)
        %dma_wait3A_547 = arith.constant 0 : i32
        %dma_wait3A_548 = tpu.memref_slice %arg19[%dma_wait3A_547] : memref<16896xf32, #tpu.memory_space<vmem>> -> memref<1024xf32, #tpu.memory_space<vmem>>
        %dma_wait3A_549 = arith.constant 0 : i32
        %dma_wait3A_550 = tpu.memref_slice %arg8[%dma_wait3A_549] : memref<23592960xf32, #tpu.memory_space<hbm>> -> memref<1024xf32, #tpu.memory_space<hbm>>
        %dma_wait3A_551 = arith.constant 0 : i32
        %dma_wait3A_552 = tpu.memref_slice %arg8[%dma_wait3A_551] : memref<23592960xf32, #tpu.memory_space<hbm>> -> memref<1024xf32, #tpu.memory_space<hbm>>
        %dma_wait3A_553 = arith.constant 0 : i32
        %dma_wait3A_554 = tpu.memref_slice %arg19[%dma_wait3A_553] : memref<16896xf32, #tpu.memory_space<vmem>> -> memref<1024xf32, #tpu.memory_space<vmem>>
        tpu.wait_dma2 semaphore(%arg23 : memref<!tpu.dma_semaphore, #tpu.memory_space<semaphore_mem>>) src(%dma_wait3A_554 : memref<1024xf32, #tpu.memory_space<vmem>>) dst(%dma_wait3A_552 : memref<1024xf32, #tpu.memory_space<hbm>>)
        %dma_wait3A_555 = arith.constant 0 : i32
        %dma_wait3A_556 = tpu.memref_slice %arg19[%dma_wait3A_555] : memref<16896xf32, #tpu.memory_space<vmem>> -> memref<1024xf32, #tpu.memory_space<vmem>>
        %dma_wait3A_557 = arith.constant 0 : i32
        %dma_wait3A_558 = tpu.memref_slice %arg8[%dma_wait3A_557] : memref<23592960xf32, #tpu.memory_space<hbm>> -> memref<1024xf32, #tpu.memory_space<hbm>>
        %dma_wait3A_559 = arith.constant 0 : i32
        %dma_wait3A_560 = tpu.memref_slice %arg8[%dma_wait3A_559] : memref<23592960xf32, #tpu.memory_space<hbm>> -> memref<1024xf32, #tpu.memory_space<hbm>>
        %dma_wait3A_561 = arith.constant 0 : i32
        %dma_wait3A_562 = tpu.memref_slice %arg19[%dma_wait3A_561] : memref<16896xf32, #tpu.memory_space<vmem>> -> memref<1024xf32, #tpu.memory_space<vmem>>
        tpu.wait_dma2 semaphore(%arg23 : memref<!tpu.dma_semaphore, #tpu.memory_space<semaphore_mem>>) src(%dma_wait3A_562 : memref<1024xf32, #tpu.memory_space<vmem>>) dst(%dma_wait3A_560 : memref<1024xf32, #tpu.memory_space<hbm>>)
        %dma_wait3A_563 = arith.constant 0 : i32
        %dma_wait3A_564 = tpu.memref_slice %arg19[%dma_wait3A_563] : memref<16896xf32, #tpu.memory_space<vmem>> -> memref<1024xf32, #tpu.memory_space<vmem>>
        %dma_wait3A_565 = arith.constant 0 : i32
        %dma_wait3A_566 = tpu.memref_slice %arg8[%dma_wait3A_565] : memref<23592960xf32, #tpu.memory_space<hbm>> -> memref<1024xf32, #tpu.memory_space<hbm>>
        %dma_wait3A_567 = arith.constant 0 : i32
        %dma_wait3A_568 = tpu.memref_slice %arg8[%dma_wait3A_567] : memref<23592960xf32, #tpu.memory_space<hbm>> -> memref<1024xf32, #tpu.memory_space<hbm>>
        %dma_wait3A_569 = arith.constant 0 : i32
        %dma_wait3A_570 = tpu.memref_slice %arg19[%dma_wait3A_569] : memref<16896xf32, #tpu.memory_space<vmem>> -> memref<1024xf32, #tpu.memory_space<vmem>>
        tpu.wait_dma2 semaphore(%arg23 : memref<!tpu.dma_semaphore, #tpu.memory_space<semaphore_mem>>) src(%dma_wait3A_570 : memref<1024xf32, #tpu.memory_space<vmem>>) dst(%dma_wait3A_568 : memref<1024xf32, #tpu.memory_space<hbm>>)
        %dma_wait3A_571 = arith.constant 0 : i32
        %dma_wait3A_572 = tpu.memref_slice %arg19[%dma_wait3A_571] : memref<16896xf32, #tpu.memory_space<vmem>> -> memref<1024xf32, #tpu.memory_space<vmem>>
        %dma_wait3A_573 = arith.constant 0 : i32
        %dma_wait3A_574 = tpu.memref_slice %arg8[%dma_wait3A_573] : memref<23592960xf32, #tpu.memory_space<hbm>> -> memref<1024xf32, #tpu.memory_space<hbm>>
        %dma_wait3A_575 = arith.constant 0 : i32
        %dma_wait3A_576 = tpu.memref_slice %arg8[%dma_wait3A_575] : memref<23592960xf32, #tpu.memory_space<hbm>> -> memref<1024xf32, #tpu.memory_space<hbm>>
        %dma_wait3A_577 = arith.constant 0 : i32
        %dma_wait3A_578 = tpu.memref_slice %arg19[%dma_wait3A_577] : memref<16896xf32, #tpu.memory_space<vmem>> -> memref<1024xf32, #tpu.memory_space<vmem>>
        tpu.wait_dma2 semaphore(%arg23 : memref<!tpu.dma_semaphore, #tpu.memory_space<semaphore_mem>>) src(%dma_wait3A_578 : memref<1024xf32, #tpu.memory_space<vmem>>) dst(%dma_wait3A_576 : memref<1024xf32, #tpu.memory_space<hbm>>)
        %dma_wait3A_579 = arith.constant 0 : i32
        %dma_wait3A_580 = tpu.memref_slice %arg19[%dma_wait3A_579] : memref<16896xf32, #tpu.memory_space<vmem>> -> memref<1024xf32, #tpu.memory_space<vmem>>
        %dma_wait3A_581 = arith.constant 0 : i32
        %dma_wait3A_582 = tpu.memref_slice %arg8[%dma_wait3A_581] : memref<23592960xf32, #tpu.memory_space<hbm>> -> memref<1024xf32, #tpu.memory_space<hbm>>
        %dma_wait3A_583 = arith.constant 0 : i32
        %dma_wait3A_584 = tpu.memref_slice %arg8[%dma_wait3A_583] : memref<23592960xf32, #tpu.memory_space<hbm>> -> memref<1024xf32, #tpu.memory_space<hbm>>
        %dma_wait3A_585 = arith.constant 0 : i32
        %dma_wait3A_586 = tpu.memref_slice %arg19[%dma_wait3A_585] : memref<16896xf32, #tpu.memory_space<vmem>> -> memref<1024xf32, #tpu.memory_space<vmem>>
        tpu.wait_dma2 semaphore(%arg23 : memref<!tpu.dma_semaphore, #tpu.memory_space<semaphore_mem>>) src(%dma_wait3A_586 : memref<1024xf32, #tpu.memory_space<vmem>>) dst(%dma_wait3A_584 : memref<1024xf32, #tpu.memory_space<hbm>>)
        %dma_wait3A_587 = arith.constant 0 : i32
        %dma_wait3A_588 = tpu.memref_slice %arg19[%dma_wait3A_587] : memref<16896xf32, #tpu.memory_space<vmem>> -> memref<1024xf32, #tpu.memory_space<vmem>>
        %dma_wait3A_589 = arith.constant 0 : i32
        %dma_wait3A_590 = tpu.memref_slice %arg8[%dma_wait3A_589] : memref<23592960xf32, #tpu.memory_space<hbm>> -> memref<1024xf32, #tpu.memory_space<hbm>>
        %dma_wait3A_591 = arith.constant 0 : i32
        %dma_wait3A_592 = tpu.memref_slice %arg8[%dma_wait3A_591] : memref<23592960xf32, #tpu.memory_space<hbm>> -> memref<1024xf32, #tpu.memory_space<hbm>>
        %dma_wait3A_593 = arith.constant 0 : i32
        %dma_wait3A_594 = tpu.memref_slice %arg19[%dma_wait3A_593] : memref<16896xf32, #tpu.memory_space<vmem>> -> memref<1024xf32, #tpu.memory_space<vmem>>
        tpu.wait_dma2 semaphore(%arg23 : memref<!tpu.dma_semaphore, #tpu.memory_space<semaphore_mem>>) src(%dma_wait3A_594 : memref<1024xf32, #tpu.memory_space<vmem>>) dst(%dma_wait3A_592 : memref<1024xf32, #tpu.memory_space<hbm>>)
        %dma_wait3A_595 = arith.constant 0 : i32
        %dma_wait3A_596 = tpu.memref_slice %arg19[%dma_wait3A_595] : memref<16896xf32, #tpu.memory_space<vmem>> -> memref<1024xf32, #tpu.memory_space<vmem>>
        %dma_wait3A_597 = arith.constant 0 : i32
        %dma_wait3A_598 = tpu.memref_slice %arg8[%dma_wait3A_597] : memref<23592960xf32, #tpu.memory_space<hbm>> -> memref<1024xf32, #tpu.memory_space<hbm>>
        %dma_wait3A_599 = arith.constant 0 : i32
        %dma_wait3A_600 = tpu.memref_slice %arg8[%dma_wait3A_599] : memref<23592960xf32, #tpu.memory_space<hbm>> -> memref<1024xf32, #tpu.memory_space<hbm>>
        %dma_wait3A_601 = arith.constant 0 : i32
        %dma_wait3A_602 = tpu.memref_slice %arg19[%dma_wait3A_601] : memref<16896xf32, #tpu.memory_space<vmem>> -> memref<1024xf32, #tpu.memory_space<vmem>>
        tpu.wait_dma2 semaphore(%arg23 : memref<!tpu.dma_semaphore, #tpu.memory_space<semaphore_mem>>) src(%dma_wait3A_602 : memref<1024xf32, #tpu.memory_space<vmem>>) dst(%dma_wait3A_600 : memref<1024xf32, #tpu.memory_space<hbm>>)
        %dma_wait3A_603 = arith.constant 0 : i32
        %dma_wait3A_604 = tpu.memref_slice %arg19[%dma_wait3A_603] : memref<16896xf32, #tpu.memory_space<vmem>> -> memref<256xf32, #tpu.memory_space<vmem>>
        %dma_wait3A_605 = arith.constant 0 : i32
        %dma_wait3A_606 = tpu.memref_slice %arg8[%dma_wait3A_605] : memref<23592960xf32, #tpu.memory_space<hbm>> -> memref<256xf32, #tpu.memory_space<hbm>>
        %dma_wait3A_607 = arith.constant 0 : i32
        %dma_wait3A_608 = tpu.memref_slice %arg8[%dma_wait3A_607] : memref<23592960xf32, #tpu.memory_space<hbm>> -> memref<256xf32, #tpu.memory_space<hbm>>
        %dma_wait3A_609 = arith.constant 0 : i32
        %dma_wait3A_610 = tpu.memref_slice %arg19[%dma_wait3A_609] : memref<16896xf32, #tpu.memory_space<vmem>> -> memref<256xf32, #tpu.memory_space<vmem>>
        tpu.wait_dma2 semaphore(%arg23 : memref<!tpu.dma_semaphore, #tpu.memory_space<semaphore_mem>>) src(%dma_wait3A_610 : memref<256xf32, #tpu.memory_space<vmem>>) dst(%dma_wait3A_608 : memref<256xf32, #tpu.memory_space<hbm>>)
      } else {
      }
      %rem3A_440 = arith.constant 3 : i32
      %rem3A_441 = arith.remsi %scan3A_379, %rem3A_440 : i32
      %and3A_442 = arith.constant 1 : i32
      %and3A_443 = arith.andi %scan3A_379, %and3A_442 : i32
      %mul3A_444 = arith.constant 8448 : i32
      %mul3A_445 = arith.muli %and3A_443, %mul3A_444 : i32
      %parallel_loop3A = arith.constant 0 : i32
      %parallel_loop3A_446 = arith.constant 8 : i32
      %parallel_loop3A_447 = arith.constant 1 : i32
      scf.for %parallel_loop3A_539 = %parallel_loop3A to %parallel_loop3A_446 step %parallel_loop3A_447  : i32 {
        %parallel_loop3A_540 = arith.constant 16 : i32
        %parallel_loop3A_541 = arith.muli %parallel_loop3A_539, %parallel_loop3A_540 : i32
        %parallel_loop3A_542 = arith.index_cast %rem3A_441 : i32 to index
        %parallel_loop3A_543 = arith.index_cast %parallel_loop3A_541 : i32 to index
        %parallel_loop3A_544 = tpu.vector_load %arg12[%parallel_loop3A_542, %parallel_loop3A_543] {strides = array<i32>} : memref<3x128xf32, #tpu.memory_space<vmem>>, vector<16xf32>,
        %parallel_loop3A_545 = arith.index_cast %rem3A_441 : i32 to index
        %parallel_loop3A_546 = arith.index_cast %parallel_loop3A_541 : i32 to index
        %parallel_loop3A_547 = tpu.vector_load %arg13[%parallel_loop3A_545, %parallel_loop3A_546] {strides = array<i32>} : memref<3x128xf32, #tpu.memory_space<vmem>>, vector<16xf32>,
        %parallel_loop3A_548 = arith.constant 0 : i32
        %parallel_loop3A_549 = arith.addi %parallel_loop3A_541, %parallel_loop3A_548 : i32
        %parallel_loop3A_550 = vector.extract_strided_slice %parallel_loop3A_544 {offsets = [0], sizes = [1], strides = [1]} : vector<16xf32> to vector<1xf32>
        %parallel_loop3A_551 = vector.extract %parallel_loop3A_550[0] : f32 from vector<1xf32>
        %parallel_loop3A_552 = vector.extract_strided_slice %parallel_loop3A_547 {offsets = [0], sizes = [1], strides = [1]} : vector<16xf32> to vector<1xf32>
        %parallel_loop3A_553 = vector.extract %parallel_loop3A_552[0] : f32 from vector<1xf32>
        %parallel_loop3A_554 = arith.constant 65 : i32
        %parallel_loop3A_555 = arith.muli %parallel_loop3A_549, %parallel_loop3A_554 : i32
        %parallel_loop3A_556 = arith.index_cast %and3A_443 : i32 to index
        %parallel_loop3A_557 = arith.index_cast %parallel_loop3A_549 : i32 to index
        %parallel_loop3A_558 = arith.constant 0 : index
        %parallel_loop3A_559 = tpu.vector_load %arg16[%parallel_loop3A_556, %parallel_loop3A_557, %parallel_loop3A_558] {strides = array<i32>} : memref<2x128x64xf32, #tpu.memory_space<vmem>>, vector<16xf32>,
        %parallel_loop3A_560 = vector.broadcast %parallel_loop3A_551 : f32 to vector<16xf32>
        %parallel_loop3A_561 = arith.mulf %parallel_loop3A_559, %parallel_loop3A_560 : vector<16xf32>
        %parallel_loop3A_562 = arith.index_cast %and3A_443 : i32 to index
        %parallel_loop3A_563 = arith.index_cast %parallel_loop3A_549 : i32 to index
        %parallel_loop3A_564 = arith.constant 0 : index
        %parallel_loop3A_565 = tpu.vector_load %arg17[%parallel_loop3A_562, %parallel_loop3A_563, %parallel_loop3A_564] {strides = array<i32>} : memref<2x128x64xf32, #tpu.memory_space<vmem>>, vector<16xf32>,
        %parallel_loop3A_566 = vector.broadcast %parallel_loop3A_553 : f32 to vector<16xf32>
        %parallel_loop3A_567 = arith.mulf %parallel_loop3A_565, %parallel_loop3A_566 : vector<16xf32>
        %parallel_loop3A_568 = arith.addf %parallel_loop3A_561, %parallel_loop3A_567 : vector<16xf32>
        %parallel_loop3A_569 = arith.constant 0 : i32
        %parallel_loop3A_570 = arith.addi %parallel_loop3A_555, %parallel_loop3A_569 : i32
        %parallel_loop3A_571 = arith.index_cast %parallel_loop3A_570 : i32 to index
        %parallel_loop3A_572 = tpu.vector_load %arg18[%parallel_loop3A_571] {strides = array<i32>} : memref<8320xf32, #tpu.memory_space<vmem>>, vector<16xf32>,
        tpu.vector_store %arg18[%parallel_loop3A_571], %parallel_loop3A_568 {strides = array<i32>} : memref<8320xf32, #tpu.memory_space<vmem>>, vector<16xf32>,
        %parallel_loop3A_573 = arith.index_cast %and3A_443 : i32 to index
        %parallel_loop3A_574 = arith.index_cast %parallel_loop3A_549 : i32 to index
        %parallel_loop3A_575 = arith.constant 16 : index
        %parallel_loop3A_576 = tpu.vector_load %arg16[%parallel_loop3A_573, %parallel_loop3A_574, %parallel_loop3A_575] {strides = array<i32>} : memref<2x128x64xf32, #tpu.memory_space<vmem>>, vector<16xf32>,
        %parallel_loop3A_577 = vector.broadcast %parallel_loop3A_551 : f32 to vector<16xf32>
        %parallel_loop3A_578 = arith.mulf %parallel_loop3A_576, %parallel_loop3A_577 : vector<16xf32>
        %parallel_loop3A_579 = arith.index_cast %and3A_443 : i32 to index
        %parallel_loop3A_580 = arith.index_cast %parallel_loop3A_549 : i32 to index
        %parallel_loop3A_581 = arith.constant 16 : index
        %parallel_loop3A_582 = tpu.vector_load %arg17[%parallel_loop3A_579, %parallel_loop3A_580, %parallel_loop3A_581] {strides = array<i32>} : memref<2x128x64xf32, #tpu.memory_space<vmem>>, vector<16xf32>,
        %parallel_loop3A_583 = vector.broadcast %parallel_loop3A_553 : f32 to vector<16xf32>
        %parallel_loop3A_584 = arith.mulf %parallel_loop3A_582, %parallel_loop3A_583 : vector<16xf32>
        %parallel_loop3A_585 = arith.addf %parallel_loop3A_578, %parallel_loop3A_584 : vector<16xf32>
        %parallel_loop3A_586 = arith.constant 16 : i32
        %parallel_loop3A_587 = arith.addi %parallel_loop3A_555, %parallel_loop3A_586 : i32
        %parallel_loop3A_588 = arith.index_cast %parallel_loop3A_587 : i32 to index
        %parallel_loop3A_589 = tpu.vector_load %arg18[%parallel_loop3A_588] {strides = array<i32>} : memref<8320xf32, #tpu.memory_space<vmem>>, vector<16xf32>,
        tpu.vector_store %arg18[%parallel_loop3A_588], %parallel_loop3A_585 {strides = array<i32>} : memref<8320xf32, #tpu.memory_space<vmem>>, vector<16xf32>,
        %parallel_loop3A_590 = arith.index_cast %and3A_443 : i32 to index
        %parallel_loop3A_591 = arith.index_cast %parallel_loop3A_549 : i32 to index
        %parallel_loop3A_592 = arith.constant 32 : index
        %parallel_loop3A_593 = tpu.vector_load %arg16[%parallel_loop3A_590, %parallel_loop3A_591, %parallel_loop3A_592] {strides = array<i32>} : memref<2x128x64xf32, #tpu.memory_space<vmem>>, vector<16xf32>,
        %parallel_loop3A_594 = vector.broadcast %parallel_loop3A_551 : f32 to vector<16xf32>
        %parallel_loop3A_595 = arith.mulf %parallel_loop3A_593, %parallel_loop3A_594 : vector<16xf32>
        %parallel_loop3A_596 = arith.index_cast %and3A_443 : i32 to index
        %parallel_loop3A_597 = arith.index_cast %parallel_loop3A_549 : i32 to index
        %parallel_loop3A_598 = arith.constant 32 : index
        %parallel_loop3A_599 = tpu.vector_load %arg17[%parallel_loop3A_596, %parallel_loop3A_597, %parallel_loop3A_598] {strides = array<i32>} : memref<2x128x64xf32, #tpu.memory_space<vmem>>, vector<16xf32>,
        %parallel_loop3A_600 = vector.broadcast %parallel_loop3A_553 : f32 to vector<16xf32>
        %parallel_loop3A_601 = arith.mulf %parallel_loop3A_599, %parallel_loop3A_600 : vector<16xf32>
        %parallel_loop3A_602 = arith.addf %parallel_loop3A_595, %parallel_loop3A_601 : vector<16xf32>
        %parallel_loop3A_603 = arith.constant 32 : i32
        %parallel_loop3A_604 = arith.addi %parallel_loop3A_555, %parallel_loop3A_603 : i32
        %parallel_loop3A_605 = arith.index_cast %parallel_loop3A_604 : i32 to index
        %parallel_loop3A_606 = tpu.vector_load %arg18[%parallel_loop3A_605] {strides = array<i32>} : memref<8320xf32, #tpu.memory_space<vmem>>, vector<16xf32>,
        tpu.vector_store %arg18[%parallel_loop3A_605], %parallel_loop3A_602 {strides = array<i32>} : memref<8320xf32, #tpu.memory_space<vmem>>, vector<16xf32>,
        %parallel_loop3A_607 = arith.index_cast %and3A_443 : i32 to index
        %parallel_loop3A_608 = arith.index_cast %parallel_loop3A_549 : i32 to index
        %parallel_loop3A_609 = arith.constant 48 : index
        %parallel_loop3A_610 = tpu.vector_load %arg16[%parallel_loop3A_607, %parallel_loop3A_608, %parallel_loop3A_609] {strides = array<i32>} : memref<2x128x64xf32, #tpu.memory_space<vmem>>, vector<16xf32>,
        %parallel_loop3A_611 = vector.broadcast %parallel_loop3A_551 : f32 to vector<16xf32>
        %parallel_loop3A_612 = arith.mulf %parallel_loop3A_610, %parallel_loop3A_611 : vector<16xf32>
        %parallel_loop3A_613 = arith.index_cast %and3A_443 : i32 to index
        %parallel_loop3A_614 = arith.index_cast %parallel_loop3A_549 : i32 to index
        %parallel_loop3A_615 = arith.constant 48 : index
        %parallel_loop3A_616 = tpu.vector_load %arg17[%parallel_loop3A_613, %parallel_loop3A_614, %parallel_loop3A_615] {strides = array<i32>} : memref<2x128x64xf32, #tpu.memory_space<vmem>>, vector<16xf32>,
        %parallel_loop3A_617 = vector.broadcast %parallel_loop3A_553 : f32 to vector<16xf32>
        %parallel_loop3A_618 = arith.mulf %parallel_loop3A_616, %parallel_loop3A_617 : vector<16xf32>
        %parallel_loop3A_619 = arith.addf %parallel_loop3A_612, %parallel_loop3A_618 : vector<16xf32>
        %parallel_loop3A_620 = arith.constant 48 : i32
        %parallel_loop3A_621 = arith.addi %parallel_loop3A_555, %parallel_loop3A_620 : i32
        %parallel_loop3A_622 = arith.index_cast %parallel_loop3A_621 : i32 to index
        %parallel_loop3A_623 = tpu.vector_load %arg18[%parallel_loop3A_622] {strides = array<i32>} : memref<8320xf32, #tpu.memory_space<vmem>>, vector<16xf32>,
        tpu.vector_store %arg18[%parallel_loop3A_622], %parallel_loop3A_619 {strides = array<i32>} : memref<8320xf32, #tpu.memory_space<vmem>>, vector<16xf32>,
        %parallel_loop3A_624 = arith.constant 1 : i32
        %parallel_loop3A_625 = arith.addi %parallel_loop3A_541, %parallel_loop3A_624 : i32
        %parallel_loop3A_626 = vector.extract_strided_slice %parallel_loop3A_544 {offsets = [1], sizes = [1], strides = [1]} : vector<16xf32> to vector<1xf32>
        %parallel_loop3A_627 = vector.extract %parallel_loop3A_626[0] : f32 from vector<1xf32>
        %parallel_loop3A_628 = vector.extract_strided_slice %parallel_loop3A_547 {offsets = [1], sizes = [1], strides = [1]} : vector<16xf32> to vector<1xf32>
        %parallel_loop3A_629 = vector.extract %parallel_loop3A_628[0] : f32 from vector<1xf32>
        %parallel_loop3A_630 = arith.constant 65 : i32
        %parallel_loop3A_631 = arith.muli %parallel_loop3A_625, %parallel_loop3A_630 : i32
        %parallel_loop3A_632 = arith.index_cast %and3A_443 : i32 to index
        %parallel_loop3A_633 = arith.index_cast %parallel_loop3A_625 : i32 to index
        %parallel_loop3A_634 = arith.constant 0 : index
        %parallel_loop3A_635 = tpu.vector_load %arg16[%parallel_loop3A_632, %parallel_loop3A_633, %parallel_loop3A_634] {strides = array<i32>} : memref<2x128x64xf32, #tpu.memory_space<vmem>>, vector<16xf32>,
        %parallel_loop3A_636 = vector.broadcast %parallel_loop3A_627 : f32 to vector<16xf32>
        %parallel_loop3A_637 = arith.mulf %parallel_loop3A_635, %parallel_loop3A_636 : vector<16xf32>
        %parallel_loop3A_638 = arith.index_cast %and3A_443 : i32 to index
        %parallel_loop3A_639 = arith.index_cast %parallel_loop3A_625 : i32 to index
        %parallel_loop3A_640 = arith.constant 0 : index
        %parallel_loop3A_641 = tpu.vector_load %arg17[%parallel_loop3A_638, %parallel_loop3A_639, %parallel_loop3A_640] {strides = array<i32>} : memref<2x128x64xf32, #tpu.memory_space<vmem>>, vector<16xf32>,
        %parallel_loop3A_642 = vector.broadcast %parallel_loop3A_629 : f32 to vector<16xf32>
        %parallel_loop3A_643 = arith.mulf %parallel_loop3A_641, %parallel_loop3A_642 : vector<16xf32>
        %parallel_loop3A_644 = arith.addf %parallel_loop3A_637, %parallel_loop3A_643 : vector<16xf32>
        %parallel_loop3A_645 = arith.constant 0 : i32
        %parallel_loop3A_646 = arith.addi %parallel_loop3A_631, %parallel_loop3A_645 : i32
        %parallel_loop3A_647 = arith.index_cast %parallel_loop3A_646 : i32 to index
        %parallel_loop3A_648 = tpu.vector_load %arg18[%parallel_loop3A_647] {strides = array<i32>} : memref<8320xf32, #tpu.memory_space<vmem>>, vector<16xf32>,
        tpu.vector_store %arg18[%parallel_loop3A_647], %parallel_loop3A_644 {strides = array<i32>} : memref<8320xf32, #tpu.memory_space<vmem>>, vector<16xf32>,
        %parallel_loop3A_649 = arith.index_cast %and3A_443 : i32 to index
        %parallel_loop3A_650 = arith.index_cast %parallel_loop3A_625 : i32 to index
        %parallel_loop3A_651 = arith.constant 16 : index
        %parallel_loop3A_652 = tpu.vector_load %arg16[%parallel_loop3A_649, %parallel_loop3A_650, %parallel_loop3A_651] {strides = array<i32>} : memref<2x128x64xf32, #tpu.memory_space<vmem>>, vector<16xf32>,
        %parallel_loop3A_653 = vector.broadcast %parallel_loop3A_627 : f32 to vector<16xf32>
        %parallel_loop3A_654 = arith.mulf %parallel_loop3A_652, %parallel_loop3A_653 : vector<16xf32>
        %parallel_loop3A_655 = arith.index_cast %and3A_443 : i32 to index
        %parallel_loop3A_656 = arith.index_cast %parallel_loop3A_625 : i32 to index
        %parallel_loop3A_657 = arith.constant 16 : index
        %parallel_loop3A_658 = tpu.vector_load %arg17[%parallel_loop3A_655, %parallel_loop3A_656, %parallel_loop3A_657] {strides = array<i32>} : memref<2x128x64xf32, #tpu.memory_space<vmem>>, vector<16xf32>,
        %parallel_loop3A_659 = vector.broadcast %parallel_loop3A_629 : f32 to vector<16xf32>
        %parallel_loop3A_660 = arith.mulf %parallel_loop3A_658, %parallel_loop3A_659 : vector<16xf32>
        %parallel_loop3A_661 = arith.addf %parallel_loop3A_654, %parallel_loop3A_660 : vector<16xf32>
        %parallel_loop3A_662 = arith.constant 16 : i32
        %parallel_loop3A_663 = arith.addi %parallel_loop3A_631, %parallel_loop3A_662 : i32
        %parallel_loop3A_664 = arith.index_cast %parallel_loop3A_663 : i32 to index
        %parallel_loop3A_665 = tpu.vector_load %arg18[%parallel_loop3A_664] {strides = array<i32>} : memref<8320xf32, #tpu.memory_space<vmem>>, vector<16xf32>,
        tpu.vector_store %arg18[%parallel_loop3A_664], %parallel_loop3A_661 {strides = array<i32>} : memref<8320xf32, #tpu.memory_space<vmem>>, vector<16xf32>,
        %parallel_loop3A_666 = arith.index_cast %and3A_443 : i32 to index
        %parallel_loop3A_667 = arith.index_cast %parallel_loop3A_625 : i32 to index
        %parallel_loop3A_668 = arith.constant 32 : index
        %parallel_loop3A_669 = tpu.vector_load %arg16[%parallel_loop3A_666, %parallel_loop3A_667, %parallel_loop3A_668] {strides = array<i32>} : memref<2x128x64xf32, #tpu.memory_space<vmem>>, vector<16xf32>,
        %parallel_loop3A_670 = vector.broadcast %parallel_loop3A_627 : f32 to vector<16xf32>
        %parallel_loop3A_671 = arith.mulf %parallel_loop3A_669, %parallel_loop3A_670 : vector<16xf32>
        %parallel_loop3A_672 = arith.index_cast %and3A_443 : i32 to index
        %parallel_loop3A_673 = arith.index_cast %parallel_loop3A_625 : i32 to index
        %parallel_loop3A_674 = arith.constant 32 : index
        %parallel_loop3A_675 = tpu.vector_load %arg17[%parallel_loop3A_672, %parallel_loop3A_673, %parallel_loop3A_674] {strides = array<i32>} : memref<2x128x64xf32, #tpu.memory_space<vmem>>, vector<16xf32>,
        %parallel_loop3A_676 = vector.broadcast %parallel_loop3A_629 : f32 to vector<16xf32>
        %parallel_loop3A_677 = arith.mulf %parallel_loop3A_675, %parallel_loop3A_676 : vector<16xf32>
        %parallel_loop3A_678 = arith.addf %parallel_loop3A_671, %parallel_loop3A_677 : vector<16xf32>
        %parallel_loop3A_679 = arith.constant 32 : i32
        %parallel_loop3A_680 = arith.addi %parallel_loop3A_631, %parallel_loop3A_679 : i32
        %parallel_loop3A_681 = arith.index_cast %parallel_loop3A_680 : i32 to index
        %parallel_loop3A_682 = tpu.vector_load %arg18[%parallel_loop3A_681] {strides = array<i32>} : memref<8320xf32, #tpu.memory_space<vmem>>, vector<16xf32>,
        tpu.vector_store %arg18[%parallel_loop3A_681], %parallel_loop3A_678 {strides = array<i32>} : memref<8320xf32, #tpu.memory_space<vmem>>, vector<16xf32>,
        %parallel_loop3A_683 = arith.index_cast %and3A_443 : i32 to index
        %parallel_loop3A_684 = arith.index_cast %parallel_loop3A_625 : i32 to index
        %parallel_loop3A_685 = arith.constant 48 : index
        %parallel_loop3A_686 = tpu.vector_load %arg16[%parallel_loop3A_683, %parallel_loop3A_684, %parallel_loop3A_685] {strides = array<i32>} : memref<2x128x64xf32, #tpu.memory_space<vmem>>, vector<16xf32>,
        %parallel_loop3A_687 = vector.broadcast %parallel_loop3A_627 : f32 to vector<16xf32>
        %parallel_loop3A_688 = arith.mulf %parallel_loop3A_686, %parallel_loop3A_687 : vector<16xf32>
        %parallel_loop3A_689 = arith.index_cast %and3A_443 : i32 to index
        %parallel_loop3A_690 = arith.index_cast %parallel_loop3A_625 : i32 to index
        %parallel_loop3A_691 = arith.constant 48 : index
        %parallel_loop3A_692 = tpu.vector_load %arg17[%parallel_loop3A_689, %parallel_loop3A_690, %parallel_loop3A_691] {strides = array<i32>} : memref<2x128x64xf32, #tpu.memory_space<vmem>>, vector<16xf32>,
        %parallel_loop3A_693 = vector.broadcast %parallel_loop3A_629 : f32 to vector<16xf32>
        %parallel_loop3A_694 = arith.mulf %parallel_loop3A_692, %parallel_loop3A_693 : vector<16xf32>
        %parallel_loop3A_695 = arith.addf %parallel_loop3A_688, %parallel_loop3A_694 : vector<16xf32>
        %parallel_loop3A_696 = arith.constant 48 : i32
        %parallel_loop3A_697 = arith.addi %parallel_loop3A_631, %parallel_loop3A_696 : i32
        %parallel_loop3A_698 = arith.index_cast %parallel_loop3A_697 : i32 to index
        %parallel_loop3A_699 = tpu.vector_load %arg18[%parallel_loop3A_698] {strides = array<i32>} : memref<8320xf32, #tpu.memory_space<vmem>>, vector<16xf32>,
        tpu.vector_store %arg18[%parallel_loop3A_698], %parallel_loop3A_695 {strides = array<i32>} : memref<8320xf32, #tpu.memory_space<vmem>>, vector<16xf32>,
        %parallel_loop3A_700 = arith.constant 2 : i32
        %parallel_loop3A_701 = arith.addi %parallel_loop3A_541, %parallel_loop3A_700 : i32
        %parallel_loop3A_702 = vector.extract_strided_slice %parallel_loop3A_544 {offsets = [2], sizes = [1], strides = [1]} : vector<16xf32> to vector<1xf32>
        %parallel_loop3A_703 = vector.extract %parallel_loop3A_702[0] : f32 from vector<1xf32>
        %parallel_loop3A_704 = vector.extract_strided_slice %parallel_loop3A_547 {offsets = [2], sizes = [1], strides = [1]} : vector<16xf32> to vector<1xf32>
        %parallel_loop3A_705 = vector.extract %parallel_loop3A_704[0] : f32 from vector<1xf32>
        %parallel_loop3A_706 = arith.constant 65 : i32
        %parallel_loop3A_707 = arith.muli %parallel_loop3A_701, %parallel_loop3A_706 : i32
        %parallel_loop3A_708 = arith.index_cast %and3A_443 : i32 to index
        %parallel_loop3A_709 = arith.index_cast %parallel_loop3A_701 : i32 to index
        %parallel_loop3A_710 = arith.constant 0 : index
        %parallel_loop3A_711 = tpu.vector_load %arg16[%parallel_loop3A_708, %parallel_loop3A_709, %parallel_loop3A_710] {strides = array<i32>} : memref<2x128x64xf32, #tpu.memory_space<vmem>>, vector<16xf32>,
        %parallel_loop3A_712 = vector.broadcast %parallel_loop3A_703 : f32 to vector<16xf32>
        %parallel_loop3A_713 = arith.mulf %parallel_loop3A_711, %parallel_loop3A_712 : vector<16xf32>
        %parallel_loop3A_714 = arith.index_cast %and3A_443 : i32 to index
        %parallel_loop3A_715 = arith.index_cast %parallel_loop3A_701 : i32 to index
        %parallel_loop3A_716 = arith.constant 0 : index
        %parallel_loop3A_717 = tpu.vector_load %arg17[%parallel_loop3A_714, %parallel_loop3A_715, %parallel_loop3A_716] {strides = array<i32>} : memref<2x128x64xf32, #tpu.memory_space<vmem>>, vector<16xf32>,
        %parallel_loop3A_718 = vector.broadcast %parallel_loop3A_705 : f32 to vector<16xf32>
        %parallel_loop3A_719 = arith.mulf %parallel_loop3A_717, %parallel_loop3A_718 : vector<16xf32>
        %parallel_loop3A_720 = arith.addf %parallel_loop3A_713, %parallel_loop3A_719 : vector<16xf32>
        %parallel_loop3A_721 = arith.constant 0 : i32
        %parallel_loop3A_722 = arith.addi %parallel_loop3A_707, %parallel_loop3A_721 : i32
        %parallel_loop3A_723 = arith.index_cast %parallel_loop3A_722 : i32 to index
        %parallel_loop3A_724 = tpu.vector_load %arg18[%parallel_loop3A_723] {strides = array<i32>} : memref<8320xf32, #tpu.memory_space<vmem>>, vector<16xf32>,
        tpu.vector_store %arg18[%parallel_loop3A_723], %parallel_loop3A_720 {strides = array<i32>} : memref<8320xf32, #tpu.memory_space<vmem>>, vector<16xf32>,
        %parallel_loop3A_725 = arith.index_cast %and3A_443 : i32 to index
        %parallel_loop3A_726 = arith.index_cast %parallel_loop3A_701 : i32 to index
        %parallel_loop3A_727 = arith.constant 16 : index
        %parallel_loop3A_728 = tpu.vector_load %arg16[%parallel_loop3A_725, %parallel_loop3A_726, %parallel_loop3A_727] {strides = array<i32>} : memref<2x128x64xf32, #tpu.memory_space<vmem>>, vector<16xf32>,
        %parallel_loop3A_729 = vector.broadcast %parallel_loop3A_703 : f32 to vector<16xf32>
        %parallel_loop3A_730 = arith.mulf %parallel_loop3A_728, %parallel_loop3A_729 : vector<16xf32>
        %parallel_loop3A_731 = arith.index_cast %and3A_443 : i32 to index
        %parallel_loop3A_732 = arith.index_cast %parallel_loop3A_701 : i32 to index
        %parallel_loop3A_733 = arith.constant 16 : index
        %parallel_loop3A_734 = tpu.vector_load %arg17[%parallel_loop3A_731, %parallel_loop3A_732, %parallel_loop3A_733] {strides = array<i32>} : memref<2x128x64xf32, #tpu.memory_space<vmem>>, vector<16xf32>,
        %parallel_loop3A_735 = vector.broadcast %parallel_loop3A_705 : f32 to vector<16xf32>
        %parallel_loop3A_736 = arith.mulf %parallel_loop3A_734, %parallel_loop3A_735 : vector<16xf32>
        %parallel_loop3A_737 = arith.addf %parallel_loop3A_730, %parallel_loop3A_736 : vector<16xf32>
        %parallel_loop3A_738 = arith.constant 16 : i32
        %parallel_loop3A_739 = arith.addi %parallel_loop3A_707, %parallel_loop3A_738 : i32
        %parallel_loop3A_740 = arith.index_cast %parallel_loop3A_739 : i32 to index
        %parallel_loop3A_741 = tpu.vector_load %arg18[%parallel_loop3A_740] {strides = array<i32>} : memref<8320xf32, #tpu.memory_space<vmem>>, vector<16xf32>,
        tpu.vector_store %arg18[%parallel_loop3A_740], %parallel_loop3A_737 {strides = array<i32>} : memref<8320xf32, #tpu.memory_space<vmem>>, vector<16xf32>,
        %parallel_loop3A_742 = arith.index_cast %and3A_443 : i32 to index
        %parallel_loop3A_743 = arith.index_cast %parallel_loop3A_701 : i32 to index
        %parallel_loop3A_744 = arith.constant 32 : index
        %parallel_loop3A_745 = tpu.vector_load %arg16[%parallel_loop3A_742, %parallel_loop3A_743, %parallel_loop3A_744] {strides = array<i32>} : memref<2x128x64xf32, #tpu.memory_space<vmem>>, vector<16xf32>,
        %parallel_loop3A_746 = vector.broadcast %parallel_loop3A_703 : f32 to vector<16xf32>
        %parallel_loop3A_747 = arith.mulf %parallel_loop3A_745, %parallel_loop3A_746 : vector<16xf32>
        %parallel_loop3A_748 = arith.index_cast %and3A_443 : i32 to index
        %parallel_loop3A_749 = arith.index_cast %parallel_loop3A_701 : i32 to index
        %parallel_loop3A_750 = arith.constant 32 : index
        %parallel_loop3A_751 = tpu.vector_load %arg17[%parallel_loop3A_748, %parallel_loop3A_749, %parallel_loop3A_750] {strides = array<i32>} : memref<2x128x64xf32, #tpu.memory_space<vmem>>, vector<16xf32>,
        %parallel_loop3A_752 = vector.broadcast %parallel_loop3A_705 : f32 to vector<16xf32>
        %parallel_loop3A_753 = arith.mulf %parallel_loop3A_751, %parallel_loop3A_752 : vector<16xf32>
        %parallel_loop3A_754 = arith.addf %parallel_loop3A_747, %parallel_loop3A_753 : vector<16xf32>
        %parallel_loop3A_755 = arith.constant 32 : i32
        %parallel_loop3A_756 = arith.addi %parallel_loop3A_707, %parallel_loop3A_755 : i32
        %parallel_loop3A_757 = arith.index_cast %parallel_loop3A_756 : i32 to index
        %parallel_loop3A_758 = tpu.vector_load %arg18[%parallel_loop3A_757] {strides = array<i32>} : memref<8320xf32, #tpu.memory_space<vmem>>, vector<16xf32>,
        tpu.vector_store %arg18[%parallel_loop3A_757], %parallel_loop3A_754 {strides = array<i32>} : memref<8320xf32, #tpu.memory_space<vmem>>, vector<16xf32>,
        %parallel_loop3A_759 = arith.index_cast %and3A_443 : i32 to index
        %parallel_loop3A_760 = arith.index_cast %parallel_loop3A_701 : i32 to index
        %parallel_loop3A_761 = arith.constant 48 : index
        %parallel_loop3A_762 = tpu.vector_load %arg16[%parallel_loop3A_759, %parallel_loop3A_760, %parallel_loop3A_761] {strides = array<i32>} : memref<2x128x64xf32, #tpu.memory_space<vmem>>, vector<16xf32>,
        %parallel_loop3A_763 = vector.broadcast %parallel_loop3A_703 : f32 to vector<16xf32>
        %parallel_loop3A_764 = arith.mulf %parallel_loop3A_762, %parallel_loop3A_763 : vector<16xf32>
        %parallel_loop3A_765 = arith.index_cast %and3A_443 : i32 to index
        %parallel_loop3A_766 = arith.index_cast %parallel_loop3A_701 : i32 to index
        %parallel_loop3A_767 = arith.constant 48 : index
        %parallel_loop3A_768 = tpu.vector_load %arg17[%parallel_loop3A_765, %parallel_loop3A_766, %parallel_loop3A_767] {strides = array<i32>} : memref<2x128x64xf32, #tpu.memory_space<vmem>>, vector<16xf32>,
        %parallel_loop3A_769 = vector.broadcast %parallel_loop3A_705 : f32 to vector<16xf32>
        %parallel_loop3A_770 = arith.mulf %parallel_loop3A_768, %parallel_loop3A_769 : vector<16xf32>
        %parallel_loop3A_771 = arith.addf %parallel_loop3A_764, %parallel_loop3A_770 : vector<16xf32>
        %parallel_loop3A_772 = arith.constant 48 : i32
        %parallel_loop3A_773 = arith.addi %parallel_loop3A_707, %parallel_loop3A_772 : i32
        %parallel_loop3A_774 = arith.index_cast %parallel_loop3A_773 : i32 to index
        %parallel_loop3A_775 = tpu.vector_load %arg18[%parallel_loop3A_774] {strides = array<i32>} : memref<8320xf32, #tpu.memory_space<vmem>>, vector<16xf32>,
        tpu.vector_store %arg18[%parallel_loop3A_774], %parallel_loop3A_771 {strides = array<i32>} : memref<8320xf32, #tpu.memory_space<vmem>>, vector<16xf32>,
        %parallel_loop3A_776 = arith.constant 3 : i32
        %parallel_loop3A_777 = arith.addi %parallel_loop3A_541, %parallel_loop3A_776 : i32
        %parallel_loop3A_778 = vector.extract_strided_slice %parallel_loop3A_544 {offsets = [3], sizes = [1], strides = [1]} : vector<16xf32> to vector<1xf32>
        %parallel_loop3A_779 = vector.extract %parallel_loop3A_778[0] : f32 from vector<1xf32>
        %parallel_loop3A_780 = vector.extract_strided_slice %parallel_loop3A_547 {offsets = [3], sizes = [1], strides = [1]} : vector<16xf32> to vector<1xf32>
        %parallel_loop3A_781 = vector.extract %parallel_loop3A_780[0] : f32 from vector<1xf32>
        %parallel_loop3A_782 = arith.constant 65 : i32
        %parallel_loop3A_783 = arith.muli %parallel_loop3A_777, %parallel_loop3A_782 : i32
        %parallel_loop3A_784 = arith.index_cast %and3A_443 : i32 to index
        %parallel_loop3A_785 = arith.index_cast %parallel_loop3A_777 : i32 to index
        %parallel_loop3A_786 = arith.constant 0 : index
        %parallel_loop3A_787 = tpu.vector_load %arg16[%parallel_loop3A_784, %parallel_loop3A_785, %parallel_loop3A_786] {strides = array<i32>} : memref<2x128x64xf32, #tpu.memory_space<vmem>>, vector<16xf32>,
        %parallel_loop3A_788 = vector.broadcast %parallel_loop3A_779 : f32 to vector<16xf32>
        %parallel_loop3A_789 = arith.mulf %parallel_loop3A_787, %parallel_loop3A_788 : vector<16xf32>
        %parallel_loop3A_790 = arith.index_cast %and3A_443 : i32 to index
        %parallel_loop3A_791 = arith.index_cast %parallel_loop3A_777 : i32 to index
        %parallel_loop3A_792 = arith.constant 0 : index
        %parallel_loop3A_793 = tpu.vector_load %arg17[%parallel_loop3A_790, %parallel_loop3A_791, %parallel_loop3A_792] {strides = array<i32>} : memref<2x128x64xf32, #tpu.memory_space<vmem>>, vector<16xf32>,
        %parallel_loop3A_794 = vector.broadcast %parallel_loop3A_781 : f32 to vector<16xf32>
        %parallel_loop3A_795 = arith.mulf %parallel_loop3A_793, %parallel_loop3A_794 : vector<16xf32>
        %parallel_loop3A_796 = arith.addf %parallel_loop3A_789, %parallel_loop3A_795 : vector<16xf32>
        %parallel_loop3A_797 = arith.constant 0 : i32
        %parallel_loop3A_798 = arith.addi %parallel_loop3A_783, %parallel_loop3A_797 : i32
        %parallel_loop3A_799 = arith.index_cast %parallel_loop3A_798 : i32 to index
        %parallel_loop3A_800 = tpu.vector_load %arg18[%parallel_loop3A_799] {strides = array<i32>} : memref<8320xf32, #tpu.memory_space<vmem>>, vector<16xf32>,
        tpu.vector_store %arg18[%parallel_loop3A_799], %parallel_loop3A_796 {strides = array<i32>} : memref<8320xf32, #tpu.memory_space<vmem>>, vector<16xf32>,
        %parallel_loop3A_801 = arith.index_cast %and3A_443 : i32 to index
        %parallel_loop3A_802 = arith.index_cast %parallel_loop3A_777 : i32 to index
        %parallel_loop3A_803 = arith.constant 16 : index
        %parallel_loop3A_804 = tpu.vector_load %arg16[%parallel_loop3A_801, %parallel_loop3A_802, %parallel_loop3A_803] {strides = array<i32>} : memref<2x128x64xf32, #tpu.memory_space<vmem>>, vector<16xf32>,
        %parallel_loop3A_805 = vector.broadcast %parallel_loop3A_779 : f32 to vector<16xf32>
        %parallel_loop3A_806 = arith.mulf %parallel_loop3A_804, %parallel_loop3A_805 : vector<16xf32>
        %parallel_loop3A_807 = arith.index_cast %and3A_443 : i32 to index
        %parallel_loop3A_808 = arith.index_cast %parallel_loop3A_777 : i32 to index
        %parallel_loop3A_809 = arith.constant 16 : index
        %parallel_loop3A_810 = tpu.vector_load %arg17[%parallel_loop3A_807, %parallel_loop3A_808, %parallel_loop3A_809] {strides = array<i32>} : memref<2x128x64xf32, #tpu.memory_space<vmem>>, vector<16xf32>,
        %parallel_loop3A_811 = vector.broadcast %parallel_loop3A_781 : f32 to vector<16xf32>
        %parallel_loop3A_812 = arith.mulf %parallel_loop3A_810, %parallel_loop3A_811 : vector<16xf32>
        %parallel_loop3A_813 = arith.addf %parallel_loop3A_806, %parallel_loop3A_812 : vector<16xf32>
        %parallel_loop3A_814 = arith.constant 16 : i32
        %parallel_loop3A_815 = arith.addi %parallel_loop3A_783, %parallel_loop3A_814 : i32
        %parallel_loop3A_816 = arith.index_cast %parallel_loop3A_815 : i32 to index
        %parallel_loop3A_817 = tpu.vector_load %arg18[%parallel_loop3A_816] {strides = array<i32>} : memref<8320xf32, #tpu.memory_space<vmem>>, vector<16xf32>,
        tpu.vector_store %arg18[%parallel_loop3A_816], %parallel_loop3A_813 {strides = array<i32>} : memref<8320xf32, #tpu.memory_space<vmem>>, vector<16xf32>,
        %parallel_loop3A_818 = arith.index_cast %and3A_443 : i32 to index
        %parallel_loop3A_819 = arith.index_cast %parallel_loop3A_777 : i32 to index
        %parallel_loop3A_820 = arith.constant 32 : index
        %parallel_loop3A_821 = tpu.vector_load %arg16[%parallel_loop3A_818, %parallel_loop3A_819, %parallel_loop3A_820] {strides = array<i32>} : memref<2x128x64xf32, #tpu.memory_space<vmem>>, vector<16xf32>,
        %parallel_loop3A_822 = vector.broadcast %parallel_loop3A_779 : f32 to vector<16xf32>
        %parallel_loop3A_823 = arith.mulf %parallel_loop3A_821, %parallel_loop3A_822 : vector<16xf32>
        %parallel_loop3A_824 = arith.index_cast %and3A_443 : i32 to index
        %parallel_loop3A_825 = arith.index_cast %parallel_loop3A_777 : i32 to index
        %parallel_loop3A_826 = arith.constant 32 : index
        %parallel_loop3A_827 = tpu.vector_load %arg17[%parallel_loop3A_824, %parallel_loop3A_825, %parallel_loop3A_826] {strides = array<i32>} : memref<2x128x64xf32, #tpu.memory_space<vmem>>, vector<16xf32>,
        %parallel_loop3A_828 = vector.broadcast %parallel_loop3A_781 : f32 to vector<16xf32>
        %parallel_loop3A_829 = arith.mulf %parallel_loop3A_827, %parallel_loop3A_828 : vector<16xf32>
        %parallel_loop3A_830 = arith.addf %parallel_loop3A_823, %parallel_loop3A_829 : vector<16xf32>
        %parallel_loop3A_831 = arith.constant 32 : i32
        %parallel_loop3A_832 = arith.addi %parallel_loop3A_783, %parallel_loop3A_831 : i32
        %parallel_loop3A_833 = arith.index_cast %parallel_loop3A_832 : i32 to index
        %parallel_loop3A_834 = tpu.vector_load %arg18[%parallel_loop3A_833] {strides = array<i32>} : memref<8320xf32, #tpu.memory_space<vmem>>, vector<16xf32>,
        tpu.vector_store %arg18[%parallel_loop3A_833], %parallel_loop3A_830 {strides = array<i32>} : memref<8320xf32, #tpu.memory_space<vmem>>, vector<16xf32>,
        %parallel_loop3A_835 = arith.index_cast %and3A_443 : i32 to index
        %parallel_loop3A_836 = arith.index_cast %parallel_loop3A_777 : i32 to index
        %parallel_loop3A_837 = arith.constant 48 : index
        %parallel_loop3A_838 = tpu.vector_load %arg16[%parallel_loop3A_835, %parallel_loop3A_836, %parallel_loop3A_837] {strides = array<i32>} : memref<2x128x64xf32, #tpu.memory_space<vmem>>, vector<16xf32>,
        %parallel_loop3A_839 = vector.broadcast %parallel_loop3A_779 : f32 to vector<16xf32>
        %parallel_loop3A_840 = arith.mulf %parallel_loop3A_838, %parallel_loop3A_839 : vector<16xf32>
        %parallel_loop3A_841 = arith.index_cast %and3A_443 : i32 to index
        %parallel_loop3A_842 = arith.index_cast %parallel_loop3A_777 : i32 to index
        %parallel_loop3A_843 = arith.constant 48 : index
        %parallel_loop3A_844 = tpu.vector_load %arg17[%parallel_loop3A_841, %parallel_loop3A_842, %parallel_loop3A_843] {strides = array<i32>} : memref<2x128x64xf32, #tpu.memory_space<vmem>>, vector<16xf32>,
        %parallel_loop3A_845 = vector.broadcast %parallel_loop3A_781 : f32 to vector<16xf32>
        %parallel_loop3A_846 = arith.mulf %parallel_loop3A_844, %parallel_loop3A_845 : vector<16xf32>
        %parallel_loop3A_847 = arith.addf %parallel_loop3A_840, %parallel_loop3A_846 : vector<16xf32>
        %parallel_loop3A_848 = arith.constant 48 : i32
        %parallel_loop3A_849 = arith.addi %parallel_loop3A_783, %parallel_loop3A_848 : i32
        %parallel_loop3A_850 = arith.index_cast %parallel_loop3A_849 : i32 to index
        %parallel_loop3A_851 = tpu.vector_load %arg18[%parallel_loop3A_850] {strides = array<i32>} : memref<8320xf32, #tpu.memory_space<vmem>>, vector<16xf32>,
        tpu.vector_store %arg18[%parallel_loop3A_850], %parallel_loop3A_847 {strides = array<i32>} : memref<8320xf32, #tpu.memory_space<vmem>>, vector<16xf32>,
        %parallel_loop3A_852 = arith.constant 4 : i32
        %parallel_loop3A_853 = arith.addi %parallel_loop3A_541, %parallel_loop3A_852 : i32
        %parallel_loop3A_854 = vector.extract_strided_slice %parallel_loop3A_544 {offsets = [4], sizes = [1], strides = [1]} : vector<16xf32> to vector<1xf32>
        %parallel_loop3A_855 = vector.extract %parallel_loop3A_854[0] : f32 from vector<1xf32>
        %parallel_loop3A_856 = vector.extract_strided_slice %parallel_loop3A_547 {offsets = [4], sizes = [1], strides = [1]} : vector<16xf32> to vector<1xf32>
        %parallel_loop3A_857 = vector.extract %parallel_loop3A_856[0] : f32 from vector<1xf32>
        %parallel_loop3A_858 = arith.constant 65 : i32
        %parallel_loop3A_859 = arith.muli %parallel_loop3A_853, %parallel_loop3A_858 : i32
        %parallel_loop3A_860 = arith.index_cast %and3A_443 : i32 to index
        %parallel_loop3A_861 = arith.index_cast %parallel_loop3A_853 : i32 to index
        %parallel_loop3A_862 = arith.constant 0 : index
        %parallel_loop3A_863 = tpu.vector_load %arg16[%parallel_loop3A_860, %parallel_loop3A_861, %parallel_loop3A_862] {strides = array<i32>} : memref<2x128x64xf32, #tpu.memory_space<vmem>>, vector<16xf32>,
        %parallel_loop3A_864 = vector.broadcast %parallel_loop3A_855 : f32 to vector<16xf32>
        %parallel_loop3A_865 = arith.mulf %parallel_loop3A_863, %parallel_loop3A_864 : vector<16xf32>
        %parallel_loop3A_866 = arith.index_cast %and3A_443 : i32 to index
        %parallel_loop3A_867 = arith.index_cast %parallel_loop3A_853 : i32 to index
        %parallel_loop3A_868 = arith.constant 0 : index
        %parallel_loop3A_869 = tpu.vector_load %arg17[%parallel_loop3A_866, %parallel_loop3A_867, %parallel_loop3A_868] {strides = array<i32>} : memref<2x128x64xf32, #tpu.memory_space<vmem>>, vector<16xf32>,
        %parallel_loop3A_870 = vector.broadcast %parallel_loop3A_857 : f32 to vector<16xf32>
        %parallel_loop3A_871 = arith.mulf %parallel_loop3A_869, %parallel_loop3A_870 : vector<16xf32>
        %parallel_loop3A_872 = arith.addf %parallel_loop3A_865, %parallel_loop3A_871 : vector<16xf32>
        %parallel_loop3A_873 = arith.constant 0 : i32
        %parallel_loop3A_874 = arith.addi %parallel_loop3A_859, %parallel_loop3A_873 : i32
        %parallel_loop3A_875 = arith.index_cast %parallel_loop3A_874 : i32 to index
        %parallel_loop3A_876 = tpu.vector_load %arg18[%parallel_loop3A_875] {strides = array<i32>} : memref<8320xf32, #tpu.memory_space<vmem>>, vector<16xf32>,
        tpu.vector_store %arg18[%parallel_loop3A_875], %parallel_loop3A_872 {strides = array<i32>} : memref<8320xf32, #tpu.memory_space<vmem>>, vector<16xf32>,
        %parallel_loop3A_877 = arith.index_cast %and3A_443 : i32 to index
        %parallel_loop3A_878 = arith.index_cast %parallel_loop3A_853 : i32 to index
        %parallel_loop3A_879 = arith.constant 16 : index
        %parallel_loop3A_880 = tpu.vector_load %arg16[%parallel_loop3A_877, %parallel_loop3A_878, %parallel_loop3A_879] {strides = array<i32>} : memref<2x128x64xf32, #tpu.memory_space<vmem>>, vector<16xf32>,
        %parallel_loop3A_881 = vector.broadcast %parallel_loop3A_855 : f32 to vector<16xf32>
        %parallel_loop3A_882 = arith.mulf %parallel_loop3A_880, %parallel_loop3A_881 : vector<16xf32>
        %parallel_loop3A_883 = arith.index_cast %and3A_443 : i32 to index
        %parallel_loop3A_884 = arith.index_cast %parallel_loop3A_853 : i32 to index
        %parallel_loop3A_885 = arith.constant 16 : index
        %parallel_loop3A_886 = tpu.vector_load %arg17[%parallel_loop3A_883, %parallel_loop3A_884, %parallel_loop3A_885] {strides = array<i32>} : memref<2x128x64xf32, #tpu.memory_space<vmem>>, vector<16xf32>,
        %parallel_loop3A_887 = vector.broadcast %parallel_loop3A_857 : f32 to vector<16xf32>
        %parallel_loop3A_888 = arith.mulf %parallel_loop3A_886, %parallel_loop3A_887 : vector<16xf32>
        %parallel_loop3A_889 = arith.addf %parallel_loop3A_882, %parallel_loop3A_888 : vector<16xf32>
        %parallel_loop3A_890 = arith.constant 16 : i32
        %parallel_loop3A_891 = arith.addi %parallel_loop3A_859, %parallel_loop3A_890 : i32
        %parallel_loop3A_892 = arith.index_cast %parallel_loop3A_891 : i32 to index
        %parallel_loop3A_893 = tpu.vector_load %arg18[%parallel_loop3A_892] {strides = array<i32>} : memref<8320xf32, #tpu.memory_space<vmem>>, vector<16xf32>,
        tpu.vector_store %arg18[%parallel_loop3A_892], %parallel_loop3A_889 {strides = array<i32>} : memref<8320xf32, #tpu.memory_space<vmem>>, vector<16xf32>,
        %parallel_loop3A_894 = arith.index_cast %and3A_443 : i32 to index
        %parallel_loop3A_895 = arith.index_cast %parallel_loop3A_853 : i32 to index
        %parallel_loop3A_896 = arith.constant 32 : index
        %parallel_loop3A_897 = tpu.vector_load %arg16[%parallel_loop3A_894, %parallel_loop3A_895, %parallel_loop3A_896] {strides = array<i32>} : memref<2x128x64xf32, #tpu.memory_space<vmem>>, vector<16xf32>,
        %parallel_loop3A_898 = vector.broadcast %parallel_loop3A_855 : f32 to vector<16xf32>
        %parallel_loop3A_899 = arith.mulf %parallel_loop3A_897, %parallel_loop3A_898 : vector<16xf32>
        %parallel_loop3A_900 = arith.index_cast %and3A_443 : i32 to index
        %parallel_loop3A_901 = arith.index_cast %parallel_loop3A_853 : i32 to index
        %parallel_loop3A_902 = arith.constant 32 : index
        %parallel_loop3A_903 = tpu.vector_load %arg17[%parallel_loop3A_900, %parallel_loop3A_901, %parallel_loop3A_902] {strides = array<i32>} : memref<2x128x64xf32, #tpu.memory_space<vmem>>, vector<16xf32>,
        %parallel_loop3A_904 = vector.broadcast %parallel_loop3A_857 : f32 to vector<16xf32>
        %parallel_loop3A_905 = arith.mulf %parallel_loop3A_903, %parallel_loop3A_904 : vector<16xf32>
        %parallel_loop3A_906 = arith.addf %parallel_loop3A_899, %parallel_loop3A_905 : vector<16xf32>
        %parallel_loop3A_907 = arith.constant 32 : i32
        %parallel_loop3A_908 = arith.addi %parallel_loop3A_859, %parallel_loop3A_907 : i32
        %parallel_loop3A_909 = arith.index_cast %parallel_loop3A_908 : i32 to index
        %parallel_loop3A_910 = tpu.vector_load %arg18[%parallel_loop3A_909] {strides = array<i32>} : memref<8320xf32, #tpu.memory_space<vmem>>, vector<16xf32>,
        tpu.vector_store %arg18[%parallel_loop3A_909], %parallel_loop3A_906 {strides = array<i32>} : memref<8320xf32, #tpu.memory_space<vmem>>, vector<16xf32>,
        %parallel_loop3A_911 = arith.index_cast %and3A_443 : i32 to index
        %parallel_loop3A_912 = arith.index_cast %parallel_loop3A_853 : i32 to index
        %parallel_loop3A_913 = arith.constant 48 : index
        %parallel_loop3A_914 = tpu.vector_load %arg16[%parallel_loop3A_911, %parallel_loop3A_912, %parallel_loop3A_913] {strides = array<i32>} : memref<2x128x64xf32, #tpu.memory_space<vmem>>, vector<16xf32>,
        %parallel_loop3A_915 = vector.broadcast %parallel_loop3A_855 : f32 to vector<16xf32>
        %parallel_loop3A_916 = arith.mulf %parallel_loop3A_914, %parallel_loop3A_915 : vector<16xf32>
        %parallel_loop3A_917 = arith.index_cast %and3A_443 : i32 to index
        %parallel_loop3A_918 = arith.index_cast %parallel_loop3A_853 : i32 to index
        %parallel_loop3A_919 = arith.constant 48 : index
        %parallel_loop3A_920 = tpu.vector_load %arg17[%parallel_loop3A_917, %parallel_loop3A_918, %parallel_loop3A_919] {strides = array<i32>} : memref<2x128x64xf32, #tpu.memory_space<vmem>>, vector<16xf32>,
        %parallel_loop3A_921 = vector.broadcast %parallel_loop3A_857 : f32 to vector<16xf32>
        %parallel_loop3A_922 = arith.mulf %parallel_loop3A_920, %parallel_loop3A_921 : vector<16xf32>
        %parallel_loop3A_923 = arith.addf %parallel_loop3A_916, %parallel_loop3A_922 : vector<16xf32>
        %parallel_loop3A_924 = arith.constant 48 : i32
        %parallel_loop3A_925 = arith.addi %parallel_loop3A_859, %parallel_loop3A_924 : i32
        %parallel_loop3A_926 = arith.index_cast %parallel_loop3A_925 : i32 to index
        %parallel_loop3A_927 = tpu.vector_load %arg18[%parallel_loop3A_926] {strides = array<i32>} : memref<8320xf32, #tpu.memory_space<vmem>>, vector<16xf32>,
        tpu.vector_store %arg18[%parallel_loop3A_926], %parallel_loop3A_923 {strides = array<i32>} : memref<8320xf32, #tpu.memory_space<vmem>>, vector<16xf32>,
        %parallel_loop3A_928 = arith.constant 5 : i32
        %parallel_loop3A_929 = arith.addi %parallel_loop3A_541, %parallel_loop3A_928 : i32
        %parallel_loop3A_930 = vector.extract_strided_slice %parallel_loop3A_544 {offsets = [5], sizes = [1], strides = [1]} : vector<16xf32> to vector<1xf32>
        %parallel_loop3A_931 = vector.extract %parallel_loop3A_930[0] : f32 from vector<1xf32>
        %parallel_loop3A_932 = vector.extract_strided_slice %parallel_loop3A_547 {offsets = [5], sizes = [1], strides = [1]} : vector<16xf32> to vector<1xf32>
        %parallel_loop3A_933 = vector.extract %parallel_loop3A_932[0] : f32 from vector<1xf32>
        %parallel_loop3A_934 = arith.constant 65 : i32
        %parallel_loop3A_935 = arith.muli %parallel_loop3A_929, %parallel_loop3A_934 : i32
        %parallel_loop3A_936 = arith.index_cast %and3A_443 : i32 to index
        %parallel_loop3A_937 = arith.index_cast %parallel_loop3A_929 : i32 to index
        %parallel_loop3A_938 = arith.constant 0 : index
        %parallel_loop3A_939 = tpu.vector_load %arg16[%parallel_loop3A_936, %parallel_loop3A_937, %parallel_loop3A_938] {strides = array<i32>} : memref<2x128x64xf32, #tpu.memory_space<vmem>>, vector<16xf32>,
        %parallel_loop3A_940 = vector.broadcast %parallel_loop3A_931 : f32 to vector<16xf32>
        %parallel_loop3A_941 = arith.mulf %parallel_loop3A_939, %parallel_loop3A_940 : vector<16xf32>
        %parallel_loop3A_942 = arith.index_cast %and3A_443 : i32 to index
        %parallel_loop3A_943 = arith.index_cast %parallel_loop3A_929 : i32 to index
        %parallel_loop3A_944 = arith.constant 0 : index
        %parallel_loop3A_945 = tpu.vector_load %arg17[%parallel_loop3A_942, %parallel_loop3A_943, %parallel_loop3A_944] {strides = array<i32>} : memref<2x128x64xf32, #tpu.memory_space<vmem>>, vector<16xf32>,
        %parallel_loop3A_946 = vector.broadcast %parallel_loop3A_933 : f32 to vector<16xf32>
        %parallel_loop3A_947 = arith.mulf %parallel_loop3A_945, %parallel_loop3A_946 : vector<16xf32>
        %parallel_loop3A_948 = arith.addf %parallel_loop3A_941, %parallel_loop3A_947 : vector<16xf32>
        %parallel_loop3A_949 = arith.constant 0 : i32
        %parallel_loop3A_950 = arith.addi %parallel_loop3A_935, %parallel_loop3A_949 : i32
        %parallel_loop3A_951 = arith.index_cast %parallel_loop3A_950 : i32 to index
        %parallel_loop3A_952 = tpu.vector_load %arg18[%parallel_loop3A_951] {strides = array<i32>} : memref<8320xf32, #tpu.memory_space<vmem>>, vector<16xf32>,
        tpu.vector_store %arg18[%parallel_loop3A_951], %parallel_loop3A_948 {strides = array<i32>} : memref<8320xf32, #tpu.memory_space<vmem>>, vector<16xf32>,
        %parallel_loop3A_953 = arith.index_cast %and3A_443 : i32 to index
        %parallel_loop3A_954 = arith.index_cast %parallel_loop3A_929 : i32 to index
        %parallel_loop3A_955 = arith.constant 16 : index
        %parallel_loop3A_956 = tpu.vector_load %arg16[%parallel_loop3A_953, %parallel_loop3A_954, %parallel_loop3A_955] {strides = array<i32>} : memref<2x128x64xf32, #tpu.memory_space<vmem>>, vector<16xf32>,
        %parallel_loop3A_957 = vector.broadcast %parallel_loop3A_931 : f32 to vector<16xf32>
        %parallel_loop3A_958 = arith.mulf %parallel_loop3A_956, %parallel_loop3A_957 : vector<16xf32>
        %parallel_loop3A_959 = arith.index_cast %and3A_443 : i32 to index
        %parallel_loop3A_960 = arith.index_cast %parallel_loop3A_929 : i32 to index
        %parallel_loop3A_961 = arith.constant 16 : index
        %parallel_loop3A_962 = tpu.vector_load %arg17[%parallel_loop3A_959, %parallel_loop3A_960, %parallel_loop3A_961] {strides = array<i32>} : memref<2x128x64xf32, #tpu.memory_space<vmem>>, vector<16xf32>,
        %parallel_loop3A_963 = vector.broadcast %parallel_loop3A_933 : f32 to vector<16xf32>
        %parallel_loop3A_964 = arith.mulf %parallel_loop3A_962, %parallel_loop3A_963 : vector<16xf32>
        %parallel_loop3A_965 = arith.addf %parallel_loop3A_958, %parallel_loop3A_964 : vector<16xf32>
        %parallel_loop3A_966 = arith.constant 16 : i32
        %parallel_loop3A_967 = arith.addi %parallel_loop3A_935, %parallel_loop3A_966 : i32
        %parallel_loop3A_968 = arith.index_cast %parallel_loop3A_967 : i32 to index
        %parallel_loop3A_969 = tpu.vector_load %arg18[%parallel_loop3A_968] {strides = array<i32>} : memref<8320xf32, #tpu.memory_space<vmem>>, vector<16xf32>,
        tpu.vector_store %arg18[%parallel_loop3A_968], %parallel_loop3A_965 {strides = array<i32>} : memref<8320xf32, #tpu.memory_space<vmem>>, vector<16xf32>,
        %parallel_loop3A_970 = arith.index_cast %and3A_443 : i32 to index
        %parallel_loop3A_971 = arith.index_cast %parallel_loop3A_929 : i32 to index
        %parallel_loop3A_972 = arith.constant 32 : index
        %parallel_loop3A_973 = tpu.vector_load %arg16[%parallel_loop3A_970, %parallel_loop3A_971, %parallel_loop3A_972] {strides = array<i32>} : memref<2x128x64xf32, #tpu.memory_space<vmem>>, vector<16xf32>,
        %parallel_loop3A_974 = vector.broadcast %parallel_loop3A_931 : f32 to vector<16xf32>
        %parallel_loop3A_975 = arith.mulf %parallel_loop3A_973, %parallel_loop3A_974 : vector<16xf32>
        %parallel_loop3A_976 = arith.index_cast %and3A_443 : i32 to index
        %parallel_loop3A_977 = arith.index_cast %parallel_loop3A_929 : i32 to index
        %parallel_loop3A_978 = arith.constant 32 : index
        %parallel_loop3A_979 = tpu.vector_load %arg17[%parallel_loop3A_976, %parallel_loop3A_977, %parallel_loop3A_978] {strides = array<i32>} : memref<2x128x64xf32, #tpu.memory_space<vmem>>, vector<16xf32>,
        %parallel_loop3A_980 = vector.broadcast %parallel_loop3A_933 : f32 to vector<16xf32>
        %parallel_loop3A_981 = arith.mulf %parallel_loop3A_979, %parallel_loop3A_980 : vector<16xf32>
        %parallel_loop3A_982 = arith.addf %parallel_loop3A_975, %parallel_loop3A_981 : vector<16xf32>
        %parallel_loop3A_983 = arith.constant 32 : i32
        %parallel_loop3A_984 = arith.addi %parallel_loop3A_935, %parallel_loop3A_983 : i32
        %parallel_loop3A_985 = arith.index_cast %parallel_loop3A_984 : i32 to index
        %parallel_loop3A_986 = tpu.vector_load %arg18[%parallel_loop3A_985] {strides = array<i32>} : memref<8320xf32, #tpu.memory_space<vmem>>, vector<16xf32>,
        tpu.vector_store %arg18[%parallel_loop3A_985], %parallel_loop3A_982 {strides = array<i32>} : memref<8320xf32, #tpu.memory_space<vmem>>, vector<16xf32>,
        %parallel_loop3A_987 = arith.index_cast %and3A_443 : i32 to index
        %parallel_loop3A_988 = arith.index_cast %parallel_loop3A_929 : i32 to index
        %parallel_loop3A_989 = arith.constant 48 : index
        %parallel_loop3A_990 = tpu.vector_load %arg16[%parallel_loop3A_987, %parallel_loop3A_988, %parallel_loop3A_989] {strides = array<i32>} : memref<2x128x64xf32, #tpu.memory_space<vmem>>, vector<16xf32>,
        %parallel_loop3A_991 = vector.broadcast %parallel_loop3A_931 : f32 to vector<16xf32>
        %parallel_loop3A_992 = arith.mulf %parallel_loop3A_990, %parallel_loop3A_991 : vector<16xf32>
        %parallel_loop3A_993 = arith.index_cast %and3A_443 : i32 to index
        %parallel_loop3A_994 = arith.index_cast %parallel_loop3A_929 : i32 to index
        %parallel_loop3A_995 = arith.constant 48 : index
        %parallel_loop3A_996 = tpu.vector_load %arg17[%parallel_loop3A_993, %parallel_loop3A_994, %parallel_loop3A_995] {strides = array<i32>} : memref<2x128x64xf32, #tpu.memory_space<vmem>>, vector<16xf32>,
        %parallel_loop3A_997 = vector.broadcast %parallel_loop3A_933 : f32 to vector<16xf32>
        %parallel_loop3A_998 = arith.mulf %parallel_loop3A_996, %parallel_loop3A_997 : vector<16xf32>
        %parallel_loop3A_999 = arith.addf %parallel_loop3A_992, %parallel_loop3A_998 : vector<16xf32>
        %parallel_loop3A_1000 = arith.constant 48 : i32
        %parallel_loop3A_1001 = arith.addi %parallel_loop3A_935, %parallel_loop3A_1000 : i32
        %parallel_loop3A_1002 = arith.index_cast %parallel_loop3A_1001 : i32 to index
        %parallel_loop3A_1003 = tpu.vector_load %arg18[%parallel_loop3A_1002] {strides = array<i32>} : memref<8320xf32, #tpu.memory_space<vmem>>, vector<16xf32>,
        tpu.vector_store %arg18[%parallel_loop3A_1002], %parallel_loop3A_999 {strides = array<i32>} : memref<8320xf32, #tpu.memory_space<vmem>>, vector<16xf32>,
        %parallel_loop3A_1004 = arith.constant 6 : i32
        %parallel_loop3A_1005 = arith.addi %parallel_loop3A_541, %parallel_loop3A_1004 : i32
        %parallel_loop3A_1006 = vector.extract_strided_slice %parallel_loop3A_544 {offsets = [6], sizes = [1], strides = [1]} : vector<16xf32> to vector<1xf32>
        %parallel_loop3A_1007 = vector.extract %parallel_loop3A_1006[0] : f32 from vector<1xf32>
        %parallel_loop3A_1008 = vector.extract_strided_slice %parallel_loop3A_547 {offsets = [6], sizes = [1], strides = [1]} : vector<16xf32> to vector<1xf32>
        %parallel_loop3A_1009 = vector.extract %parallel_loop3A_1008[0] : f32 from vector<1xf32>
        %parallel_loop3A_1010 = arith.constant 65 : i32
        %parallel_loop3A_1011 = arith.muli %parallel_loop3A_1005, %parallel_loop3A_1010 : i32
        %parallel_loop3A_1012 = arith.index_cast %and3A_443 : i32 to index
        %parallel_loop3A_1013 = arith.index_cast %parallel_loop3A_1005 : i32 to index
        %parallel_loop3A_1014 = arith.constant 0 : index
        %parallel_loop3A_1015 = tpu.vector_load %arg16[%parallel_loop3A_1012, %parallel_loop3A_1013, %parallel_loop3A_1014] {strides = array<i32>} : memref<2x128x64xf32, #tpu.memory_space<vmem>>, vector<16xf32>,
        %parallel_loop3A_1016 = vector.broadcast %parallel_loop3A_1007 : f32 to vector<16xf32>
        %parallel_loop3A_1017 = arith.mulf %parallel_loop3A_1015, %parallel_loop3A_1016 : vector<16xf32>
        %parallel_loop3A_1018 = arith.index_cast %and3A_443 : i32 to index
        %parallel_loop3A_1019 = arith.index_cast %parallel_loop3A_1005 : i32 to index
        %parallel_loop3A_1020 = arith.constant 0 : index
        %parallel_loop3A_1021 = tpu.vector_load %arg17[%parallel_loop3A_1018, %parallel_loop3A_1019, %parallel_loop3A_1020] {strides = array<i32>} : memref<2x128x64xf32, #tpu.memory_space<vmem>>, vector<16xf32>,
        %parallel_loop3A_1022 = vector.broadcast %parallel_loop3A_1009 : f32 to vector<16xf32>
        %parallel_loop3A_1023 = arith.mulf %parallel_loop3A_1021, %parallel_loop3A_1022 : vector<16xf32>
        %parallel_loop3A_1024 = arith.addf %parallel_loop3A_1017, %parallel_loop3A_1023 : vector<16xf32>
        %parallel_loop3A_1025 = arith.constant 0 : i32
        %parallel_loop3A_1026 = arith.addi %parallel_loop3A_1011, %parallel_loop3A_1025 : i32
        %parallel_loop3A_1027 = arith.index_cast %parallel_loop3A_1026 : i32 to index
        %parallel_loop3A_1028 = tpu.vector_load %arg18[%parallel_loop3A_1027] {strides = array<i32>} : memref<8320xf32, #tpu.memory_space<vmem>>, vector<16xf32>,
        tpu.vector_store %arg18[%parallel_loop3A_1027], %parallel_loop3A_1024 {strides = array<i32>} : memref<8320xf32, #tpu.memory_space<vmem>>, vector<16xf32>,
        %parallel_loop3A_1029 = arith.index_cast %and3A_443 : i32 to index
        %parallel_loop3A_1030 = arith.index_cast %parallel_loop3A_1005 : i32 to index
        %parallel_loop3A_1031 = arith.constant 16 : index
        %parallel_loop3A_1032 = tpu.vector_load %arg16[%parallel_loop3A_1029, %parallel_loop3A_1030, %parallel_loop3A_1031] {strides = array<i32>} : memref<2x128x64xf32, #tpu.memory_space<vmem>>, vector<16xf32>,
        %parallel_loop3A_1033 = vector.broadcast %parallel_loop3A_1007 : f32 to vector<16xf32>
        %parallel_loop3A_1034 = arith.mulf %parallel_loop3A_1032, %parallel_loop3A_1033 : vector<16xf32>
        %parallel_loop3A_1035 = arith.index_cast %and3A_443 : i32 to index
        %parallel_loop3A_1036 = arith.index_cast %parallel_loop3A_1005 : i32 to index
        %parallel_loop3A_1037 = arith.constant 16 : index
        %parallel_loop3A_1038 = tpu.vector_load %arg17[%parallel_loop3A_1035, %parallel_loop3A_1036, %parallel_loop3A_1037] {strides = array<i32>} : memref<2x128x64xf32, #tpu.memory_space<vmem>>, vector<16xf32>,
        %parallel_loop3A_1039 = vector.broadcast %parallel_loop3A_1009 : f32 to vector<16xf32>
        %parallel_loop3A_1040 = arith.mulf %parallel_loop3A_1038, %parallel_loop3A_1039 : vector<16xf32>
        %parallel_loop3A_1041 = arith.addf %parallel_loop3A_1034, %parallel_loop3A_1040 : vector<16xf32>
        %parallel_loop3A_1042 = arith.constant 16 : i32
        %parallel_loop3A_1043 = arith.addi %parallel_loop3A_1011, %parallel_loop3A_1042 : i32
        %parallel_loop3A_1044 = arith.index_cast %parallel_loop3A_1043 : i32 to index
        %parallel_loop3A_1045 = tpu.vector_load %arg18[%parallel_loop3A_1044] {strides = array<i32>} : memref<8320xf32, #tpu.memory_space<vmem>>, vector<16xf32>,
        tpu.vector_store %arg18[%parallel_loop3A_1044], %parallel_loop3A_1041 {strides = array<i32>} : memref<8320xf32, #tpu.memory_space<vmem>>, vector<16xf32>,
        %parallel_loop3A_1046 = arith.index_cast %and3A_443 : i32 to index
        %parallel_loop3A_1047 = arith.index_cast %parallel_loop3A_1005 : i32 to index
        %parallel_loop3A_1048 = arith.constant 32 : index
        %parallel_loop3A_1049 = tpu.vector_load %arg16[%parallel_loop3A_1046, %parallel_loop3A_1047, %parallel_loop3A_1048] {strides = array<i32>} : memref<2x128x64xf32, #tpu.memory_space<vmem>>, vector<16xf32>,
        %parallel_loop3A_1050 = vector.broadcast %parallel_loop3A_1007 : f32 to vector<16xf32>
        %parallel_loop3A_1051 = arith.mulf %parallel_loop3A_1049, %parallel_loop3A_1050 : vector<16xf32>
        %parallel_loop3A_1052 = arith.index_cast %and3A_443 : i32 to index
        %parallel_loop3A_1053 = arith.index_cast %parallel_loop3A_1005 : i32 to index
        %parallel_loop3A_1054 = arith.constant 32 : index
        %parallel_loop3A_1055 = tpu.vector_load %arg17[%parallel_loop3A_1052, %parallel_loop3A_1053, %parallel_loop3A_1054] {strides = array<i32>} : memref<2x128x64xf32, #tpu.memory_space<vmem>>, vector<16xf32>,
        %parallel_loop3A_1056 = vector.broadcast %parallel_loop3A_1009 : f32 to vector<16xf32>
        %parallel_loop3A_1057 = arith.mulf %parallel_loop3A_1055, %parallel_loop3A_1056 : vector<16xf32>
        %parallel_loop3A_1058 = arith.addf %parallel_loop3A_1051, %parallel_loop3A_1057 : vector<16xf32>
        %parallel_loop3A_1059 = arith.constant 32 : i32
        %parallel_loop3A_1060 = arith.addi %parallel_loop3A_1011, %parallel_loop3A_1059 : i32
        %parallel_loop3A_1061 = arith.index_cast %parallel_loop3A_1060 : i32 to index
        %parallel_loop3A_1062 = tpu.vector_load %arg18[%parallel_loop3A_1061] {strides = array<i32>} : memref<8320xf32, #tpu.memory_space<vmem>>, vector<16xf32>,
        tpu.vector_store %arg18[%parallel_loop3A_1061], %parallel_loop3A_1058 {strides = array<i32>} : memref<8320xf32, #tpu.memory_space<vmem>>, vector<16xf32>,
        %parallel_loop3A_1063 = arith.index_cast %and3A_443 : i32 to index
        %parallel_loop3A_1064 = arith.index_cast %parallel_loop3A_1005 : i32 to index
        %parallel_loop3A_1065 = arith.constant 48 : index
        %parallel_loop3A_1066 = tpu.vector_load %arg16[%parallel_loop3A_1063, %parallel_loop3A_1064, %parallel_loop3A_1065] {strides = array<i32>} : memref<2x128x64xf32, #tpu.memory_space<vmem>>, vector<16xf32>,
        %parallel_loop3A_1067 = vector.broadcast %parallel_loop3A_1007 : f32 to vector<16xf32>
        %parallel_loop3A_1068 = arith.mulf %parallel_loop3A_1066, %parallel_loop3A_1067 : vector<16xf32>
        %parallel_loop3A_1069 = arith.index_cast %and3A_443 : i32 to index
        %parallel_loop3A_1070 = arith.index_cast %parallel_loop3A_1005 : i32 to index
        %parallel_loop3A_1071 = arith.constant 48 : index
        %parallel_loop3A_1072 = tpu.vector_load %arg17[%parallel_loop3A_1069, %parallel_loop3A_1070, %parallel_loop3A_1071] {strides = array<i32>} : memref<2x128x64xf32, #tpu.memory_space<vmem>>, vector<16xf32>,
        %parallel_loop3A_1073 = vector.broadcast %parallel_loop3A_1009 : f32 to vector<16xf32>
        %parallel_loop3A_1074 = arith.mulf %parallel_loop3A_1072, %parallel_loop3A_1073 : vector<16xf32>
        %parallel_loop3A_1075 = arith.addf %parallel_loop3A_1068, %parallel_loop3A_1074 : vector<16xf32>
        %parallel_loop3A_1076 = arith.constant 48 : i32
        %parallel_loop3A_1077 = arith.addi %parallel_loop3A_1011, %parallel_loop3A_1076 : i32
        %parallel_loop3A_1078 = arith.index_cast %parallel_loop3A_1077 : i32 to index
        %parallel_loop3A_1079 = tpu.vector_load %arg18[%parallel_loop3A_1078] {strides = array<i32>} : memref<8320xf32, #tpu.memory_space<vmem>>, vector<16xf32>,
        tpu.vector_store %arg18[%parallel_loop3A_1078], %parallel_loop3A_1075 {strides = array<i32>} : memref<8320xf32, #tpu.memory_space<vmem>>, vector<16xf32>,
        %parallel_loop3A_1080 = arith.constant 7 : i32
        %parallel_loop3A_1081 = arith.addi %parallel_loop3A_541, %parallel_loop3A_1080 : i32
        %parallel_loop3A_1082 = vector.extract_strided_slice %parallel_loop3A_544 {offsets = [7], sizes = [1], strides = [1]} : vector<16xf32> to vector<1xf32>
        %parallel_loop3A_1083 = vector.extract %parallel_loop3A_1082[0] : f32 from vector<1xf32>
        %parallel_loop3A_1084 = vector.extract_strided_slice %parallel_loop3A_547 {offsets = [7], sizes = [1], strides = [1]} : vector<16xf32> to vector<1xf32>
        %parallel_loop3A_1085 = vector.extract %parallel_loop3A_1084[0] : f32 from vector<1xf32>
        %parallel_loop3A_1086 = arith.constant 65 : i32
        %parallel_loop3A_1087 = arith.muli %parallel_loop3A_1081, %parallel_loop3A_1086 : i32
        %parallel_loop3A_1088 = arith.index_cast %and3A_443 : i32 to index
        %parallel_loop3A_1089 = arith.index_cast %parallel_loop3A_1081 : i32 to index
        %parallel_loop3A_1090 = arith.constant 0 : index
        %parallel_loop3A_1091 = tpu.vector_load %arg16[%parallel_loop3A_1088, %parallel_loop3A_1089, %parallel_loop3A_1090] {strides = array<i32>} : memref<2x128x64xf32, #tpu.memory_space<vmem>>, vector<16xf32>,
        %parallel_loop3A_1092 = vector.broadcast %parallel_loop3A_1083 : f32 to vector<16xf32>
        %parallel_loop3A_1093 = arith.mulf %parallel_loop3A_1091, %parallel_loop3A_1092 : vector<16xf32>
        %parallel_loop3A_1094 = arith.index_cast %and3A_443 : i32 to index
        %parallel_loop3A_1095 = arith.index_cast %parallel_loop3A_1081 : i32 to index
        %parallel_loop3A_1096 = arith.constant 0 : index
        %parallel_loop3A_1097 = tpu.vector_load %arg17[%parallel_loop3A_1094, %parallel_loop3A_1095, %parallel_loop3A_1096] {strides = array<i32>} : memref<2x128x64xf32, #tpu.memory_space<vmem>>, vector<16xf32>,
        %parallel_loop3A_1098 = vector.broadcast %parallel_loop3A_1085 : f32 to vector<16xf32>
        %parallel_loop3A_1099 = arith.mulf %parallel_loop3A_1097, %parallel_loop3A_1098 : vector<16xf32>
        %parallel_loop3A_1100 = arith.addf %parallel_loop3A_1093, %parallel_loop3A_1099 : vector<16xf32>
        %parallel_loop3A_1101 = arith.constant 0 : i32
        %parallel_loop3A_1102 = arith.addi %parallel_loop3A_1087, %parallel_loop3A_1101 : i32
        %parallel_loop3A_1103 = arith.index_cast %parallel_loop3A_1102 : i32 to index
        %parallel_loop3A_1104 = tpu.vector_load %arg18[%parallel_loop3A_1103] {strides = array<i32>} : memref<8320xf32, #tpu.memory_space<vmem>>, vector<16xf32>,
        tpu.vector_store %arg18[%parallel_loop3A_1103], %parallel_loop3A_1100 {strides = array<i32>} : memref<8320xf32, #tpu.memory_space<vmem>>, vector<16xf32>,
        %parallel_loop3A_1105 = arith.index_cast %and3A_443 : i32 to index
        %parallel_loop3A_1106 = arith.index_cast %parallel_loop3A_1081 : i32 to index
        %parallel_loop3A_1107 = arith.constant 16 : index
        %parallel_loop3A_1108 = tpu.vector_load %arg16[%parallel_loop3A_1105, %parallel_loop3A_1106, %parallel_loop3A_1107] {strides = array<i32>} : memref<2x128x64xf32, #tpu.memory_space<vmem>>, vector<16xf32>,
        %parallel_loop3A_1109 = vector.broadcast %parallel_loop3A_1083 : f32 to vector<16xf32>
        %parallel_loop3A_1110 = arith.mulf %parallel_loop3A_1108, %parallel_loop3A_1109 : vector<16xf32>
        %parallel_loop3A_1111 = arith.index_cast %and3A_443 : i32 to index
        %parallel_loop3A_1112 = arith.index_cast %parallel_loop3A_1081 : i32 to index
        %parallel_loop3A_1113 = arith.constant 16 : index
        %parallel_loop3A_1114 = tpu.vector_load %arg17[%parallel_loop3A_1111, %parallel_loop3A_1112, %parallel_loop3A_1113] {strides = array<i32>} : memref<2x128x64xf32, #tpu.memory_space<vmem>>, vector<16xf32>,
        %parallel_loop3A_1115 = vector.broadcast %parallel_loop3A_1085 : f32 to vector<16xf32>
        %parallel_loop3A_1116 = arith.mulf %parallel_loop3A_1114, %parallel_loop3A_1115 : vector<16xf32>
        %parallel_loop3A_1117 = arith.addf %parallel_loop3A_1110, %parallel_loop3A_1116 : vector<16xf32>
        %parallel_loop3A_1118 = arith.constant 16 : i32
        %parallel_loop3A_1119 = arith.addi %parallel_loop3A_1087, %parallel_loop3A_1118 : i32
        %parallel_loop3A_1120 = arith.index_cast %parallel_loop3A_1119 : i32 to index
        %parallel_loop3A_1121 = tpu.vector_load %arg18[%parallel_loop3A_1120] {strides = array<i32>} : memref<8320xf32, #tpu.memory_space<vmem>>, vector<16xf32>,
        tpu.vector_store %arg18[%parallel_loop3A_1120], %parallel_loop3A_1117 {strides = array<i32>} : memref<8320xf32, #tpu.memory_space<vmem>>, vector<16xf32>,
        %parallel_loop3A_1122 = arith.index_cast %and3A_443 : i32 to index
        %parallel_loop3A_1123 = arith.index_cast %parallel_loop3A_1081 : i32 to index
        %parallel_loop3A_1124 = arith.constant 32 : index
        %parallel_loop3A_1125 = tpu.vector_load %arg16[%parallel_loop3A_1122, %parallel_loop3A_1123, %parallel_loop3A_1124] {strides = array<i32>} : memref<2x128x64xf32, #tpu.memory_space<vmem>>, vector<16xf32>,
        %parallel_loop3A_1126 = vector.broadcast %parallel_loop3A_1083 : f32 to vector<16xf32>
        %parallel_loop3A_1127 = arith.mulf %parallel_loop3A_1125, %parallel_loop3A_1126 : vector<16xf32>
        %parallel_loop3A_1128 = arith.index_cast %and3A_443 : i32 to index
        %parallel_loop3A_1129 = arith.index_cast %parallel_loop3A_1081 : i32 to index
        %parallel_loop3A_1130 = arith.constant 32 : index
        %parallel_loop3A_1131 = tpu.vector_load %arg17[%parallel_loop3A_1128, %parallel_loop3A_1129, %parallel_loop3A_1130] {strides = array<i32>} : memref<2x128x64xf32, #tpu.memory_space<vmem>>, vector<16xf32>,
        %parallel_loop3A_1132 = vector.broadcast %parallel_loop3A_1085 : f32 to vector<16xf32>
        %parallel_loop3A_1133 = arith.mulf %parallel_loop3A_1131, %parallel_loop3A_1132 : vector<16xf32>
        %parallel_loop3A_1134 = arith.addf %parallel_loop3A_1127, %parallel_loop3A_1133 : vector<16xf32>
        %parallel_loop3A_1135 = arith.constant 32 : i32
        %parallel_loop3A_1136 = arith.addi %parallel_loop3A_1087, %parallel_loop3A_1135 : i32
        %parallel_loop3A_1137 = arith.index_cast %parallel_loop3A_1136 : i32 to index
        %parallel_loop3A_1138 = tpu.vector_load %arg18[%parallel_loop3A_1137] {strides = array<i32>} : memref<8320xf32, #tpu.memory_space<vmem>>, vector<16xf32>,
        tpu.vector_store %arg18[%parallel_loop3A_1137], %parallel_loop3A_1134 {strides = array<i32>} : memref<8320xf32, #tpu.memory_space<vmem>>, vector<16xf32>,
        %parallel_loop3A_1139 = arith.index_cast %and3A_443 : i32 to index
        %parallel_loop3A_1140 = arith.index_cast %parallel_loop3A_1081 : i32 to index
        %parallel_loop3A_1141 = arith.constant 48 : index
        %parallel_loop3A_1142 = tpu.vector_load %arg16[%parallel_loop3A_1139, %parallel_loop3A_1140, %parallel_loop3A_1141] {strides = array<i32>} : memref<2x128x64xf32, #tpu.memory_space<vmem>>, vector<16xf32>,
        %parallel_loop3A_1143 = vector.broadcast %parallel_loop3A_1083 : f32 to vector<16xf32>
        %parallel_loop3A_1144 = arith.mulf %parallel_loop3A_1142, %parallel_loop3A_1143 : vector<16xf32>
        %parallel_loop3A_1145 = arith.index_cast %and3A_443 : i32 to index
        %parallel_loop3A_1146 = arith.index_cast %parallel_loop3A_1081 : i32 to index
        %parallel_loop3A_1147 = arith.constant 48 : index
        %parallel_loop3A_1148 = tpu.vector_load %arg17[%parallel_loop3A_1145, %parallel_loop3A_1146, %parallel_loop3A_1147] {strides = array<i32>} : memref<2x128x64xf32, #tpu.memory_space<vmem>>, vector<16xf32>,
        %parallel_loop3A_1149 = vector.broadcast %parallel_loop3A_1085 : f32 to vector<16xf32>
        %parallel_loop3A_1150 = arith.mulf %parallel_loop3A_1148, %parallel_loop3A_1149 : vector<16xf32>
        %parallel_loop3A_1151 = arith.addf %parallel_loop3A_1144, %parallel_loop3A_1150 : vector<16xf32>
        %parallel_loop3A_1152 = arith.constant 48 : i32
        %parallel_loop3A_1153 = arith.addi %parallel_loop3A_1087, %parallel_loop3A_1152 : i32
        %parallel_loop3A_1154 = arith.index_cast %parallel_loop3A_1153 : i32 to index
        %parallel_loop3A_1155 = tpu.vector_load %arg18[%parallel_loop3A_1154] {strides = array<i32>} : memref<8320xf32, #tpu.memory_space<vmem>>, vector<16xf32>,
        tpu.vector_store %arg18[%parallel_loop3A_1154], %parallel_loop3A_1151 {strides = array<i32>} : memref<8320xf32, #tpu.memory_space<vmem>>, vector<16xf32>,
        %parallel_loop3A_1156 = arith.constant 8 : i32
        %parallel_loop3A_1157 = arith.addi %parallel_loop3A_541, %parallel_loop3A_1156 : i32
        %parallel_loop3A_1158 = vector.extract_strided_slice %parallel_loop3A_544 {offsets = [8], sizes = [1], strides = [1]} : vector<16xf32> to vector<1xf32>
        %parallel_loop3A_1159 = vector.extract %parallel_loop3A_1158[0] : f32 from vector<1xf32>
        %parallel_loop3A_1160 = vector.extract_strided_slice %parallel_loop3A_547 {offsets = [8], sizes = [1], strides = [1]} : vector<16xf32> to vector<1xf32>
        %parallel_loop3A_1161 = vector.extract %parallel_loop3A_1160[0] : f32 from vector<1xf32>
        %parallel_loop3A_1162 = arith.constant 65 : i32
        %parallel_loop3A_1163 = arith.muli %parallel_loop3A_1157, %parallel_loop3A_1162 : i32
        %parallel_loop3A_1164 = arith.index_cast %and3A_443 : i32 to index
        %parallel_loop3A_1165 = arith.index_cast %parallel_loop3A_1157 : i32 to index
        %parallel_loop3A_1166 = arith.constant 0 : index
        %parallel_loop3A_1167 = tpu.vector_load %arg16[%parallel_loop3A_1164, %parallel_loop3A_1165, %parallel_loop3A_1166] {strides = array<i32>} : memref<2x128x64xf32, #tpu.memory_space<vmem>>, vector<16xf32>,
        %parallel_loop3A_1168 = vector.broadcast %parallel_loop3A_1159 : f32 to vector<16xf32>
        %parallel_loop3A_1169 = arith.mulf %parallel_loop3A_1167, %parallel_loop3A_1168 : vector<16xf32>
        %parallel_loop3A_1170 = arith.index_cast %and3A_443 : i32 to index
        %parallel_loop3A_1171 = arith.index_cast %parallel_loop3A_1157 : i32 to index
        %parallel_loop3A_1172 = arith.constant 0 : index
        %parallel_loop3A_1173 = tpu.vector_load %arg17[%parallel_loop3A_1170, %parallel_loop3A_1171, %parallel_loop3A_1172] {strides = array<i32>} : memref<2x128x64xf32, #tpu.memory_space<vmem>>, vector<16xf32>,
        %parallel_loop3A_1174 = vector.broadcast %parallel_loop3A_1161 : f32 to vector<16xf32>
        %parallel_loop3A_1175 = arith.mulf %parallel_loop3A_1173, %parallel_loop3A_1174 : vector<16xf32>
        %parallel_loop3A_1176 = arith.addf %parallel_loop3A_1169, %parallel_loop3A_1175 : vector<16xf32>
        %parallel_loop3A_1177 = arith.constant 0 : i32
        %parallel_loop3A_1178 = arith.addi %parallel_loop3A_1163, %parallel_loop3A_1177 : i32
        %parallel_loop3A_1179 = arith.index_cast %parallel_loop3A_1178 : i32 to index
        %parallel_loop3A_1180 = tpu.vector_load %arg18[%parallel_loop3A_1179] {strides = array<i32>} : memref<8320xf32, #tpu.memory_space<vmem>>, vector<16xf32>,
        tpu.vector_store %arg18[%parallel_loop3A_1179], %parallel_loop3A_1176 {strides = array<i32>} : memref<8320xf32, #tpu.memory_space<vmem>>, vector<16xf32>,
        %parallel_loop3A_1181 = arith.index_cast %and3A_443 : i32 to index
        %parallel_loop3A_1182 = arith.index_cast %parallel_loop3A_1157 : i32 to index
        %parallel_loop3A_1183 = arith.constant 16 : index
        %parallel_loop3A_1184 = tpu.vector_load %arg16[%parallel_loop3A_1181, %parallel_loop3A_1182, %parallel_loop3A_1183] {strides = array<i32>} : memref<2x128x64xf32, #tpu.memory_space<vmem>>, vector<16xf32>,
        %parallel_loop3A_1185 = vector.broadcast %parallel_loop3A_1159 : f32 to vector<16xf32>
        %parallel_loop3A_1186 = arith.mulf %parallel_loop3A_1184, %parallel_loop3A_1185 : vector<16xf32>
        %parallel_loop3A_1187 = arith.index_cast %and3A_443 : i32 to index
        %parallel_loop3A_1188 = arith.index_cast %parallel_loop3A_1157 : i32 to index
        %parallel_loop3A_1189 = arith.constant 16 : index
        %parallel_loop3A_1190 = tpu.vector_load %arg17[%parallel_loop3A_1187, %parallel_loop3A_1188, %parallel_loop3A_1189] {strides = array<i32>} : memref<2x128x64xf32, #tpu.memory_space<vmem>>, vector<16xf32>,
        %parallel_loop3A_1191 = vector.broadcast %parallel_loop3A_1161 : f32 to vector<16xf32>
        %parallel_loop3A_1192 = arith.mulf %parallel_loop3A_1190, %parallel_loop3A_1191 : vector<16xf32>
        %parallel_loop3A_1193 = arith.addf %parallel_loop3A_1186, %parallel_loop3A_1192 : vector<16xf32>
        %parallel_loop3A_1194 = arith.constant 16 : i32
        %parallel_loop3A_1195 = arith.addi %parallel_loop3A_1163, %parallel_loop3A_1194 : i32
        %parallel_loop3A_1196 = arith.index_cast %parallel_loop3A_1195 : i32 to index
        %parallel_loop3A_1197 = tpu.vector_load %arg18[%parallel_loop3A_1196] {strides = array<i32>} : memref<8320xf32, #tpu.memory_space<vmem>>, vector<16xf32>,
        tpu.vector_store %arg18[%parallel_loop3A_1196], %parallel_loop3A_1193 {strides = array<i32>} : memref<8320xf32, #tpu.memory_space<vmem>>, vector<16xf32>,
        %parallel_loop3A_1198 = arith.index_cast %and3A_443 : i32 to index
        %parallel_loop3A_1199 = arith.index_cast %parallel_loop3A_1157 : i32 to index
        %parallel_loop3A_1200 = arith.constant 32 : index
        %parallel_loop3A_1201 = tpu.vector_load %arg16[%parallel_loop3A_1198, %parallel_loop3A_1199, %parallel_loop3A_1200] {strides = array<i32>} : memref<2x128x64xf32, #tpu.memory_space<vmem>>, vector<16xf32>,
        %parallel_loop3A_1202 = vector.broadcast %parallel_loop3A_1159 : f32 to vector<16xf32>
        %parallel_loop3A_1203 = arith.mulf %parallel_loop3A_1201, %parallel_loop3A_1202 : vector<16xf32>
        %parallel_loop3A_1204 = arith.index_cast %and3A_443 : i32 to index
        %parallel_loop3A_1205 = arith.index_cast %parallel_loop3A_1157 : i32 to index
        %parallel_loop3A_1206 = arith.constant 32 : index
        %parallel_loop3A_1207 = tpu.vector_load %arg17[%parallel_loop3A_1204, %parallel_loop3A_1205, %parallel_loop3A_1206] {strides = array<i32>} : memref<2x128x64xf32, #tpu.memory_space<vmem>>, vector<16xf32>,
        %parallel_loop3A_1208 = vector.broadcast %parallel_loop3A_1161 : f32 to vector<16xf32>
        %parallel_loop3A_1209 = arith.mulf %parallel_loop3A_1207, %parallel_loop3A_1208 : vector<16xf32>
        %parallel_loop3A_1210 = arith.addf %parallel_loop3A_1203, %parallel_loop3A_1209 : vector<16xf32>
        %parallel_loop3A_1211 = arith.constant 32 : i32
        %parallel_loop3A_1212 = arith.addi %parallel_loop3A_1163, %parallel_loop3A_1211 : i32
        %parallel_loop3A_1213 = arith.index_cast %parallel_loop3A_1212 : i32 to index
        %parallel_loop3A_1214 = tpu.vector_load %arg18[%parallel_loop3A_1213] {strides = array<i32>} : memref<8320xf32, #tpu.memory_space<vmem>>, vector<16xf32>,
        tpu.vector_store %arg18[%parallel_loop3A_1213], %parallel_loop3A_1210 {strides = array<i32>} : memref<8320xf32, #tpu.memory_space<vmem>>, vector<16xf32>,
        %parallel_loop3A_1215 = arith.index_cast %and3A_443 : i32 to index
        %parallel_loop3A_1216 = arith.index_cast %parallel_loop3A_1157 : i32 to index
        %parallel_loop3A_1217 = arith.constant 48 : index
        %parallel_loop3A_1218 = tpu.vector_load %arg16[%parallel_loop3A_1215, %parallel_loop3A_1216, %parallel_loop3A_1217] {strides = array<i32>} : memref<2x128x64xf32, #tpu.memory_space<vmem>>, vector<16xf32>,
        %parallel_loop3A_1219 = vector.broadcast %parallel_loop3A_1159 : f32 to vector<16xf32>
        %parallel_loop3A_1220 = arith.mulf %parallel_loop3A_1218, %parallel_loop3A_1219 : vector<16xf32>
        %parallel_loop3A_1221 = arith.index_cast %and3A_443 : i32 to index
        %parallel_loop3A_1222 = arith.index_cast %parallel_loop3A_1157 : i32 to index
        %parallel_loop3A_1223 = arith.constant 48 : index
        %parallel_loop3A_1224 = tpu.vector_load %arg17[%parallel_loop3A_1221, %parallel_loop3A_1222, %parallel_loop3A_1223] {strides = array<i32>} : memref<2x128x64xf32, #tpu.memory_space<vmem>>, vector<16xf32>,
        %parallel_loop3A_1225 = vector.broadcast %parallel_loop3A_1161 : f32 to vector<16xf32>
        %parallel_loop3A_1226 = arith.mulf %parallel_loop3A_1224, %parallel_loop3A_1225 : vector<16xf32>
        %parallel_loop3A_1227 = arith.addf %parallel_loop3A_1220, %parallel_loop3A_1226 : vector<16xf32>
        %parallel_loop3A_1228 = arith.constant 48 : i32
        %parallel_loop3A_1229 = arith.addi %parallel_loop3A_1163, %parallel_loop3A_1228 : i32
        %parallel_loop3A_1230 = arith.index_cast %parallel_loop3A_1229 : i32 to index
        %parallel_loop3A_1231 = tpu.vector_load %arg18[%parallel_loop3A_1230] {strides = array<i32>} : memref<8320xf32, #tpu.memory_space<vmem>>, vector<16xf32>,
        tpu.vector_store %arg18[%parallel_loop3A_1230], %parallel_loop3A_1227 {strides = array<i32>} : memref<8320xf32, #tpu.memory_space<vmem>>, vector<16xf32>,
        %parallel_loop3A_1232 = arith.constant 9 : i32
        %parallel_loop3A_1233 = arith.addi %parallel_loop3A_541, %parallel_loop3A_1232 : i32
        %parallel_loop3A_1234 = vector.extract_strided_slice %parallel_loop3A_544 {offsets = [9], sizes = [1], strides = [1]} : vector<16xf32> to vector<1xf32>
        %parallel_loop3A_1235 = vector.extract %parallel_loop3A_1234[0] : f32 from vector<1xf32>
        %parallel_loop3A_1236 = vector.extract_strided_slice %parallel_loop3A_547 {offsets = [9], sizes = [1], strides = [1]} : vector<16xf32> to vector<1xf32>
        %parallel_loop3A_1237 = vector.extract %parallel_loop3A_1236[0] : f32 from vector<1xf32>
        %parallel_loop3A_1238 = arith.constant 65 : i32
        %parallel_loop3A_1239 = arith.muli %parallel_loop3A_1233, %parallel_loop3A_1238 : i32
        %parallel_loop3A_1240 = arith.index_cast %and3A_443 : i32 to index
        %parallel_loop3A_1241 = arith.index_cast %parallel_loop3A_1233 : i32 to index
        %parallel_loop3A_1242 = arith.constant 0 : index
        %parallel_loop3A_1243 = tpu.vector_load %arg16[%parallel_loop3A_1240, %parallel_loop3A_1241, %parallel_loop3A_1242] {strides = array<i32>} : memref<2x128x64xf32, #tpu.memory_space<vmem>>, vector<16xf32>,
        %parallel_loop3A_1244 = vector.broadcast %parallel_loop3A_1235 : f32 to vector<16xf32>
        %parallel_loop3A_1245 = arith.mulf %parallel_loop3A_1243, %parallel_loop3A_1244 : vector<16xf32>
        %parallel_loop3A_1246 = arith.index_cast %and3A_443 : i32 to index
        %parallel_loop3A_1247 = arith.index_cast %parallel_loop3A_1233 : i32 to index
        %parallel_loop3A_1248 = arith.constant 0 : index
        %parallel_loop3A_1249 = tpu.vector_load %arg17[%parallel_loop3A_1246, %parallel_loop3A_1247, %parallel_loop3A_1248] {strides = array<i32>} : memref<2x128x64xf32, #tpu.memory_space<vmem>>, vector<16xf32>,
        %parallel_loop3A_1250 = vector.broadcast %parallel_loop3A_1237 : f32 to vector<16xf32>
        %parallel_loop3A_1251 = arith.mulf %parallel_loop3A_1249, %parallel_loop3A_1250 : vector<16xf32>
        %parallel_loop3A_1252 = arith.addf %parallel_loop3A_1245, %parallel_loop3A_1251 : vector<16xf32>
        %parallel_loop3A_1253 = arith.constant 0 : i32
        %parallel_loop3A_1254 = arith.addi %parallel_loop3A_1239, %parallel_loop3A_1253 : i32
        %parallel_loop3A_1255 = arith.index_cast %parallel_loop3A_1254 : i32 to index
        %parallel_loop3A_1256 = tpu.vector_load %arg18[%parallel_loop3A_1255] {strides = array<i32>} : memref<8320xf32, #tpu.memory_space<vmem>>, vector<16xf32>,
        tpu.vector_store %arg18[%parallel_loop3A_1255], %parallel_loop3A_1252 {strides = array<i32>} : memref<8320xf32, #tpu.memory_space<vmem>>, vector<16xf32>,
        %parallel_loop3A_1257 = arith.index_cast %and3A_443 : i32 to index
        %parallel_loop3A_1258 = arith.index_cast %parallel_loop3A_1233 : i32 to index
        %parallel_loop3A_1259 = arith.constant 16 : index
        %parallel_loop3A_1260 = tpu.vector_load %arg16[%parallel_loop3A_1257, %parallel_loop3A_1258, %parallel_loop3A_1259] {strides = array<i32>} : memref<2x128x64xf32, #tpu.memory_space<vmem>>, vector<16xf32>,
        %parallel_loop3A_1261 = vector.broadcast %parallel_loop3A_1235 : f32 to vector<16xf32>
        %parallel_loop3A_1262 = arith.mulf %parallel_loop3A_1260, %parallel_loop3A_1261 : vector<16xf32>
        %parallel_loop3A_1263 = arith.index_cast %and3A_443 : i32 to index
        %parallel_loop3A_1264 = arith.index_cast %parallel_loop3A_1233 : i32 to index
        %parallel_loop3A_1265 = arith.constant 16 : index
        %parallel_loop3A_1266 = tpu.vector_load %arg17[%parallel_loop3A_1263, %parallel_loop3A_1264, %parallel_loop3A_1265] {strides = array<i32>} : memref<2x128x64xf32, #tpu.memory_space<vmem>>, vector<16xf32>,
        %parallel_loop3A_1267 = vector.broadcast %parallel_loop3A_1237 : f32 to vector<16xf32>
        %parallel_loop3A_1268 = arith.mulf %parallel_loop3A_1266, %parallel_loop3A_1267 : vector<16xf32>
        %parallel_loop3A_1269 = arith.addf %parallel_loop3A_1262, %parallel_loop3A_1268 : vector<16xf32>
        %parallel_loop3A_1270 = arith.constant 16 : i32
        %parallel_loop3A_1271 = arith.addi %parallel_loop3A_1239, %parallel_loop3A_1270 : i32
        %parallel_loop3A_1272 = arith.index_cast %parallel_loop3A_1271 : i32 to index
        %parallel_loop3A_1273 = tpu.vector_load %arg18[%parallel_loop3A_1272] {strides = array<i32>} : memref<8320xf32, #tpu.memory_space<vmem>>, vector<16xf32>,
        tpu.vector_store %arg18[%parallel_loop3A_1272], %parallel_loop3A_1269 {strides = array<i32>} : memref<8320xf32, #tpu.memory_space<vmem>>, vector<16xf32>,
        %parallel_loop3A_1274 = arith.index_cast %and3A_443 : i32 to index
        %parallel_loop3A_1275 = arith.index_cast %parallel_loop3A_1233 : i32 to index
        %parallel_loop3A_1276 = arith.constant 32 : index
        %parallel_loop3A_1277 = tpu.vector_load %arg16[%parallel_loop3A_1274, %parallel_loop3A_1275, %parallel_loop3A_1276] {strides = array<i32>} : memref<2x128x64xf32, #tpu.memory_space<vmem>>, vector<16xf32>,
        %parallel_loop3A_1278 = vector.broadcast %parallel_loop3A_1235 : f32 to vector<16xf32>
        %parallel_loop3A_1279 = arith.mulf %parallel_loop3A_1277, %parallel_loop3A_1278 : vector<16xf32>
        %parallel_loop3A_1280 = arith.index_cast %and3A_443 : i32 to index
        %parallel_loop3A_1281 = arith.index_cast %parallel_loop3A_1233 : i32 to index
        %parallel_loop3A_1282 = arith.constant 32 : index
        %parallel_loop3A_1283 = tpu.vector_load %arg17[%parallel_loop3A_1280, %parallel_loop3A_1281, %parallel_loop3A_1282] {strides = array<i32>} : memref<2x128x64xf32, #tpu.memory_space<vmem>>, vector<16xf32>,
        %parallel_loop3A_1284 = vector.broadcast %parallel_loop3A_1237 : f32 to vector<16xf32>
        %parallel_loop3A_1285 = arith.mulf %parallel_loop3A_1283, %parallel_loop3A_1284 : vector<16xf32>
        %parallel_loop3A_1286 = arith.addf %parallel_loop3A_1279, %parallel_loop3A_1285 : vector<16xf32>
        %parallel_loop3A_1287 = arith.constant 32 : i32
        %parallel_loop3A_1288 = arith.addi %parallel_loop3A_1239, %parallel_loop3A_1287 : i32
        %parallel_loop3A_1289 = arith.index_cast %parallel_loop3A_1288 : i32 to index
        %parallel_loop3A_1290 = tpu.vector_load %arg18[%parallel_loop3A_1289] {strides = array<i32>} : memref<8320xf32, #tpu.memory_space<vmem>>, vector<16xf32>,
        tpu.vector_store %arg18[%parallel_loop3A_1289], %parallel_loop3A_1286 {strides = array<i32>} : memref<8320xf32, #tpu.memory_space<vmem>>, vector<16xf32>,
        %parallel_loop3A_1291 = arith.index_cast %and3A_443 : i32 to index
        %parallel_loop3A_1292 = arith.index_cast %parallel_loop3A_1233 : i32 to index
        %parallel_loop3A_1293 = arith.constant 48 : index
        %parallel_loop3A_1294 = tpu.vector_load %arg16[%parallel_loop3A_1291, %parallel_loop3A_1292, %parallel_loop3A_1293] {strides = array<i32>} : memref<2x128x64xf32, #tpu.memory_space<vmem>>, vector<16xf32>,
        %parallel_loop3A_1295 = vector.broadcast %parallel_loop3A_1235 : f32 to vector<16xf32>
        %parallel_loop3A_1296 = arith.mulf %parallel_loop3A_1294, %parallel_loop3A_1295 : vector<16xf32>
        %parallel_loop3A_1297 = arith.index_cast %and3A_443 : i32 to index
        %parallel_loop3A_1298 = arith.index_cast %parallel_loop3A_1233 : i32 to index
        %parallel_loop3A_1299 = arith.constant 48 : index
        %parallel_loop3A_1300 = tpu.vector_load %arg17[%parallel_loop3A_1297, %parallel_loop3A_1298, %parallel_loop3A_1299] {strides = array<i32>} : memref<2x128x64xf32, #tpu.memory_space<vmem>>, vector<16xf32>,
        %parallel_loop3A_1301 = vector.broadcast %parallel_loop3A_1237 : f32 to vector<16xf32>
        %parallel_loop3A_1302 = arith.mulf %parallel_loop3A_1300, %parallel_loop3A_1301 : vector<16xf32>
        %parallel_loop3A_1303 = arith.addf %parallel_loop3A_1296, %parallel_loop3A_1302 : vector<16xf32>
        %parallel_loop3A_1304 = arith.constant 48 : i32
        %parallel_loop3A_1305 = arith.addi %parallel_loop3A_1239, %parallel_loop3A_1304 : i32
        %parallel_loop3A_1306 = arith.index_cast %parallel_loop3A_1305 : i32 to index
        %parallel_loop3A_1307 = tpu.vector_load %arg18[%parallel_loop3A_1306] {strides = array<i32>} : memref<8320xf32, #tpu.memory_space<vmem>>, vector<16xf32>,
        tpu.vector_store %arg18[%parallel_loop3A_1306], %parallel_loop3A_1303 {strides = array<i32>} : memref<8320xf32, #tpu.memory_space<vmem>>, vector<16xf32>,
        %parallel_loop3A_1308 = arith.constant 10 : i32
        %parallel_loop3A_1309 = arith.addi %parallel_loop3A_541, %parallel_loop3A_1308 : i32
        %parallel_loop3A_1310 = vector.extract_strided_slice %parallel_loop3A_544 {offsets = [10], sizes = [1], strides = [1]} : vector<16xf32> to vector<1xf32>
        %parallel_loop3A_1311 = vector.extract %parallel_loop3A_1310[0] : f32 from vector<1xf32>
        %parallel_loop3A_1312 = vector.extract_strided_slice %parallel_loop3A_547 {offsets = [10], sizes = [1], strides = [1]} : vector<16xf32> to vector<1xf32>
        %parallel_loop3A_1313 = vector.extract %parallel_loop3A_1312[0] : f32 from vector<1xf32>
        %parallel_loop3A_1314 = arith.constant 65 : i32
        %parallel_loop3A_1315 = arith.muli %parallel_loop3A_1309, %parallel_loop3A_1314 : i32
        %parallel_loop3A_1316 = arith.index_cast %and3A_443 : i32 to index
        %parallel_loop3A_1317 = arith.index_cast %parallel_loop3A_1309 : i32 to index
        %parallel_loop3A_1318 = arith.constant 0 : index
        %parallel_loop3A_1319 = tpu.vector_load %arg16[%parallel_loop3A_1316, %parallel_loop3A_1317, %parallel_loop3A_1318] {strides = array<i32>} : memref<2x128x64xf32, #tpu.memory_space<vmem>>, vector<16xf32>,
        %parallel_loop3A_1320 = vector.broadcast %parallel_loop3A_1311 : f32 to vector<16xf32>
        %parallel_loop3A_1321 = arith.mulf %parallel_loop3A_1319, %parallel_loop3A_1320 : vector<16xf32>
        %parallel_loop3A_1322 = arith.index_cast %and3A_443 : i32 to index
        %parallel_loop3A_1323 = arith.index_cast %parallel_loop3A_1309 : i32 to index
        %parallel_loop3A_1324 = arith.constant 0 : index
        %parallel_loop3A_1325 = tpu.vector_load %arg17[%parallel_loop3A_1322, %parallel_loop3A_1323, %parallel_loop3A_1324] {strides = array<i32>} : memref<2x128x64xf32, #tpu.memory_space<vmem>>, vector<16xf32>,
        %parallel_loop3A_1326 = vector.broadcast %parallel_loop3A_1313 : f32 to vector<16xf32>
        %parallel_loop3A_1327 = arith.mulf %parallel_loop3A_1325, %parallel_loop3A_1326 : vector<16xf32>
        %parallel_loop3A_1328 = arith.addf %parallel_loop3A_1321, %parallel_loop3A_1327 : vector<16xf32>
        %parallel_loop3A_1329 = arith.constant 0 : i32
        %parallel_loop3A_1330 = arith.addi %parallel_loop3A_1315, %parallel_loop3A_1329 : i32
        %parallel_loop3A_1331 = arith.index_cast %parallel_loop3A_1330 : i32 to index
        %parallel_loop3A_1332 = tpu.vector_load %arg18[%parallel_loop3A_1331] {strides = array<i32>} : memref<8320xf32, #tpu.memory_space<vmem>>, vector<16xf32>,
        tpu.vector_store %arg18[%parallel_loop3A_1331], %parallel_loop3A_1328 {strides = array<i32>} : memref<8320xf32, #tpu.memory_space<vmem>>, vector<16xf32>,
        %parallel_loop3A_1333 = arith.index_cast %and3A_443 : i32 to index
        %parallel_loop3A_1334 = arith.index_cast %parallel_loop3A_1309 : i32 to index
        %parallel_loop3A_1335 = arith.constant 16 : index
        %parallel_loop3A_1336 = tpu.vector_load %arg16[%parallel_loop3A_1333, %parallel_loop3A_1334, %parallel_loop3A_1335] {strides = array<i32>} : memref<2x128x64xf32, #tpu.memory_space<vmem>>, vector<16xf32>,
        %parallel_loop3A_1337 = vector.broadcast %parallel_loop3A_1311 : f32 to vector<16xf32>
        %parallel_loop3A_1338 = arith.mulf %parallel_loop3A_1336, %parallel_loop3A_1337 : vector<16xf32>
        %parallel_loop3A_1339 = arith.index_cast %and3A_443 : i32 to index
        %parallel_loop3A_1340 = arith.index_cast %parallel_loop3A_1309 : i32 to index
        %parallel_loop3A_1341 = arith.constant 16 : index
        %parallel_loop3A_1342 = tpu.vector_load %arg17[%parallel_loop3A_1339, %parallel_loop3A_1340, %parallel_loop3A_1341] {strides = array<i32>} : memref<2x128x64xf32, #tpu.memory_space<vmem>>, vector<16xf32>,
        %parallel_loop3A_1343 = vector.broadcast %parallel_loop3A_1313 : f32 to vector<16xf32>
        %parallel_loop3A_1344 = arith.mulf %parallel_loop3A_1342, %parallel_loop3A_1343 : vector<16xf32>
        %parallel_loop3A_1345 = arith.addf %parallel_loop3A_1338, %parallel_loop3A_1344 : vector<16xf32>
        %parallel_loop3A_1346 = arith.constant 16 : i32
        %parallel_loop3A_1347 = arith.addi %parallel_loop3A_1315, %parallel_loop3A_1346 : i32
        %parallel_loop3A_1348 = arith.index_cast %parallel_loop3A_1347 : i32 to index
        %parallel_loop3A_1349 = tpu.vector_load %arg18[%parallel_loop3A_1348] {strides = array<i32>} : memref<8320xf32, #tpu.memory_space<vmem>>, vector<16xf32>,
        tpu.vector_store %arg18[%parallel_loop3A_1348], %parallel_loop3A_1345 {strides = array<i32>} : memref<8320xf32, #tpu.memory_space<vmem>>, vector<16xf32>,
        %parallel_loop3A_1350 = arith.index_cast %and3A_443 : i32 to index
        %parallel_loop3A_1351 = arith.index_cast %parallel_loop3A_1309 : i32 to index
        %parallel_loop3A_1352 = arith.constant 32 : index
        %parallel_loop3A_1353 = tpu.vector_load %arg16[%parallel_loop3A_1350, %parallel_loop3A_1351, %parallel_loop3A_1352] {strides = array<i32>} : memref<2x128x64xf32, #tpu.memory_space<vmem>>, vector<16xf32>,
        %parallel_loop3A_1354 = vector.broadcast %parallel_loop3A_1311 : f32 to vector<16xf32>
        %parallel_loop3A_1355 = arith.mulf %parallel_loop3A_1353, %parallel_loop3A_1354 : vector<16xf32>
        %parallel_loop3A_1356 = arith.index_cast %and3A_443 : i32 to index
        %parallel_loop3A_1357 = arith.index_cast %parallel_loop3A_1309 : i32 to index
        %parallel_loop3A_1358 = arith.constant 32 : index
        %parallel_loop3A_1359 = tpu.vector_load %arg17[%parallel_loop3A_1356, %parallel_loop3A_1357, %parallel_loop3A_1358] {strides = array<i32>} : memref<2x128x64xf32, #tpu.memory_space<vmem>>, vector<16xf32>,
        %parallel_loop3A_1360 = vector.broadcast %parallel_loop3A_1313 : f32 to vector<16xf32>
        %parallel_loop3A_1361 = arith.mulf %parallel_loop3A_1359, %parallel_loop3A_1360 : vector<16xf32>
        %parallel_loop3A_1362 = arith.addf %parallel_loop3A_1355, %parallel_loop3A_1361 : vector<16xf32>
        %parallel_loop3A_1363 = arith.constant 32 : i32
        %parallel_loop3A_1364 = arith.addi %parallel_loop3A_1315, %parallel_loop3A_1363 : i32
        %parallel_loop3A_1365 = arith.index_cast %parallel_loop3A_1364 : i32 to index
        %parallel_loop3A_1366 = tpu.vector_load %arg18[%parallel_loop3A_1365] {strides = array<i32>} : memref<8320xf32, #tpu.memory_space<vmem>>, vector<16xf32>,
        tpu.vector_store %arg18[%parallel_loop3A_1365], %parallel_loop3A_1362 {strides = array<i32>} : memref<8320xf32, #tpu.memory_space<vmem>>, vector<16xf32>,
        %parallel_loop3A_1367 = arith.index_cast %and3A_443 : i32 to index
        %parallel_loop3A_1368 = arith.index_cast %parallel_loop3A_1309 : i32 to index
        %parallel_loop3A_1369 = arith.constant 48 : index
        %parallel_loop3A_1370 = tpu.vector_load %arg16[%parallel_loop3A_1367, %parallel_loop3A_1368, %parallel_loop3A_1369] {strides = array<i32>} : memref<2x128x64xf32, #tpu.memory_space<vmem>>, vector<16xf32>,
        %parallel_loop3A_1371 = vector.broadcast %parallel_loop3A_1311 : f32 to vector<16xf32>
        %parallel_loop3A_1372 = arith.mulf %parallel_loop3A_1370, %parallel_loop3A_1371 : vector<16xf32>
        %parallel_loop3A_1373 = arith.index_cast %and3A_443 : i32 to index
        %parallel_loop3A_1374 = arith.index_cast %parallel_loop3A_1309 : i32 to index
        %parallel_loop3A_1375 = arith.constant 48 : index
        %parallel_loop3A_1376 = tpu.vector_load %arg17[%parallel_loop3A_1373, %parallel_loop3A_1374, %parallel_loop3A_1375] {strides = array<i32>} : memref<2x128x64xf32, #tpu.memory_space<vmem>>, vector<16xf32>,
        %parallel_loop3A_1377 = vector.broadcast %parallel_loop3A_1313 : f32 to vector<16xf32>
        %parallel_loop3A_1378 = arith.mulf %parallel_loop3A_1376, %parallel_loop3A_1377 : vector<16xf32>
        %parallel_loop3A_1379 = arith.addf %parallel_loop3A_1372, %parallel_loop3A_1378 : vector<16xf32>
        %parallel_loop3A_1380 = arith.constant 48 : i32
        %parallel_loop3A_1381 = arith.addi %parallel_loop3A_1315, %parallel_loop3A_1380 : i32
        %parallel_loop3A_1382 = arith.index_cast %parallel_loop3A_1381 : i32 to index
        %parallel_loop3A_1383 = tpu.vector_load %arg18[%parallel_loop3A_1382] {strides = array<i32>} : memref<8320xf32, #tpu.memory_space<vmem>>, vector<16xf32>,
        tpu.vector_store %arg18[%parallel_loop3A_1382], %parallel_loop3A_1379 {strides = array<i32>} : memref<8320xf32, #tpu.memory_space<vmem>>, vector<16xf32>,
        %parallel_loop3A_1384 = arith.constant 11 : i32
        %parallel_loop3A_1385 = arith.addi %parallel_loop3A_541, %parallel_loop3A_1384 : i32
        %parallel_loop3A_1386 = vector.extract_strided_slice %parallel_loop3A_544 {offsets = [11], sizes = [1], strides = [1]} : vector<16xf32> to vector<1xf32>
        %parallel_loop3A_1387 = vector.extract %parallel_loop3A_1386[0] : f32 from vector<1xf32>
        %parallel_loop3A_1388 = vector.extract_strided_slice %parallel_loop3A_547 {offsets = [11], sizes = [1], strides = [1]} : vector<16xf32> to vector<1xf32>
        %parallel_loop3A_1389 = vector.extract %parallel_loop3A_1388[0] : f32 from vector<1xf32>
        %parallel_loop3A_1390 = arith.constant 65 : i32
        %parallel_loop3A_1391 = arith.muli %parallel_loop3A_1385, %parallel_loop3A_1390 : i32
        %parallel_loop3A_1392 = arith.index_cast %and3A_443 : i32 to index
        %parallel_loop3A_1393 = arith.index_cast %parallel_loop3A_1385 : i32 to index
        %parallel_loop3A_1394 = arith.constant 0 : index
        %parallel_loop3A_1395 = tpu.vector_load %arg16[%parallel_loop3A_1392, %parallel_loop3A_1393, %parallel_loop3A_1394] {strides = array<i32>} : memref<2x128x64xf32, #tpu.memory_space<vmem>>, vector<16xf32>,
        %parallel_loop3A_1396 = vector.broadcast %parallel_loop3A_1387 : f32 to vector<16xf32>
        %parallel_loop3A_1397 = arith.mulf %parallel_loop3A_1395, %parallel_loop3A_1396 : vector<16xf32>
        %parallel_loop3A_1398 = arith.index_cast %and3A_443 : i32 to index
        %parallel_loop3A_1399 = arith.index_cast %parallel_loop3A_1385 : i32 to index
        %parallel_loop3A_1400 = arith.constant 0 : index
        %parallel_loop3A_1401 = tpu.vector_load %arg17[%parallel_loop3A_1398, %parallel_loop3A_1399, %parallel_loop3A_1400] {strides = array<i32>} : memref<2x128x64xf32, #tpu.memory_space<vmem>>, vector<16xf32>,
        %parallel_loop3A_1402 = vector.broadcast %parallel_loop3A_1389 : f32 to vector<16xf32>
        %parallel_loop3A_1403 = arith.mulf %parallel_loop3A_1401, %parallel_loop3A_1402 : vector<16xf32>
        %parallel_loop3A_1404 = arith.addf %parallel_loop3A_1397, %parallel_loop3A_1403 : vector<16xf32>
        %parallel_loop3A_1405 = arith.constant 0 : i32
        %parallel_loop3A_1406 = arith.addi %parallel_loop3A_1391, %parallel_loop3A_1405 : i32
        %parallel_loop3A_1407 = arith.index_cast %parallel_loop3A_1406 : i32 to index
        %parallel_loop3A_1408 = tpu.vector_load %arg18[%parallel_loop3A_1407] {strides = array<i32>} : memref<8320xf32, #tpu.memory_space<vmem>>, vector<16xf32>,
        tpu.vector_store %arg18[%parallel_loop3A_1407], %parallel_loop3A_1404 {strides = array<i32>} : memref<8320xf32, #tpu.memory_space<vmem>>, vector<16xf32>,
        %parallel_loop3A_1409 = arith.index_cast %and3A_443 : i32 to index
        %parallel_loop3A_1410 = arith.index_cast %parallel_loop3A_1385 : i32 to index
        %parallel_loop3A_1411 = arith.constant 16 : index
        %parallel_loop3A_1412 = tpu.vector_load %arg16[%parallel_loop3A_1409, %parallel_loop3A_1410, %parallel_loop3A_1411] {strides = array<i32>} : memref<2x128x64xf32, #tpu.memory_space<vmem>>, vector<16xf32>,
        %parallel_loop3A_1413 = vector.broadcast %parallel_loop3A_1387 : f32 to vector<16xf32>
        %parallel_loop3A_1414 = arith.mulf %parallel_loop3A_1412, %parallel_loop3A_1413 : vector<16xf32>
        %parallel_loop3A_1415 = arith.index_cast %and3A_443 : i32 to index
        %parallel_loop3A_1416 = arith.index_cast %parallel_loop3A_1385 : i32 to index
        %parallel_loop3A_1417 = arith.constant 16 : index
        %parallel_loop3A_1418 = tpu.vector_load %arg17[%parallel_loop3A_1415, %parallel_loop3A_1416, %parallel_loop3A_1417] {strides = array<i32>} : memref<2x128x64xf32, #tpu.memory_space<vmem>>, vector<16xf32>,
        %parallel_loop3A_1419 = vector.broadcast %parallel_loop3A_1389 : f32 to vector<16xf32>
        %parallel_loop3A_1420 = arith.mulf %parallel_loop3A_1418, %parallel_loop3A_1419 : vector<16xf32>
        %parallel_loop3A_1421 = arith.addf %parallel_loop3A_1414, %parallel_loop3A_1420 : vector<16xf32>
        %parallel_loop3A_1422 = arith.constant 16 : i32
        %parallel_loop3A_1423 = arith.addi %parallel_loop3A_1391, %parallel_loop3A_1422 : i32
        %parallel_loop3A_1424 = arith.index_cast %parallel_loop3A_1423 : i32 to index
        %parallel_loop3A_1425 = tpu.vector_load %arg18[%parallel_loop3A_1424] {strides = array<i32>} : memref<8320xf32, #tpu.memory_space<vmem>>, vector<16xf32>,
        tpu.vector_store %arg18[%parallel_loop3A_1424], %parallel_loop3A_1421 {strides = array<i32>} : memref<8320xf32, #tpu.memory_space<vmem>>, vector<16xf32>,
        %parallel_loop3A_1426 = arith.index_cast %and3A_443 : i32 to index
        %parallel_loop3A_1427 = arith.index_cast %parallel_loop3A_1385 : i32 to index
        %parallel_loop3A_1428 = arith.constant 32 : index
        %parallel_loop3A_1429 = tpu.vector_load %arg16[%parallel_loop3A_1426, %parallel_loop3A_1427, %parallel_loop3A_1428] {strides = array<i32>} : memref<2x128x64xf32, #tpu.memory_space<vmem>>, vector<16xf32>,
        %parallel_loop3A_1430 = vector.broadcast %parallel_loop3A_1387 : f32 to vector<16xf32>
        %parallel_loop3A_1431 = arith.mulf %parallel_loop3A_1429, %parallel_loop3A_1430 : vector<16xf32>
        %parallel_loop3A_1432 = arith.index_cast %and3A_443 : i32 to index
        %parallel_loop3A_1433 = arith.index_cast %parallel_loop3A_1385 : i32 to index
        %parallel_loop3A_1434 = arith.constant 32 : index
        %parallel_loop3A_1435 = tpu.vector_load %arg17[%parallel_loop3A_1432, %parallel_loop3A_1433, %parallel_loop3A_1434] {strides = array<i32>} : memref<2x128x64xf32, #tpu.memory_space<vmem>>, vector<16xf32>,
        %parallel_loop3A_1436 = vector.broadcast %parallel_loop3A_1389 : f32 to vector<16xf32>
        %parallel_loop3A_1437 = arith.mulf %parallel_loop3A_1435, %parallel_loop3A_1436 : vector<16xf32>
        %parallel_loop3A_1438 = arith.addf %parallel_loop3A_1431, %parallel_loop3A_1437 : vector<16xf32>
        %parallel_loop3A_1439 = arith.constant 32 : i32
        %parallel_loop3A_1440 = arith.addi %parallel_loop3A_1391, %parallel_loop3A_1439 : i32
        %parallel_loop3A_1441 = arith.index_cast %parallel_loop3A_1440 : i32 to index
        %parallel_loop3A_1442 = tpu.vector_load %arg18[%parallel_loop3A_1441] {strides = array<i32>} : memref<8320xf32, #tpu.memory_space<vmem>>, vector<16xf32>,
        tpu.vector_store %arg18[%parallel_loop3A_1441], %parallel_loop3A_1438 {strides = array<i32>} : memref<8320xf32, #tpu.memory_space<vmem>>, vector<16xf32>,
        %parallel_loop3A_1443 = arith.index_cast %and3A_443 : i32 to index
        %parallel_loop3A_1444 = arith.index_cast %parallel_loop3A_1385 : i32 to index
        %parallel_loop3A_1445 = arith.constant 48 : index
        %parallel_loop3A_1446 = tpu.vector_load %arg16[%parallel_loop3A_1443, %parallel_loop3A_1444, %parallel_loop3A_1445] {strides = array<i32>} : memref<2x128x64xf32, #tpu.memory_space<vmem>>, vector<16xf32>,
        %parallel_loop3A_1447 = vector.broadcast %parallel_loop3A_1387 : f32 to vector<16xf32>
        %parallel_loop3A_1448 = arith.mulf %parallel_loop3A_1446, %parallel_loop3A_1447 : vector<16xf32>
        %parallel_loop3A_1449 = arith.index_cast %and3A_443 : i32 to index
        %parallel_loop3A_1450 = arith.index_cast %parallel_loop3A_1385 : i32 to index
        %parallel_loop3A_1451 = arith.constant 48 : index
        %parallel_loop3A_1452 = tpu.vector_load %arg17[%parallel_loop3A_1449, %parallel_loop3A_1450, %parallel_loop3A_1451] {strides = array<i32>} : memref<2x128x64xf32, #tpu.memory_space<vmem>>, vector<16xf32>,
        %parallel_loop3A_1453 = vector.broadcast %parallel_loop3A_1389 : f32 to vector<16xf32>
        %parallel_loop3A_1454 = arith.mulf %parallel_loop3A_1452, %parallel_loop3A_1453 : vector<16xf32>
        %parallel_loop3A_1455 = arith.addf %parallel_loop3A_1448, %parallel_loop3A_1454 : vector<16xf32>
        %parallel_loop3A_1456 = arith.constant 48 : i32
        %parallel_loop3A_1457 = arith.addi %parallel_loop3A_1391, %parallel_loop3A_1456 : i32
        %parallel_loop3A_1458 = arith.index_cast %parallel_loop3A_1457 : i32 to index
        %parallel_loop3A_1459 = tpu.vector_load %arg18[%parallel_loop3A_1458] {strides = array<i32>} : memref<8320xf32, #tpu.memory_space<vmem>>, vector<16xf32>,
        tpu.vector_store %arg18[%parallel_loop3A_1458], %parallel_loop3A_1455 {strides = array<i32>} : memref<8320xf32, #tpu.memory_space<vmem>>, vector<16xf32>,
        %parallel_loop3A_1460 = arith.constant 12 : i32
        %parallel_loop3A_1461 = arith.addi %parallel_loop3A_541, %parallel_loop3A_1460 : i32
        %parallel_loop3A_1462 = vector.extract_strided_slice %parallel_loop3A_544 {offsets = [12], sizes = [1], strides = [1]} : vector<16xf32> to vector<1xf32>
        %parallel_loop3A_1463 = vector.extract %parallel_loop3A_1462[0] : f32 from vector<1xf32>
        %parallel_loop3A_1464 = vector.extract_strided_slice %parallel_loop3A_547 {offsets = [12], sizes = [1], strides = [1]} : vector<16xf32> to vector<1xf32>
        %parallel_loop3A_1465 = vector.extract %parallel_loop3A_1464[0] : f32 from vector<1xf32>
        %parallel_loop3A_1466 = arith.constant 65 : i32
        %parallel_loop3A_1467 = arith.muli %parallel_loop3A_1461, %parallel_loop3A_1466 : i32
        %parallel_loop3A_1468 = arith.index_cast %and3A_443 : i32 to index
        %parallel_loop3A_1469 = arith.index_cast %parallel_loop3A_1461 : i32 to index
        %parallel_loop3A_1470 = arith.constant 0 : index
        %parallel_loop3A_1471 = tpu.vector_load %arg16[%parallel_loop3A_1468, %parallel_loop3A_1469, %parallel_loop3A_1470] {strides = array<i32>} : memref<2x128x64xf32, #tpu.memory_space<vmem>>, vector<16xf32>,
        %parallel_loop3A_1472 = vector.broadcast %parallel_loop3A_1463 : f32 to vector<16xf32>
        %parallel_loop3A_1473 = arith.mulf %parallel_loop3A_1471, %parallel_loop3A_1472 : vector<16xf32>
        %parallel_loop3A_1474 = arith.index_cast %and3A_443 : i32 to index
        %parallel_loop3A_1475 = arith.index_cast %parallel_loop3A_1461 : i32 to index
        %parallel_loop3A_1476 = arith.constant 0 : index
        %parallel_loop3A_1477 = tpu.vector_load %arg17[%parallel_loop3A_1474, %parallel_loop3A_1475, %parallel_loop3A_1476] {strides = array<i32>} : memref<2x128x64xf32, #tpu.memory_space<vmem>>, vector<16xf32>,
        %parallel_loop3A_1478 = vector.broadcast %parallel_loop3A_1465 : f32 to vector<16xf32>
        %parallel_loop3A_1479 = arith.mulf %parallel_loop3A_1477, %parallel_loop3A_1478 : vector<16xf32>
        %parallel_loop3A_1480 = arith.addf %parallel_loop3A_1473, %parallel_loop3A_1479 : vector<16xf32>
        %parallel_loop3A_1481 = arith.constant 0 : i32
        %parallel_loop3A_1482 = arith.addi %parallel_loop3A_1467, %parallel_loop3A_1481 : i32
        %parallel_loop3A_1483 = arith.index_cast %parallel_loop3A_1482 : i32 to index
        %parallel_loop3A_1484 = tpu.vector_load %arg18[%parallel_loop3A_1483] {strides = array<i32>} : memref<8320xf32, #tpu.memory_space<vmem>>, vector<16xf32>,
        tpu.vector_store %arg18[%parallel_loop3A_1483], %parallel_loop3A_1480 {strides = array<i32>} : memref<8320xf32, #tpu.memory_space<vmem>>, vector<16xf32>,
        %parallel_loop3A_1485 = arith.index_cast %and3A_443 : i32 to index
        %parallel_loop3A_1486 = arith.index_cast %parallel_loop3A_1461 : i32 to index
        %parallel_loop3A_1487 = arith.constant 16 : index
        %parallel_loop3A_1488 = tpu.vector_load %arg16[%parallel_loop3A_1485, %parallel_loop3A_1486, %parallel_loop3A_1487] {strides = array<i32>} : memref<2x128x64xf32, #tpu.memory_space<vmem>>, vector<16xf32>,
        %parallel_loop3A_1489 = vector.broadcast %parallel_loop3A_1463 : f32 to vector<16xf32>
        %parallel_loop3A_1490 = arith.mulf %parallel_loop3A_1488, %parallel_loop3A_1489 : vector<16xf32>
        %parallel_loop3A_1491 = arith.index_cast %and3A_443 : i32 to index
        %parallel_loop3A_1492 = arith.index_cast %parallel_loop3A_1461 : i32 to index
        %parallel_loop3A_1493 = arith.constant 16 : index
        %parallel_loop3A_1494 = tpu.vector_load %arg17[%parallel_loop3A_1491, %parallel_loop3A_1492, %parallel_loop3A_1493] {strides = array<i32>} : memref<2x128x64xf32, #tpu.memory_space<vmem>>, vector<16xf32>,
        %parallel_loop3A_1495 = vector.broadcast %parallel_loop3A_1465 : f32 to vector<16xf32>
        %parallel_loop3A_1496 = arith.mulf %parallel_loop3A_1494, %parallel_loop3A_1495 : vector<16xf32>
        %parallel_loop3A_1497 = arith.addf %parallel_loop3A_1490, %parallel_loop3A_1496 : vector<16xf32>
        %parallel_loop3A_1498 = arith.constant 16 : i32
        %parallel_loop3A_1499 = arith.addi %parallel_loop3A_1467, %parallel_loop3A_1498 : i32
        %parallel_loop3A_1500 = arith.index_cast %parallel_loop3A_1499 : i32 to index
        %parallel_loop3A_1501 = tpu.vector_load %arg18[%parallel_loop3A_1500] {strides = array<i32>} : memref<8320xf32, #tpu.memory_space<vmem>>, vector<16xf32>,
        tpu.vector_store %arg18[%parallel_loop3A_1500], %parallel_loop3A_1497 {strides = array<i32>} : memref<8320xf32, #tpu.memory_space<vmem>>, vector<16xf32>,
        %parallel_loop3A_1502 = arith.index_cast %and3A_443 : i32 to index
        %parallel_loop3A_1503 = arith.index_cast %parallel_loop3A_1461 : i32 to index
        %parallel_loop3A_1504 = arith.constant 32 : index
        %parallel_loop3A_1505 = tpu.vector_load %arg16[%parallel_loop3A_1502, %parallel_loop3A_1503, %parallel_loop3A_1504] {strides = array<i32>} : memref<2x128x64xf32, #tpu.memory_space<vmem>>, vector<16xf32>,
        %parallel_loop3A_1506 = vector.broadcast %parallel_loop3A_1463 : f32 to vector<16xf32>
        %parallel_loop3A_1507 = arith.mulf %parallel_loop3A_1505, %parallel_loop3A_1506 : vector<16xf32>
        %parallel_loop3A_1508 = arith.index_cast %and3A_443 : i32 to index
        %parallel_loop3A_1509 = arith.index_cast %parallel_loop3A_1461 : i32 to index
        %parallel_loop3A_1510 = arith.constant 32 : index
        %parallel_loop3A_1511 = tpu.vector_load %arg17[%parallel_loop3A_1508, %parallel_loop3A_1509, %parallel_loop3A_1510] {strides = array<i32>} : memref<2x128x64xf32, #tpu.memory_space<vmem>>, vector<16xf32>,
        %parallel_loop3A_1512 = vector.broadcast %parallel_loop3A_1465 : f32 to vector<16xf32>
        %parallel_loop3A_1513 = arith.mulf %parallel_loop3A_1511, %parallel_loop3A_1512 : vector<16xf32>
        %parallel_loop3A_1514 = arith.addf %parallel_loop3A_1507, %parallel_loop3A_1513 : vector<16xf32>
        %parallel_loop3A_1515 = arith.constant 32 : i32
        %parallel_loop3A_1516 = arith.addi %parallel_loop3A_1467, %parallel_loop3A_1515 : i32
        %parallel_loop3A_1517 = arith.index_cast %parallel_loop3A_1516 : i32 to index
        %parallel_loop3A_1518 = tpu.vector_load %arg18[%parallel_loop3A_1517] {strides = array<i32>} : memref<8320xf32, #tpu.memory_space<vmem>>, vector<16xf32>,
        tpu.vector_store %arg18[%parallel_loop3A_1517], %parallel_loop3A_1514 {strides = array<i32>} : memref<8320xf32, #tpu.memory_space<vmem>>, vector<16xf32>,
        %parallel_loop3A_1519 = arith.index_cast %and3A_443 : i32 to index
        %parallel_loop3A_1520 = arith.index_cast %parallel_loop3A_1461 : i32 to index
        %parallel_loop3A_1521 = arith.constant 48 : index
        %parallel_loop3A_1522 = tpu.vector_load %arg16[%parallel_loop3A_1519, %parallel_loop3A_1520, %parallel_loop3A_1521] {strides = array<i32>} : memref<2x128x64xf32, #tpu.memory_space<vmem>>, vector<16xf32>,
        %parallel_loop3A_1523 = vector.broadcast %parallel_loop3A_1463 : f32 to vector<16xf32>
        %parallel_loop3A_1524 = arith.mulf %parallel_loop3A_1522, %parallel_loop3A_1523 : vector<16xf32>
        %parallel_loop3A_1525 = arith.index_cast %and3A_443 : i32 to index
        %parallel_loop3A_1526 = arith.index_cast %parallel_loop3A_1461 : i32 to index
        %parallel_loop3A_1527 = arith.constant 48 : index
        %parallel_loop3A_1528 = tpu.vector_load %arg17[%parallel_loop3A_1525, %parallel_loop3A_1526, %parallel_loop3A_1527] {strides = array<i32>} : memref<2x128x64xf32, #tpu.memory_space<vmem>>, vector<16xf32>,
        %parallel_loop3A_1529 = vector.broadcast %parallel_loop3A_1465 : f32 to vector<16xf32>
        %parallel_loop3A_1530 = arith.mulf %parallel_loop3A_1528, %parallel_loop3A_1529 : vector<16xf32>
        %parallel_loop3A_1531 = arith.addf %parallel_loop3A_1524, %parallel_loop3A_1530 : vector<16xf32>
        %parallel_loop3A_1532 = arith.constant 48 : i32
        %parallel_loop3A_1533 = arith.addi %parallel_loop3A_1467, %parallel_loop3A_1532 : i32
        %parallel_loop3A_1534 = arith.index_cast %parallel_loop3A_1533 : i32 to index
        %parallel_loop3A_1535 = tpu.vector_load %arg18[%parallel_loop3A_1534] {strides = array<i32>} : memref<8320xf32, #tpu.memory_space<vmem>>, vector<16xf32>,
        tpu.vector_store %arg18[%parallel_loop3A_1534], %parallel_loop3A_1531 {strides = array<i32>} : memref<8320xf32, #tpu.memory_space<vmem>>, vector<16xf32>,
        %parallel_loop3A_1536 = arith.constant 13 : i32
        %parallel_loop3A_1537 = arith.addi %parallel_loop3A_541, %parallel_loop3A_1536 : i32
        %parallel_loop3A_1538 = vector.extract_strided_slice %parallel_loop3A_544 {offsets = [13], sizes = [1], strides = [1]} : vector<16xf32> to vector<1xf32>
        %parallel_loop3A_1539 = vector.extract %parallel_loop3A_1538[0] : f32 from vector<1xf32>
        %parallel_loop3A_1540 = vector.extract_strided_slice %parallel_loop3A_547 {offsets = [13], sizes = [1], strides = [1]} : vector<16xf32> to vector<1xf32>
        %parallel_loop3A_1541 = vector.extract %parallel_loop3A_1540[0] : f32 from vector<1xf32>
        %parallel_loop3A_1542 = arith.constant 65 : i32
        %parallel_loop3A_1543 = arith.muli %parallel_loop3A_1537, %parallel_loop3A_1542 : i32
        %parallel_loop3A_1544 = arith.index_cast %and3A_443 : i32 to index
        %parallel_loop3A_1545 = arith.index_cast %parallel_loop3A_1537 : i32 to index
        %parallel_loop3A_1546 = arith.constant 0 : index
        %parallel_loop3A_1547 = tpu.vector_load %arg16[%parallel_loop3A_1544, %parallel_loop3A_1545, %parallel_loop3A_1546] {strides = array<i32>} : memref<2x128x64xf32, #tpu.memory_space<vmem>>, vector<16xf32>,
        %parallel_loop3A_1548 = vector.broadcast %parallel_loop3A_1539 : f32 to vector<16xf32>
        %parallel_loop3A_1549 = arith.mulf %parallel_loop3A_1547, %parallel_loop3A_1548 : vector<16xf32>
        %parallel_loop3A_1550 = arith.index_cast %and3A_443 : i32 to index
        %parallel_loop3A_1551 = arith.index_cast %parallel_loop3A_1537 : i32 to index
        %parallel_loop3A_1552 = arith.constant 0 : index
        %parallel_loop3A_1553 = tpu.vector_load %arg17[%parallel_loop3A_1550, %parallel_loop3A_1551, %parallel_loop3A_1552] {strides = array<i32>} : memref<2x128x64xf32, #tpu.memory_space<vmem>>, vector<16xf32>,
        %parallel_loop3A_1554 = vector.broadcast %parallel_loop3A_1541 : f32 to vector<16xf32>
        %parallel_loop3A_1555 = arith.mulf %parallel_loop3A_1553, %parallel_loop3A_1554 : vector<16xf32>
        %parallel_loop3A_1556 = arith.addf %parallel_loop3A_1549, %parallel_loop3A_1555 : vector<16xf32>
        %parallel_loop3A_1557 = arith.constant 0 : i32
        %parallel_loop3A_1558 = arith.addi %parallel_loop3A_1543, %parallel_loop3A_1557 : i32
        %parallel_loop3A_1559 = arith.index_cast %parallel_loop3A_1558 : i32 to index
        %parallel_loop3A_1560 = tpu.vector_load %arg18[%parallel_loop3A_1559] {strides = array<i32>} : memref<8320xf32, #tpu.memory_space<vmem>>, vector<16xf32>,
        tpu.vector_store %arg18[%parallel_loop3A_1559], %parallel_loop3A_1556 {strides = array<i32>} : memref<8320xf32, #tpu.memory_space<vmem>>, vector<16xf32>,
        %parallel_loop3A_1561 = arith.index_cast %and3A_443 : i32 to index
        %parallel_loop3A_1562 = arith.index_cast %parallel_loop3A_1537 : i32 to index
        %parallel_loop3A_1563 = arith.constant 16 : index
        %parallel_loop3A_1564 = tpu.vector_load %arg16[%parallel_loop3A_1561, %parallel_loop3A_1562, %parallel_loop3A_1563] {strides = array<i32>} : memref<2x128x64xf32, #tpu.memory_space<vmem>>, vector<16xf32>,
        %parallel_loop3A_1565 = vector.broadcast %parallel_loop3A_1539 : f32 to vector<16xf32>
        %parallel_loop3A_1566 = arith.mulf %parallel_loop3A_1564, %parallel_loop3A_1565 : vector<16xf32>
        %parallel_loop3A_1567 = arith.index_cast %and3A_443 : i32 to index
        %parallel_loop3A_1568 = arith.index_cast %parallel_loop3A_1537 : i32 to index
        %parallel_loop3A_1569 = arith.constant 16 : index
        %parallel_loop3A_1570 = tpu.vector_load %arg17[%parallel_loop3A_1567, %parallel_loop3A_1568, %parallel_loop3A_1569] {strides = array<i32>} : memref<2x128x64xf32, #tpu.memory_space<vmem>>, vector<16xf32>,
        %parallel_loop3A_1571 = vector.broadcast %parallel_loop3A_1541 : f32 to vector<16xf32>
        %parallel_loop3A_1572 = arith.mulf %parallel_loop3A_1570, %parallel_loop3A_1571 : vector<16xf32>
        %parallel_loop3A_1573 = arith.addf %parallel_loop3A_1566, %parallel_loop3A_1572 : vector<16xf32>
        %parallel_loop3A_1574 = arith.constant 16 : i32
        %parallel_loop3A_1575 = arith.addi %parallel_loop3A_1543, %parallel_loop3A_1574 : i32
        %parallel_loop3A_1576 = arith.index_cast %parallel_loop3A_1575 : i32 to index
        %parallel_loop3A_1577 = tpu.vector_load %arg18[%parallel_loop3A_1576] {strides = array<i32>} : memref<8320xf32, #tpu.memory_space<vmem>>, vector<16xf32>,
        tpu.vector_store %arg18[%parallel_loop3A_1576], %parallel_loop3A_1573 {strides = array<i32>} : memref<8320xf32, #tpu.memory_space<vmem>>, vector<16xf32>,
        %parallel_loop3A_1578 = arith.index_cast %and3A_443 : i32 to index
        %parallel_loop3A_1579 = arith.index_cast %parallel_loop3A_1537 : i32 to index
        %parallel_loop3A_1580 = arith.constant 32 : index
        %parallel_loop3A_1581 = tpu.vector_load %arg16[%parallel_loop3A_1578, %parallel_loop3A_1579, %parallel_loop3A_1580] {strides = array<i32>} : memref<2x128x64xf32, #tpu.memory_space<vmem>>, vector<16xf32>,
        %parallel_loop3A_1582 = vector.broadcast %parallel_loop3A_1539 : f32 to vector<16xf32>
        %parallel_loop3A_1583 = arith.mulf %parallel_loop3A_1581, %parallel_loop3A_1582 : vector<16xf32>
        %parallel_loop3A_1584 = arith.index_cast %and3A_443 : i32 to index
        %parallel_loop3A_1585 = arith.index_cast %parallel_loop3A_1537 : i32 to index
        %parallel_loop3A_1586 = arith.constant 32 : index
        %parallel_loop3A_1587 = tpu.vector_load %arg17[%parallel_loop3A_1584, %parallel_loop3A_1585, %parallel_loop3A_1586] {strides = array<i32>} : memref<2x128x64xf32, #tpu.memory_space<vmem>>, vector<16xf32>,
        %parallel_loop3A_1588 = vector.broadcast %parallel_loop3A_1541 : f32 to vector<16xf32>
        %parallel_loop3A_1589 = arith.mulf %parallel_loop3A_1587, %parallel_loop3A_1588 : vector<16xf32>
        %parallel_loop3A_1590 = arith.addf %parallel_loop3A_1583, %parallel_loop3A_1589 : vector<16xf32>
        %parallel_loop3A_1591 = arith.constant 32 : i32
        %parallel_loop3A_1592 = arith.addi %parallel_loop3A_1543, %parallel_loop3A_1591 : i32
        %parallel_loop3A_1593 = arith.index_cast %parallel_loop3A_1592 : i32 to index
        %parallel_loop3A_1594 = tpu.vector_load %arg18[%parallel_loop3A_1593] {strides = array<i32>} : memref<8320xf32, #tpu.memory_space<vmem>>, vector<16xf32>,
        tpu.vector_store %arg18[%parallel_loop3A_1593], %parallel_loop3A_1590 {strides = array<i32>} : memref<8320xf32, #tpu.memory_space<vmem>>, vector<16xf32>,
        %parallel_loop3A_1595 = arith.index_cast %and3A_443 : i32 to index
        %parallel_loop3A_1596 = arith.index_cast %parallel_loop3A_1537 : i32 to index
        %parallel_loop3A_1597 = arith.constant 48 : index
        %parallel_loop3A_1598 = tpu.vector_load %arg16[%parallel_loop3A_1595, %parallel_loop3A_1596, %parallel_loop3A_1597] {strides = array<i32>} : memref<2x128x64xf32, #tpu.memory_space<vmem>>, vector<16xf32>,
        %parallel_loop3A_1599 = vector.broadcast %parallel_loop3A_1539 : f32 to vector<16xf32>
        %parallel_loop3A_1600 = arith.mulf %parallel_loop3A_1598, %parallel_loop3A_1599 : vector<16xf32>
        %parallel_loop3A_1601 = arith.index_cast %and3A_443 : i32 to index
        %parallel_loop3A_1602 = arith.index_cast %parallel_loop3A_1537 : i32 to index
        %parallel_loop3A_1603 = arith.constant 48 : index
        %parallel_loop3A_1604 = tpu.vector_load %arg17[%parallel_loop3A_1601, %parallel_loop3A_1602, %parallel_loop3A_1603] {strides = array<i32>} : memref<2x128x64xf32, #tpu.memory_space<vmem>>, vector<16xf32>,
        %parallel_loop3A_1605 = vector.broadcast %parallel_loop3A_1541 : f32 to vector<16xf32>
        %parallel_loop3A_1606 = arith.mulf %parallel_loop3A_1604, %parallel_loop3A_1605 : vector<16xf32>
        %parallel_loop3A_1607 = arith.addf %parallel_loop3A_1600, %parallel_loop3A_1606 : vector<16xf32>
        %parallel_loop3A_1608 = arith.constant 48 : i32
        %parallel_loop3A_1609 = arith.addi %parallel_loop3A_1543, %parallel_loop3A_1608 : i32
        %parallel_loop3A_1610 = arith.index_cast %parallel_loop3A_1609 : i32 to index
        %parallel_loop3A_1611 = tpu.vector_load %arg18[%parallel_loop3A_1610] {strides = array<i32>} : memref<8320xf32, #tpu.memory_space<vmem>>, vector<16xf32>,
        tpu.vector_store %arg18[%parallel_loop3A_1610], %parallel_loop3A_1607 {strides = array<i32>} : memref<8320xf32, #tpu.memory_space<vmem>>, vector<16xf32>,
        %parallel_loop3A_1612 = arith.constant 14 : i32
        %parallel_loop3A_1613 = arith.addi %parallel_loop3A_541, %parallel_loop3A_1612 : i32
        %parallel_loop3A_1614 = vector.extract_strided_slice %parallel_loop3A_544 {offsets = [14], sizes = [1], strides = [1]} : vector<16xf32> to vector<1xf32>
        %parallel_loop3A_1615 = vector.extract %parallel_loop3A_1614[0] : f32 from vector<1xf32>
        %parallel_loop3A_1616 = vector.extract_strided_slice %parallel_loop3A_547 {offsets = [14], sizes = [1], strides = [1]} : vector<16xf32> to vector<1xf32>
        %parallel_loop3A_1617 = vector.extract %parallel_loop3A_1616[0] : f32 from vector<1xf32>
        %parallel_loop3A_1618 = arith.constant 65 : i32
        %parallel_loop3A_1619 = arith.muli %parallel_loop3A_1613, %parallel_loop3A_1618 : i32
        %parallel_loop3A_1620 = arith.index_cast %and3A_443 : i32 to index
        %parallel_loop3A_1621 = arith.index_cast %parallel_loop3A_1613 : i32 to index
        %parallel_loop3A_1622 = arith.constant 0 : index
        %parallel_loop3A_1623 = tpu.vector_load %arg16[%parallel_loop3A_1620, %parallel_loop3A_1621, %parallel_loop3A_1622] {strides = array<i32>} : memref<2x128x64xf32, #tpu.memory_space<vmem>>, vector<16xf32>,
        %parallel_loop3A_1624 = vector.broadcast %parallel_loop3A_1615 : f32 to vector<16xf32>
        %parallel_loop3A_1625 = arith.mulf %parallel_loop3A_1623, %parallel_loop3A_1624 : vector<16xf32>
        %parallel_loop3A_1626 = arith.index_cast %and3A_443 : i32 to index
        %parallel_loop3A_1627 = arith.index_cast %parallel_loop3A_1613 : i32 to index
        %parallel_loop3A_1628 = arith.constant 0 : index
        %parallel_loop3A_1629 = tpu.vector_load %arg17[%parallel_loop3A_1626, %parallel_loop3A_1627, %parallel_loop3A_1628] {strides = array<i32>} : memref<2x128x64xf32, #tpu.memory_space<vmem>>, vector<16xf32>,
        %parallel_loop3A_1630 = vector.broadcast %parallel_loop3A_1617 : f32 to vector<16xf32>
        %parallel_loop3A_1631 = arith.mulf %parallel_loop3A_1629, %parallel_loop3A_1630 : vector<16xf32>
        %parallel_loop3A_1632 = arith.addf %parallel_loop3A_1625, %parallel_loop3A_1631 : vector<16xf32>
        %parallel_loop3A_1633 = arith.constant 0 : i32
        %parallel_loop3A_1634 = arith.addi %parallel_loop3A_1619, %parallel_loop3A_1633 : i32
        %parallel_loop3A_1635 = arith.index_cast %parallel_loop3A_1634 : i32 to index
        %parallel_loop3A_1636 = tpu.vector_load %arg18[%parallel_loop3A_1635] {strides = array<i32>} : memref<8320xf32, #tpu.memory_space<vmem>>, vector<16xf32>,
        tpu.vector_store %arg18[%parallel_loop3A_1635], %parallel_loop3A_1632 {strides = array<i32>} : memref<8320xf32, #tpu.memory_space<vmem>>, vector<16xf32>,
        %parallel_loop3A_1637 = arith.index_cast %and3A_443 : i32 to index
        %parallel_loop3A_1638 = arith.index_cast %parallel_loop3A_1613 : i32 to index
        %parallel_loop3A_1639 = arith.constant 16 : index
        %parallel_loop3A_1640 = tpu.vector_load %arg16[%parallel_loop3A_1637, %parallel_loop3A_1638, %parallel_loop3A_1639] {strides = array<i32>} : memref<2x128x64xf32, #tpu.memory_space<vmem>>, vector<16xf32>,
        %parallel_loop3A_1641 = vector.broadcast %parallel_loop3A_1615 : f32 to vector<16xf32>
        %parallel_loop3A_1642 = arith.mulf %parallel_loop3A_1640, %parallel_loop3A_1641 : vector<16xf32>
        %parallel_loop3A_1643 = arith.index_cast %and3A_443 : i32 to index
        %parallel_loop3A_1644 = arith.index_cast %parallel_loop3A_1613 : i32 to index
        %parallel_loop3A_1645 = arith.constant 16 : index
        %parallel_loop3A_1646 = tpu.vector_load %arg17[%parallel_loop3A_1643, %parallel_loop3A_1644, %parallel_loop3A_1645] {strides = array<i32>} : memref<2x128x64xf32, #tpu.memory_space<vmem>>, vector<16xf32>,
        %parallel_loop3A_1647 = vector.broadcast %parallel_loop3A_1617 : f32 to vector<16xf32>
        %parallel_loop3A_1648 = arith.mulf %parallel_loop3A_1646, %parallel_loop3A_1647 : vector<16xf32>
        %parallel_loop3A_1649 = arith.addf %parallel_loop3A_1642, %parallel_loop3A_1648 : vector<16xf32>
        %parallel_loop3A_1650 = arith.constant 16 : i32
        %parallel_loop3A_1651 = arith.addi %parallel_loop3A_1619, %parallel_loop3A_1650 : i32
        %parallel_loop3A_1652 = arith.index_cast %parallel_loop3A_1651 : i32 to index
        %parallel_loop3A_1653 = tpu.vector_load %arg18[%parallel_loop3A_1652] {strides = array<i32>} : memref<8320xf32, #tpu.memory_space<vmem>>, vector<16xf32>,
        tpu.vector_store %arg18[%parallel_loop3A_1652], %parallel_loop3A_1649 {strides = array<i32>} : memref<8320xf32, #tpu.memory_space<vmem>>, vector<16xf32>,
        %parallel_loop3A_1654 = arith.index_cast %and3A_443 : i32 to index
        %parallel_loop3A_1655 = arith.index_cast %parallel_loop3A_1613 : i32 to index
        %parallel_loop3A_1656 = arith.constant 32 : index
        %parallel_loop3A_1657 = tpu.vector_load %arg16[%parallel_loop3A_1654, %parallel_loop3A_1655, %parallel_loop3A_1656] {strides = array<i32>} : memref<2x128x64xf32, #tpu.memory_space<vmem>>, vector<16xf32>,
        %parallel_loop3A_1658 = vector.broadcast %parallel_loop3A_1615 : f32 to vector<16xf32>
        %parallel_loop3A_1659 = arith.mulf %parallel_loop3A_1657, %parallel_loop3A_1658 : vector<16xf32>
        %parallel_loop3A_1660 = arith.index_cast %and3A_443 : i32 to index
        %parallel_loop3A_1661 = arith.index_cast %parallel_loop3A_1613 : i32 to index
        %parallel_loop3A_1662 = arith.constant 32 : index
        %parallel_loop3A_1663 = tpu.vector_load %arg17[%parallel_loop3A_1660, %parallel_loop3A_1661, %parallel_loop3A_1662] {strides = array<i32>} : memref<2x128x64xf32, #tpu.memory_space<vmem>>, vector<16xf32>,
        %parallel_loop3A_1664 = vector.broadcast %parallel_loop3A_1617 : f32 to vector<16xf32>
        %parallel_loop3A_1665 = arith.mulf %parallel_loop3A_1663, %parallel_loop3A_1664 : vector<16xf32>
        %parallel_loop3A_1666 = arith.addf %parallel_loop3A_1659, %parallel_loop3A_1665 : vector<16xf32>
        %parallel_loop3A_1667 = arith.constant 32 : i32
        %parallel_loop3A_1668 = arith.addi %parallel_loop3A_1619, %parallel_loop3A_1667 : i32
        %parallel_loop3A_1669 = arith.index_cast %parallel_loop3A_1668 : i32 to index
        %parallel_loop3A_1670 = tpu.vector_load %arg18[%parallel_loop3A_1669] {strides = array<i32>} : memref<8320xf32, #tpu.memory_space<vmem>>, vector<16xf32>,
        tpu.vector_store %arg18[%parallel_loop3A_1669], %parallel_loop3A_1666 {strides = array<i32>} : memref<8320xf32, #tpu.memory_space<vmem>>, vector<16xf32>,
        %parallel_loop3A_1671 = arith.index_cast %and3A_443 : i32 to index
        %parallel_loop3A_1672 = arith.index_cast %parallel_loop3A_1613 : i32 to index
        %parallel_loop3A_1673 = arith.constant 48 : index
        %parallel_loop3A_1674 = tpu.vector_load %arg16[%parallel_loop3A_1671, %parallel_loop3A_1672, %parallel_loop3A_1673] {strides = array<i32>} : memref<2x128x64xf32, #tpu.memory_space<vmem>>, vector<16xf32>,
        %parallel_loop3A_1675 = vector.broadcast %parallel_loop3A_1615 : f32 to vector<16xf32>
        %parallel_loop3A_1676 = arith.mulf %parallel_loop3A_1674, %parallel_loop3A_1675 : vector<16xf32>
        %parallel_loop3A_1677 = arith.index_cast %and3A_443 : i32 to index
        %parallel_loop3A_1678 = arith.index_cast %parallel_loop3A_1613 : i32 to index
        %parallel_loop3A_1679 = arith.constant 48 : index
        %parallel_loop3A_1680 = tpu.vector_load %arg17[%parallel_loop3A_1677, %parallel_loop3A_1678, %parallel_loop3A_1679] {strides = array<i32>} : memref<2x128x64xf32, #tpu.memory_space<vmem>>, vector<16xf32>,
        %parallel_loop3A_1681 = vector.broadcast %parallel_loop3A_1617 : f32 to vector<16xf32>
        %parallel_loop3A_1682 = arith.mulf %parallel_loop3A_1680, %parallel_loop3A_1681 : vector<16xf32>
        %parallel_loop3A_1683 = arith.addf %parallel_loop3A_1676, %parallel_loop3A_1682 : vector<16xf32>
        %parallel_loop3A_1684 = arith.constant 48 : i32
        %parallel_loop3A_1685 = arith.addi %parallel_loop3A_1619, %parallel_loop3A_1684 : i32
        %parallel_loop3A_1686 = arith.index_cast %parallel_loop3A_1685 : i32 to index
        %parallel_loop3A_1687 = tpu.vector_load %arg18[%parallel_loop3A_1686] {strides = array<i32>} : memref<8320xf32, #tpu.memory_space<vmem>>, vector<16xf32>,
        tpu.vector_store %arg18[%parallel_loop3A_1686], %parallel_loop3A_1683 {strides = array<i32>} : memref<8320xf32, #tpu.memory_space<vmem>>, vector<16xf32>,
        %parallel_loop3A_1688 = arith.constant 15 : i32
        %parallel_loop3A_1689 = arith.addi %parallel_loop3A_541, %parallel_loop3A_1688 : i32
        %parallel_loop3A_1690 = vector.extract_strided_slice %parallel_loop3A_544 {offsets = [15], sizes = [1], strides = [1]} : vector<16xf32> to vector<1xf32>
        %parallel_loop3A_1691 = vector.extract %parallel_loop3A_1690[0] : f32 from vector<1xf32>
        %parallel_loop3A_1692 = vector.extract_strided_slice %parallel_loop3A_547 {offsets = [15], sizes = [1], strides = [1]} : vector<16xf32> to vector<1xf32>
        %parallel_loop3A_1693 = vector.extract %parallel_loop3A_1692[0] : f32 from vector<1xf32>
        %parallel_loop3A_1694 = arith.constant 65 : i32
        %parallel_loop3A_1695 = arith.muli %parallel_loop3A_1689, %parallel_loop3A_1694 : i32
        %parallel_loop3A_1696 = arith.index_cast %and3A_443 : i32 to index
        %parallel_loop3A_1697 = arith.index_cast %parallel_loop3A_1689 : i32 to index
        %parallel_loop3A_1698 = arith.constant 0 : index
        %parallel_loop3A_1699 = tpu.vector_load %arg16[%parallel_loop3A_1696, %parallel_loop3A_1697, %parallel_loop3A_1698] {strides = array<i32>} : memref<2x128x64xf32, #tpu.memory_space<vmem>>, vector<16xf32>,
        %parallel_loop3A_1700 = vector.broadcast %parallel_loop3A_1691 : f32 to vector<16xf32>
        %parallel_loop3A_1701 = arith.mulf %parallel_loop3A_1699, %parallel_loop3A_1700 : vector<16xf32>
        %parallel_loop3A_1702 = arith.index_cast %and3A_443 : i32 to index
        %parallel_loop3A_1703 = arith.index_cast %parallel_loop3A_1689 : i32 to index
        %parallel_loop3A_1704 = arith.constant 0 : index
        %parallel_loop3A_1705 = tpu.vector_load %arg17[%parallel_loop3A_1702, %parallel_loop3A_1703, %parallel_loop3A_1704] {strides = array<i32>} : memref<2x128x64xf32, #tpu.memory_space<vmem>>, vector<16xf32>,
        %parallel_loop3A_1706 = vector.broadcast %parallel_loop3A_1693 : f32 to vector<16xf32>
        %parallel_loop3A_1707 = arith.mulf %parallel_loop3A_1705, %parallel_loop3A_1706 : vector<16xf32>
        %parallel_loop3A_1708 = arith.addf %parallel_loop3A_1701, %parallel_loop3A_1707 : vector<16xf32>
        %parallel_loop3A_1709 = arith.constant 0 : i32
        %parallel_loop3A_1710 = arith.addi %parallel_loop3A_1695, %parallel_loop3A_1709 : i32
        %parallel_loop3A_1711 = arith.index_cast %parallel_loop3A_1710 : i32 to index
        %parallel_loop3A_1712 = tpu.vector_load %arg18[%parallel_loop3A_1711] {strides = array<i32>} : memref<8320xf32, #tpu.memory_space<vmem>>, vector<16xf32>,
        tpu.vector_store %arg18[%parallel_loop3A_1711], %parallel_loop3A_1708 {strides = array<i32>} : memref<8320xf32, #tpu.memory_space<vmem>>, vector<16xf32>,
        %parallel_loop3A_1713 = arith.index_cast %and3A_443 : i32 to index
        %parallel_loop3A_1714 = arith.index_cast %parallel_loop3A_1689 : i32 to index
        %parallel_loop3A_1715 = arith.constant 16 : index
        %parallel_loop3A_1716 = tpu.vector_load %arg16[%parallel_loop3A_1713, %parallel_loop3A_1714, %parallel_loop3A_1715] {strides = array<i32>} : memref<2x128x64xf32, #tpu.memory_space<vmem>>, vector<16xf32>,
        %parallel_loop3A_1717 = vector.broadcast %parallel_loop3A_1691 : f32 to vector<16xf32>
        %parallel_loop3A_1718 = arith.mulf %parallel_loop3A_1716, %parallel_loop3A_1717 : vector<16xf32>
        %parallel_loop3A_1719 = arith.index_cast %and3A_443 : i32 to index
        %parallel_loop3A_1720 = arith.index_cast %parallel_loop3A_1689 : i32 to index
        %parallel_loop3A_1721 = arith.constant 16 : index
        %parallel_loop3A_1722 = tpu.vector_load %arg17[%parallel_loop3A_1719, %parallel_loop3A_1720, %parallel_loop3A_1721] {strides = array<i32>} : memref<2x128x64xf32, #tpu.memory_space<vmem>>, vector<16xf32>,
        %parallel_loop3A_1723 = vector.broadcast %parallel_loop3A_1693 : f32 to vector<16xf32>
        %parallel_loop3A_1724 = arith.mulf %parallel_loop3A_1722, %parallel_loop3A_1723 : vector<16xf32>
        %parallel_loop3A_1725 = arith.addf %parallel_loop3A_1718, %parallel_loop3A_1724 : vector<16xf32>
        %parallel_loop3A_1726 = arith.constant 16 : i32
        %parallel_loop3A_1727 = arith.addi %parallel_loop3A_1695, %parallel_loop3A_1726 : i32
        %parallel_loop3A_1728 = arith.index_cast %parallel_loop3A_1727 : i32 to index
        %parallel_loop3A_1729 = tpu.vector_load %arg18[%parallel_loop3A_1728] {strides = array<i32>} : memref<8320xf32, #tpu.memory_space<vmem>>, vector<16xf32>,
        tpu.vector_store %arg18[%parallel_loop3A_1728], %parallel_loop3A_1725 {strides = array<i32>} : memref<8320xf32, #tpu.memory_space<vmem>>, vector<16xf32>,
        %parallel_loop3A_1730 = arith.index_cast %and3A_443 : i32 to index
        %parallel_loop3A_1731 = arith.index_cast %parallel_loop3A_1689 : i32 to index
        %parallel_loop3A_1732 = arith.constant 32 : index
        %parallel_loop3A_1733 = tpu.vector_load %arg16[%parallel_loop3A_1730, %parallel_loop3A_1731, %parallel_loop3A_1732] {strides = array<i32>} : memref<2x128x64xf32, #tpu.memory_space<vmem>>, vector<16xf32>,
        %parallel_loop3A_1734 = vector.broadcast %parallel_loop3A_1691 : f32 to vector<16xf32>
        %parallel_loop3A_1735 = arith.mulf %parallel_loop3A_1733, %parallel_loop3A_1734 : vector<16xf32>
        %parallel_loop3A_1736 = arith.index_cast %and3A_443 : i32 to index
        %parallel_loop3A_1737 = arith.index_cast %parallel_loop3A_1689 : i32 to index
        %parallel_loop3A_1738 = arith.constant 32 : index
        %parallel_loop3A_1739 = tpu.vector_load %arg17[%parallel_loop3A_1736, %parallel_loop3A_1737, %parallel_loop3A_1738] {strides = array<i32>} : memref<2x128x64xf32, #tpu.memory_space<vmem>>, vector<16xf32>,
        %parallel_loop3A_1740 = vector.broadcast %parallel_loop3A_1693 : f32 to vector<16xf32>
        %parallel_loop3A_1741 = arith.mulf %parallel_loop3A_1739, %parallel_loop3A_1740 : vector<16xf32>
        %parallel_loop3A_1742 = arith.addf %parallel_loop3A_1735, %parallel_loop3A_1741 : vector<16xf32>
        %parallel_loop3A_1743 = arith.constant 32 : i32
        %parallel_loop3A_1744 = arith.addi %parallel_loop3A_1695, %parallel_loop3A_1743 : i32
        %parallel_loop3A_1745 = arith.index_cast %parallel_loop3A_1744 : i32 to index
        %parallel_loop3A_1746 = tpu.vector_load %arg18[%parallel_loop3A_1745] {strides = array<i32>} : memref<8320xf32, #tpu.memory_space<vmem>>, vector<16xf32>,
        tpu.vector_store %arg18[%parallel_loop3A_1745], %parallel_loop3A_1742 {strides = array<i32>} : memref<8320xf32, #tpu.memory_space<vmem>>, vector<16xf32>,
        %parallel_loop3A_1747 = arith.index_cast %and3A_443 : i32 to index
        %parallel_loop3A_1748 = arith.index_cast %parallel_loop3A_1689 : i32 to index
        %parallel_loop3A_1749 = arith.constant 48 : index
        %parallel_loop3A_1750 = tpu.vector_load %arg16[%parallel_loop3A_1747, %parallel_loop3A_1748, %parallel_loop3A_1749] {strides = array<i32>} : memref<2x128x64xf32, #tpu.memory_space<vmem>>, vector<16xf32>,
        %parallel_loop3A_1751 = vector.broadcast %parallel_loop3A_1691 : f32 to vector<16xf32>
        %parallel_loop3A_1752 = arith.mulf %parallel_loop3A_1750, %parallel_loop3A_1751 : vector<16xf32>
        %parallel_loop3A_1753 = arith.index_cast %and3A_443 : i32 to index
        %parallel_loop3A_1754 = arith.index_cast %parallel_loop3A_1689 : i32 to index
        %parallel_loop3A_1755 = arith.constant 48 : index
        %parallel_loop3A_1756 = tpu.vector_load %arg17[%parallel_loop3A_1753, %parallel_loop3A_1754, %parallel_loop3A_1755] {strides = array<i32>} : memref<2x128x64xf32, #tpu.memory_space<vmem>>, vector<16xf32>,
        %parallel_loop3A_1757 = vector.broadcast %parallel_loop3A_1693 : f32 to vector<16xf32>
        %parallel_loop3A_1758 = arith.mulf %parallel_loop3A_1756, %parallel_loop3A_1757 : vector<16xf32>
        %parallel_loop3A_1759 = arith.addf %parallel_loop3A_1752, %parallel_loop3A_1758 : vector<16xf32>
        %parallel_loop3A_1760 = arith.constant 48 : i32
        %parallel_loop3A_1761 = arith.addi %parallel_loop3A_1695, %parallel_loop3A_1760 : i32
        %parallel_loop3A_1762 = arith.index_cast %parallel_loop3A_1761 : i32 to index
        %parallel_loop3A_1763 = tpu.vector_load %arg18[%parallel_loop3A_1762] {strides = array<i32>} : memref<8320xf32, #tpu.memory_space<vmem>>, vector<16xf32>,
        tpu.vector_store %arg18[%parallel_loop3A_1762], %parallel_loop3A_1759 {strides = array<i32>} : memref<8320xf32, #tpu.memory_space<vmem>>, vector<16xf32>,
      } {sc.loop_unroll_factor = 1 : i64, sc.parallel_access}
      %scan3A_448 = arith.constant 0 : i32
      %scan3A_449 = arith.constant 0 : i32
      %scan3A_450 = arith.constant 8 : i32
      %scan3A_451 = arith.addi %scan3A_449, %scan3A_450 : i32
      %scan3A_452 = arith.constant 1 : i32
      scf.for %scan3A_539 = %scan3A_449 to %scan3A_451 step %scan3A_452  : i32 {
        %mul3A_540 = arith.constant 16 : i32
        %mul3A_541 = arith.muli %scan3A_539, %mul3A_540 : i32
        %add3A_542 = vector.broadcast %mul3A_541 : i32 to vector<16xi32>
        %add3A_543 = arith.addi %iota3A, %add3A_542 : vector<16xi32>
        %mul3A_544 = arith.constant 65 : i32
        %mul3A_545 = vector.broadcast %mul3A_544 : i32 to vector<16xi32>
        %mul3A_546 = arith.muli %add3A_543, %mul3A_545 : vector<16xi32>
        %add3A_547 = arith.addi %mul3A_445, %mul3A_541 : i32
        %parallel_loop3A_548 = arith.constant 0 : i32
        %parallel_loop3A_549 = arith.constant 64 : i32
        %parallel_loop3A_550 = arith.constant 1 : i32
        scf.for %parallel_loop3A_564 = %parallel_loop3A_548 to %parallel_loop3A_549 step %parallel_loop3A_550  : i32 {
          %parallel_loop3A_565 = vector.broadcast %parallel_loop3A_564 : i32 to vector<16xi32>
          %parallel_loop3A_566 = arith.addi %mul3A_546, %parallel_loop3A_565 : vector<16xi32>
          %parallel_loop3A_567 = tpu.vector_load_idx %arg18[%parallel_loop3A_566] : memref<8320xf32, #tpu.memory_space<vmem>>[vector<16xi32>], vector<16xf32>,
          %parallel_loop3A_568 = arith.constant 128 : i32
          %parallel_loop3A_569 = arith.muli %parallel_loop3A_564, %parallel_loop3A_568 : i32
          %parallel_loop3A_570 = arith.addi %add3A_547, %parallel_loop3A_569 : i32
          %parallel_loop3A_571 = arith.index_cast %parallel_loop3A_570 : i32 to index
          %parallel_loop3A_572 = tpu.vector_load %arg19[%parallel_loop3A_571] {strides = array<i32>} : memref<16896xf32, #tpu.memory_space<vmem>>, vector<16xf32>,
          tpu.vector_store %arg19[%parallel_loop3A_571], %parallel_loop3A_567 {strides = array<i32>} : memref<16896xf32, #tpu.memory_space<vmem>>, vector<16xf32>,
        } {sc.loop_unroll_factor = 4 : i64, sc.parallel_access}
        %add3A_551 = arith.constant 8192 : i32
        %add3A_552 = arith.addi %mul3A_445, %add3A_551 : i32
        %add3A_553 = arith.addi %add3A_552, %mul3A_541 : i32
        %get3A = arith.index_cast %and3A_443 : i32 to index
        %get3A_554 = arith.index_cast %mul3A_541 : i32 to index
        %get3A_555 = tpu.vector_load %arg14[%get3A, %get3A_554] {strides = array<i32>} : memref<2x128xf32, #tpu.memory_space<vmem>>, vector<16xf32>,
        %swap3A = arith.index_cast %add3A_553 : i32 to index
        %swap3A_556 = tpu.vector_load %arg19[%swap3A] {strides = array<i32>} : memref<16896xf32, #tpu.memory_space<vmem>>, vector<16xf32>,
        tpu.vector_store %arg19[%swap3A], %get3A_555 {strides = array<i32>} : memref<16896xf32, #tpu.memory_space<vmem>>, vector<16xf32>,
        %get3A_557 = arith.index_cast %and3A_443 : i32 to index
        %get3A_558 = arith.index_cast %mul3A_541 : i32 to index
        %get3A_559 = tpu.vector_load %arg15[%get3A_557, %get3A_558] {strides = array<i32>} : memref<2x128xf32, #tpu.memory_space<vmem>>, vector<16xf32>,
        %add3A_560 = arith.constant 128 : i32
        %add3A_561 = arith.addi %add3A_553, %add3A_560 : i32
        %swap3A_562 = arith.index_cast %add3A_561 : i32 to index
        %swap3A_563 = tpu.vector_load %arg19[%swap3A_562] {strides = array<i32>} : memref<16896xf32, #tpu.memory_space<vmem>>, vector<16xf32>,
        tpu.vector_store %arg19[%swap3A_562], %get3A_559 {strides = array<i32>} : memref<16896xf32, #tpu.memory_space<vmem>>, vector<16xf32>,
      }
      %scan3A_453 = arith.constant 8 : i32
      %and3A_454 = arith.constant 1 : i32
      %and3A_455 = arith.andi %scan3A_379, %and3A_454 : i32
      %mul3A_456 = arith.constant 8448 : i32
      %mul3A_457 = arith.muli %and3A_455, %mul3A_456 : i32
      %add3A_458 = arith.addi %mul3A_2, %scan3A_379 : i32
      %div3A = arith.constant 128 : i32
      %div3A_459 = arith.divsi %add3A_458, %div3A : i32
      %rem3A_460 = arith.constant 128 : i32
      %rem3A_461 = arith.remsi %add3A_458, %rem3A_460 : i32
      %mul3A_462 = arith.constant 1179648 : i32
      %mul3A_463 = arith.muli %div3A_459, %mul3A_462 : i32
      %mul3A_464 = arith.constant 1024 : i32
      %mul3A_465 = arith.muli %rem3A_461, %mul3A_464 : i32
      %add3A_466 = arith.addi %mul3A_463, %mul3A_465 : i32
      %add3A_467 = arith.constant 0 : i32
      %add3A_468 = arith.addi %mul3A_457, %add3A_467 : i32
      %add3A_469 = arith.constant 0 : i32
      %add3A_470 = arith.addi %add3A_466, %add3A_469 : i32
      %dma_start3A_471 = tpu.memref_slice %arg19[%add3A_468] : memref<16896xf32, #tpu.memory_space<vmem>> -> memref<1024xf32, #tpu.memory_space<vmem>>
      %dma_start3A_472 = tpu.memref_slice %arg8[%add3A_470] : memref<23592960xf32, #tpu.memory_space<hbm>> -> memref<1024xf32, #tpu.memory_space<hbm>>
      %dma_start3A_473 = tpu.memref_slice %arg8[%add3A_470] : memref<23592960xf32, #tpu.memory_space<hbm>> -> memref<1024xf32, #tpu.memory_space<hbm>>
      %dma_start3A_474 = tpu.memref_slice %arg19[%add3A_468] : memref<16896xf32, #tpu.memory_space<vmem>> -> memref<1024xf32, #tpu.memory_space<vmem>>
      tpu.enqueue_dma source(%dma_start3A_474 : memref<1024xf32, #tpu.memory_space<vmem>>) target(%dma_start3A_473 : memref<1024xf32, #tpu.memory_space<hbm>>) target_semaphore(%arg23 : memref<!tpu.dma_semaphore, #tpu.memory_space<semaphore_mem>>)
      %add3A_475 = arith.constant 1024 : i32
      %add3A_476 = arith.addi %mul3A_457, %add3A_475 : i32
      %add3A_477 = arith.constant 131072 : i32
      %add3A_478 = arith.addi %add3A_466, %add3A_477 : i32
      %dma_start3A_479 = tpu.memref_slice %arg19[%add3A_476] : memref<16896xf32, #tpu.memory_space<vmem>> -> memref<1024xf32, #tpu.memory_space<vmem>>
      %dma_start3A_480 = tpu.memref_slice %arg8[%add3A_478] : memref<23592960xf32, #tpu.memory_space<hbm>> -> memref<1024xf32, #tpu.memory_space<hbm>>
      %dma_start3A_481 = tpu.memref_slice %arg8[%add3A_478] : memref<23592960xf32, #tpu.memory_space<hbm>> -> memref<1024xf32, #tpu.memory_space<hbm>>
      %dma_start3A_482 = tpu.memref_slice %arg19[%add3A_476] : memref<16896xf32, #tpu.memory_space<vmem>> -> memref<1024xf32, #tpu.memory_space<vmem>>
      tpu.enqueue_dma source(%dma_start3A_482 : memref<1024xf32, #tpu.memory_space<vmem>>) target(%dma_start3A_481 : memref<1024xf32, #tpu.memory_space<hbm>>) target_semaphore(%arg23 : memref<!tpu.dma_semaphore, #tpu.memory_space<semaphore_mem>>)
      %add3A_483 = arith.constant 2048 : i32
      %add3A_484 = arith.addi %mul3A_457, %add3A_483 : i32
      %add3A_485 = arith.constant 262144 : i32
      %add3A_486 = arith.addi %add3A_466, %add3A_485 : i32
      %dma_start3A_487 = tpu.memref_slice %arg19[%add3A_484] : memref<16896xf32, #tpu.memory_space<vmem>> -> memref<1024xf32, #tpu.memory_space<vmem>>
      %dma_start3A_488 = tpu.memref_slice %arg8[%add3A_486] : memref<23592960xf32, #tpu.memory_space<hbm>> -> memref<1024xf32, #tpu.memory_space<hbm>>
      %dma_start3A_489 = tpu.memref_slice %arg8[%add3A_486] : memref<23592960xf32, #tpu.memory_space<hbm>> -> memref<1024xf32, #tpu.memory_space<hbm>>
      %dma_start3A_490 = tpu.memref_slice %arg19[%add3A_484] : memref<16896xf32, #tpu.memory_space<vmem>> -> memref<1024xf32, #tpu.memory_space<vmem>>
      tpu.enqueue_dma source(%dma_start3A_490 : memref<1024xf32, #tpu.memory_space<vmem>>) target(%dma_start3A_489 : memref<1024xf32, #tpu.memory_space<hbm>>) target_semaphore(%arg23 : memref<!tpu.dma_semaphore, #tpu.memory_space<semaphore_mem>>)
      %add3A_491 = arith.constant 3072 : i32
      %add3A_492 = arith.addi %mul3A_457, %add3A_491 : i32
      %add3A_493 = arith.constant 393216 : i32
      %add3A_494 = arith.addi %add3A_466, %add3A_493 : i32
      %dma_start3A_495 = tpu.memref_slice %arg19[%add3A_492] : memref<16896xf32, #tpu.memory_space<vmem>> -> memref<1024xf32, #tpu.memory_space<vmem>>
      %dma_start3A_496 = tpu.memref_slice %arg8[%add3A_494] : memref<23592960xf32, #tpu.memory_space<hbm>> -> memref<1024xf32, #tpu.memory_space<hbm>>
      %dma_start3A_497 = tpu.memref_slice %arg8[%add3A_494] : memref<23592960xf32, #tpu.memory_space<hbm>> -> memref<1024xf32, #tpu.memory_space<hbm>>
      %dma_start3A_498 = tpu.memref_slice %arg19[%add3A_492] : memref<16896xf32, #tpu.memory_space<vmem>> -> memref<1024xf32, #tpu.memory_space<vmem>>
      tpu.enqueue_dma source(%dma_start3A_498 : memref<1024xf32, #tpu.memory_space<vmem>>) target(%dma_start3A_497 : memref<1024xf32, #tpu.memory_space<hbm>>) target_semaphore(%arg23 : memref<!tpu.dma_semaphore, #tpu.memory_space<semaphore_mem>>)
      %add3A_499 = arith.constant 4096 : i32
      %add3A_500 = arith.addi %mul3A_457, %add3A_499 : i32
      %add3A_501 = arith.constant 524288 : i32
      %add3A_502 = arith.addi %add3A_466, %add3A_501 : i32
      %dma_start3A_503 = tpu.memref_slice %arg19[%add3A_500] : memref<16896xf32, #tpu.memory_space<vmem>> -> memref<1024xf32, #tpu.memory_space<vmem>>
      %dma_start3A_504 = tpu.memref_slice %arg8[%add3A_502] : memref<23592960xf32, #tpu.memory_space<hbm>> -> memref<1024xf32, #tpu.memory_space<hbm>>
      %dma_start3A_505 = tpu.memref_slice %arg8[%add3A_502] : memref<23592960xf32, #tpu.memory_space<hbm>> -> memref<1024xf32, #tpu.memory_space<hbm>>
      %dma_start3A_506 = tpu.memref_slice %arg19[%add3A_500] : memref<16896xf32, #tpu.memory_space<vmem>> -> memref<1024xf32, #tpu.memory_space<vmem>>
      tpu.enqueue_dma source(%dma_start3A_506 : memref<1024xf32, #tpu.memory_space<vmem>>) target(%dma_start3A_505 : memref<1024xf32, #tpu.memory_space<hbm>>) target_semaphore(%arg23 : memref<!tpu.dma_semaphore, #tpu.memory_space<semaphore_mem>>)
      %add3A_507 = arith.constant 5120 : i32
      %add3A_508 = arith.addi %mul3A_457, %add3A_507 : i32
      %add3A_509 = arith.constant 655360 : i32
      %add3A_510 = arith.addi %add3A_466, %add3A_509 : i32
      %dma_start3A_511 = tpu.memref_slice %arg19[%add3A_508] : memref<16896xf32, #tpu.memory_space<vmem>> -> memref<1024xf32, #tpu.memory_space<vmem>>
      %dma_start3A_512 = tpu.memref_slice %arg8[%add3A_510] : memref<23592960xf32, #tpu.memory_space<hbm>> -> memref<1024xf32, #tpu.memory_space<hbm>>
      %dma_start3A_513 = tpu.memref_slice %arg8[%add3A_510] : memref<23592960xf32, #tpu.memory_space<hbm>> -> memref<1024xf32, #tpu.memory_space<hbm>>
      %dma_start3A_514 = tpu.memref_slice %arg19[%add3A_508] : memref<16896xf32, #tpu.memory_space<vmem>> -> memref<1024xf32, #tpu.memory_space<vmem>>
      tpu.enqueue_dma source(%dma_start3A_514 : memref<1024xf32, #tpu.memory_space<vmem>>) target(%dma_start3A_513 : memref<1024xf32, #tpu.memory_space<hbm>>) target_semaphore(%arg23 : memref<!tpu.dma_semaphore, #tpu.memory_space<semaphore_mem>>)
      %add3A_515 = arith.constant 6144 : i32
      %add3A_516 = arith.addi %mul3A_457, %add3A_515 : i32
      %add3A_517 = arith.constant 786432 : i32
      %add3A_518 = arith.addi %add3A_466, %add3A_517 : i32
      %dma_start3A_519 = tpu.memref_slice %arg19[%add3A_516] : memref<16896xf32, #tpu.memory_space<vmem>> -> memref<1024xf32, #tpu.memory_space<vmem>>
      %dma_start3A_520 = tpu.memref_slice %arg8[%add3A_518] : memref<23592960xf32, #tpu.memory_space<hbm>> -> memref<1024xf32, #tpu.memory_space<hbm>>
      %dma_start3A_521 = tpu.memref_slice %arg8[%add3A_518] : memref<23592960xf32, #tpu.memory_space<hbm>> -> memref<1024xf32, #tpu.memory_space<hbm>>
      %dma_start3A_522 = tpu.memref_slice %arg19[%add3A_516] : memref<16896xf32, #tpu.memory_space<vmem>> -> memref<1024xf32, #tpu.memory_space<vmem>>
      tpu.enqueue_dma source(%dma_start3A_522 : memref<1024xf32, #tpu.memory_space<vmem>>) target(%dma_start3A_521 : memref<1024xf32, #tpu.memory_space<hbm>>) target_semaphore(%arg23 : memref<!tpu.dma_semaphore, #tpu.memory_space<semaphore_mem>>)
      %add3A_523 = arith.constant 7168 : i32
      %add3A_524 = arith.addi %mul3A_457, %add3A_523 : i32
      %add3A_525 = arith.constant 917504 : i32
      %add3A_526 = arith.addi %add3A_466, %add3A_525 : i32
      %dma_start3A_527 = tpu.memref_slice %arg19[%add3A_524] : memref<16896xf32, #tpu.memory_space<vmem>> -> memref<1024xf32, #tpu.memory_space<vmem>>
      %dma_start3A_528 = tpu.memref_slice %arg8[%add3A_526] : memref<23592960xf32, #tpu.memory_space<hbm>> -> memref<1024xf32, #tpu.memory_space<hbm>>
      %dma_start3A_529 = tpu.memref_slice %arg8[%add3A_526] : memref<23592960xf32, #tpu.memory_space<hbm>> -> memref<1024xf32, #tpu.memory_space<hbm>>
      %dma_start3A_530 = tpu.memref_slice %arg19[%add3A_524] : memref<16896xf32, #tpu.memory_space<vmem>> -> memref<1024xf32, #tpu.memory_space<vmem>>
      tpu.enqueue_dma source(%dma_start3A_530 : memref<1024xf32, #tpu.memory_space<vmem>>) target(%dma_start3A_529 : memref<1024xf32, #tpu.memory_space<hbm>>) target_semaphore(%arg23 : memref<!tpu.dma_semaphore, #tpu.memory_space<semaphore_mem>>)
      %add3A_531 = arith.constant 8192 : i32
      %add3A_532 = arith.addi %mul3A_457, %add3A_531 : i32
      %add3A_533 = arith.constant 1048576 : i32
      %add3A_534 = arith.addi %add3A_466, %add3A_533 : i32
      %dma_start3A_535 = tpu.memref_slice %arg19[%add3A_532] : memref<16896xf32, #tpu.memory_space<vmem>> -> memref<256xf32, #tpu.memory_space<vmem>>
      %dma_start3A_536 = tpu.memref_slice %arg8[%add3A_534] : memref<23592960xf32, #tpu.memory_space<hbm>> -> memref<256xf32, #tpu.memory_space<hbm>>
      %dma_start3A_537 = tpu.memref_slice %arg8[%add3A_534] : memref<23592960xf32, #tpu.memory_space<hbm>> -> memref<256xf32, #tpu.memory_space<hbm>>
      %dma_start3A_538 = tpu.memref_slice %arg19[%add3A_532] : memref<16896xf32, #tpu.memory_space<vmem>> -> memref<256xf32, #tpu.memory_space<vmem>>
      tpu.enqueue_dma source(%dma_start3A_538 : memref<256xf32, #tpu.memory_space<vmem>>) target(%dma_start3A_537 : memref<256xf32, #tpu.memory_space<hbm>>) target_semaphore(%arg23 : memref<!tpu.dma_semaphore, #tpu.memory_space<semaphore_mem>>)
    }
    %scan3A_234 = arith.constant 80 : i32
    %dma_wait3A_235 = arith.constant 0 : i32
    %dma_wait3A_236 = tpu.memref_slice %arg19[%dma_wait3A_235] : memref<16896xf32, #tpu.memory_space<vmem>> -> memref<1024xf32, #tpu.memory_space<vmem>>
    %dma_wait3A_237 = arith.constant 0 : i32
    %dma_wait3A_238 = tpu.memref_slice %arg8[%dma_wait3A_237] : memref<23592960xf32, #tpu.memory_space<hbm>> -> memref<1024xf32, #tpu.memory_space<hbm>>
    %dma_wait3A_239 = arith.constant 0 : i32
    %dma_wait3A_240 = tpu.memref_slice %arg8[%dma_wait3A_239] : memref<23592960xf32, #tpu.memory_space<hbm>> -> memref<1024xf32, #tpu.memory_space<hbm>>
    %dma_wait3A_241 = arith.constant 0 : i32
    %dma_wait3A_242 = tpu.memref_slice %arg19[%dma_wait3A_241] : memref<16896xf32, #tpu.memory_space<vmem>> -> memref<1024xf32, #tpu.memory_space<vmem>>
    tpu.wait_dma2 semaphore(%arg23 : memref<!tpu.dma_semaphore, #tpu.memory_space<semaphore_mem>>) src(%dma_wait3A_242 : memref<1024xf32, #tpu.memory_space<vmem>>) dst(%dma_wait3A_240 : memref<1024xf32, #tpu.memory_space<hbm>>)
    %dma_wait3A_243 = arith.constant 0 : i32
    %dma_wait3A_244 = tpu.memref_slice %arg19[%dma_wait3A_243] : memref<16896xf32, #tpu.memory_space<vmem>> -> memref<1024xf32, #tpu.memory_space<vmem>>
    %dma_wait3A_245 = arith.constant 0 : i32
    %dma_wait3A_246 = tpu.memref_slice %arg8[%dma_wait3A_245] : memref<23592960xf32, #tpu.memory_space<hbm>> -> memref<1024xf32, #tpu.memory_space<hbm>>
    %dma_wait3A_247 = arith.constant 0 : i32
    %dma_wait3A_248 = tpu.memref_slice %arg8[%dma_wait3A_247] : memref<23592960xf32, #tpu.memory_space<hbm>> -> memref<1024xf32, #tpu.memory_space<hbm>>
    %dma_wait3A_249 = arith.constant 0 : i32
    %dma_wait3A_250 = tpu.memref_slice %arg19[%dma_wait3A_249] : memref<16896xf32, #tpu.memory_space<vmem>> -> memref<1024xf32, #tpu.memory_space<vmem>>
    tpu.wait_dma2 semaphore(%arg23 : memref<!tpu.dma_semaphore, #tpu.memory_space<semaphore_mem>>) src(%dma_wait3A_250 : memref<1024xf32, #tpu.memory_space<vmem>>) dst(%dma_wait3A_248 : memref<1024xf32, #tpu.memory_space<hbm>>)
    %dma_wait3A_251 = arith.constant 0 : i32
    %dma_wait3A_252 = tpu.memref_slice %arg19[%dma_wait3A_251] : memref<16896xf32, #tpu.memory_space<vmem>> -> memref<1024xf32, #tpu.memory_space<vmem>>
    %dma_wait3A_253 = arith.constant 0 : i32
    %dma_wait3A_254 = tpu.memref_slice %arg8[%dma_wait3A_253] : memref<23592960xf32, #tpu.memory_space<hbm>> -> memref<1024xf32, #tpu.memory_space<hbm>>
    %dma_wait3A_255 = arith.constant 0 : i32
    %dma_wait3A_256 = tpu.memref_slice %arg8[%dma_wait3A_255] : memref<23592960xf32, #tpu.memory_space<hbm>> -> memref<1024xf32, #tpu.memory_space<hbm>>
    %dma_wait3A_257 = arith.constant 0 : i32
    %dma_wait3A_258 = tpu.memref_slice %arg19[%dma_wait3A_257] : memref<16896xf32, #tpu.memory_space<vmem>> -> memref<1024xf32, #tpu.memory_space<vmem>>
    tpu.wait_dma2 semaphore(%arg23 : memref<!tpu.dma_semaphore, #tpu.memory_space<semaphore_mem>>) src(%dma_wait3A_258 : memref<1024xf32, #tpu.memory_space<vmem>>) dst(%dma_wait3A_256 : memref<1024xf32, #tpu.memory_space<hbm>>)
    %dma_wait3A_259 = arith.constant 0 : i32
    %dma_wait3A_260 = tpu.memref_slice %arg19[%dma_wait3A_259] : memref<16896xf32, #tpu.memory_space<vmem>> -> memref<1024xf32, #tpu.memory_space<vmem>>
    %dma_wait3A_261 = arith.constant 0 : i32
    %dma_wait3A_262 = tpu.memref_slice %arg8[%dma_wait3A_261] : memref<23592960xf32, #tpu.memory_space<hbm>> -> memref<1024xf32, #tpu.memory_space<hbm>>
    %dma_wait3A_263 = arith.constant 0 : i32
    %dma_wait3A_264 = tpu.memref_slice %arg8[%dma_wait3A_263] : memref<23592960xf32, #tpu.memory_space<hbm>> -> memref<1024xf32, #tpu.memory_space<hbm>>
    %dma_wait3A_265 = arith.constant 0 : i32
    %dma_wait3A_266 = tpu.memref_slice %arg19[%dma_wait3A_265] : memref<16896xf32, #tpu.memory_space<vmem>> -> memref<1024xf32, #tpu.memory_space<vmem>>
    tpu.wait_dma2 semaphore(%arg23 : memref<!tpu.dma_semaphore, #tpu.memory_space<semaphore_mem>>) src(%dma_wait3A_266 : memref<1024xf32, #tpu.memory_space<vmem>>) dst(%dma_wait3A_264 : memref<1024xf32, #tpu.memory_space<hbm>>)
    %dma_wait3A_267 = arith.constant 0 : i32
    %dma_wait3A_268 = tpu.memref_slice %arg19[%dma_wait3A_267] : memref<16896xf32, #tpu.memory_space<vmem>> -> memref<1024xf32, #tpu.memory_space<vmem>>
    %dma_wait3A_269 = arith.constant 0 : i32
    %dma_wait3A_270 = tpu.memref_slice %arg8[%dma_wait3A_269] : memref<23592960xf32, #tpu.memory_space<hbm>> -> memref<1024xf32, #tpu.memory_space<hbm>>
    %dma_wait3A_271 = arith.constant 0 : i32
    %dma_wait3A_272 = tpu.memref_slice %arg8[%dma_wait3A_271] : memref<23592960xf32, #tpu.memory_space<hbm>> -> memref<1024xf32, #tpu.memory_space<hbm>>
    %dma_wait3A_273 = arith.constant 0 : i32
    %dma_wait3A_274 = tpu.memref_slice %arg19[%dma_wait3A_273] : memref<16896xf32, #tpu.memory_space<vmem>> -> memref<1024xf32, #tpu.memory_space<vmem>>
    tpu.wait_dma2 semaphore(%arg23 : memref<!tpu.dma_semaphore, #tpu.memory_space<semaphore_mem>>) src(%dma_wait3A_274 : memref<1024xf32, #tpu.memory_space<vmem>>) dst(%dma_wait3A_272 : memref<1024xf32, #tpu.memory_space<hbm>>)
    %dma_wait3A_275 = arith.constant 0 : i32
    %dma_wait3A_276 = tpu.memref_slice %arg19[%dma_wait3A_275] : memref<16896xf32, #tpu.memory_space<vmem>> -> memref<1024xf32, #tpu.memory_space<vmem>>
    %dma_wait3A_277 = arith.constant 0 : i32
    %dma_wait3A_278 = tpu.memref_slice %arg8[%dma_wait3A_277] : memref<23592960xf32, #tpu.memory_space<hbm>> -> memref<1024xf32, #tpu.memory_space<hbm>>
    %dma_wait3A_279 = arith.constant 0 : i32
    %dma_wait3A_280 = tpu.memref_slice %arg8[%dma_wait3A_279] : memref<23592960xf32, #tpu.memory_space<hbm>> -> memref<1024xf32, #tpu.memory_space<hbm>>
    %dma_wait3A_281 = arith.constant 0 : i32
    %dma_wait3A_282 = tpu.memref_slice %arg19[%dma_wait3A_281] : memref<16896xf32, #tpu.memory_space<vmem>> -> memref<1024xf32, #tpu.memory_space<vmem>>
    tpu.wait_dma2 semaphore(%arg23 : memref<!tpu.dma_semaphore, #tpu.memory_space<semaphore_mem>>) src(%dma_wait3A_282 : memref<1024xf32, #tpu.memory_space<vmem>>) dst(%dma_wait3A_280 : memref<1024xf32, #tpu.memory_space<hbm>>)
    %dma_wait3A_283 = arith.constant 0 : i32
    %dma_wait3A_284 = tpu.memref_slice %arg19[%dma_wait3A_283] : memref<16896xf32, #tpu.memory_space<vmem>> -> memref<1024xf32, #tpu.memory_space<vmem>>
    %dma_wait3A_285 = arith.constant 0 : i32
    %dma_wait3A_286 = tpu.memref_slice %arg8[%dma_wait3A_285] : memref<23592960xf32, #tpu.memory_space<hbm>> -> memref<1024xf32, #tpu.memory_space<hbm>>
    %dma_wait3A_287 = arith.constant 0 : i32
    %dma_wait3A_288 = tpu.memref_slice %arg8[%dma_wait3A_287] : memref<23592960xf32, #tpu.memory_space<hbm>> -> memref<1024xf32, #tpu.memory_space<hbm>>
    %dma_wait3A_289 = arith.constant 0 : i32
    %dma_wait3A_290 = tpu.memref_slice %arg19[%dma_wait3A_289] : memref<16896xf32, #tpu.memory_space<vmem>> -> memref<1024xf32, #tpu.memory_space<vmem>>
    tpu.wait_dma2 semaphore(%arg23 : memref<!tpu.dma_semaphore, #tpu.memory_space<semaphore_mem>>) src(%dma_wait3A_290 : memref<1024xf32, #tpu.memory_space<vmem>>) dst(%dma_wait3A_288 : memref<1024xf32, #tpu.memory_space<hbm>>)
    %dma_wait3A_291 = arith.constant 0 : i32
    %dma_wait3A_292 = tpu.memref_slice %arg19[%dma_wait3A_291] : memref<16896xf32, #tpu.memory_space<vmem>> -> memref<1024xf32, #tpu.memory_space<vmem>>
    %dma_wait3A_293 = arith.constant 0 : i32
    %dma_wait3A_294 = tpu.memref_slice %arg8[%dma_wait3A_293] : memref<23592960xf32, #tpu.memory_space<hbm>> -> memref<1024xf32, #tpu.memory_space<hbm>>
    %dma_wait3A_295 = arith.constant 0 : i32
    %dma_wait3A_296 = tpu.memref_slice %arg8[%dma_wait3A_295] : memref<23592960xf32, #tpu.memory_space<hbm>> -> memref<1024xf32, #tpu.memory_space<hbm>>
    %dma_wait3A_297 = arith.constant 0 : i32
    %dma_wait3A_298 = tpu.memref_slice %arg19[%dma_wait3A_297] : memref<16896xf32, #tpu.memory_space<vmem>> -> memref<1024xf32, #tpu.memory_space<vmem>>
    tpu.wait_dma2 semaphore(%arg23 : memref<!tpu.dma_semaphore, #tpu.memory_space<semaphore_mem>>) src(%dma_wait3A_298 : memref<1024xf32, #tpu.memory_space<vmem>>) dst(%dma_wait3A_296 : memref<1024xf32, #tpu.memory_space<hbm>>)
    %dma_wait3A_299 = arith.constant 0 : i32
    %dma_wait3A_300 = tpu.memref_slice %arg19[%dma_wait3A_299] : memref<16896xf32, #tpu.memory_space<vmem>> -> memref<256xf32, #tpu.memory_space<vmem>>
    %dma_wait3A_301 = arith.constant 0 : i32
    %dma_wait3A_302 = tpu.memref_slice %arg8[%dma_wait3A_301] : memref<23592960xf32, #tpu.memory_space<hbm>> -> memref<256xf32, #tpu.memory_space<hbm>>
    %dma_wait3A_303 = arith.constant 0 : i32
    %dma_wait3A_304 = tpu.memref_slice %arg8[%dma_wait3A_303] : memref<23592960xf32, #tpu.memory_space<hbm>> -> memref<256xf32, #tpu.memory_space<hbm>>
    %dma_wait3A_305 = arith.constant 0 : i32
    %dma_wait3A_306 = tpu.memref_slice %arg19[%dma_wait3A_305] : memref<16896xf32, #tpu.memory_space<vmem>> -> memref<256xf32, #tpu.memory_space<vmem>>
    tpu.wait_dma2 semaphore(%arg23 : memref<!tpu.dma_semaphore, #tpu.memory_space<semaphore_mem>>) src(%dma_wait3A_306 : memref<256xf32, #tpu.memory_space<vmem>>) dst(%dma_wait3A_304 : memref<256xf32, #tpu.memory_space<hbm>>)
    %dma_wait3A_307 = arith.constant 0 : i32
    %dma_wait3A_308 = tpu.memref_slice %arg19[%dma_wait3A_307] : memref<16896xf32, #tpu.memory_space<vmem>> -> memref<1024xf32, #tpu.memory_space<vmem>>
    %dma_wait3A_309 = arith.constant 0 : i32
    %dma_wait3A_310 = tpu.memref_slice %arg8[%dma_wait3A_309] : memref<23592960xf32, #tpu.memory_space<hbm>> -> memref<1024xf32, #tpu.memory_space<hbm>>
    %dma_wait3A_311 = arith.constant 0 : i32
    %dma_wait3A_312 = tpu.memref_slice %arg8[%dma_wait3A_311] : memref<23592960xf32, #tpu.memory_space<hbm>> -> memref<1024xf32, #tpu.memory_space<hbm>>
    %dma_wait3A_313 = arith.constant 0 : i32
    %dma_wait3A_314 = tpu.memref_slice %arg19[%dma_wait3A_313] : memref<16896xf32, #tpu.memory_space<vmem>> -> memref<1024xf32, #tpu.memory_space<vmem>>
    tpu.wait_dma2 semaphore(%arg23 : memref<!tpu.dma_semaphore, #tpu.memory_space<semaphore_mem>>) src(%dma_wait3A_314 : memref<1024xf32, #tpu.memory_space<vmem>>) dst(%dma_wait3A_312 : memref<1024xf32, #tpu.memory_space<hbm>>)
    %dma_wait3A_315 = arith.constant 0 : i32
    %dma_wait3A_316 = tpu.memref_slice %arg19[%dma_wait3A_315] : memref<16896xf32, #tpu.memory_space<vmem>> -> memref<1024xf32, #tpu.memory_space<vmem>>
    %dma_wait3A_317 = arith.constant 0 : i32
    %dma_wait3A_318 = tpu.memref_slice %arg8[%dma_wait3A_317] : memref<23592960xf32, #tpu.memory_space<hbm>> -> memref<1024xf32, #tpu.memory_space<hbm>>
    %dma_wait3A_319 = arith.constant 0 : i32
    %dma_wait3A_320 = tpu.memref_slice %arg8[%dma_wait3A_319] : memref<23592960xf32, #tpu.memory_space<hbm>> -> memref<1024xf32, #tpu.memory_space<hbm>>
    %dma_wait3A_321 = arith.constant 0 : i32
    %dma_wait3A_322 = tpu.memref_slice %arg19[%dma_wait3A_321] : memref<16896xf32, #tpu.memory_space<vmem>> -> memref<1024xf32, #tpu.memory_space<vmem>>
    tpu.wait_dma2 semaphore(%arg23 : memref<!tpu.dma_semaphore, #tpu.memory_space<semaphore_mem>>) src(%dma_wait3A_322 : memref<1024xf32, #tpu.memory_space<vmem>>) dst(%dma_wait3A_320 : memref<1024xf32, #tpu.memory_space<hbm>>)
    %dma_wait3A_323 = arith.constant 0 : i32
    %dma_wait3A_324 = tpu.memref_slice %arg19[%dma_wait3A_323] : memref<16896xf32, #tpu.memory_space<vmem>> -> memref<1024xf32, #tpu.memory_space<vmem>>
    %dma_wait3A_325 = arith.constant 0 : i32
    %dma_wait3A_326 = tpu.memref_slice %arg8[%dma_wait3A_325] : memref<23592960xf32, #tpu.memory_space<hbm>> -> memref<1024xf32, #tpu.memory_space<hbm>>
    %dma_wait3A_327 = arith.constant 0 : i32
    %dma_wait3A_328 = tpu.memref_slice %arg8[%dma_wait3A_327] : memref<23592960xf32, #tpu.memory_space<hbm>> -> memref<1024xf32, #tpu.memory_space<hbm>>
    %dma_wait3A_329 = arith.constant 0 : i32
    %dma_wait3A_330 = tpu.memref_slice %arg19[%dma_wait3A_329] : memref<16896xf32, #tpu.memory_space<vmem>> -> memref<1024xf32, #tpu.memory_space<vmem>>
    tpu.wait_dma2 semaphore(%arg23 : memref<!tpu.dma_semaphore, #tpu.memory_space<semaphore_mem>>) src(%dma_wait3A_330 : memref<1024xf32, #tpu.memory_space<vmem>>) dst(%dma_wait3A_328 : memref<1024xf32, #tpu.memory_space<hbm>>)
    %dma_wait3A_331 = arith.constant 0 : i32
    %dma_wait3A_332 = tpu.memref_slice %arg19[%dma_wait3A_331] : memref<16896xf32, #tpu.memory_space<vmem>> -> memref<1024xf32, #tpu.memory_space<vmem>>
    %dma_wait3A_333 = arith.constant 0 : i32
    %dma_wait3A_334 = tpu.memref_slice %arg8[%dma_wait3A_333] : memref<23592960xf32, #tpu.memory_space<hbm>> -> memref<1024xf32, #tpu.memory_space<hbm>>
    %dma_wait3A_335 = arith.constant 0 : i32
    %dma_wait3A_336 = tpu.memref_slice %arg8[%dma_wait3A_335] : memref<23592960xf32, #tpu.memory_space<hbm>> -> memref<1024xf32, #tpu.memory_space<hbm>>
    %dma_wait3A_337 = arith.constant 0 : i32
    %dma_wait3A_338 = tpu.memref_slice %arg19[%dma_wait3A_337] : memref<16896xf32, #tpu.memory_space<vmem>> -> memref<1024xf32, #tpu.memory_space<vmem>>
    tpu.wait_dma2 semaphore(%arg23 : memref<!tpu.dma_semaphore, #tpu.memory_space<semaphore_mem>>) src(%dma_wait3A_338 : memref<1024xf32, #tpu.memory_space<vmem>>) dst(%dma_wait3A_336 : memref<1024xf32, #tpu.memory_space<hbm>>)
    %dma_wait3A_339 = arith.constant 0 : i32
    %dma_wait3A_340 = tpu.memref_slice %arg19[%dma_wait3A_339] : memref<16896xf32, #tpu.memory_space<vmem>> -> memref<1024xf32, #tpu.memory_space<vmem>>
    %dma_wait3A_341 = arith.constant 0 : i32
    %dma_wait3A_342 = tpu.memref_slice %arg8[%dma_wait3A_341] : memref<23592960xf32, #tpu.memory_space<hbm>> -> memref<1024xf32, #tpu.memory_space<hbm>>
    %dma_wait3A_343 = arith.constant 0 : i32
    %dma_wait3A_344 = tpu.memref_slice %arg8[%dma_wait3A_343] : memref<23592960xf32, #tpu.memory_space<hbm>> -> memref<1024xf32, #tpu.memory_space<hbm>>
    %dma_wait3A_345 = arith.constant 0 : i32
    %dma_wait3A_346 = tpu.memref_slice %arg19[%dma_wait3A_345] : memref<16896xf32, #tpu.memory_space<vmem>> -> memref<1024xf32, #tpu.memory_space<vmem>>
    tpu.wait_dma2 semaphore(%arg23 : memref<!tpu.dma_semaphore, #tpu.memory_space<semaphore_mem>>) src(%dma_wait3A_346 : memref<1024xf32, #tpu.memory_space<vmem>>) dst(%dma_wait3A_344 : memref<1024xf32, #tpu.memory_space<hbm>>)
    %dma_wait3A_347 = arith.constant 0 : i32
    %dma_wait3A_348 = tpu.memref_slice %arg19[%dma_wait3A_347] : memref<16896xf32, #tpu.memory_space<vmem>> -> memref<1024xf32, #tpu.memory_space<vmem>>
    %dma_wait3A_349 = arith.constant 0 : i32
    %dma_wait3A_350 = tpu.memref_slice %arg8[%dma_wait3A_349] : memref<23592960xf32, #tpu.memory_space<hbm>> -> memref<1024xf32, #tpu.memory_space<hbm>>
    %dma_wait3A_351 = arith.constant 0 : i32
    %dma_wait3A_352 = tpu.memref_slice %arg8[%dma_wait3A_351] : memref<23592960xf32, #tpu.memory_space<hbm>> -> memref<1024xf32, #tpu.memory_space<hbm>>
    %dma_wait3A_353 = arith.constant 0 : i32
    %dma_wait3A_354 = tpu.memref_slice %arg19[%dma_wait3A_353] : memref<16896xf32, #tpu.memory_space<vmem>> -> memref<1024xf32, #tpu.memory_space<vmem>>
    tpu.wait_dma2 semaphore(%arg23 : memref<!tpu.dma_semaphore, #tpu.memory_space<semaphore_mem>>) src(%dma_wait3A_354 : memref<1024xf32, #tpu.memory_space<vmem>>) dst(%dma_wait3A_352 : memref<1024xf32, #tpu.memory_space<hbm>>)
    %dma_wait3A_355 = arith.constant 0 : i32
    %dma_wait3A_356 = tpu.memref_slice %arg19[%dma_wait3A_355] : memref<16896xf32, #tpu.memory_space<vmem>> -> memref<1024xf32, #tpu.memory_space<vmem>>
    %dma_wait3A_357 = arith.constant 0 : i32
    %dma_wait3A_358 = tpu.memref_slice %arg8[%dma_wait3A_357] : memref<23592960xf32, #tpu.memory_space<hbm>> -> memref<1024xf32, #tpu.memory_space<hbm>>
    %dma_wait3A_359 = arith.constant 0 : i32
    %dma_wait3A_360 = tpu.memref_slice %arg8[%dma_wait3A_359] : memref<23592960xf32, #tpu.memory_space<hbm>> -> memref<1024xf32, #tpu.memory_space<hbm>>
    %dma_wait3A_361 = arith.constant 0 : i32
    %dma_wait3A_362 = tpu.memref_slice %arg19[%dma_wait3A_361] : memref<16896xf32, #tpu.memory_space<vmem>> -> memref<1024xf32, #tpu.memory_space<vmem>>
    tpu.wait_dma2 semaphore(%arg23 : memref<!tpu.dma_semaphore, #tpu.memory_space<semaphore_mem>>) src(%dma_wait3A_362 : memref<1024xf32, #tpu.memory_space<vmem>>) dst(%dma_wait3A_360 : memref<1024xf32, #tpu.memory_space<hbm>>)
    %dma_wait3A_363 = arith.constant 0 : i32
    %dma_wait3A_364 = tpu.memref_slice %arg19[%dma_wait3A_363] : memref<16896xf32, #tpu.memory_space<vmem>> -> memref<1024xf32, #tpu.memory_space<vmem>>
    %dma_wait3A_365 = arith.constant 0 : i32
    %dma_wait3A_366 = tpu.memref_slice %arg8[%dma_wait3A_365] : memref<23592960xf32, #tpu.memory_space<hbm>> -> memref<1024xf32, #tpu.memory_space<hbm>>
    %dma_wait3A_367 = arith.constant 0 : i32
    %dma_wait3A_368 = tpu.memref_slice %arg8[%dma_wait3A_367] : memref<23592960xf32, #tpu.memory_space<hbm>> -> memref<1024xf32, #tpu.memory_space<hbm>>
    %dma_wait3A_369 = arith.constant 0 : i32
    %dma_wait3A_370 = tpu.memref_slice %arg19[%dma_wait3A_369] : memref<16896xf32, #tpu.memory_space<vmem>> -> memref<1024xf32, #tpu.memory_space<vmem>>
    tpu.wait_dma2 semaphore(%arg23 : memref<!tpu.dma_semaphore, #tpu.memory_space<semaphore_mem>>) src(%dma_wait3A_370 : memref<1024xf32, #tpu.memory_space<vmem>>) dst(%dma_wait3A_368 : memref<1024xf32, #tpu.memory_space<hbm>>)
    %dma_wait3A_371 = arith.constant 0 : i32
    %dma_wait3A_372 = tpu.memref_slice %arg19[%dma_wait3A_371] : memref<16896xf32, #tpu.memory_space<vmem>> -> memref<256xf32, #tpu.memory_space<vmem>>
    %dma_wait3A_373 = arith.constant 0 : i32
    %dma_wait3A_374 = tpu.memref_slice %arg8[%dma_wait3A_373] : memref<23592960xf32, #tpu.memory_space<hbm>> -> memref<256xf32, #tpu.memory_space<hbm>>
    %dma_wait3A_375 = arith.constant 0 : i32
    %dma_wait3A_376 = tpu.memref_slice %arg8[%dma_wait3A_375] : memref<23592960xf32, #tpu.memory_space<hbm>> -> memref<256xf32, #tpu.memory_space<hbm>>
    %dma_wait3A_377 = arith.constant 0 : i32
    %dma_wait3A_378 = tpu.memref_slice %arg19[%dma_wait3A_377] : memref<16896xf32, #tpu.memory_space<vmem>> -> memref<256xf32, #tpu.memory_space<vmem>>
    tpu.wait_dma2 semaphore(%arg23 : memref<!tpu.dma_semaphore, #tpu.memory_space<semaphore_mem>>) src(%dma_wait3A_378 : memref<256xf32, #tpu.memory_space<vmem>>) dst(%dma_wait3A_376 : memref<256xf32, #tpu.memory_space<hbm>>)
    return
  }
}

</mosaic_0001>

<sc_bundles>
// kernel: kernel.3.cloned.1.call-start
scs
__scs_entry_jumppad:
0x0: {  	(pc) =	sbr.rel $0x88, $3  }
0x1: {  	(tag) =	ssettag $0x0;
	lr =	simm.s32 $0x1  }
0x2: {  	[smem:$0x3F9D] =	sst lr;
	_ =	strace $0xD0000000  }
0x3: {  	_ = 	snop  }
0x4: {  	_ = 	snop  }
0x5: {  	_ = 	snop  }
0x6: {  	_ = 	snop  }
0x7: {  	_ = 	snop  }
__scs_overlays_trampoline_lowered:
0x8: {  	[smem:$0x3FAC] =	sst s0  }
0x9: {  	[smem:$0x3FAD] =	sst s1  }
0xa: {  	[smem:$0x3FAE] =	sst s2  }
0xb: {  	[smem:$0x3FAF] =	sst s3  }
0xc: {  	[smem:$0x3FB0] =	sst s4  }
0xd: {  	[smem:$0x3FB1] =	sst s5  }
0xe: {  	[smem:$0x3FB2] =	sst s6  }
0xf: {  	[smem:$0x3FB3] =	sst s7  }
0x10: {  	[smem:$0x3FB4] =	sst s8  }
0x11: {  	[smem:$0x3FB5] =	sst s9;
	s0 =	simm.s32 @!p0 $0x0  }
0x12: {  	s1 =	sld [smem:$0x3F9B];
	s0 =	simm.s32 @p0 $0x1  }
0x13: {  	[smem:$0x3FB6] =	sst s0;
	s0 =	simm.s32 @!p1 $0x0  }
0x14: {  	s2 =	sld [smem:$0x3F9A];
	s0 =	simm.s32 @p1 $0x1  }
0x15: {  	[smem:$0x3FB7] =	sst s0;
	s0 =	simm.s32 @!p2 $0x0  }
0x16: {  	s3 =	sld [smem:$0x3FDB];
	s0 =	simm.s32 @p2 $0x1  }
0x17: {  	s4 =	simm.s32 $0x1BF5;
	[smem:$0x3FB9] =	sst s0  }
0x18: {  	s0 =	sld [smem:$0x3F9C];
	_ =	swait.ge [sflag:s4], $0x0  }
0x19: {  	s7 =	sld [smem:$0x3F9D]  }
0x1a: {  	s8 =	sadd.s32 $0xFFFFE003, lr  }
0x1b: {  	s9 =	sadd.s32 $0xFFFFFEF7, lr;
	s5 =	simm.s32 $0xFFFFFFFF;
	p2 =	slt.u32 s8, $0xFFFFF086  }
0x1c: {  	p1 =	slt.u32 s9, $0xF7A;
	s5 =	simm.s32 @!p2 $0x0  }
0x1d: {  	s5 =	simm.s32 @p1 $0x1;
	p0 =	seq.s32 s7, s2  }
0x1e: {  	s7 =	smul.u32 @!p0 $0xF7A, s2;
	p2 =	seq.s32 @!p0 s5, $0x0  }
0x1f: {  	s9 =	smul.u32 $0xF7A, s1;
	s8 =	simm.s32 @!p0 $0x1BF5;
	p2 =	por !p2, p0  }
0x20: {  	[sflag:s8] =	ssyncset.s32 @!p0 $0xFFFFF086;
	s6 =	sadd.s32 @!p0 s3, s7;
	s7 =	simm.s32 @!p0 $0x108  }
0x21: {  	s3 =	sadd.s32 s3, s9;
	s6 =	sadd.s32 @!p0 $0x88, s6;
	s7 =	simm.s32 @p2 $0x1082  }
0x22: {  	[simem:s7], [sflag:s8] =	dma.local @!p0 [hbm:s6], $0xF7A  }
0x23: {  	s9 =	sor.u32 $0xD0000000, s2;
	s6 =	simm.s32 $0x108;
	_ =	swait.ge @!p0 [sflag:s8], $0x0  }
0x24: {  	s3 =	sadd.s32 $0x88, s3;
	s6 =	simm.s32 @!p1 $0x1082;
	[sflag:s4] =	ssyncset.s32 $0xFFFFF086  }
0x25: {  	[simem:s6], [sflag:s4] =	dma.local [hbm:s3], $0xF7A  }
0x26: {  	[smem:$0x3F9D] =	sst s1;
	(tag) =	ssettag s2;
	_ =	strace s9  }
0x27: {  	s1 =	sld [smem:$0x3FAD]  }
0x28: {  	s2 =	sld [smem:$0x3FAE]  }
0x29: {  	s4 =	sld [smem:$0x3FB0]  }
0x2a: {  	p0 =	seq.s32 s5, $0x0;
	s5 =	sld [smem:$0x3FB1]  }
0x2b: {  	s6 =	sld [smem:$0x3FB2]  }
0x2c: {  	s7 =	sld [smem:$0x3FB3]  }
0x2d: {  	s3 =	simm.s32 $0x108;
	s8 =	sld [smem:$0x3FB4]  }
0x2e: {  	s3 =	simm.s32 @!p0 $0x1082;
	s9 =	sld [smem:$0x3FB5]  }
0x2f: {  	lr =	sadd.s32 s0, s3;
	s0 =	sld [smem:$0x3FAC]  }
0x30: {  	s3 =	sld [smem:$0x3FAF]  }
0x31: {  	[smem:$0x3FB8] =	sst s10  }
0x32: {  	s10 =	sld [smem:$0x3FB6];
	_ =	sdelay $0x3  }
0x33: {  	p0 =	seq.s32 s10, $0x1;
	s10 =	sld [smem:$0x3FB8];
	_ =	sdelay $0x3  }
0x34: {  	[smem:$0x3FB8] =	sst s10  }
0x35: {  	s10 =	sld [smem:$0x3FB7];
	_ =	sdelay $0x3  }
0x36: {  	p1 =	seq.s32 s10, $0x1;
	s10 =	sld [smem:$0x3FB8];
	_ =	sdelay $0x3  }
0x37: {  	[smem:$0x3FB8] =	sst s10  }
0x38: {  	s10 =	sld [smem:$0x3FB9]  }
0x39: {  	_ = 	snop;
	(pc) =	sbr.ind lr, $3  }
0x3a: {  	_ = 	snop  }
0x3b: {  	_ = 	snop  }
0x3c: {  	p2 =	seq.s32 s10, $0x1;
	s10 =	sld [smem:$0x3FB8]  }
0x3d: {  	_ =	shalt  }
0x3e: {  	_ =	shalt  }
0x3f: {  	_ =	shalt  }
0x40: {  	_ =	shalt  }
0x41: {  	_ =	shalt  }
0x42: {  	_ =	shalt  }
0x43: {  	_ =	shalt  }
0x44: {  	_ =	shalt  }
0x45: {  	_ =	shalt  }
0x46: {  	_ =	shalt  }
0x47: {  	_ =	shalt  }
0x48: {  	_ =	shalt  }
0x49: {  	_ =	shalt  }
0x4a: {  	_ =	shalt  }
0x4b: {  	_ =	shalt  }
0x4c: {  	_ =	shalt  }
0x4d: {  	_ =	shalt  }
0x4e: {  	_ =	shalt  }
0x4f: {  	_ =	shalt  }
0x50: {  	_ =	shalt  }
0x51: {  	_ =	shalt  }
0x52: {  	_ =	shalt  }
0x53: {  	_ =	shalt  }
0x54: {  	_ =	shalt  }
0x55: {  	_ =	shalt  }
0x56: {  	_ =	shalt  }
0x57: {  	_ =	shalt  }
0x58: {  	_ =	shalt  }
0x59: {  	_ =	shalt  }
0x5a: {  	_ =	shalt  }
0x5b: {  	_ =	shalt  }
0x5c: {  	_ =	shalt  }
0x5d: {  	_ =	shalt  }
0x5e: {  	_ =	shalt  }
0x5f: {  	_ =	shalt  }
0x60: {  	_ =	shalt  }
0x61: {  	_ =	shalt  }
0x62: {  	_ =	shalt  }
0x63: {  	_ =	shalt  }
0x64: {  	_ =	shalt  }
0x65: {  	_ =	shalt  }
0x66: {  	_ =	shalt  }
0x67: {  	_ =	shalt  }
0x68: {  	_ =	shalt  }
0x69: {  	_ =	shalt  }
0x6a: {  	_ =	shalt  }
0x6b: {  	_ =	shalt  }
0x6c: {  	_ =	shalt  }
0x6d: {  	_ =	shalt  }
0x6e: {  	_ =	shalt  }
0x6f: {  	_ =	shalt  }
0x70: {  	_ =	shalt  }
0x71: {  	_ =	shalt  }
0x72: {  	_ =	shalt  }
0x73: {  	_ =	shalt  }
0x74: {  	_ =	shalt  }
0x75: {  	_ =	shalt  }
0x76: {  	_ =	shalt  }
0x77: {  	_ =	shalt  }
0x78: {  	_ =	shalt  }
0x79: {  	_ =	shalt  }
0x7a: {  	_ =	shalt  }
0x7b: {  	_ =	shalt  }
0x7c: {  	_ =	shalt  }
0x7d: {  	_ =	shalt  }
0x7e: {  	_ =	shalt  }
0x7f: {  	_ =	shalt  }
0x80: {  	_ =	shalt  }
0x81: {  	_ =	shalt  }
0x82: {  	_ =	shalt  }
0x83: {  	_ =	shalt  }
0x84: {  	_ =	shalt  }
0x85: {  	_ =	shalt  }
0x86: {  	_ =	shalt  }
0x87: {  	_ =	shalt  }
.Lfunc_end0:
.L_simem_size_0:
called_computation_lowered:
.L_overlay_start_0:
0x88: {  	s2 =	sld [smem:$0x3FD9]  }
0x89: {  	s3 =	sld [smem:$0x3FFE];
	_ =	sdelay $0x1  }
0x8a: {  	s1 =	srdreg.scid  }
0x8b: {  	s0 =	sand.u32 $0x1, s1  }
0x8c: {  	s17 =	sshll.u32 s0, $0xA;
	s2 =	sadd.s32 s3, s2  }
0x8d: {  	s2 =	sadd.s32 s2, s17  }
0x8e: {  	[smem:$0x3FC4] =	sst s2  }
0x8f: {  	_ = 	snop  }
0x90: {  	s2 =	sld [smem:$0x3FD0];
	(tm) =	ssettm $0x1  }
0x91: {  	s18 =	sld [smem:$0x3FFB];
	_ =	sdelay $0x3  }
0x92: {  	_ =	strace s18  }
0x93: {  	s3 =	sld [smem:$0x3FFC];
	_ =	sdelay $0x3  }
0x94: {  	_ =	strace s3  }
0x95: {  	s3 =	sld [smem:$0x3FFD];
	_ =	sdelay $0x3  }
0x96: {  	_ =	strace s3  }
0x97: {  	_ =	strace $0x8FFFFFFF  }
0x98: {  	s19 =	sld [smem:$0x3FDB];
	_ =	sdelay $0x1  }
0x99: {  	s4 =	simm.s32 $_scs_section_size  }
0x9a: {  	s5 =	simm.s32 $_size__tile_overlayer_lowered;
	s6 =	simm.s32 $_tile_overlayer_lowered  }
0x9b: {  	s22 =	simm.s32 $0x1BFF;
	s21 =	sshll.u32 s6, $0x1;
	s3 =	sadd.s32 s4, s19  }
0x9c: {  	s7 =	simm.s32 $0x0;
	s20 =	sshll.u32 s5, $0x1;
	s5 =	sadd.s32 s21, s3  }
0x9d: {  	[timem:s7], [sflag:s22] =	dma.local [hbm:s5], s20  }
0x9e: {  	_ =	swait.ge [sflag:s22], s20  }
0x9f: {  	s4 =	ssub.s32 $0x0, s20;
	[sflag:s22] =	ssyncset.done $0x0  }
0xa0: {  	[sflag:s22] =	ssyncadd.s32 s4;
	_ =	sdelay $0x1  }
0xa1: {  	s23 =	simm.s32 $0x1B8B  }
0xa2: {  	_ =	swait.ge [sflag:s23], $0x1  }
0xa3: {  	[sflag:s23] =	ssyncset.done $0x0  }
0xa4: {  	s25 =	simm.s32 $0x1B8E;
	s24 =	sld [smem:$0x3FFE];
	[sflag:s23] =	ssyncadd.s32 $0xFFFFFFFF  }
0xa5: {  	s26 =	simm.s32 $execute0_lowered;
	[smem:$0x3FD2] =	sst s25  }
0xa6: {  	s5 =	sshll.u32 s26, $0x1;
	_ =	strace $0x80000046;
	[dreg:$0x1] =	wrdreg $0xFFFFFFFF  }
0xa7: {  	s28 =	simm.s32 $_size_execute0_lowered;
	s3 =	sadd.s32 s3, s5;
	[dreg:$0x0] =	wrdreg $0x0  }
0xa8: {  	s5 =	sshll.u32 s28, $0x1;
	[dreg:$0x2] =	wrdreg s3  }
0xa9: {  	[dreg:$0x3] =	wrdreg s5  }
0xaa: {  	[dreg:$0x4] =	wrdreg $0xC0  }
0xab: {  	_ =	task [dreg:s7], $0x5FFFF  }
0xac: {  	[dreg:$0x1] =	wrdreg $0xFFFFFFFF  }
0xad: {  	[dreg:$0x0] =	wrdreg $0x60  }
0xae: {  	[dreg:$0x2] =	wrdreg s24  }
0xaf: {  	[dreg:$0x3] =	wrdreg s2  }
0xb0: {  	[dreg:$0x4] =	wrdreg $0x9  }
0xb1: {  	_ =	task.clear_ibuf [dreg:s7], $0x5FFFF;
	_ =	strace $0x90000046  }
0xb2: {  	s29 =	simm.s32 $0x9;
	_ =	strace $0x80000048  }
0xb3: {  	_ =	swait.ge [sflag:s29], $0x1  }
0xb4: {  	[sflag:s29] =	ssyncadd.s32 $0xFFFFFFFF  }
0xb5: {  	_ =	strace $0x90000048  }
0xb6: {  	_ =	sfence  }
0xb7: {  	s30 =	sld [smem:$0x0];
	_ =	sdelay $0x2  }
0xb8: {  	s31 =	sshll.u32 s1, $0xD;
	s1 =	sshrl.u32 s1, $0x2  }
0xb9: {  	s3 =	sand.u32 $0x4000, s31;
	s1 =	sadd.s32 s1, s30  }
0xba: {  	s0 =	sor.u32 s3, s0;
	s1 =	sshll.u32 s1, $0x11  }
0xbb: {  	s0 =	sor.u32 s1, s0  }
0xbc: {  	s0 =	sadd.s32 $0x8F2B, s0  }
0xbd: {  	[sflag:s0] =	ssyncadd.remote.s32 $0x1  }
0xbe: {  	_ =	sfence.sel $0xFFFF  }
0xbf: {  	[dreg:$0x0] =	wrdreg $0xFFFFFFFF;
	(pc) =	sbr.abs _section_cstart, $3  }
0xc0: {  	[dreg:$0x1] =	wrdreg $0xFFFFFFFF  }
0xc1: {  	_ =	task.clear_ibuf [dreg:s7], $0x2FFFF;
	_ =	strace $0x9FFFFFFF  }
0xc2: {  	(tm) =	ssettm $0x7FFFFFFF  }
0xc3: {  	_ =	shalt  }
tec
execute0_lowered:
.L_overlay_start_1:
0x0: {  	(tag) =	ssettag $0x1  }
0x1: {  	s5 =	rddreg [dreg:$0x0]  }
0x2: {  	s4 =	simm.s32 $0x0;
	s0 =	srdreg.scid;
	s1 =	stileid.u32  }
0x3: {  	[smem:$0x7FF] =	sst s4;
	s0 =	sand.u32 $0x1, s0;
	s1 =	sshll.u32 s1, $0x1  }
0x4: {  	s2 =	sadd.s32 $0x28A00, s5;
	s25 =	sadd.s32 $0xA000, s5;
	s26 =	sadd.s32 $0x84800, s5  }
0x5: {  	_ =	strace $0x80000047;
	[dreg:$0x3] =	wrdreg s2;
	s1 =	sor.u32 s0, s1  }
0x6: {  	s8 =	sadd.s32 $0x47400, s5;
	[dreg:$0x4] =	wrdreg s25;
	s28 =	smul.u32 $0x500, s1  }
0x7: {  	[dreg:$0x5] =	wrdreg s26;
	s0 =	ssub.s32 $0x2, s0;
	s1 =	smul.u32 $0x50, s1  }
0x8: {  	s15 =	simm.s32 $0x80;
	[dreg:$0x6] =	wrdreg s8;
	s3 =	sshrl.u32 s0, $0x1  }
0x9: {  	s0 =	ssub.s32 s0, s3;
	[dreg:$0x7] =	wrdreg s1;
	s29 =	sadd.s32 s5, s28  }
0xa: {  	v0 =	vlaneseq.u32;
	s24 =	simm.s32 $0x2;
	s0 =	smax.u32 s0, $0x1;
	[dreg:$0x8] =	wrdreg s29  }
0xb: {  	s30 =	simm.s32 $0x3;
	v0 =	vmul.u32 $0x41, v0;
	s2 =	sadd.s32 $0x10, s29;
	[dreg:$0xb] =	wrdreg s0  }
0xc: {  	s31 =	simm.s32 $0x8980;
	s1 =	sadd.s32 $0x20, s29;
	[dreg:$0x9] =	wrdreg s2  }
0xd: {  	s7 =	sadd.s32 $0x65E00, s5;
	v1 =	vadd.s32 $0x4, v0;
	[dreg:$0xa] =	wrdreg s1;
	s2 =	simm.s32 $0x0  }
.LBB2_1:
0xe: {  	[dreg:$0xc] =	wrdreg s2  }
0xf: {  	s0 =	rddreg [dreg:$0x8]  }
0x10: {  	[tilespmem:s4], [sflag:$0x1] =	stream.linear.gather [hbm4b:s0+s4], $0x80, $0x38;
	[tilespmem:$0xEC00] =	vst v63  }
0x11: {  	s11 =	rddreg [dreg:$0x9]  }
0x12: {  	[tilespmem:s15], [sflag:$0x1] =	stream.linear.gather [hbm4b:s11+s4], $0x80, $0x38;
	[tilespmem:$0xEC00] =	vst v63  }
0x13: {  	s12 =	rddreg [dreg:$0xa];
	s1 =	simm.s32 $0x100;
	s13 =	simm.s32 $0x1  }
0x14: {  	[tilespmem:s1], [sflag:$0x1] =	stream.linear.gather [hbm4b:s12+s4], $0x80, $0x38;
	[tilespmem:$0xEC00] =	vst v63  }
0x15: {  	_ =	swait.ge [sflag:s13], $0x80  }
0x16: {  	[sflag:s13] =	ssyncset.done $0x0  }
0x17: {  	s3 =	simm.s32 $0x180;
	s14 =	rddreg [dreg:$0x3];
	[sflag:s13] =	ssyncadd.s32 $0xFFFFFF80  }
0x18: {  	[tilespmem:s3], [sflag:$0x2] =	stream.indirect.gather [hbm4b:s14+s15], $0x1, s4, s15, $0xb8;
	[tilespmem:$0xEC00] =	vst v63  }
0x19: {  	s5 =	simm.s32 $0x300;
	s17 =	rddreg [dreg:$0x4]  }
0x1a: {  	[tilespmem:s5], [sflag:$0x2] =	stream.indirect.gather [hbm4b:s17+s15], $0x1, s4, s15, $0xb8;
	[tilespmem:$0xEC00] =	vst v63  }
0x1b: {  	s16 =	simm.s32 $0x480  }
0x1c: {  	[tilespmem:s16], [sflag:$0x2] =	stream.indirect.gather [hbm4b:s7+s15], $0x1, s4, s15, $0xb8;
	[tilespmem:$0xEC00] =	vst v63  }
0x1d: {  	s20 =	simm.s32 $0x600  }
0x1e: {  	[tilespmem:s20], [sflag:$0x2] =	stream.indirect.gather [hbm4b:s8+s15], $0x1, s4, s15, $0xb8;
	[tilespmem:$0xEC00] =	vst v63  }
0x1f: {  	_ =	swait.ge [sflag:s13], $0x80  }
0x20: {  	[sflag:s13] =	ssyncset.done $0x0  }
0x21: {  	s18 =	simm.s32 $0x200;
	[sflag:s13] =	ssyncadd.s32 $0xFFFFFF80  }
0x22: {  	[tilespmem:s18], [sflag:$0x2] =	stream.indirect.gather [hbm4b:s14+s15], $0x1, s15, s15, $0xb8;
	[tilespmem:$0xEC00] =	vst v63  }
0x23: {  	s19 =	simm.s32 $0x380  }
0x24: {  	[tilespmem:s19], [sflag:$0x2] =	stream.indirect.gather [hbm4b:s17+s15], $0x1, s15, s15, $0xb8;
	[tilespmem:$0xEC00] =	vst v63  }
0x25: {  	s21 =	simm.s32 $0x500  }
0x26: {  	[tilespmem:s21], [sflag:$0x2] =	stream.indirect.gather [hbm4b:s7+s15], $0x1, s15, s15, $0xb8;
	[tilespmem:$0xEC00] =	vst v63  }
0x27: {  	s22 =	simm.s32 $0x680  }
0x28: {  	[tilespmem:s22], [sflag:$0x2] =	stream.indirect.gather [hbm4b:s8+s15], $0x1, s15, s15, $0xb8;
	[tilespmem:$0xEC00] =	vst v63  }
0x29: {  	_ =	swait.ge [sflag:s24], $0x80  }
0x2a: {  	[sflag:s24] =	ssyncset.done $0x0  }
0x2b: {  	[sflag:s24] =	ssyncadd.s32 $0xFFFFFF80  }
0x2c: {  	_ =	swait.ge [sflag:s24], $0x80  }
0x2d: {  	[sflag:s24] =	ssyncset.done $0x0  }
0x2e: {  	[sflag:s24] =	ssyncadd.s32 $0xFFFFFF80  }
0x2f: {  	_ =	swait.ge [sflag:s24], $0x80  }
0x30: {  	[sflag:s24] =	ssyncset.done $0x0  }
0x31: {  	[sflag:s24] =	ssyncadd.s32 $0xFFFFFF80  }
0x32: {  	_ =	swait.ge [sflag:s24], $0x80  }
0x33: {  	[sflag:s24] =	ssyncset.done $0x0  }
0x34: {  	s25 =	simm.s32 $0x980;
	s23 =	rddreg [dreg:$0x5];
	[sflag:s24] =	ssyncadd.s32 $0xFFFFFF80  }
0x35: {  	[tilespmem:s25], [sflag:$0x3] =	stream.indirect.gather [hbm4b:s23+s15], $0x40, s3, s15, $0xb8;
	[tilespmem:$0xEC00] =	vst v63  }
0x36: {  	s26 =	simm.s32 $0x4980  }
0x37: {  	[tilespmem:s26], [sflag:$0x3] =	stream.indirect.gather [hbm4b:s23+s15], $0x40, s5, s15, $0xb8;
	[tilespmem:$0xEC00] =	vst v63  }
0x38: {  	s28 =	simm.s32 $0x780  }
0x39: {  	[tilespmem:s28], [sflag:$0x3] =	stream.indirect.gather [hbm4b:s7+s15], $0x1, s3, s15, $0xb8;
	[tilespmem:$0xEC00] =	vst v63  }
0x3a: {  	s29 =	simm.s32 $0x880;
	p0 =	por $0x0, $0x0;
	s21 =	simm.s32 $0x0  }
0x3b: {  	[tilespmem:s29], [sflag:$0x3] =	stream.indirect.gather [hbm4b:s8+s15], $0x1, s5, s15, $0xb8;
	[tilespmem:$0xEC00] =	vst v63  }
.LBB2_2:
0x3c: {  	p1 =	sgt.u32 s21, $0x4C  }
.Ltmp0:
0x3d: {  	_ = 	snop;
	(pc) =	sbr.rel @p1 .LBB2_4-.Ltmp0, $1  }
0x3e: {  	_ =	sdelay $0x3  }
0x3f: {  	s0 =	sadd.s32 $0x3, s21  }
0x40: {  	s1 =	smul.u32 $0xAB, s0;
	_ =	sdelay $0x1  }
0x41: {  	s1 =	sshrl.u32 s1, $0x9  }
0x42: {  	s1 =	sand.u32 $0x7F, s1  }
0x43: {  	s2 =	rddreg [dreg:$0x7];
	s1 =	smul.u32 $0x3, s1  }
.Ltmp1:
0x44: {  	s2 =	sadd.s32 s2, s0;
	(pc) =	sbr.rel .LBB2_6-.Ltmp1, $4  }
0x45: {  	s28 =	sshll.u32 s2, $0x4;
	s0 =	ssub.s32 s0, s1  }
0x46: {  	s29 =	rddreg [dreg:$0x0];
	s1 =	sand.u32 $0x1FFFFFF0, s28;
	s0 =	sand.u32 $0xFF, s0  }
0x47: {  	s1 =	sadd.s32 s29, s1;
	s0 =	sshll.u32 s0, $0x7  }
0x48: {  	[tilespmem:s0], [sflag:$0x1] =	stream.linear.gather [hbm4b:s1+s4], $0x80, $0x38;
	[tilespmem:$0xEC00] =	vst v63  }
.LBB2_4:
0x49: {  	p1 =	seq.s32 s21, $0x4F  }
.Ltmp2:
0x4a: {  	_ = 	snop;
	(pc) =	sbr.rel @p1 .LBB2_8-.Ltmp2, $1  }
0x4b: {  	_ =	sdelay $0x3  }
0x4c: {  	p1 =	sne.s32 s21, $0x4D  }
.Ltmp3:
0x4d: {  	_ = 	snop;
	(pc) =	sbr.rel @p1 .LBB2_7-.Ltmp3, $1  }
0x4e: {  	_ =	sdelay $0x3  }
.LBB2_6:
0x4f: {  	s0 =	sadd.s32 $0x2, s21  }
0x50: {  	s1 =	sand.u32 $0xFF, s0  }
0x51: {  	s1 =	smul.u32 $0xAB, s1;
	_ =	sdelay $0x1  }
0x52: {  	s1 =	sshrl.u32 s1, $0x9  }
0x53: {  	s1 =	smul.u32 $0x3, s1;
	_ =	sdelay $0x1  }
0x54: {  	s22 =	simm.s32 $0x1;
	s0 =	ssub.s32 s0, s1  }
0x55: {  	_ =	swait.ge [sflag:s22], $0x80;
	s0 =	sand.u32 $0xFF, s0  }
0x56: {  	[sflag:s22] =	ssyncset.done $0x0;
	s0 =	sshll.u32 s0, $0x7  }
0x57: {  	s2 =	rddreg [dreg:$0x3];
	[sflag:s22] =	ssyncadd.s32 $0xFFFFFF80;
	s23 =	sadd.s32 $0x180, s0  }
0x58: {  	[tilespmem:s23], [sflag:$0x2] =	stream.indirect.gather [hbm4b:s2+s15], $0x1, s0, s15, $0xb8;
	[tilespmem:$0xEC00] =	vst v63  }
0x59: {  	s26 =	rddreg [dreg:$0x4];
	s25 =	sadd.s32 $0x300, s0  }
0x5a: {  	[tilespmem:s25], [sflag:$0x2] =	stream.indirect.gather [hbm4b:s26+s15], $0x1, s0, s15, $0xb8;
	[tilespmem:$0xEC00] =	vst v63  }
0x5b: {  	s28 =	sadd.s32 $0x480, s0  }
0x5c: {  	[tilespmem:s28], [sflag:$0x2] =	stream.indirect.gather [hbm4b:s7+s15], $0x1, s0, s15, $0xb8;
	[tilespmem:$0xEC00] =	vst v63  }
0x5d: {  	s29 =	sor.u32 $0x600, s0  }
0x5e: {  	[tilespmem:s29], [sflag:$0x2] =	stream.indirect.gather [hbm4b:s8+s15], $0x1, s0, s15, $0xb8;
	[tilespmem:$0xEC00] =	vst v63  }
.LBB2_7:
0x5f: {  	_ =	swait.ge [sflag:s24], $0x80  }
0x60: {  	s0 =	sadd.s32 $0x1, s21;
	[sflag:s24] =	ssyncset.done $0x0  }
0x61: {  	s1 =	smul.u32 $0xAB, s0;
	[sflag:s24] =	ssyncadd.s32 $0xFFFFFF80  }
0x62: {  	_ =	swait.ge [sflag:s24], $0x80  }
0x63: {  	s1 =	sshrl.u32 s1, $0x9;
	[sflag:s24] =	ssyncset.done $0x0  }
0x64: {  	s1 =	sand.u32 $0x7F, s1;
	[sflag:s24] =	ssyncadd.s32 $0xFFFFFF80  }
0x65: {  	s1 =	smul.u32 $0x3, s1;
	_ =	swait.ge [sflag:s24], $0x80  }
0x66: {  	[sflag:s24] =	ssyncset.done $0x0  }
0x67: {  	s1 =	ssub.s32 s0, s1;
	s0 =	sand.u32 $0x1, s0;
	[sflag:s24] =	ssyncadd.s32 $0xFFFFFF80  }
0x68: {  	s1 =	sand.u32 $0xFF, s1;
	s2 =	sshll.u32 s0, $0xD;
	_ =	swait.ge [sflag:s24], $0x80  }
0x69: {  	s1 =	sshll.u32 s1, $0x7;
	s3 =	sor.u32 $0x980, s2;
	[sflag:s24] =	ssyncset.done $0x0  }
0x6a: {  	s5 =	sadd.s32 $0x180, s1;
	s6 =	rddreg [dreg:$0x5];
	[sflag:s24] =	ssyncadd.s32 $0xFFFFFF80  }
0x6b: {  	[tilespmem:s3], [sflag:$0x3] =	stream.indirect.gather [hbm4b:s6+s15], $0x40, s5, s15, $0xb8;
	[tilespmem:$0xEC00] =	vst v63  }
0x6c: {  	s0 =	sshll.u32 s0, $0x7;
	s2 =	sor.u32 $0x4980, s2;
	s1 =	sadd.s32 $0x300, s1  }
0x6d: {  	[tilespmem:s2], [sflag:$0x3] =	stream.indirect.gather [hbm4b:s6+s15], $0x40, s1, s15, $0xb8;
	[tilespmem:$0xEC00] =	vst v63  }
0x6e: {  	s29 =	sadd.s32 $0x780, s0  }
0x6f: {  	[tilespmem:s29], [sflag:$0x3] =	stream.indirect.gather [hbm4b:s7+s15], $0x1, s5, s15, $0xb8;
	[tilespmem:$0xEC00] =	vst v63  }
0x70: {  	s0 =	sadd.s32 $0x880, s0  }
0x71: {  	[tilespmem:s0], [sflag:$0x3] =	stream.indirect.gather [hbm4b:s8+s15], $0x1, s1, s15, $0xb8;
	[tilespmem:$0xEC00] =	vst v63  }
.LBB2_8:
0x72: {  	_ =	swait.ge [sflag:s30], $0x2000  }
0x73: {  	[sflag:s30] =	ssyncset.done $0x0  }
0x74: {  	[sflag:s30] =	ssyncadd.s32 $0xFFFFE000  }
0x75: {  	_ =	swait.ge [sflag:s30], $0x2000  }
0x76: {  	[sflag:s30] =	ssyncset.done $0x0  }
0x77: {  	[sflag:s30] =	ssyncadd.s32 $0xFFFFE000  }
0x78: {  	_ =	swait.ge [sflag:s30], $0x80  }
0x79: {  	[sflag:s30] =	ssyncset.done $0x0  }
0x7a: {  	[sflag:s30] =	ssyncadd.s32 $0xFFFFFF80  }
0x7b: {  	_ =	swait.ge [sflag:s30], $0x80  }
0x7c: {  	p1 =	slt.u32 s21, $0x2;
	[sflag:s30] =	ssyncset.done $0x0  }
0x7d: {  	s0 =	simm.s32 @!p1 $0x4;
	[sflag:s30] =	ssyncadd.s32 $0xFFFFFF80  }
0x7e: {  	_ =	swait.ge @!p1 [sflag:s0], $0x400  }
0x7f: {  	[sflag:s0] =	ssyncset.done @!p1 $0x0  }
0x80: {  	[sflag:s0] =	ssyncadd.s32 @!p1 $0xFFFFFC00  }
0x81: {  	_ =	swait.ge @!p1 [sflag:s0], $0x400  }
0x82: {  	[sflag:s0] =	ssyncset.done @!p1 $0x0  }
0x83: {  	[sflag:s0] =	ssyncadd.s32 @!p1 $0xFFFFFC00  }
0x84: {  	_ =	swait.ge @!p1 [sflag:s0], $0x400  }
0x85: {  	[sflag:s0] =	ssyncset.done @!p1 $0x0  }
0x86: {  	[sflag:s0] =	ssyncadd.s32 @!p1 $0xFFFFFC00  }
0x87: {  	_ =	swait.ge @!p1 [sflag:s0], $0x400  }
0x88: {  	[sflag:s0] =	ssyncset.done @!p1 $0x0  }
0x89: {  	[sflag:s0] =	ssyncadd.s32 @!p1 $0xFFFFFC00  }
0x8a: {  	_ =	swait.ge @!p1 [sflag:s0], $0x400  }
0x8b: {  	[sflag:s0] =	ssyncset.done @!p1 $0x0  }
0x8c: {  	[sflag:s0] =	ssyncadd.s32 @!p1 $0xFFFFFC00  }
0x8d: {  	s2 =	smulhi.u32 $0xAAAAAAAB, s21;
	_ =	swait.ge @!p1 [sflag:s0], $0x400  }
0x8e: {  	[sflag:s0] =	ssyncset.done @!p1 $0x0  }
0x8f: {  	s2 =	sshrl.u32 s2, $0x1;
	[sflag:s0] =	ssyncadd.s32 @!p1 $0xFFFFFC00  }
0x90: {  	s2 =	smul.u32 $0xFFFFFA00, s2;
	_ =	swait.ge @!p1 [sflag:s0], $0x400  }
0x91: {  	[sflag:s0] =	ssyncset.done @!p1 $0x0  }
0x92: {  	s2 =	sshra.s32 s2, $0x2;
	[sflag:s0] =	ssyncadd.s32 @!p1 $0xFFFFFC00  }
0x93: {  	s5 =	sadd.s32 s2, s20;
	s2 =	sadd.s32 s2, s16;
	_ =	swait.ge @!p1 [sflag:s0], $0x400  }
0x94: {  	v12 =	vmov s2;
	[sflag:s0] =	ssyncset.done @!p1 $0x0  }
0x95: {  	v13 =	vmov s5;
	[sflag:s0] =	ssyncadd.s32 @!p1 $0xFFFFFC00  }
0x96: {  	_ =	swait.ge @!p1 [sflag:s0], $0x100  }
0x97: {  	s1 =	simm.s32 $0x1;
	[sflag:s0] =	ssyncset.done @!p1 $0x0  }
0x98: {  	s6 =	simm.s32 $0x0;
	s1 =	simm.s32 @!p0 $0x0;
	[sflag:s0] =	ssyncadd.s32 @!p1 $0xFFFFFF00  }
0x99: {  	s3 =	smul.u32 $0x8400, s1;
	s1 =	sshll.u32 s1, $0xD;
	v2 =	vld.idx.msk [tilespmem:v12+s6+$0x0 ss:$0x1], $0xffff  }
0x9a: {  	s26 =	sor.u32 $0xB80, s1;
	v3 =	vld.idx.msk [tilespmem:v13+s6+$0x0 ss:$0x1], $0xffff  }
0x9b: {  	s28 =	sor.u32 $0x4B80, s1;
	v4 =	vld [tilespmem:s26+$0xFFFFFE00]  }
0x9c: {  	v5 =	vld [tilespmem:s28+$0xFFFFFE00];
	_ =	sdelay $0x2  }
0x9d: {  	v6 =	vbroadcast v2, $0x0;
	v7 =	vbroadcast v3, $0x0;
	_ =	sdelay $0x1  }
0x9e: {  	v4 =	vmul.f32 v4, v6;
	v5 =	vmul.f32 v5, v7;
	_ =	sdelay $0x1  }
0x9f: {  	v4 =	vadd.f32 v5, v4  }
0xa0: {  	s25 =	simm.s32 $0x8B88  }
0xa1: {  	[tilespmem:s25+$0xFFFFFDF8] =	vst v4  }
0xa2: {  	v4 =	vld [tilespmem:s26+$0xFFFFFE10]  }
0xa3: {  	v5 =	vld [tilespmem:s28+$0xFFFFFE10];
	_ =	sdelay $0x4  }
0xa4: {  	v4 =	vmul.f32 v4, v6;
	v5 =	vmul.f32 v5, v7;
	_ =	sdelay $0x1  }
0xa5: {  	v4 =	vadd.f32 v5, v4;
	_ =	sdelay $0x1  }
0xa6: {  	[tilespmem:s25+$0xFFFFFE08] =	vst v4  }
0xa7: {  	v4 =	vld [tilespmem:s26+$0xFFFFFE20]  }
0xa8: {  	v5 =	vld [tilespmem:s28+$0xFFFFFE20];
	_ =	sdelay $0x4  }
0xa9: {  	v4 =	vmul.f32 v4, v6;
	v5 =	vmul.f32 v5, v7;
	_ =	sdelay $0x1  }
0xaa: {  	v4 =	vadd.f32 v5, v4;
	_ =	sdelay $0x1  }
0xab: {  	[tilespmem:s25+$0xFFFFFE18] =	vst v4  }
0xac: {  	v4 =	vld [tilespmem:s26+$0xFFFFFE30]  }
0xad: {  	v5 =	vld [tilespmem:s28+$0xFFFFFE30];
	_ =	sdelay $0x4  }
0xae: {  	v4 =	vmul.f32 v4, v6;
	v5 =	vmul.f32 v5, v7;
	_ =	sdelay $0x1  }
0xaf: {  	v4 =	vadd.f32 v5, v4;
	_ =	sdelay $0x1  }
0xb0: {  	[tilespmem:s25+$0xFFFFFE28] =	vst v4  }
0xb1: {  	v4 =	vld [tilespmem:s26+$0xFFFFFE40]  }
0xb2: {  	v5 =	vld [tilespmem:s28+$0xFFFFFE40];
	_ =	sdelay $0x2  }
0xb3: {  	v6 =	vbroadcast v2, $0x1;
	v7 =	vbroadcast v3, $0x1;
	_ =	sdelay $0x1  }
0xb4: {  	v4 =	vmul.f32 v4, v6;
	v5 =	vmul.f32 v5, v7;
	_ =	sdelay $0x1  }
0xb5: {  	v4 =	vadd.f32 v5, v4;
	_ =	sdelay $0x1  }
0xb6: {  	[tilespmem:s25+$0xFFFFFE39] =	vst v4  }
0xb7: {  	v4 =	vld [tilespmem:s26+$0xFFFFFE50]  }
0xb8: {  	v5 =	vld [tilespmem:s28+$0xFFFFFE50];
	_ =	sdelay $0x4  }
0xb9: {  	v4 =	vmul.f32 v4, v6;
	v5 =	vmul.f32 v5, v7;
	_ =	sdelay $0x1  }
0xba: {  	v4 =	vadd.f32 v5, v4;
	_ =	sdelay $0x1  }
0xbb: {  	[tilespmem:s25+$0xFFFFFE49] =	vst v4  }
0xbc: {  	v4 =	vld [tilespmem:s26+$0xFFFFFE60]  }
0xbd: {  	v5 =	vld [tilespmem:s28+$0xFFFFFE60];
	_ =	sdelay $0x4  }
0xbe: {  	v4 =	vmul.f32 v4, v6;
	v5 =	vmul.f32 v5, v7;
	_ =	sdelay $0x1  }
0xbf: {  	v4 =	vadd.f32 v5, v4;
	_ =	sdelay $0x1  }
0xc0: {  	[tilespmem:s25+$0xFFFFFE59] =	vst v4  }
0xc1: {  	v4 =	vld [tilespmem:s26+$0xFFFFFE70]  }
0xc2: {  	v5 =	vld [tilespmem:s28+$0xFFFFFE70];
	_ =	sdelay $0x4  }
0xc3: {  	v4 =	vmul.f32 v4, v6;
	v5 =	vmul.f32 v5, v7;
	_ =	sdelay $0x1  }
0xc4: {  	v4 =	vadd.f32 v5, v4;
	_ =	sdelay $0x1  }
0xc5: {  	[tilespmem:s25+$0xFFFFFE69] =	vst v4  }
0xc6: {  	v4 =	vld [tilespmem:s26+$0xFFFFFE80]  }
0xc7: {  	v5 =	vld [tilespmem:s28+$0xFFFFFE80];
	_ =	sdelay $0x2  }
0xc8: {  	v6 =	vbroadcast v2, $0x2;
	v7 =	vbroadcast v3, $0x2;
	_ =	sdelay $0x1  }
0xc9: {  	v4 =	vmul.f32 v4, v6;
	v5 =	vmul.f32 v5, v7;
	_ =	sdelay $0x1  }
0xca: {  	v4 =	vadd.f32 v5, v4;
	_ =	sdelay $0x1  }
0xcb: {  	[tilespmem:s25+$0xFFFFFE7A] =	vst v4  }
0xcc: {  	v4 =	vld [tilespmem:s26+$0xFFFFFE90]  }
0xcd: {  	v5 =	vld [tilespmem:s28+$0xFFFFFE90];
	_ =	sdelay $0x4  }
0xce: {  	v4 =	vmul.f32 v4, v6;
	v5 =	vmul.f32 v5, v7;
	_ =	sdelay $0x1  }
0xcf: {  	v4 =	vadd.f32 v5, v4;
	_ =	sdelay $0x1  }
0xd0: {  	[tilespmem:s25+$0xFFFFFE8A] =	vst v4  }
0xd1: {  	v4 =	vld [tilespmem:s26+$0xFFFFFEA0]  }
0xd2: {  	v5 =	vld [tilespmem:s28+$0xFFFFFEA0];
	_ =	sdelay $0x4  }
0xd3: {  	v4 =	vmul.f32 v4, v6;
	v5 =	vmul.f32 v5, v7;
	_ =	sdelay $0x1  }
0xd4: {  	v4 =	vadd.f32 v5, v4;
	_ =	sdelay $0x1  }
0xd5: {  	[tilespmem:s25+$0xFFFFFE9A] =	vst v4  }
0xd6: {  	v4 =	vld [tilespmem:s26+$0xFFFFFEB0]  }
0xd7: {  	v5 =	vld [tilespmem:s28+$0xFFFFFEB0];
	_ =	sdelay $0x4  }
0xd8: {  	v4 =	vmul.f32 v4, v6;
	v5 =	vmul.f32 v5, v7;
	_ =	sdelay $0x1  }
0xd9: {  	v4 =	vadd.f32 v5, v4;
	_ =	sdelay $0x1  }
0xda: {  	[tilespmem:s25+$0xFFFFFEAA] =	vst v4  }
0xdb: {  	v5 =	vld [tilespmem:s26+$0xFFFFFEC0]  }
0xdc: {  	v6 =	vld [tilespmem:s28+$0xFFFFFEC0];
	_ =	sdelay $0x2  }
0xdd: {  	v8 =	vbroadcast v3, $0x3;
	v7 =	vbroadcast v2, $0x3  }
0xde: {  	s8 =	simm.s32 $0x10  }
0xdf: {  	v4 =	vld.idx.msk [tilespmem:v12+s8+$0x0 ss:$0x1], $0xffff;
	v9 =	vmul.f32 v5, v7;
	v6 =	vmul.f32 v6, v8  }
0xe0: {  	s12 =	sadd.s32 $0x400, s26;
	v5 =	vld.idx.msk [tilespmem:v13+s8+$0x0 ss:$0x1], $0xffff  }
0xe1: {  	s13 =	sadd.s32 $0x400, s28;
	v10 =	vld [tilespmem:s12+$0xFFFFFE00];
	v6 =	vadd.f32 v6, v9  }
0xe2: {  	v9 =	vld [tilespmem:s13+$0xFFFFFE00]  }
0xe3: {  	[tilespmem:s25+$0xFFFFFEBB] =	vst v6  }
0xe4: {  	v6 =	vld [tilespmem:s26+$0xFFFFFED0]  }
0xe5: {  	v11 =	vbroadcast v4, $0x0;
	v14 =	vbroadcast v5, $0x0;
	v15 =	vld [tilespmem:s28+$0xFFFFFED0];
	_ =	sdelay $0x1  }
0xe6: {  	v10 =	vmul.f32 v10, v11;
	v9 =	vmul.f32 v9, v14;
	_ =	sdelay $0x1  }
0xe7: {  	v9 =	vadd.f32 v9, v10  }
0xe8: {  	s29 =	simm.s32 $0x8F98;
	v6 =	vmul.f32 v6, v7;
	v10 =	vmul.f32 v15, v8  }
0xe9: {  	[tilespmem:s29+$0xFFFFFDF8] =	vst v9  }
0xea: {  	v9 =	vld [tilespmem:s12+$0xFFFFFE10];
	v6 =	vadd.f32 v10, v6  }
0xeb: {  	v10 =	vld [tilespmem:s13+$0xFFFFFE10]  }
0xec: {  	[tilespmem:s25+$0xFFFFFECB] =	vst v6  }
0xed: {  	v6 =	vld [tilespmem:s26+$0xFFFFFEE0]  }
0xee: {  	v15 =	vld [tilespmem:s28+$0xFFFFFEE0];
	_ =	sdelay $0x1  }
0xef: {  	v9 =	vmul.f32 v9, v11;
	v10 =	vmul.f32 v10, v14;
	_ =	sdelay $0x1  }
0xf0: {  	v9 =	vadd.f32 v10, v9  }
0xf1: {  	v6 =	vmul.f32 v6, v7;
	v10 =	vmul.f32 v15, v8  }
0xf2: {  	[tilespmem:s29+$0xFFFFFE08] =	vst v9  }
0xf3: {  	v9 =	vld [tilespmem:s12+$0xFFFFFE20];
	v6 =	vadd.f32 v10, v6  }
0xf4: {  	v10 =	vld [tilespmem:s13+$0xFFFFFE20]  }
0xf5: {  	[tilespmem:s25+$0xFFFFFEDB] =	vst v6  }
0xf6: {  	v6 =	vld [tilespmem:s26+$0xFFFFFEF0]  }
0xf7: {  	v15 =	vld [tilespmem:s28+$0xFFFFFEF0];
	_ =	sdelay $0x1  }
0xf8: {  	v9 =	vmul.f32 v9, v11;
	v10 =	vmul.f32 v10, v14;
	_ =	sdelay $0x1  }
0xf9: {  	v9 =	vadd.f32 v10, v9  }
0xfa: {  	v6 =	vmul.f32 v6, v7;
	v7 =	vmul.f32 v15, v8  }
0xfb: {  	[tilespmem:s29+$0xFFFFFE18] =	vst v9  }
0xfc: {  	v8 =	vld [tilespmem:s12+$0xFFFFFE30];
	v6 =	vadd.f32 v7, v6  }
0xfd: {  	v7 =	vld [tilespmem:s13+$0xFFFFFE30]  }
0xfe: {  	[tilespmem:s25+$0xFFFFFEEB] =	vst v6  }
0xff: {  	v6 =	vld [tilespmem:s26+$0xFFFFFF00]  }
0x100: {  	v9 =	vld [tilespmem:s28+$0xFFFFFF00];
	_ =	sdelay $0x1  }
0x101: {  	v8 =	vmul.f32 v8, v11;
	v7 =	vmul.f32 v7, v14  }
0x102: {  	v10 =	vbroadcast v2, $0x4;
	v11 =	vbroadcast v3, $0x4  }
0x103: {  	v7 =	vadd.f32 v7, v8  }
0x104: {  	v6 =	vmul.f32 v6, v10;
	v8 =	vmul.f32 v9, v11  }
0x105: {  	[tilespmem:s29+$0xFFFFFE28] =	vst v7  }
0x106: {  	v7 =	vld [tilespmem:s12+$0xFFFFFE40];
	v6 =	vadd.f32 v8, v6  }
0x107: {  	v8 =	vld [tilespmem:s13+$0xFFFFFE40]  }
0x108: {  	[tilespmem:s25+$0xFFFFFEFC] =	vst v6  }
0x109: {  	v6 =	vld [tilespmem:s26+$0xFFFFFF10]  }
0x10a: {  	v14 =	vbroadcast v5, $0x1;
	v9 =	vbroadcast v4, $0x1;
	v15 =	vld [tilespmem:s28+$0xFFFFFF10];
	_ =	sdelay $0x1  }
0x10b: {  	v7 =	vmul.f32 v7, v9;
	v8 =	vmul.f32 v8, v14;
	_ =	sdelay $0x1  }
0x10c: {  	v7 =	vadd.f32 v8, v7  }
0x10d: {  	v6 =	vmul.f32 v6, v10;
	v8 =	vmul.f32 v15, v11  }
0x10e: {  	[tilespmem:s29+$0xFFFFFE39] =	vst v7  }
0x10f: {  	v7 =	vld [tilespmem:s12+$0xFFFFFE50];
	v6 =	vadd.f32 v8, v6  }
0x110: {  	v8 =	vld [tilespmem:s13+$0xFFFFFE50]  }
0x111: {  	[tilespmem:s25+$0xFFFFFF0C] =	vst v6  }
0x112: {  	v6 =	vld [tilespmem:s26+$0xFFFFFF20]  }
0x113: {  	v15 =	vld [tilespmem:s28+$0xFFFFFF20];
	_ =	sdelay $0x1  }
0x114: {  	v7 =	vmul.f32 v7, v9;
	v8 =	vmul.f32 v8, v14;
	_ =	sdelay $0x1  }
0x115: {  	v7 =	vadd.f32 v8, v7  }
0x116: {  	v6 =	vmul.f32 v6, v10;
	v8 =	vmul.f32 v15, v11  }
0x117: {  	[tilespmem:s29+$0xFFFFFE49] =	vst v7  }
0x118: {  	v7 =	vld [tilespmem:s12+$0xFFFFFE60];
	v6 =	vadd.f32 v8, v6  }
0x119: {  	v8 =	vld [tilespmem:s13+$0xFFFFFE60]  }
0x11a: {  	[tilespmem:s25+$0xFFFFFF1C] =	vst v6  }
0x11b: {  	v6 =	vld [tilespmem:s26+$0xFFFFFF30]  }
0x11c: {  	v15 =	vld [tilespmem:s28+$0xFFFFFF30];
	_ =	sdelay $0x1  }
0x11d: {  	v7 =	vmul.f32 v7, v9;
	v8 =	vmul.f32 v8, v14;
	_ =	sdelay $0x1  }
0x11e: {  	v7 =	vadd.f32 v8, v7  }
0x11f: {  	v6 =	vmul.f32 v6, v10;
	v8 =	vmul.f32 v15, v11  }
0x120: {  	[tilespmem:s29+$0xFFFFFE59] =	vst v7  }
0x121: {  	v7 =	vld [tilespmem:s12+$0xFFFFFE70];
	v6 =	vadd.f32 v8, v6  }
0x122: {  	v8 =	vld [tilespmem:s13+$0xFFFFFE70]  }
0x123: {  	[tilespmem:s25+$0xFFFFFF2C] =	vst v6  }
0x124: {  	v6 =	vld [tilespmem:s26+$0xFFFFFF40]  }
0x125: {  	v10 =	vld [tilespmem:s28+$0xFFFFFF40];
	_ =	sdelay $0x1  }
0x126: {  	v7 =	vmul.f32 v7, v9;
	v8 =	vmul.f32 v8, v14  }
0x127: {  	v11 =	vbroadcast v3, $0x5;
	v9 =	vbroadcast v2, $0x5  }
0x128: {  	v7 =	vadd.f32 v8, v7  }
0x129: {  	v6 =	vmul.f32 v6, v9;
	v8 =	vmul.f32 v10, v11  }
0x12a: {  	[tilespmem:s29+$0xFFFFFE69] =	vst v7  }
0x12b: {  	v7 =	vld [tilespmem:s12+$0xFFFFFE80];
	v6 =	vadd.f32 v8, v6  }
0x12c: {  	v8 =	vld [tilespmem:s13+$0xFFFFFE80]  }
0x12d: {  	[tilespmem:s25+$0xFFFFFF3D] =	vst v6  }
0x12e: {  	v6 =	vld [tilespmem:s26+$0xFFFFFF50]  }
0x12f: {  	v14 =	vbroadcast v5, $0x2;
	v10 =	vbroadcast v4, $0x2;
	v15 =	vld [tilespmem:s28+$0xFFFFFF50];
	_ =	sdelay $0x1  }
0x130: {  	v7 =	vmul.f32 v7, v10;
	v8 =	vmul.f32 v8, v14;
	_ =	sdelay $0x1  }
0x131: {  	v7 =	vadd.f32 v8, v7  }
0x132: {  	v6 =	vmul.f32 v6, v9;
	v8 =	vmul.f32 v15, v11  }
0x133: {  	[tilespmem:s29+$0xFFFFFE7A] =	vst v7  }
0x134: {  	v7 =	vld [tilespmem:s12+$0xFFFFFE90];
	v6 =	vadd.f32 v8, v6  }
0x135: {  	v8 =	vld [tilespmem:s13+$0xFFFFFE90]  }
0x136: {  	[tilespmem:s25+$0xFFFFFF4D] =	vst v6  }
0x137: {  	v6 =	vld [tilespmem:s26+$0xFFFFFF60]  }
0x138: {  	v15 =	vld [tilespmem:s28+$0xFFFFFF60];
	_ =	sdelay $0x1  }
0x139: {  	v7 =	vmul.f32 v7, v10;
	v8 =	vmul.f32 v8, v14;
	_ =	sdelay $0x1  }
0x13a: {  	v7 =	vadd.f32 v8, v7  }
0x13b: {  	v6 =	vmul.f32 v6, v9;
	v8 =	vmul.f32 v15, v11  }
0x13c: {  	[tilespmem:s29+$0xFFFFFE8A] =	vst v7  }
0x13d: {  	v7 =	vld [tilespmem:s12+$0xFFFFFEA0];
	v6 =	vadd.f32 v8, v6  }
0x13e: {  	v8 =	vld [tilespmem:s13+$0xFFFFFEA0]  }
0x13f: {  	[tilespmem:s25+$0xFFFFFF5D] =	vst v6  }
0x140: {  	v6 =	vld [tilespmem:s26+$0xFFFFFF70]  }
0x141: {  	v15 =	vld [tilespmem:s28+$0xFFFFFF70];
	_ =	sdelay $0x1  }
0x142: {  	v7 =	vmul.f32 v7, v10;
	v8 =	vmul.f32 v8, v14;
	_ =	sdelay $0x1  }
0x143: {  	v7 =	vadd.f32 v8, v7  }
0x144: {  	v6 =	vmul.f32 v6, v9;
	v8 =	vmul.f32 v15, v11  }
0x145: {  	[tilespmem:s29+$0xFFFFFE9A] =	vst v7  }
0x146: {  	v7 =	vld [tilespmem:s12+$0xFFFFFEB0];
	v6 =	vadd.f32 v8, v6  }
0x147: {  	v8 =	vld [tilespmem:s13+$0xFFFFFEB0]  }
0x148: {  	[tilespmem:s25+$0xFFFFFF6D] =	vst v6  }
0x149: {  	v6 =	vld [tilespmem:s26+$0xFFFFFF80]  }
0x14a: {  	v9 =	vld [tilespmem:s28+$0xFFFFFF80];
	_ =	sdelay $0x1  }
0x14b: {  	v7 =	vmul.f32 v7, v10;
	v8 =	vmul.f32 v8, v14  }
0x14c: {  	v11 =	vbroadcast v3, $0x6;
	v10 =	vbroadcast v2, $0x6  }
0x14d: {  	v7 =	vadd.f32 v8, v7  }
0x14e: {  	v6 =	vmul.f32 v6, v10;
	v8 =	vmul.f32 v9, v11  }
0x14f: {  	[tilespmem:s29+$0xFFFFFEAA] =	vst v7  }
0x150: {  	v9 =	vld [tilespmem:s12+$0xFFFFFEC0];
	v6 =	vadd.f32 v8, v6  }
0x151: {  	v8 =	vld [tilespmem:s13+$0xFFFFFEC0]  }
0x152: {  	[tilespmem:s25+$0xFFFFFF7E] =	vst v6  }
0x153: {  	v14 =	vld [tilespmem:s26+$0xFFFFFF90]  }
0x154: {  	v16 =	vbroadcast v5, $0x3;
	v15 =	vbroadcast v4, $0x3;
	v17 =	vld [tilespmem:s28+$0xFFFFFF90]  }
0x155: {  	s9 =	simm.s32 $0x20  }
0x156: {  	v7 =	vld.idx.msk [tilespmem:v12+s9+$0x0 ss:$0x1], $0xffff;
	v9 =	vmul.f32 v9, v15;
	v8 =	vmul.f32 v8, v16  }
0x157: {  	s11 =	sadd.s32 $0x400, s12;
	v6 =	vld.idx.msk [tilespmem:v13+s9+$0x0 ss:$0x1], $0xffff  }
0x158: {  	s18 =	sadd.s32 $0x400, s13;
	v18 =	vld [tilespmem:s11+$0xFFFFFE00];
	v8 =	vadd.f32 v8, v9  }
0x159: {  	v9 =	vld [tilespmem:s18+$0xFFFFFE00];
	v14 =	vmul.f32 v14, v10;
	v17 =	vmul.f32 v17, v11  }
0x15a: {  	[tilespmem:s29+$0xFFFFFEBB] =	vst v8  }
0x15b: {  	v8 =	vld [tilespmem:s12+$0xFFFFFED0];
	v14 =	vadd.f32 v17, v14  }
0x15c: {  	v19 =	vbroadcast v6, $0x0;
	v17 =	vbroadcast v7, $0x0;
	v20 =	vld [tilespmem:s13+$0xFFFFFED0]  }
0x15d: {  	[tilespmem:s25+$0xFFFFFF8E] =	vst v14  }
0x15e: {  	v14 =	vmul.f32 v18, v17;
	v9 =	vmul.f32 v9, v19;
	v18 =	vld [tilespmem:s26+$0xFFFFFFA0]  }
0x15f: {  	v21 =	vld [tilespmem:s28+$0xFFFFFFA0]  }
0x160: {  	v9 =	vadd.f32 v9, v14  }
0x161: {  	s14 =	simm.s32 $0x93A8;
	v8 =	vmul.f32 v8, v15;
	v14 =	vmul.f32 v20, v16  }
0x162: {  	[tilespmem:s14+$0xFFFFFDF8] =	vst v9  }
0x163: {  	v9 =	vld [tilespmem:s11+$0xFFFFFE10];
	v8 =	vadd.f32 v14, v8  }
0x164: {  	v14 =	vld [tilespmem:s18+$0xFFFFFE10];
	v18 =	vmul.f32 v18, v10;
	v20 =	vmul.f32 v21, v11  }
0x165: {  	[tilespmem:s29+$0xFFFFFECB] =	vst v8  }
0x166: {  	v8 =	vld [tilespmem:s12+$0xFFFFFEE0];
	v18 =	vadd.f32 v20, v18  }
0x167: {  	v20 =	vld [tilespmem:s13+$0xFFFFFEE0]  }
0x168: {  	[tilespmem:s25+$0xFFFFFF9E] =	vst v18  }
0x169: {  	v9 =	vmul.f32 v9, v17;
	v14 =	vmul.f32 v14, v19;
	v18 =	vld [tilespmem:s26+$0xFFFFFFB0]  }
0x16a: {  	v21 =	vld [tilespmem:s28+$0xFFFFFFB0]  }
0x16b: {  	v9 =	vadd.f32 v14, v9  }
0x16c: {  	v8 =	vmul.f32 v8, v15;
	v14 =	vmul.f32 v20, v16  }
0x16d: {  	[tilespmem:s14+$0xFFFFFE08] =	vst v9  }
0x16e: {  	v9 =	vld [tilespmem:s11+$0xFFFFFE20];
	v8 =	vadd.f32 v14, v8  }
0x16f: {  	v14 =	vld [tilespmem:s18+$0xFFFFFE20];
	v10 =	vmul.f32 v18, v10;
	v11 =	vmul.f32 v21, v11  }
0x170: {  	[tilespmem:s29+$0xFFFFFEDB] =	vst v8  }
0x171: {  	v8 =	vld [tilespmem:s12+$0xFFFFFEF0];
	v10 =	vadd.f32 v11, v10  }
0x172: {  	v11 =	vld [tilespmem:s13+$0xFFFFFEF0]  }
0x173: {  	[tilespmem:s25+$0xFFFFFFAE] =	vst v10  }
0x174: {  	v9 =	vmul.f32 v9, v17;
	v10 =	vmul.f32 v14, v19;
	v14 =	vld [tilespmem:s26+$0xFFFFFFC0]  }
0x175: {  	v18 =	vld [tilespmem:s28+$0xFFFFFFC0]  }
0x176: {  	v9 =	vadd.f32 v10, v9  }
0x177: {  	v8 =	vmul.f32 v8, v15;
	v10 =	vmul.f32 v11, v16  }
0x178: {  	v11 =	vbroadcast v3, $0x7;
	[tilespmem:s14+$0xFFFFFE18] =	vst v9;
	v9 =	vbroadcast v2, $0x7  }
0x179: {  	v15 =	vld [tilespmem:s11+$0xFFFFFE30];
	v8 =	vadd.f32 v10, v8  }
0x17a: {  	v10 =	vld [tilespmem:s18+$0xFFFFFE30];
	v14 =	vmul.f32 v14, v9;
	v16 =	vmul.f32 v18, v11  }
0x17b: {  	[tilespmem:s29+$0xFFFFFEEB] =	vst v8  }
0x17c: {  	v8 =	vld [tilespmem:s12+$0xFFFFFF00];
	v14 =	vadd.f32 v16, v14  }
0x17d: {  	v16 =	vld [tilespmem:s13+$0xFFFFFF00]  }
0x17e: {  	[tilespmem:s25+$0xFFFFFFBF] =	vst v14  }
0x17f: {  	v14 =	vmul.f32 v15, v17;
	v10 =	vmul.f32 v10, v19;
	v15 =	vld [tilespmem:s26+$0xFFFFFFD0]  }
0x180: {  	v18 =	vbroadcast v5, $0x4;
	v17 =	vbroadcast v4, $0x4;
	v19 =	vld [tilespmem:s28+$0xFFFFFFD0]  }
0x181: {  	v10 =	vadd.f32 v10, v14  }
0x182: {  	v8 =	vmul.f32 v8, v17;
	v14 =	vmul.f32 v16, v18  }
0x183: {  	[tilespmem:s14+$0xFFFFFE28] =	vst v10  }
0x184: {  	v10 =	vld [tilespmem:s11+$0xFFFFFE40];
	v8 =	vadd.f32 v14, v8  }
0x185: {  	v14 =	vld [tilespmem:s18+$0xFFFFFE40];
	v15 =	vmul.f32 v15, v9;
	v16 =	vmul.f32 v19, v11  }
0x186: {  	[tilespmem:s29+$0xFFFFFEFC] =	vst v8  }
0x187: {  	v8 =	vld [tilespmem:s12+$0xFFFFFF10];
	v15 =	vadd.f32 v16, v15  }
0x188: {  	v19 =	vbroadcast v6, $0x1;
	v16 =	vbroadcast v7, $0x1;
	v20 =	vld [tilespmem:s13+$0xFFFFFF10]  }
0x189: {  	[tilespmem:s25+$0xFFFFFFCF] =	vst v15  }
0x18a: {  	v10 =	vmul.f32 v10, v16;
	v14 =	vmul.f32 v14, v19;
	v15 =	vld [tilespmem:s26+$0xFFFFFFE0]  }
0x18b: {  	v21 =	vld [tilespmem:s28+$0xFFFFFFE0]  }
0x18c: {  	v10 =	vadd.f32 v14, v10  }
0x18d: {  	v8 =	vmul.f32 v8, v17;
	v14 =	vmul.f32 v20, v18  }
0x18e: {  	[tilespmem:s14+$0xFFFFFE39] =	vst v10  }
0x18f: {  	v10 =	vld [tilespmem:s11+$0xFFFFFE50];
	v8 =	vadd.f32 v14, v8  }
0x190: {  	v14 =	vld [tilespmem:s18+$0xFFFFFE50];
	v15 =	vmul.f32 v15, v9;
	v20 =	vmul.f32 v21, v11  }
0x191: {  	[tilespmem:s29+$0xFFFFFF0C] =	vst v8  }
0x192: {  	v8 =	vld [tilespmem:s12+$0xFFFFFF20];
	v15 =	vadd.f32 v20, v15  }
0x193: {  	v20 =	vld [tilespmem:s13+$0xFFFFFF20]  }
0x194: {  	[tilespmem:s25+$0xFFFFFFDF] =	vst v15  }
0x195: {  	v10 =	vmul.f32 v10, v16;
	v14 =	vmul.f32 v14, v19;
	v15 =	vld [tilespmem:s26+$0xFFFFFFF0]  }
0x196: {  	v21 =	vld [tilespmem:s28+$0xFFFFFFF0]  }
0x197: {  	v10 =	vadd.f32 v14, v10  }
0x198: {  	v8 =	vmul.f32 v8, v17;
	v14 =	vmul.f32 v20, v18  }
0x199: {  	[tilespmem:s14+$0xFFFFFE49] =	vst v10  }
0x19a: {  	v10 =	vld [tilespmem:s11+$0xFFFFFE60];
	v8 =	vadd.f32 v14, v8  }
0x19b: {  	v14 =	vld [tilespmem:s18+$0xFFFFFE60];
	v9 =	vmul.f32 v15, v9;
	v11 =	vmul.f32 v21, v11  }
0x19c: {  	[tilespmem:s29+$0xFFFFFF1C] =	vst v8  }
0x19d: {  	v8 =	vld [tilespmem:s12+$0xFFFFFF30];
	v9 =	vadd.f32 v11, v9  }
0x19e: {  	v11 =	vld [tilespmem:s13+$0xFFFFFF30]  }
0x19f: {  	[tilespmem:s25+$0xFFFFFFEF] =	vst v9  }
0x1a0: {  	v9 =	vmul.f32 v10, v16;
	v10 =	vmul.f32 v14, v19;
	v14 =	vld [tilespmem:s26+$0x0]  }
0x1a1: {  	v15 =	vld [tilespmem:s28+$0x0]  }
0x1a2: {  	v9 =	vadd.f32 v10, v9  }
0x1a3: {  	v8 =	vmul.f32 v8, v17;
	v10 =	vmul.f32 v11, v18  }
0x1a4: {  	v11 =	vbroadcast v3, $0x8;
	[tilespmem:s14+$0xFFFFFE59] =	vst v9;
	v9 =	vbroadcast v2, $0x8  }
0x1a5: {  	v17 =	vld [tilespmem:s11+$0xFFFFFE70];
	v8 =	vadd.f32 v10, v8  }
0x1a6: {  	v10 =	vld [tilespmem:s18+$0xFFFFFE70];
	v14 =	vmul.f32 v14, v9;
	v15 =	vmul.f32 v15, v11  }
0x1a7: {  	[tilespmem:s29+$0xFFFFFF2C] =	vst v8  }
0x1a8: {  	v8 =	vld [tilespmem:s12+$0xFFFFFF40];
	v14 =	vadd.f32 v15, v14  }
0x1a9: {  	v15 =	vld [tilespmem:s13+$0xFFFFFF40]  }
0x1aa: {  	[tilespmem:s25+$0x0] =	vst v14  }
0x1ab: {  	v14 =	vmul.f32 v17, v16;
	v10 =	vmul.f32 v10, v19;
	v16 =	vld [tilespmem:s26+$0x10]  }
0x1ac: {  	v18 =	vbroadcast v5, $0x5;
	v17 =	vbroadcast v4, $0x5;
	v19 =	vld [tilespmem:s28+$0x10]  }
0x1ad: {  	v10 =	vadd.f32 v10, v14  }
0x1ae: {  	v8 =	vmul.f32 v8, v17;
	v14 =	vmul.f32 v15, v18  }
0x1af: {  	[tilespmem:s14+$0xFFFFFE69] =	vst v10  }
0x1b0: {  	v10 =	vld [tilespmem:s11+$0xFFFFFE80];
	v8 =	vadd.f32 v14, v8  }
0x1b1: {  	v14 =	vld [tilespmem:s18+$0xFFFFFE80];
	v15 =	vmul.f32 v16, v9;
	v16 =	vmul.f32 v19, v11  }
0x1b2: {  	[tilespmem:s29+$0xFFFFFF3D] =	vst v8  }
0x1b3: {  	v8 =	vld [tilespmem:s12+$0xFFFFFF50];
	v15 =	vadd.f32 v16, v15  }
0x1b4: {  	v19 =	vbroadcast v6, $0x2;
	v16 =	vbroadcast v7, $0x2;
	v20 =	vld [tilespmem:s13+$0xFFFFFF50]  }
0x1b5: {  	[tilespmem:s25+$0x10] =	vst v15  }
0x1b6: {  	v10 =	vmul.f32 v10, v16;
	v14 =	vmul.f32 v14, v19;
	v15 =	vld [tilespmem:s26+$0x20]  }
0x1b7: {  	v21 =	vld [tilespmem:s28+$0x20]  }
0x1b8: {  	v10 =	vadd.f32 v14, v10  }
0x1b9: {  	v8 =	vmul.f32 v8, v17;
	v14 =	vmul.f32 v20, v18  }
0x1ba: {  	[tilespmem:s14+$0xFFFFFE7A] =	vst v10  }
0x1bb: {  	v10 =	vld [tilespmem:s11+$0xFFFFFE90];
	v8 =	vadd.f32 v14, v8  }
0x1bc: {  	v14 =	vld [tilespmem:s18+$0xFFFFFE90];
	v15 =	vmul.f32 v15, v9;
	v20 =	vmul.f32 v21, v11  }
0x1bd: {  	[tilespmem:s29+$0xFFFFFF4D] =	vst v8  }
0x1be: {  	v8 =	vld [tilespmem:s12+$0xFFFFFF60];
	v15 =	vadd.f32 v20, v15  }
0x1bf: {  	v20 =	vld [tilespmem:s13+$0xFFFFFF60]  }
0x1c0: {  	[tilespmem:s25+$0x20] =	vst v15  }
0x1c1: {  	v10 =	vmul.f32 v10, v16;
	v14 =	vmul.f32 v14, v19;
	v15 =	vld [tilespmem:s26+$0x30]  }
0x1c2: {  	v21 =	vld [tilespmem:s28+$0x30]  }
0x1c3: {  	v10 =	vadd.f32 v14, v10  }
0x1c4: {  	v8 =	vmul.f32 v8, v17;
	v14 =	vmul.f32 v20, v18  }
0x1c5: {  	[tilespmem:s14+$0xFFFFFE8A] =	vst v10  }
0x1c6: {  	v10 =	vld [tilespmem:s11+$0xFFFFFEA0];
	v8 =	vadd.f32 v14, v8  }
0x1c7: {  	v14 =	vld [tilespmem:s18+$0xFFFFFEA0];
	v9 =	vmul.f32 v15, v9;
	v11 =	vmul.f32 v21, v11  }
0x1c8: {  	[tilespmem:s29+$0xFFFFFF5D] =	vst v8  }
0x1c9: {  	v8 =	vld [tilespmem:s12+$0xFFFFFF70];
	v9 =	vadd.f32 v11, v9  }
0x1ca: {  	v11 =	vld [tilespmem:s13+$0xFFFFFF70]  }
0x1cb: {  	[tilespmem:s25+$0x30] =	vst v9  }
0x1cc: {  	v9 =	vmul.f32 v10, v16;
	v10 =	vmul.f32 v14, v19;
	v14 =	vld [tilespmem:s26+$0x40]  }
0x1cd: {  	v15 =	vld [tilespmem:s28+$0x40]  }
0x1ce: {  	v9 =	vadd.f32 v10, v9  }
0x1cf: {  	v8 =	vmul.f32 v8, v17;
	v10 =	vmul.f32 v11, v18  }
0x1d0: {  	v11 =	vbroadcast v2, $0x9;
	v17 =	vbroadcast v3, $0x9;
	[tilespmem:s14+$0xFFFFFE9A] =	vst v9  }
0x1d1: {  	v18 =	vld [tilespmem:s11+$0xFFFFFEB0];
	v9 =	vadd.f32 v10, v8  }
0x1d2: {  	s10 =	simm.s32 $0x30;
	v10 =	vld [tilespmem:s18+$0xFFFFFEB0];
	v14 =	vmul.f32 v14, v11;
	v15 =	vmul.f32 v15, v17  }
0x1d3: {  	v8 =	vld.idx.msk [tilespmem:v12+s10+$0x0 ss:$0x1], $0xffff;
	[tilespmem:s29+$0xFFFFFF6D] =	vst v9  }
0x1d4: {  	v20 =	vld [tilespmem:s12+$0xFFFFFF80];
	v14 =	vadd.f32 v15, v14  }
0x1d5: {  	v15 =	vld [tilespmem:s13+$0xFFFFFF80]  }
0x1d6: {  	v9 =	vld.idx.msk [tilespmem:v13+s10+$0x0 ss:$0x1], $0xffff;
	[tilespmem:s25+$0x41] =	vst v14  }
0x1d7: {  	v14 =	vmul.f32 v18, v16;
	v10 =	vmul.f32 v10, v19;
	v16 =	vld [tilespmem:s26+$0x50]  }
0x1d8: {  	s3 =	sshrl.u32 s3, $0x2;
	s19 =	sadd.s32 $0x400, s11;
	v18 =	vbroadcast v4, $0x6;
	v19 =	vbroadcast v5, $0x6;
	v21 =	vld [tilespmem:s28+$0x50]  }
0x1d9: {  	s22 =	sadd.s32 $0xAB00, s3;
	s3 =	sadd.s32 $0x400, s18;
	v22 =	vld [tilespmem:s19+$0xFFFFFE00];
	v10 =	vadd.f32 v10, v14  }
0x1da: {  	v14 =	vld [tilespmem:s3+$0xFFFFFE00];
	v20 =	vmul.f32 v20, v18;
	v15 =	vmul.f32 v15, v19  }
0x1db: {  	[tilespmem:s14+$0xFFFFFEAA] =	vst v10  }
0x1dc: {  	v23 =	vbroadcast v9, $0x0;
	v10 =	vbroadcast v8, $0x0;
	v24 =	vld [tilespmem:s11+$0xFFFFFEC0];
	v15 =	vadd.f32 v15, v20  }
0x1dd: {  	v20 =	vld [tilespmem:s18+$0xFFFFFEC0];
	v16 =	vmul.f32 v16, v11;
	v21 =	vmul.f32 v21, v17  }
0x1de: {  	[tilespmem:s29+$0xFFFFFF7E] =	vst v15  }
0x1df: {  	v15 =	vmul.f32 v22, v10;
	v14 =	vmul.f32 v14, v23;
	v22 =	vld [tilespmem:s12+$0xFFFFFF90];
	v16 =	vadd.f32 v21, v16  }
0x1e0: {  	v25 =	vbroadcast v6, $0x3;
	v21 =	vbroadcast v7, $0x3;
	v26 =	vld [tilespmem:s13+$0xFFFFFF90]  }
0x1e1: {  	v14 =	vadd.f32 v14, v15;
	[tilespmem:s25+$0x51] =	vst v16  }
0x1e2: {  	s1 =	simm.s32 $0x97B8;
	v15 =	vmul.f32 v24, v21;
	v16 =	vmul.f32 v20, v25;
	v20 =	vld [tilespmem:s26+$0x60]  }
0x1e3: {  	[tilespmem:s1+$0xFFFFFDF8] =	vst v14;
	v14 =	vld [tilespmem:s28+$0x60]  }
0x1e4: {  	v24 =	vld [tilespmem:s19+$0xFFFFFE10];
	v15 =	vadd.f32 v16, v15  }
0x1e5: {  	v16 =	vld [tilespmem:s3+$0xFFFFFE10];
	v22 =	vmul.f32 v22, v18;
	v26 =	vmul.f32 v26, v19  }
0x1e6: {  	[tilespmem:s14+$0xFFFFFEBB] =	vst v15  }
0x1e7: {  	v15 =	vld [tilespmem:s11+$0xFFFFFED0];
	v22 =	vadd.f32 v26, v22  }
0x1e8: {  	v26 =	vld [tilespmem:s18+$0xFFFFFED0];
	v20 =	vmul.f32 v20, v11;
	v14 =	vmul.f32 v14, v17  }
0x1e9: {  	[tilespmem:s29+$0xFFFFFF8E] =	vst v22  }
0x1ea: {  	v22 =	vmul.f32 v24, v10;
	v16 =	vmul.f32 v16, v23;
	v24 =	vld [tilespmem:s12+$0xFFFFFFA0];
	v14 =	vadd.f32 v14, v20  }
0x1eb: {  	v20 =	vld [tilespmem:s13+$0xFFFFFFA0]  }
0x1ec: {  	v16 =	vadd.f32 v16, v22;
	[tilespmem:s25+$0x61] =	vst v14  }
0x1ed: {  	v14 =	vmul.f32 v15, v21;
	v15 =	vmul.f32 v26, v25;
	v22 =	vld [tilespmem:s26+$0x70]  }
0x1ee: {  	[tilespmem:s1+$0xFFFFFE08] =	vst v16;
	v16 =	vld [tilespmem:s28+$0x70]  }
0x1ef: {  	v26 =	vld [tilespmem:s19+$0xFFFFFE20];
	v14 =	vadd.f32 v15, v14  }
0x1f0: {  	v15 =	vld [tilespmem:s3+$0xFFFFFE20];
	v24 =	vmul.f32 v24, v18;
	v20 =	vmul.f32 v20, v19  }
0x1f1: {  	[tilespmem:s14+$0xFFFFFECB] =	vst v14  }
0x1f2: {  	v14 =	vld [tilespmem:s11+$0xFFFFFEE0];
	v20 =	vadd.f32 v20, v24  }
0x1f3: {  	v24 =	vld [tilespmem:s18+$0xFFFFFEE0];
	v11 =	vmul.f32 v22, v11;
	v16 =	vmul.f32 v16, v17  }
0x1f4: {  	[tilespmem:s29+$0xFFFFFF9E] =	vst v20  }
0x1f5: {  	v17 =	vmul.f32 v26, v10;
	v15 =	vmul.f32 v15, v23;
	v20 =	vld [tilespmem:s12+$0xFFFFFFB0];
	v11 =	vadd.f32 v16, v11  }
0x1f6: {  	v16 =	vld [tilespmem:s13+$0xFFFFFFB0]  }
0x1f7: {  	v15 =	vadd.f32 v15, v17;
	[tilespmem:s25+$0x71] =	vst v11  }
0x1f8: {  	v11 =	vmul.f32 v14, v21;
	v14 =	vmul.f32 v24, v25;
	v17 =	vld [tilespmem:s26+$0x80]  }
0x1f9: {  	[tilespmem:s1+$0xFFFFFE18] =	vst v15;
	v15 =	vld [tilespmem:s28+$0x80]  }
0x1fa: {  	v22 =	vld [tilespmem:s19+$0xFFFFFE30];
	v11 =	vadd.f32 v14, v11  }
0x1fb: {  	v14 =	vld [tilespmem:s3+$0xFFFFFE30];
	v18 =	vmul.f32 v20, v18;
	v16 =	vmul.f32 v16, v19  }
0x1fc: {  	v19 =	vbroadcast v3, $0xA;
	[tilespmem:s14+$0xFFFFFEDB] =	vst v11;
	v11 =	vbroadcast v2, $0xA  }
0x1fd: {  	v20 =	vld [tilespmem:s11+$0xFFFFFEF0];
	v16 =	vadd.f32 v16, v18  }
0x1fe: {  	v18 =	vld [tilespmem:s18+$0xFFFFFEF0];
	v17 =	vmul.f32 v17, v11;
	v15 =	vmul.f32 v15, v19  }
0x1ff: {  	[tilespmem:s29+$0xFFFFFFAE] =	vst v16  }
0x200: {  	v10 =	vmul.f32 v22, v10;
	v14 =	vmul.f32 v14, v23;
	v16 =	vld [tilespmem:s12+$0xFFFFFFC0];
	v15 =	vadd.f32 v15, v17  }
0x201: {  	v17 =	vld [tilespmem:s13+$0xFFFFFFC0]  }
0x202: {  	v10 =	vadd.f32 v14, v10;
	[tilespmem:s25+$0x82] =	vst v15  }
0x203: {  	v14 =	vmul.f32 v20, v21;
	v15 =	vmul.f32 v18, v25;
	v18 =	vld [tilespmem:s26+$0x90]  }
0x204: {  	v20 =	vbroadcast v5, $0x7;
	[tilespmem:s1+$0xFFFFFE28] =	vst v10;
	v10 =	vbroadcast v4, $0x7;
	v21 =	vld [tilespmem:s28+$0x90]  }
0x205: {  	v14 =	vadd.f32 v15, v14  }
0x206: {  	v22 =	vld [tilespmem:s19+$0xFFFFFE40];
	v16 =	vmul.f32 v16, v10;
	v17 =	vmul.f32 v17, v20  }
0x207: {  	v15 =	vld [tilespmem:s3+$0xFFFFFE40];
	[tilespmem:s14+$0xFFFFFEEB] =	vst v14  }
0x208: {  	v14 =	vbroadcast v8, $0x1;
	v24 =	vld [tilespmem:s11+$0xFFFFFF00];
	v16 =	vadd.f32 v17, v16  }
0x209: {  	v17 =	vld [tilespmem:s18+$0xFFFFFF00];
	v18 =	vmul.f32 v18, v11;
	v21 =	vmul.f32 v21, v19  }
0x20a: {  	v23 =	vbroadcast v9, $0x1;
	[tilespmem:s29+$0xFFFFFFBF] =	vst v16  }
0x20b: {  	v25 =	vbroadcast v6, $0x4;
	v16 =	vmul.f32 v22, v14;
	v22 =	vld [tilespmem:s12+$0xFFFFFFD0];
	v18 =	vadd.f32 v21, v18  }
0x20c: {  	v15 =	vmul.f32 v15, v23;
	v21 =	vbroadcast v7, $0x4;
	v26 =	vld [tilespmem:s13+$0xFFFFFFD0]  }
0x20d: {  	[tilespmem:s25+$0x92] =	vst v18  }
0x20e: {  	v15 =	vadd.f32 v15, v16;
	v16 =	vmul.f32 v24, v21;
	v17 =	vmul.f32 v17, v25;
	v18 =	vld [tilespmem:s26+$0xA0]  }
0x20f: {  	v24 =	vld [tilespmem:s28+$0xA0]  }
0x210: {  	[tilespmem:s1+$0xFFFFFE39] =	vst v15;
	v15 =	vadd.f32 v17, v16  }
0x211: {  	v16 =	vld [tilespmem:s19+$0xFFFFFE50];
	v17 =	vmul.f32 v22, v10;
	v22 =	vmul.f32 v26, v20  }
0x212: {  	v26 =	vld [tilespmem:s3+$0xFFFFFE50];
	[tilespmem:s14+$0xFFFFFEFC] =	vst v15  }
0x213: {  	v15 =	vld [tilespmem:s11+$0xFFFFFF10];
	v17 =	vadd.f32 v22, v17  }
0x214: {  	v22 =	vld [tilespmem:s18+$0xFFFFFF10];
	v18 =	vmul.f32 v18, v11;
	v24 =	vmul.f32 v24, v19  }
0x215: {  	[tilespmem:s29+$0xFFFFFFCF] =	vst v17  }
0x216: {  	v17 =	vld [tilespmem:s12+$0xFFFFFFE0];
	v18 =	vadd.f32 v24, v18  }
0x217: {  	v16 =	vmul.f32 v16, v14;
	v24 =	vmul.f32 v26, v23;
	v26 =	vld [tilespmem:s13+$0xFFFFFFE0]  }
0x218: {  	[tilespmem:s25+$0xA2] =	vst v18  }
0x219: {  	v16 =	vadd.f32 v24, v16;
	v15 =	vmul.f32 v15, v21;
	v18 =	vmul.f32 v22, v25;
	v22 =	vld [tilespmem:s26+$0xB0]  }
0x21a: {  	v24 =	vld [tilespmem:s28+$0xB0]  }
0x21b: {  	[tilespmem:s1+$0xFFFFFE49] =	vst v16;
	v15 =	vadd.f32 v18, v15  }
0x21c: {  	v16 =	vld [tilespmem:s19+$0xFFFFFE60];
	v17 =	vmul.f32 v17, v10;
	v18 =	vmul.f32 v26, v20  }
0x21d: {  	v26 =	vld [tilespmem:s3+$0xFFFFFE60];
	[tilespmem:s14+$0xFFFFFF0C] =	vst v15  }
0x21e: {  	v15 =	vld [tilespmem:s11+$0xFFFFFF20];
	v17 =	vadd.f32 v18, v17  }
0x21f: {  	v18 =	vld [tilespmem:s18+$0xFFFFFF20];
	v11 =	vmul.f32 v22, v11;
	v19 =	vmul.f32 v24, v19  }
0x220: {  	[tilespmem:s29+$0xFFFFFFDF] =	vst v17  }
0x221: {  	v17 =	vld [tilespmem:s12+$0xFFFFFFF0];
	v11 =	vadd.f32 v19, v11  }
0x222: {  	v16 =	vmul.f32 v16, v14;
	v19 =	vmul.f32 v26, v23;
	v22 =	vld [tilespmem:s13+$0xFFFFFFF0]  }
0x223: {  	[tilespmem:s25+$0xB2] =	vst v11  }
0x224: {  	v11 =	vadd.f32 v19, v16;
	v15 =	vmul.f32 v15, v21;
	v16 =	vmul.f32 v18, v25;
	v18 =	vld [tilespmem:s26+$0xC0]  }
0x225: {  	v19 =	vld [tilespmem:s28+$0xC0]  }
0x226: {  	[tilespmem:s1+$0xFFFFFE59] =	vst v11;
	v11 =	vadd.f32 v16, v15  }
0x227: {  	v15 =	vld [tilespmem:s19+$0xFFFFFE70];
	v10 =	vmul.f32 v17, v10;
	v16 =	vmul.f32 v22, v20  }
0x228: {  	v17 =	vld [tilespmem:s3+$0xFFFFFE70];
	v20 =	vbroadcast v2, $0xB;
	v22 =	vbroadcast v3, $0xB;
	[tilespmem:s14+$0xFFFFFF1C] =	vst v11  }
0x229: {  	v11 =	vld [tilespmem:s11+$0xFFFFFF30];
	v10 =	vadd.f32 v16, v10  }
0x22a: {  	v16 =	vld [tilespmem:s18+$0xFFFFFF30];
	v18 =	vmul.f32 v18, v20;
	v19 =	vmul.f32 v19, v22  }
0x22b: {  	[tilespmem:s29+$0xFFFFFFEF] =	vst v10  }
0x22c: {  	v10 =	vld [tilespmem:s12+$0x0];
	v18 =	vadd.f32 v19, v18  }
0x22d: {  	v19 =	vld [tilespmem:s13+$0x0]  }
0x22e: {  	v14 =	vmul.f32 v15, v14;
	v15 =	vmul.f32 v17, v23;
	[tilespmem:s25+$0xC3] =	vst v18  }
0x22f: {  	v11 =	vmul.f32 v11, v21;
	v16 =	vmul.f32 v16, v25;
	v17 =	vld [tilespmem:s26+$0xD0]  }
0x230: {  	v14 =	vadd.f32 v15, v14;
	v15 =	vbroadcast v4, $0x8;
	v18 =	vbroadcast v5, $0x8;
	v21 =	vld [tilespmem:s28+$0xD0]  }
0x231: {  	v11 =	vadd.f32 v16, v11  }
0x232: {  	[tilespmem:s1+$0xFFFFFE69] =	vst v14;
	v10 =	vmul.f32 v10, v15;
	v14 =	vmul.f32 v19, v18  }
0x233: {  	v16 =	vld [tilespmem:s19+$0xFFFFFE80];
	[tilespmem:s14+$0xFFFFFF2C] =	vst v11  }
0x234: {  	v11 =	vld [tilespmem:s11+$0xFFFFFF40];
	v10 =	vadd.f32 v14, v10  }
0x235: {  	v14 =	vld [tilespmem:s18+$0xFFFFFF40];
	v17 =	vmul.f32 v17, v20;
	v19 =	vmul.f32 v21, v22  }
0x236: {  	v21 =	vld [tilespmem:s3+$0xFFFFFE80];
	[tilespmem:s29+$0x0] =	vst v10  }
0x237: {  	v10 =	vld [tilespmem:s12+$0x10];
	v17 =	vadd.f32 v19, v17  }
0x238: {  	v23 =	vbroadcast v6, $0x5;
	v19 =	vbroadcast v7, $0x5;
	v24 =	vld [tilespmem:s13+$0x10]  }
0x239: {  	v26 =	vbroadcast v9, $0x2;
	v25 =	vbroadcast v8, $0x2;
	[tilespmem:s25+$0xD3] =	vst v17  }
0x23a: {  	v11 =	vmul.f32 v11, v19;
	v14 =	vmul.f32 v14, v23;
	v17 =	vld [tilespmem:s26+$0xE0]  }
0x23b: {  	v27 =	vld [tilespmem:s28+$0xE0]  }
0x23c: {  	v16 =	vmul.f32 v16, v25;
	v21 =	vmul.f32 v21, v26;
	v11 =	vadd.f32 v14, v11  }
0x23d: {  	s17 =	simm.s32 $0x40;
	v14 =	vmul.f32 v10, v15;
	v24 =	vmul.f32 v24, v18  }
0x23e: {  	v10 =	vld.idx.msk [tilespmem:v12+s17+$0x0 ss:$0x1], $0xffff;
	v16 =	vadd.f32 v21, v16;
	[tilespmem:s14+$0xFFFFFF3D] =	vst v11  }
0x23f: {  	v11 =	vld [tilespmem:s11+$0xFFFFFF50];
	v14 =	vadd.f32 v24, v14  }
0x240: {  	[tilespmem:s1+$0xFFFFFE7A] =	vst v16;
	v16 =	vld [tilespmem:s18+$0xFFFFFF50];
	v17 =	vmul.f32 v17, v20;
	v21 =	vmul.f32 v27, v22  }
0x241: {  	v24 =	vld [tilespmem:s19+$0xFFFFFE90];
	[tilespmem:s29+$0x10] =	vst v14  }
0x242: {  	v14 =	vld [tilespmem:s12+$0x20];
	v17 =	vadd.f32 v21, v17  }
0x243: {  	v21 =	vld [tilespmem:s13+$0x20]  }
0x244: {  	v27 =	vld [tilespmem:s3+$0xFFFFFE90];
	[tilespmem:s25+$0xE3] =	vst v17  }
0x245: {  	v17 =	vmul.f32 v11, v19;
	v16 =	vmul.f32 v16, v23;
	v28 =	vld [tilespmem:s26+$0xF0]  }
0x246: {  	v29 =	vld [tilespmem:s28+$0xF0]  }
0x247: {  	s6 =	sadd.s32 $0x400, s3;
	v11 =	vld.idx.msk [tilespmem:v13+s17+$0x0 ss:$0x1], $0xffff;
	v16 =	vadd.f32 v16, v17  }
0x248: {  	s5 =	sadd.s32 $0x400, s19;
	v30 =	vld [tilespmem:s6+$0xFFFFFE00];
	v14 =	vmul.f32 v14, v15;
	v21 =	vmul.f32 v21, v18  }
0x249: {  	v17 =	vld [tilespmem:s5+$0xFFFFFE00];
	[tilespmem:s14+$0xFFFFFF4D] =	vst v16  }
0x24a: {  	v16 =	vmul.f32 v24, v25;
	v24 =	vmul.f32 v27, v26;
	v27 =	vld [tilespmem:s11+$0xFFFFFF60];
	v14 =	vadd.f32 v21, v14  }
0x24b: {  	v21 =	vld [tilespmem:s18+$0xFFFFFF60];
	v20 =	vmul.f32 v28, v20;
	v22 =	vmul.f32 v29, v22  }
0x24c: {  	v16 =	vadd.f32 v24, v16;
	v24 =	vbroadcast v10, $0x0;
	v28 =	vbroadcast v11, $0x0;
	[tilespmem:s29+$0x20] =	vst v14  }
0x24d: {  	v14 =	vld [tilespmem:s12+$0x30];
	v20 =	vadd.f32 v22, v20  }
0x24e: {  	[tilespmem:s1+$0xFFFFFE8A] =	vst v16;
	v16 =	vmul.f32 v17, v24;
	v17 =	vmul.f32 v30, v28;
	v22 =	vld [tilespmem:s13+$0x30]  }
0x24f: {  	v29 =	vld [tilespmem:s19+$0xFFFFFEA0];
	[tilespmem:s25+$0xF3] =	vst v20  }
0x250: {  	v16 =	vadd.f32 v17, v16;
	v17 =	vmul.f32 v27, v19;
	v20 =	vmul.f32 v21, v23;
	v21 =	vld [tilespmem:s26+$0x100]  }
0x251: {  	s10 =	simm.s32 $0x9BC8;
	v27 =	vld [tilespmem:s28+$0x100]  }
0x252: {  	v30 =	vld [tilespmem:s3+$0xFFFFFEA0];
	[tilespmem:s10+$0xFFFFFDF8] =	vst v16;
	v16 =	vadd.f32 v20, v17  }
0x253: {  	v17 =	vld [tilespmem:s5+$0xFFFFFE10];
	v14 =	vmul.f32 v14, v15;
	v15 =	vmul.f32 v22, v18  }
0x254: {  	v20 =	vbroadcast v3, $0xC;
	v18 =	vld [tilespmem:s6+$0xFFFFFE10];
	[tilespmem:s14+$0xFFFFFF5D] =	vst v16;
	v16 =	vbroadcast v2, $0xC  }
0x255: {  	v22 =	vld [tilespmem:s11+$0xFFFFFF70];
	v14 =	vadd.f32 v15, v14  }
0x256: {  	v15 =	vld [tilespmem:s18+$0xFFFFFF70];
	v21 =	vmul.f32 v21, v16;
	v27 =	vmul.f32 v27, v20  }
0x257: {  	[tilespmem:s29+$0x30] =	vst v14  }
0x258: {  	v14 =	vmul.f32 v29, v25;
	v29 =	vmul.f32 v30, v26;
	v30 =	vld [tilespmem:s12+$0x40];
	v21 =	vadd.f32 v27, v21  }
0x259: {  	v27 =	vld [tilespmem:s13+$0x40]  }
0x25a: {  	v17 =	vmul.f32 v17, v24;
	v18 =	vmul.f32 v18, v28;
	v14 =	vadd.f32 v29, v14;
	[tilespmem:s25+$0x104] =	vst v21  }
0x25b: {  	v19 =	vmul.f32 v22, v19;
	v15 =	vmul.f32 v15, v23;
	v21 =	vld [tilespmem:s26+$0x110]  }
0x25c: {  	[tilespmem:s1+$0xFFFFFE9A] =	vst v14;
	v14 =	vadd.f32 v18, v17;
	v17 =	vbroadcast v4, $0x9;
	v18 =	vbroadcast v5, $0x9;
	v22 =	vld [tilespmem:s28+$0x110]  }
0x25d: {  	v23 =	vld [tilespmem:s19+$0xFFFFFEB0];
	v15 =	vadd.f32 v15, v19  }
0x25e: {  	v19 =	vld [tilespmem:s3+$0xFFFFFEB0];
	[tilespmem:s10+$0xFFFFFE08] =	vst v14;
	v14 =	vmul.f32 v30, v17;
	v27 =	vmul.f32 v27, v18  }
0x25f: {  	v29 =	vld [tilespmem:s5+$0xFFFFFE20];
	[tilespmem:s14+$0xFFFFFF6D] =	vst v15  }
0x260: {  	v15 =	vld [tilespmem:s11+$0xFFFFFF80];
	v14 =	vadd.f32 v27, v14  }
0x261: {  	v27 =	vld [tilespmem:s18+$0xFFFFFF80];
	v21 =	vmul.f32 v21, v16;
	v22 =	vmul.f32 v22, v20  }
0x262: {  	v30 =	vld [tilespmem:s6+$0xFFFFFE20];
	[tilespmem:s29+$0x41] =	vst v14  }
0x263: {  	v14 =	vmul.f32 v23, v25;
	v19 =	vmul.f32 v19, v26;
	v23 =	vld [tilespmem:s12+$0x50];
	v21 =	vadd.f32 v22, v21  }
0x264: {  	v25 =	vbroadcast v7, $0x6;
	v26 =	vbroadcast v6, $0x6;
	v22 =	vld [tilespmem:s13+$0x50]  }
0x265: {  	v14 =	vadd.f32 v19, v14;
	[tilespmem:s25+$0x114] =	vst v21  }
0x266: {  	v15 =	vmul.f32 v15, v25;
	v19 =	vmul.f32 v27, v26;
	v21 =	vld [tilespmem:s26+$0x120]  }
0x267: {  	[tilespmem:s1+$0xFFFFFEAA] =	vst v14;
	v14 =	vld [tilespmem:s28+$0x120]  }
0x268: {  	v29 =	vmul.f32 v29, v24;
	v30 =	vmul.f32 v30, v28;
	v27 =	vld [tilespmem:s19+$0xFFFFFEC0];
	v15 =	vadd.f32 v19, v15  }
0x269: {  	v19 =	vld [tilespmem:s3+$0xFFFFFEC0];
	v23 =	vmul.f32 v23, v17;
	v22 =	vmul.f32 v22, v18  }
0x26a: {  	v29 =	vadd.f32 v30, v29;
	[tilespmem:s14+$0xFFFFFF7E] =	vst v15  }
0x26b: {  	v30 =	vbroadcast v9, $0x3;
	v15 =	vbroadcast v8, $0x3;
	v31 =	vld [tilespmem:s11+$0xFFFFFF90];
	v22 =	vadd.f32 v22, v23  }
0x26c: {  	[tilespmem:s10+$0xFFFFFE18] =	vst v29;
	v23 =	vld [tilespmem:s18+$0xFFFFFF90];
	v21 =	vmul.f32 v21, v16;
	v14 =	vmul.f32 v14, v20  }
0x26d: {  	v29 =	vld [tilespmem:s5+$0xFFFFFE30];
	[tilespmem:s29+$0x51] =	vst v22  }
0x26e: {  	v22 =	vmul.f32 v27, v15;
	v19 =	vmul.f32 v19, v30;
	v27 =	vld [tilespmem:s12+$0x60];
	v14 =	vadd.f32 v14, v21  }
0x26f: {  	v21 =	vld [tilespmem:s13+$0x60]  }
0x270: {  	v32 =	vld [tilespmem:s6+$0xFFFFFE30];
	v19 =	vadd.f32 v19, v22;
	[tilespmem:s25+$0x124] =	vst v14  }
0x271: {  	v14 =	vmul.f32 v31, v25;
	v22 =	vmul.f32 v23, v26;
	v23 =	vld [tilespmem:s26+$0x130]  }
0x272: {  	[tilespmem:s1+$0xFFFFFEBB] =	vst v19;
	v19 =	vld [tilespmem:s28+$0x130]  }
0x273: {  	v31 =	vld [tilespmem:s19+$0xFFFFFED0];
	v14 =	vadd.f32 v22, v14  }
0x274: {  	v22 =	vld [tilespmem:s3+$0xFFFFFED0];
	v27 =	vmul.f32 v27, v17;
	v21 =	vmul.f32 v21, v18  }
0x275: {  	[tilespmem:s14+$0xFFFFFF8E] =	vst v14  }
0x276: {  	v14 =	vmul.f32 v29, v24;
	v24 =	vmul.f32 v32, v28;
	v28 =	vld [tilespmem:s11+$0xFFFFFFA0];
	v21 =	vadd.f32 v21, v27  }
0x277: {  	v27 =	vld [tilespmem:s18+$0xFFFFFFA0];
	v16 =	vmul.f32 v23, v16;
	v19 =	vmul.f32 v19, v20  }
0x278: {  	v14 =	vadd.f32 v24, v14;
	[tilespmem:s29+$0x61] =	vst v21  }
0x279: {  	v20 =	vmul.f32 v31, v15;
	v21 =	vmul.f32 v22, v30;
	v22 =	vld [tilespmem:s12+$0x70];
	v16 =	vadd.f32 v19, v16  }
0x27a: {  	[tilespmem:s10+$0xFFFFFE28] =	vst v14;
	v14 =	vld [tilespmem:s13+$0x70]  }
0x27b: {  	v19 =	vld [tilespmem:s5+$0xFFFFFE40];
	v20 =	vadd.f32 v21, v20;
	[tilespmem:s25+$0x134] =	vst v16  }
0x27c: {  	v16 =	vmul.f32 v28, v25;
	v21 =	vmul.f32 v27, v26;
	v23 =	vld [tilespmem:s26+$0x140]  }
0x27d: {  	[tilespmem:s1+$0xFFFFFECB] =	vst v20;
	v20 =	vld [tilespmem:s28+$0x140]  }
0x27e: {  	v24 =	vld [tilespmem:s19+$0xFFFFFEE0];
	v16 =	vadd.f32 v21, v16  }
0x27f: {  	v21 =	vld [tilespmem:s3+$0xFFFFFEE0];
	v17 =	vmul.f32 v22, v17;
	v14 =	vmul.f32 v14, v18  }
0x280: {  	v27 =	vbroadcast v3, $0xD;
	v18 =	vld [tilespmem:s6+$0xFFFFFE40];
	[tilespmem:s14+$0xFFFFFF9E] =	vst v16;
	v16 =	vbroadcast v2, $0xD  }
0x281: {  	v28 =	vld [tilespmem:s11+$0xFFFFFFB0];
	v14 =	vadd.f32 v14, v17  }
0x282: {  	v17 =	vld [tilespmem:s18+$0xFFFFFFB0];
	v29 =	vmul.f32 v23, v16;
	v20 =	vmul.f32 v20, v27  }
0x283: {  	v22 =	vbroadcast v10, $0x1;
	v23 =	vbroadcast v11, $0x1;
	[tilespmem:s29+$0x71] =	vst v14  }
0x284: {  	v14 =	vmul.f32 v24, v15;
	v21 =	vmul.f32 v21, v30;
	v24 =	vld [tilespmem:s12+$0x80];
	v20 =	vadd.f32 v20, v29  }
0x285: {  	v29 =	vld [tilespmem:s13+$0x80]  }
0x286: {  	v19 =	vmul.f32 v19, v22;
	v18 =	vmul.f32 v18, v23;
	v14 =	vadd.f32 v21, v14;
	[tilespmem:s25+$0x145] =	vst v20  }
0x287: {  	v20 =	vmul.f32 v28, v25;
	v17 =	vmul.f32 v17, v26;
	v21 =	vld [tilespmem:s26+$0x150]  }
0x288: {  	v18 =	vadd.f32 v18, v19;
	v19 =	vbroadcast v5, $0xA;
	[tilespmem:s1+$0xFFFFFEDB] =	vst v14;
	v14 =	vbroadcast v4, $0xA;
	v25 =	vld [tilespmem:s28+$0x150]  }
0x289: {  	v26 =	vld [tilespmem:s19+$0xFFFFFEF0];
	v17 =	vadd.f32 v17, v20  }
0x28a: {  	[tilespmem:s10+$0xFFFFFE39] =	vst v18;
	v18 =	vld [tilespmem:s3+$0xFFFFFEF0];
	v20 =	vmul.f32 v24, v14;
	v24 =	vmul.f32 v29, v19  }
0x28b: {  	v28 =	vld [tilespmem:s5+$0xFFFFFE50];
	[tilespmem:s14+$0xFFFFFFAE] =	vst v17  }
0x28c: {  	v17 =	vld [tilespmem:s11+$0xFFFFFFC0];
	v20 =	vadd.f32 v24, v20  }
0x28d: {  	v24 =	vld [tilespmem:s18+$0xFFFFFFC0];
	v21 =	vmul.f32 v21, v16;
	v25 =	vmul.f32 v25, v27  }
0x28e: {  	v29 =	vld [tilespmem:s6+$0xFFFFFE50];
	[tilespmem:s29+$0x82] =	vst v20  }
0x28f: {  	v15 =	vmul.f32 v26, v15;
	v18 =	vmul.f32 v18, v30;
	v26 =	vld [tilespmem:s12+$0x90];
	v25 =	vadd.f32 v25, v21  }
0x290: {  	v20 =	vbroadcast v7, $0x7;
	v21 =	vbroadcast v6, $0x7;
	v30 =	vld [tilespmem:s13+$0x90]  }
0x291: {  	v15 =	vadd.f32 v18, v15;
	[tilespmem:s25+$0x155] =	vst v25  }
0x292: {  	v17 =	vmul.f32 v17, v20;
	v18 =	vmul.f32 v24, v21;
	v31 =	vld [tilespmem:s26+$0x160]  }
0x293: {  	[tilespmem:s1+$0xFFFFFEEB] =	vst v15;
	v15 =	vld [tilespmem:s28+$0x160]  }
0x294: {  	v24 =	vmul.f32 v28, v22;
	v25 =	vmul.f32 v29, v23;
	v28 =	vld [tilespmem:s19+$0xFFFFFF00];
	v17 =	vadd.f32 v18, v17  }
0x295: {  	v18 =	vld [tilespmem:s3+$0xFFFFFF00];
	v26 =	vmul.f32 v26, v14;
	v29 =	vmul.f32 v30, v19  }
0x296: {  	v30 =	vadd.f32 v25, v24;
	[tilespmem:s14+$0xFFFFFFBF] =	vst v17  }
0x297: {  	v24 =	vbroadcast v8, $0x4;
	v25 =	vbroadcast v9, $0x4;
	v17 =	vld [tilespmem:s11+$0xFFFFFFD0];
	v26 =	vadd.f32 v29, v26  }
0x298: {  	[tilespmem:s10+$0xFFFFFE49] =	vst v30;
	v29 =	vld [tilespmem:s18+$0xFFFFFFD0];
	v30 =	vmul.f32 v31, v16;
	v15 =	vmul.f32 v15, v27  }
0x299: {  	v31 =	vld [tilespmem:s5+$0xFFFFFE60];
	[tilespmem:s29+$0x92] =	vst v26  }
0x29a: {  	v26 =	vmul.f32 v28, v24;
	v18 =	vmul.f32 v18, v25;
	v28 =	vld [tilespmem:s12+$0xA0];
	v15 =	vadd.f32 v15, v30  }
0x29b: {  	v30 =	vld [tilespmem:s13+$0xA0]  }
0x29c: {  	v62 =	vld [tilespmem:s6+$0xFFFFFE60];
	v18 =	vadd.f32 v18, v26;
	[tilespmem:s25+$0x165] =	vst v15  }
0x29d: {  	v15 =	vmul.f32 v17, v20;
	v17 =	vmul.f32 v29, v21;
	v26 =	vld [tilespmem:s26+$0x170]  }
0x29e: {  	[tilespmem:s1+$0xFFFFFEFC] =	vst v18;
	v18 =	vld [tilespmem:s28+$0x170]  }
0x29f: {  	v29 =	vld [tilespmem:s19+$0xFFFFFF10];
	v15 =	vadd.f32 v17, v15  }
0x2a0: {  	v17 =	vld [tilespmem:s3+$0xFFFFFF10];
	v28 =	vmul.f32 v28, v14;
	v30 =	vmul.f32 v30, v19  }
0x2a1: {  	[tilespmem:s14+$0xFFFFFFCF] =	vst v15  }
0x2a2: {  	v15 =	vmul.f32 v31, v22;
	v31 =	vmul.f32 v62, v23;
	v63 =	vld [tilespmem:s11+$0xFFFFFFE0];
	v28 =	vadd.f32 v30, v28  }
0x2a3: {  	v30 =	vld [tilespmem:s18+$0xFFFFFFE0];
	v16 =	vmul.f32 v26, v16;
	v18 =	vmul.f32 v18, v27  }
0x2a4: {  	v15 =	vadd.f32 v31, v15;
	[tilespmem:s29+$0xA2] =	vst v28  }
0x2a5: {  	v26 =	vmul.f32 v29, v24;
	v17 =	vmul.f32 v17, v25;
	v29 =	vld [tilespmem:s12+$0xB0];
	v16 =	vadd.f32 v18, v16  }
0x2a6: {  	[tilespmem:s10+$0xFFFFFE59] =	vst v15;
	v15 =	vld [tilespmem:s13+$0xB0]  }
0x2a7: {  	v28 =	vld [tilespmem:s5+$0xFFFFFE70];
	v17 =	vadd.f32 v17, v26;
	[tilespmem:s25+$0x175] =	vst v16  }
0x2a8: {  	v18 =	vmul.f32 v63, v20;
	v27 =	vmul.f32 v30, v21;
	v16 =	vld [tilespmem:s26+$0x180]  }
0x2a9: {  	[tilespmem:s1+$0xFFFFFF0C] =	vst v17;
	v17 =	vld [tilespmem:s28+$0x180]  }
0x2aa: {  	v26 =	vld [tilespmem:s19+$0xFFFFFF20];
	v30 =	vadd.f32 v27, v18  }
0x2ab: {  	s23 =	sand.u32 $0x1, s21;
	s2 =	simm.s32 $0x9BC8;
	v27 =	vld [tilespmem:s3+$0xFFFFFF20];
	v18 =	vmul.f32 v29, v14;
	v19 =	vmul.f32 v15, v19  }
0x2ac: {  	s0 =	smov.u32 s6;
	s8 =	simm.s32 $0x140;
	s17 =	smov.u32 s5;
	v29 =	vld [tilespmem:s6+$0xFFFFFE70];
	v14 =	vbroadcast v2, $0xE;
	v15 =	vbroadcast v3, $0xE;
	[tilespmem:s14+$0xFFFFFFDF] =	vst v30  }
.LBB2_9:
0x2ad: {  	p1 =	seq.s32 s8, $0x1C0;
	v30 =	vld [tilespmem:s11+$0xFFFFFFF0];
	v18 =	vadd.f32 v19, v18  }
0x2ae: {  	v19 =	vld [tilespmem:s18+$0xFFFFFFF0];
	v16 =	vmul.f32 v16, v14;
	v17 =	vmul.f32 v17, v15  }
0x2af: {  	[tilespmem:s29+$0xB2] =	vst v18  }
0x2b0: {  	v18 =	vmul.f32 v26, v24;
	v26 =	vmul.f32 v27, v25;
	v27 =	vld [tilespmem:s12+$0xC0];
	v16 =	vadd.f32 v17, v16  }
0x2b1: {  	v17 =	vld [tilespmem:s13+$0xC0]  }
0x2b2: {  	v22 =	vmul.f32 v28, v22;
	v23 =	vmul.f32 v29, v23;
	v18 =	vadd.f32 v26, v18;
	[tilespmem:s25+$0x186] =	vst v16  }
0x2b3: {  	v16 =	vmul.f32 v30, v20;
	v20 =	vmul.f32 v19, v21;
	v21 =	vld [tilespmem:s26+$0x190]  }
0x2b4: {  	v22 =	vadd.f32 v23, v22;
	v19 =	vbroadcast v5, $0xB;
	[tilespmem:s1+$0xFFFFFF1C] =	vst v18;
	v18 =	vbroadcast v4, $0xB;
	v23 =	vld [tilespmem:s28+$0x190]  }
0x2b5: {  	v26 =	vld [tilespmem:s19+$0xFFFFFF30];
	v16 =	vadd.f32 v20, v16  }
0x2b6: {  	[tilespmem:s10+$0xFFFFFE69] =	vst v22;
	v20 =	vld [tilespmem:s3+$0xFFFFFF30];
	v22 =	vmul.f32 v27, v18;
	v17 =	vmul.f32 v17, v19  }
0x2b7: {  	v27 =	vld [tilespmem:s5+$0xFFFFFE80];
	[tilespmem:s14+$0xFFFFFFEF] =	vst v16  }
0x2b8: {  	v28 =	vld [tilespmem:s11+$0x0];
	v16 =	vadd.f32 v17, v22  }
0x2b9: {  	v17 =	vmul.f32 v21, v14;
	v22 =	vld [tilespmem:s18+$0x0];
	v21 =	vmul.f32 v23, v15  }
0x2ba: {  	v23 =	vld [tilespmem:s6+$0xFFFFFE80];
	[tilespmem:s29+$0xC3] =	vst v16  }
0x2bb: {  	v24 =	vmul.f32 v26, v24;
	v25 =	vmul.f32 v20, v25;
	v26 =	vld [tilespmem:s12+$0xD0];
	v29 =	vadd.f32 v21, v17  }
0x2bc: {  	s5 =	sadd.s32 $0x400, s5;
	v20 =	vbroadcast v7, $0x8;
	v21 =	vbroadcast v6, $0x8;
	v30 =	vld [tilespmem:s13+$0xD0]  }
0x2bd: {  	v16 =	vbroadcast v10, $0x2;
	v17 =	vbroadcast v11, $0x2;
	v31 =	vld [tilespmem:s5+$0xFFFFFE00];
	v24 =	vadd.f32 v25, v24;
	[tilespmem:s25+$0x196] =	vst v29  }
0x2be: {  	v25 =	vmul.f32 v28, v20;
	v22 =	vmul.f32 v22, v21;
	v28 =	vld [tilespmem:s26+$0x1A0]  }
0x2bf: {  	[tilespmem:s1+$0xFFFFFF2C] =	vst v24;
	v24 =	vld [tilespmem:s28+$0x1A0]  }
0x2c0: {  	v27 =	vmul.f32 v27, v16;
	v23 =	vmul.f32 v23, v17;
	v29 =	vld [tilespmem:s19+$0xFFFFFF40];
	v22 =	vadd.f32 v22, v25  }
0x2c1: {  	s9 =	sshra.s32 s8, $0x2;
	v26 =	vmul.f32 v26, v18;
	v25 =	vld [tilespmem:s3+$0xFFFFFF40];
	v30 =	vmul.f32 v30, v19  }
0x2c2: {  	v27 =	vadd.f32 v23, v27;
	v32 =	vld.idx.msk [tilespmem:v12+s9+$0x0 ss:$0x1], $0xffff;
	[tilespmem:s14+$0x0] =	vst v22  }
0x2c3: {  	v23 =	vbroadcast v9, $0x5;
	v22 =	vbroadcast v8, $0x5;
	v33 =	vld [tilespmem:s11+$0x10];
	v26 =	vadd.f32 v30, v26  }
0x2c4: {  	v28 =	vmul.f32 v28, v14;
	[tilespmem:s10+$0xFFFFFE7A] =	vst v27;
	v27 =	vld [tilespmem:s18+$0x10];
	v24 =	vmul.f32 v24, v15  }
0x2c5: {  	v30 =	vld [tilespmem:s17+$0xFFFFFE90];
	[tilespmem:s29+$0xD3] =	vst v26  }
0x2c6: {  	v26 =	vmul.f32 v29, v22;
	v25 =	vmul.f32 v25, v23;
	v29 =	vld [tilespmem:s12+$0xE0];
	v24 =	vadd.f32 v24, v28  }
0x2c7: {  	v28 =	vld [tilespmem:s13+$0xE0]  }
0x2c8: {  	v34 =	vld [tilespmem:s6+$0xFFFFFE90];
	v25 =	vadd.f32 v25, v26;
	[tilespmem:s25+$0x1A6] =	vst v24  }
0x2c9: {  	v24 =	vmul.f32 v33, v20;
	v26 =	vmul.f32 v27, v21;
	v27 =	vld [tilespmem:s26+$0x1B0]  }
0x2ca: {  	[tilespmem:s1+$0xFFFFFF3D] =	vst v25;
	v25 =	vld [tilespmem:s28+$0x1B0]  }
0x2cb: {  	v33 =	vld [tilespmem:s19+$0xFFFFFF50];
	v24 =	vadd.f32 v26, v24  }
0x2cc: {  	v29 =	vmul.f32 v29, v18;
	v26 =	vld [tilespmem:s3+$0xFFFFFF50];
	v28 =	vmul.f32 v28, v19  }
0x2cd: {  	v35 =	vld.idx.msk [tilespmem:v13+s9+$0x0 ss:$0x1], $0xffff;
	[tilespmem:s14+$0x10] =	vst v24  }
0x2ce: {  	v24 =	vmul.f32 v30, v16;
	v30 =	vmul.f32 v34, v17;
	v34 =	vld [tilespmem:s11+$0x20];
	v28 =	vadd.f32 v28, v29  }
0x2cf: {  	s6 =	sadd.s32 $0x400, s6;
	v14 =	vmul.f32 v27, v14;
	v29 =	vld [tilespmem:s18+$0x20];
	v15 =	vmul.f32 v25, v15  }
0x2d0: {  	v24 =	vadd.f32 v30, v24;
	v25 =	vld [tilespmem:s6+$0xFFFFFE00];
	[tilespmem:s29+$0xE3] =	vst v28  }
0x2d1: {  	v27 =	vmul.f32 v33, v22;
	v26 =	vmul.f32 v26, v23;
	v28 =	vld [tilespmem:s12+$0xF0];
	v30 =	vadd.f32 v15, v14  }
0x2d2: {  	[tilespmem:s10+$0xFFFFFE8A] =	vst v24;
	v24 =	vld [tilespmem:s13+$0xF0]  }
0x2d3: {  	v14 =	vbroadcast v32, $0x0;
	v15 =	vbroadcast v35, $0x0;
	v33 =	vld [tilespmem:s17+$0xFFFFFEA0];
	v26 =	vadd.f32 v26, v27;
	[tilespmem:s25+$0x1B6] =	vst v30  }
0x2d4: {  	v27 =	vmul.f32 v34, v20;
	v29 =	vmul.f32 v29, v21;
	v30 =	vld [tilespmem:s26+$0x1C0]  }
0x2d5: {  	[tilespmem:s1+$0xFFFFFF4D] =	vst v26;
	v26 =	vld [tilespmem:s28+$0x1C0]  }
0x2d6: {  	v31 =	vmul.f32 v31, v14;
	v25 =	vmul.f32 v25, v15;
	v34 =	vld [tilespmem:s19+$0xFFFFFF60];
	v27 =	vadd.f32 v29, v27  }
0x2d7: {  	v28 =	vmul.f32 v28, v18;
	v29 =	vld [tilespmem:s3+$0xFFFFFF60];
	v24 =	vmul.f32 v24, v19  }
0x2d8: {  	v18 =	vbroadcast v2, $0xF;
	v2 =	vmovc v4;
	v4 =	vmovc v7;
	v25 =	vadd.f32 v25, v31;
	v19 =	vbroadcast v3, $0xF;
	v31 =	vld [tilespmem:s0+$0xFFFFFEA0];
	[tilespmem:s14+$0x20] =	vst v27  }
0x2d9: {  	s10 =	sadd.s32 $0x410, s10;
	v7 =	vmovc v8;
	v8 =	vmovc v10;
	v10 =	vmov v32;
	v3 =	vmov v5;
	v27 =	vld [tilespmem:s11+$0x30];
	v24 =	vadd.f32 v24, v28  }
0x2da: {  	v5 =	vmovc v6;
	v6 =	vmov v9;
	v28 =	vmul.f32 v30, v18;
	[tilespmem:s10+$0xFFFFFDF8] =	vst v25;
	v25 =	vld [tilespmem:s18+$0x30];
	v26 =	vmul.f32 v26, v19  }
0x2db: {  	v9 =	vmov v11;
	v11 =	vmov v35;
	v30 =	vld [tilespmem:s5+$0xFFFFFE10];
	[tilespmem:s29+$0xF3] =	vst v24  }
0x2dc: {  	v24 =	vmul.f32 v34, v22;
	v29 =	vmul.f32 v29, v23;
	v32 =	vld [tilespmem:s12+$0x100];
	v26 =	vadd.f32 v26, v28  }
0x2dd: {  	v28 =	vld [tilespmem:s13+$0x100]  }
0x2de: {  	v33 =	vmul.f32 v33, v16;
	v31 =	vmul.f32 v31, v17;
	v34 =	vld [tilespmem:s6+$0xFFFFFE10];
	v24 =	vadd.f32 v29, v24;
	[tilespmem:s25+$0x1C7] =	vst v26  }
0x2df: {  	v26 =	vmul.f32 v27, v20;
	v25 =	vmul.f32 v25, v21;
	v27 =	vld [tilespmem:s26+$0x1D0]  }
0x2e0: {  	v20 =	vbroadcast v2, $0xC;
	v29 =	vadd.f32 v31, v33;
	v21 =	vbroadcast v3, $0xC;
	[tilespmem:s1+$0xFFFFFF5D] =	vst v24;
	v24 =	vld [tilespmem:s28+$0x1D0]  }
0x2e1: {  	v31 =	vld [tilespmem:s19+$0xFFFFFF70];
	v25 =	vadd.f32 v25, v26  }
0x2e2: {  	[tilespmem:s2+$0xFFFFFE9A] =	vst v29;
	v26 =	vld [tilespmem:s3+$0xFFFFFF70];
	v29 =	vmul.f32 v32, v20;
	v28 =	vmul.f32 v28, v21  }
0x2e3: {  	v32 =	vld [tilespmem:s17+$0xFFFFFEB0];
	[tilespmem:s14+$0x30] =	vst v25  }
0x2e4: {  	v25 =	vmul.f32 v30, v14;
	v30 =	vmul.f32 v34, v15;
	v33 =	vld [tilespmem:s11+$0x40];
	v28 =	vadd.f32 v28, v29  }
0x2e5: {  	v27 =	vmul.f32 v27, v18;
	v29 =	vld [tilespmem:s18+$0x40];
	v24 =	vmul.f32 v24, v19  }
0x2e6: {  	v25 =	vadd.f32 v30, v25;
	v30 =	vld [tilespmem:s0+$0xFFFFFEB0];
	[tilespmem:s29+$0x104] =	vst v28  }
0x2e7: {  	v28 =	vmul.f32 v31, v22;
	v26 =	vmul.f32 v26, v23;
	v31 =	vld [tilespmem:s12+$0x110];
	v24 =	vadd.f32 v24, v27  }
0x2e8: {  	v22 =	vbroadcast v4, $0x9;
	v23 =	vbroadcast v5, $0x9;
	[tilespmem:s10+$0xFFFFFE08] =	vst v25;
	v25 =	vld [tilespmem:s13+$0x110]  }
0x2e9: {  	v27 =	vld [tilespmem:s5+$0xFFFFFE20];
	v26 =	vadd.f32 v26, v28;
	[tilespmem:s25+$0x1D7] =	vst v24  }
0x2ea: {  	v24 =	vmul.f32 v33, v22;
	v28 =	vmul.f32 v29, v23;
	v29 =	vld [tilespmem:s26+$0x1E0]  }
0x2eb: {  	[tilespmem:s1+$0xFFFFFF6D] =	vst v26;
	v26 =	vld [tilespmem:s28+$0x1E0]  }
0x2ec: {  	v16 =	vmul.f32 v32, v16;
	v17 =	vmul.f32 v30, v17;
	v30 =	vld [tilespmem:s19+$0xFFFFFF80];
	v24 =	vadd.f32 v28, v24  }
0x2ed: {  	v31 =	vmul.f32 v31, v20;
	v28 =	vld [tilespmem:s3+$0xFFFFFF80];
	v25 =	vmul.f32 v25, v21  }
0x2ee: {  	v33 =	vadd.f32 v17, v16;
	v32 =	vld [tilespmem:s6+$0xFFFFFE20];
	[tilespmem:s14+$0x41] =	vst v24  }
0x2ef: {  	v16 =	vbroadcast v7, $0x6;
	v17 =	vbroadcast v6, $0x6;
	v24 =	vld [tilespmem:s11+$0x50];
	v25 =	vadd.f32 v25, v31  }
0x2f0: {  	v29 =	vmul.f32 v29, v18;
	[tilespmem:s2+$0xFFFFFEAA] =	vst v33;
	v31 =	vld [tilespmem:s18+$0x50];
	v26 =	vmul.f32 v26, v19  }
0x2f1: {  	v33 =	vld [tilespmem:s17+$0xFFFFFEC0];
	[tilespmem:s29+$0x114] =	vst v25  }
0x2f2: {  	v25 =	vmul.f32 v30, v16;
	v28 =	vmul.f32 v28, v17;
	v30 =	vld [tilespmem:s12+$0x120];
	v26 =	vadd.f32 v26, v29  }
0x2f3: {  	v29 =	vld [tilespmem:s13+$0x120]  }
0x2f4: {  	v27 =	vmul.f32 v27, v14;
	v32 =	vmul.f32 v32, v15;
	v34 =	vld [tilespmem:s0+$0xFFFFFEC0];
	v25 =	vadd.f32 v28, v25;
	[tilespmem:s25+$0x1E7] =	vst v26  }
0x2f5: {  	v26 =	vmul.f32 v24, v22;
	v28 =	vmul.f32 v31, v23;
	v31 =	vld [tilespmem:s26+$0x1F0];
	s26 =	smov.u32 s12;
	s12 =	smov.u32 s11;
	s11 =	smov.u32 s19  }
0x2f6: {  	v27 =	vadd.f32 v32, v27;
	s19 =	smov.u32 s17;
	s17 =	smov.u32 s5;
	[tilespmem:s1+$0xFFFFFF7E] =	vst v25;
	v32 =	vld [tilespmem:s28+$0x1F0];
	s28 =	smov.u32 s13  }
0x2f7: {  	v24 =	vbroadcast v8, $0x3;
	v25 =	vbroadcast v9, $0x3;
	s13 =	smov.u32 s18;
	s18 =	smov.u32 s3;
	s3 =	smov.u32 s0;
	v35 =	vld [tilespmem:s11+$0xFFFFFF90];
	v26 =	vadd.f32 v28, v26  }
0x2f8: {  	s0 =	smov.u32 s6;
	v28 =	vmul.f32 v30, v20;
	[tilespmem:s10+$0xFFFFFE18] =	vst v27;
	v27 =	vld [tilespmem:s18+$0xFFFFFF90];
	v29 =	vmul.f32 v29, v21  }
0x2f9: {  	v30 =	vld [tilespmem:s5+$0xFFFFFE30];
	[tilespmem:s14+$0x51] =	vst v26  }
0x2fa: {  	v26 =	vmul.f32 v33, v24;
	v33 =	vmul.f32 v34, v25;
	v34 =	vld [tilespmem:s12+$0x60];
	v28 =	vadd.f32 v29, v28  }
0x2fb: {  	v18 =	vmul.f32 v31, v18;
	v29 =	vld [tilespmem:s13+$0x60];
	v19 =	vmul.f32 v32, v19  }
0x2fc: {  	v26 =	vadd.f32 v33, v26;
	v31 =	vld [tilespmem:s6+$0xFFFFFE30];
	[tilespmem:s29+$0x124] =	vst v28  }
0x2fd: {  	v28 =	vmul.f32 v35, v16;
	v27 =	vmul.f32 v27, v17;
	v32 =	vld [tilespmem:s26+$0x130];
	v18 =	vadd.f32 v19, v18  }
0x2fe: {  	[tilespmem:s2+$0xFFFFFEBB] =	vst v26;
	v19 =	vld [tilespmem:s28+$0x130]  }
0x2ff: {  	v26 =	vld [tilespmem:s19+$0xFFFFFED0];
	v27 =	vadd.f32 v27, v28;
	[tilespmem:s25+$0x1F7] =	vst v18;
	s25 =	smov.u32 s29;
	s29 =	smov.u32 s14;
	s14 =	smov.u32 s1  }
0x300: {  	v28 =	vmul.f32 v34, v22;
	s1 =	smov.u32 s2;
	s2 =	smov.u32 s10;
	v18 =	vld [tilespmem:s3+$0xFFFFFED0];
	v29 =	vmul.f32 v29, v23  }
0x301: {  	[tilespmem:s14+$0xFFFFFF8E] =	vst v27  }
0x302: {  	v14 =	vmul.f32 v30, v14;
	v15 =	vmul.f32 v31, v15;
	v27 =	vld [tilespmem:s11+$0xFFFFFFA0];
	v28 =	vadd.f32 v29, v28  }
0x303: {  	v20 =	vmul.f32 v32, v20;
	v29 =	vld [tilespmem:s18+$0xFFFFFFA0];
	v19 =	vmul.f32 v19, v21  }
0x304: {  	v14 =	vadd.f32 v15, v14;
	[tilespmem:s29+$0x61] =	vst v28  }
0x305: {  	v15 =	vmul.f32 v26, v24;
	v18 =	vmul.f32 v18, v25;
	v21 =	vld [tilespmem:s12+$0x70];
	v19 =	vadd.f32 v19, v20  }
0x306: {  	[tilespmem:s10+$0xFFFFFE28] =	vst v14;
	v14 =	vld [tilespmem:s13+$0x70]  }
0x307: {  	v20 =	vld [tilespmem:s5+$0xFFFFFE40];
	v15 =	vadd.f32 v18, v15;
	[tilespmem:s25+$0x134] =	vst v19  }
0x308: {  	v18 =	vmul.f32 v27, v16;
	v19 =	vmul.f32 v29, v17;
	v26 =	vld [tilespmem:s26+$0x140]  }
0x309: {  	[tilespmem:s1+$0xFFFFFECB] =	vst v15;
	v27 =	vld [tilespmem:s28+$0x140]  }
0x30a: {  	v28 =	vld [tilespmem:s19+$0xFFFFFEE0];
	v15 =	vadd.f32 v19, v18  }
0x30b: {  	v19 =	vmul.f32 v21, v22;
	v18 =	vld [tilespmem:s3+$0xFFFFFEE0];
	v21 =	vmul.f32 v14, v23  }
0x30c: {  	v14 =	vbroadcast v2, $0xD;
	v29 =	vld [tilespmem:s6+$0xFFFFFE40];
	[tilespmem:s14+$0xFFFFFF9E] =	vst v15;
	v15 =	vbroadcast v3, $0xD  }
0x30d: {  	v30 =	vld [tilespmem:s11+$0xFFFFFFB0];
	v19 =	vadd.f32 v21, v19  }
0x30e: {  	v26 =	vmul.f32 v26, v14;
	v21 =	vld [tilespmem:s18+$0xFFFFFFB0];
	v27 =	vmul.f32 v27, v15  }
0x30f: {  	v22 =	vbroadcast v10, $0x1;
	v23 =	vbroadcast v11, $0x1;
	[tilespmem:s29+$0x71] =	vst v19  }
0x310: {  	v19 =	vmul.f32 v28, v24;
	v18 =	vmul.f32 v18, v25;
	v28 =	vld [tilespmem:s12+$0x80];
	v26 =	vadd.f32 v27, v26  }
0x311: {  	v27 =	vld [tilespmem:s13+$0x80]  }
0x312: {  	v20 =	vmul.f32 v20, v22;
	v29 =	vmul.f32 v29, v23;
	v18 =	vadd.f32 v18, v19;
	[tilespmem:s25+$0x145] =	vst v26  }
0x313: {  	v16 =	vmul.f32 v30, v16;
	v17 =	vmul.f32 v21, v17;
	v21 =	vld [tilespmem:s26+$0x150]  }
0x314: {  	v19 =	vbroadcast v5, $0xA;
	v20 =	vadd.f32 v29, v20;
	[tilespmem:s1+$0xFFFFFEDB] =	vst v18;
	v18 =	vbroadcast v4, $0xA;
	v26 =	vld [tilespmem:s28+$0x150]  }
0x315: {  	v29 =	vld [tilespmem:s19+$0xFFFFFEF0];
	v16 =	vadd.f32 v17, v16  }
0x316: {  	[tilespmem:s10+$0xFFFFFE39] =	vst v20;
	v17 =	vld [tilespmem:s3+$0xFFFFFEF0];
	v20 =	vmul.f32 v28, v18;
	v27 =	vmul.f32 v27, v19  }
0x317: {  	v28 =	vld [tilespmem:s5+$0xFFFFFE50];
	[tilespmem:s14+$0xFFFFFFAE] =	vst v16  }
0x318: {  	v16 =	vld [tilespmem:s11+$0xFFFFFFC0];
	v20 =	vadd.f32 v27, v20  }
0x319: {  	v21 =	vmul.f32 v21, v14;
	v27 =	vld [tilespmem:s18+$0xFFFFFFC0];
	v26 =	vmul.f32 v26, v15  }
0x31a: {  	v30 =	vld [tilespmem:s6+$0xFFFFFE50];
	[tilespmem:s29+$0x82] =	vst v20  }
0x31b: {  	v24 =	vmul.f32 v29, v24;
	v17 =	vmul.f32 v17, v25;
	v25 =	vld [tilespmem:s12+$0x90];
	v26 =	vadd.f32 v26, v21  }
0x31c: {  	v20 =	vbroadcast v7, $0x7;
	v21 =	vbroadcast v6, $0x7;
	v29 =	vld [tilespmem:s13+$0x90]  }
0x31d: {  	v17 =	vadd.f32 v17, v24;
	[tilespmem:s25+$0x155] =	vst v26  }
0x31e: {  	v16 =	vmul.f32 v16, v20;
	v24 =	vmul.f32 v27, v21;
	v26 =	vld [tilespmem:s26+$0x160]  }
0x31f: {  	[tilespmem:s1+$0xFFFFFEEB] =	vst v17;
	v17 =	vld [tilespmem:s28+$0x160]  }
0x320: {  	v27 =	vmul.f32 v28, v22;
	v28 =	vmul.f32 v30, v23;
	v30 =	vld [tilespmem:s19+$0xFFFFFF00];
	v16 =	vadd.f32 v24, v16  }
0x321: {  	v32 =	vmul.f32 v25, v18;
	v31 =	vld [tilespmem:s3+$0xFFFFFF00];
	v29 =	vmul.f32 v29, v19  }
0x322: {  	v27 =	vadd.f32 v28, v27;
	[tilespmem:s14+$0xFFFFFFBF] =	vst v16  }
0x323: {  	v24 =	vbroadcast v8, $0x4;
	v25 =	vbroadcast v9, $0x4;
	v16 =	vld [tilespmem:s11+$0xFFFFFFD0];
	v28 =	vadd.f32 v29, v32  }
0x324: {  	v26 =	vmul.f32 v26, v14;
	[tilespmem:s10+$0xFFFFFE49] =	vst v27;
	v27 =	vld [tilespmem:s18+$0xFFFFFFD0];
	v17 =	vmul.f32 v17, v15  }
0x325: {  	v29 =	vld [tilespmem:s5+$0xFFFFFE60];
	[tilespmem:s29+$0x92] =	vst v28  }
0x326: {  	v28 =	vmul.f32 v30, v24;
	v30 =	vmul.f32 v31, v25;
	v31 =	vld [tilespmem:s12+$0xA0];
	v17 =	vadd.f32 v17, v26  }
0x327: {  	v26 =	vld [tilespmem:s13+$0xA0]  }
0x328: {  	v32 =	vld [tilespmem:s6+$0xFFFFFE60];
	v28 =	vadd.f32 v30, v28;
	[tilespmem:s25+$0x165] =	vst v17  }
0x329: {  	v16 =	vmul.f32 v16, v20;
	v17 =	vmul.f32 v27, v21;
	v27 =	vld [tilespmem:s26+$0x170]  }
0x32a: {  	[tilespmem:s1+$0xFFFFFEFC] =	vst v28;
	v28 =	vld [tilespmem:s28+$0x170]  }
0x32b: {  	v30 =	vld [tilespmem:s19+$0xFFFFFF10];
	v16 =	vadd.f32 v17, v16  }
0x32c: {  	v31 =	vmul.f32 v31, v18;
	v17 =	vld [tilespmem:s3+$0xFFFFFF10];
	v26 =	vmul.f32 v26, v19  }
0x32d: {  	[tilespmem:s14+$0xFFFFFFCF] =	vst v16  }
0x32e: {  	v16 =	vmul.f32 v29, v22;
	v29 =	vmul.f32 v32, v23;
	v32 =	vld [tilespmem:s11+$0xFFFFFFE0];
	v26 =	vadd.f32 v26, v31  }
0x32f: {  	v14 =	vmul.f32 v27, v14;
	v31 =	vld [tilespmem:s18+$0xFFFFFFE0];
	v15 =	vmul.f32 v28, v15  }
0x330: {  	v16 =	vadd.f32 v29, v16;
	[tilespmem:s29+$0xA2] =	vst v26  }
0x331: {  	v26 =	vmul.f32 v30, v24;
	v17 =	vmul.f32 v17, v25;
	v29 =	vld [tilespmem:s12+$0xB0];
	v14 =	vadd.f32 v15, v14  }
0x332: {  	[tilespmem:s10+$0xFFFFFE59] =	vst v16;
	v15 =	vld [tilespmem:s13+$0xB0]  }
0x333: {  	v28 =	vld [tilespmem:s5+$0xFFFFFE70];
	v17 =	vadd.f32 v17, v26;
	[tilespmem:s25+$0x175] =	vst v14  }
.Ltmp4:
0x334: {  	v14 =	vmul.f32 v32, v20;
	v27 =	vmul.f32 v31, v21;
	v16 =	vld [tilespmem:s26+$0x180];
	(pc) =	sbr.rel @!p1 .LBB2_9-.Ltmp4, $4  }
0x335: {  	[tilespmem:s1+$0xFFFFFF0C] =	vst v17;
	v17 =	vld [tilespmem:s28+$0x180]  }
0x336: {  	v26 =	vld [tilespmem:s19+$0xFFFFFF20];
	v14 =	vadd.f32 v27, v14  }
0x337: {  	v18 =	vmul.f32 v29, v18;
	v27 =	vld [tilespmem:s3+$0xFFFFFF20];
	v19 =	vmul.f32 v15, v19  }
0x338: {  	s8 =	sadd.s32 $0x40, s8;
	v15 =	vbroadcast v3, $0xE;
	v29 =	vld [tilespmem:s6+$0xFFFFFE70];
	[tilespmem:s14+$0xFFFFFFDF] =	vst v14;
	v14 =	vbroadcast v2, $0xE  }
0x339: {  	_ =	sdelay $0x3  }
0x33a: {  	v12 =	vmul.f32 v28, v22;
	v13 =	vmul.f32 v29, v23;
	_ =	sdelay $0x1  }
0x33b: {  	v12 =	vadd.f32 v13, v12;
	_ =	sdelay $0x1  }
0x33c: {  	[tilespmem:s10+$0xFFFFFE69] =	vst v12  }
0x33d: {  	v12 =	vld [tilespmem:s5+$0xFFFFFE80]  }
0x33e: {  	v57 =	vld [tilespmem:s6+$0xFFFFFE80];
	_ =	sdelay $0x2  }
0x33f: {  	v58 =	vbroadcast v10, $0x2;
	v59 =	vbroadcast v11, $0x2;
	_ =	sdelay $0x1  }
0x340: {  	v12 =	vmul.f32 v12, v58;
	v13 =	vmul.f32 v57, v59;
	_ =	sdelay $0x1  }
0x341: {  	v12 =	vadd.f32 v13, v12;
	_ =	sdelay $0x1  }
0x342: {  	[tilespmem:s10+$0xFFFFFE7A] =	vst v12  }
0x343: {  	v12 =	vld [tilespmem:s17+$0xFFFFFE90]  }
0x344: {  	v60 =	vld [tilespmem:s6+$0xFFFFFE90];
	_ =	sdelay $0x4  }
0x345: {  	v12 =	vmul.f32 v12, v58;
	v13 =	vmul.f32 v60, v59;
	_ =	sdelay $0x1  }
0x346: {  	v12 =	vadd.f32 v13, v12;
	_ =	sdelay $0x1  }
0x347: {  	[tilespmem:s10+$0xFFFFFE8A] =	vst v12  }
0x348: {  	v12 =	vld [tilespmem:s17+$0xFFFFFEA0]  }
0x349: {  	v61 =	vld [tilespmem:s0+$0xFFFFFEA0];
	_ =	sdelay $0x4  }
0x34a: {  	v12 =	vmul.f32 v12, v58;
	v13 =	vmul.f32 v61, v59;
	_ =	sdelay $0x1  }
0x34b: {  	v12 =	vadd.f32 v13, v12;
	_ =	sdelay $0x1  }
0x34c: {  	[tilespmem:s2+$0xFFFFFE9A] =	vst v12  }
0x34d: {  	v12 =	vld [tilespmem:s17+$0xFFFFFEB0]  }
0x34e: {  	v62 =	vld [tilespmem:s0+$0xFFFFFEB0];
	_ =	sdelay $0x4  }
0x34f: {  	v12 =	vmul.f32 v12, v58;
	v13 =	vmul.f32 v62, v59;
	_ =	sdelay $0x1  }
0x350: {  	v12 =	vadd.f32 v13, v12;
	_ =	sdelay $0x1  }
0x351: {  	[tilespmem:s2+$0xFFFFFEAA] =	vst v12  }
0x352: {  	v12 =	vld [tilespmem:s17+$0xFFFFFEC0]  }
0x353: {  	v63 =	vld [tilespmem:s0+$0xFFFFFEC0];
	_ =	sdelay $0x2  }
0x354: {  	v28 =	vbroadcast v10, $0x3;
	v29 =	vbroadcast v11, $0x3;
	_ =	sdelay $0x1  }
0x355: {  	v12 =	vmul.f32 v12, v28;
	v13 =	vmul.f32 v63, v29;
	_ =	sdelay $0x1  }
0x356: {  	v12 =	vadd.f32 v13, v12;
	_ =	sdelay $0x1  }
0x357: {  	[tilespmem:s2+$0xFFFFFEBB] =	vst v12  }
0x358: {  	v12 =	vld [tilespmem:s17+$0xFFFFFED0]  }
0x359: {  	v30 =	vld [tilespmem:s0+$0xFFFFFED0];
	_ =	sdelay $0x4  }
0x35a: {  	v12 =	vmul.f32 v12, v28;
	v13 =	vmul.f32 v30, v29;
	_ =	sdelay $0x1  }
0x35b: {  	v12 =	vadd.f32 v13, v12;
	_ =	sdelay $0x1  }
0x35c: {  	[tilespmem:s2+$0xFFFFFECB] =	vst v12  }
0x35d: {  	v12 =	vld [tilespmem:s17+$0xFFFFFEE0]  }
0x35e: {  	v31 =	vld [tilespmem:s0+$0xFFFFFEE0];
	_ =	sdelay $0x4  }
0x35f: {  	v12 =	vmul.f32 v12, v28;
	v13 =	vmul.f32 v31, v29;
	_ =	sdelay $0x1  }
0x360: {  	v12 =	vadd.f32 v13, v12;
	_ =	sdelay $0x1  }
0x361: {  	[tilespmem:s2+$0xFFFFFEDB] =	vst v12  }
0x362: {  	v12 =	vld [tilespmem:s17+$0xFFFFFEF0]  }
0x363: {  	v32 =	vld [tilespmem:s0+$0xFFFFFEF0];
	_ =	sdelay $0x4  }
0x364: {  	v12 =	vmul.f32 v12, v28;
	v13 =	vmul.f32 v32, v29;
	_ =	sdelay $0x1  }
0x365: {  	v12 =	vadd.f32 v13, v12;
	_ =	sdelay $0x1  }
0x366: {  	[tilespmem:s2+$0xFFFFFEEB] =	vst v12  }
0x367: {  	v12 =	vld [tilespmem:s17+$0xFFFFFF00]  }
0x368: {  	v33 =	vld [tilespmem:s0+$0xFFFFFF00];
	_ =	sdelay $0x2  }
0x369: {  	v34 =	vbroadcast v10, $0x4;
	v35 =	vbroadcast v11, $0x4;
	_ =	sdelay $0x1  }
0x36a: {  	v12 =	vmul.f32 v12, v34;
	v13 =	vmul.f32 v33, v35;
	_ =	sdelay $0x1  }
0x36b: {  	v12 =	vadd.f32 v13, v12;
	_ =	sdelay $0x1  }
0x36c: {  	[tilespmem:s2+$0xFFFFFEFC] =	vst v12  }
0x36d: {  	v12 =	vld [tilespmem:s17+$0xFFFFFF10]  }
0x36e: {  	v36 =	vld [tilespmem:s0+$0xFFFFFF10];
	_ =	sdelay $0x4  }
0x36f: {  	v12 =	vmul.f32 v12, v34;
	v13 =	vmul.f32 v36, v35;
	_ =	sdelay $0x1  }
0x370: {  	v12 =	vadd.f32 v13, v12;
	_ =	sdelay $0x1  }
0x371: {  	[tilespmem:s2+$0xFFFFFF0C] =	vst v12  }
0x372: {  	v12 =	vld [tilespmem:s17+$0xFFFFFF20]  }
0x373: {  	v37 =	vld [tilespmem:s0+$0xFFFFFF20];
	_ =	sdelay $0x2  }
0x374: {  	v26 =	vmul.f32 v26, v24;
	v27 =	vmul.f32 v27, v25;
	_ =	sdelay $0x1  }
0x375: {  	v26 =	vadd.f32 v27, v26;
	v12 =	vmul.f32 v12, v34;
	v13 =	vmul.f32 v37, v35;
	_ =	sdelay $0x1  }
0x376: {  	[tilespmem:s1+$0xFFFFFF1C] =	vst v26;
	v12 =	vadd.f32 v13, v12  }
0x377: {  	v26 =	vld [tilespmem:s19+$0xFFFFFF30]  }
0x378: {  	v38 =	vld [tilespmem:s3+$0xFFFFFF30];
	[tilespmem:s2+$0xFFFFFF1C] =	vst v12  }
0x379: {  	v12 =	vld [tilespmem:s17+$0xFFFFFF30]  }
0x37a: {  	v39 =	vld [tilespmem:s0+$0xFFFFFF30];
	_ =	sdelay $0x2  }
0x37b: {  	v40 =	vmul.f32 v26, v24;
	v13 =	vmul.f32 v38, v25;
	_ =	sdelay $0x1  }
0x37c: {  	v13 =	vadd.f32 v13, v40;
	v12 =	vmul.f32 v12, v34;
	v41 =	vmul.f32 v39, v35;
	_ =	sdelay $0x1  }
0x37d: {  	[tilespmem:s1+$0xFFFFFF2C] =	vst v13;
	v12 =	vadd.f32 v41, v12  }
0x37e: {  	v13 =	vld [tilespmem:s19+$0xFFFFFF40]  }
0x37f: {  	v42 =	vld [tilespmem:s3+$0xFFFFFF40];
	[tilespmem:s2+$0xFFFFFF2C] =	vst v12  }
0x380: {  	v12 =	vld [tilespmem:s17+$0xFFFFFF40]  }
0x381: {  	v45 =	vld [tilespmem:s0+$0xFFFFFF40]  }
0x382: {  	v43 =	vbroadcast v8, $0x5;
	v44 =	vbroadcast v9, $0x5  }
0x383: {  	v46 =	vbroadcast v10, $0x5;
	v47 =	vbroadcast v11, $0x5  }
0x384: {  	v13 =	vmul.f32 v13, v43;
	v22 =	vmul.f32 v42, v44;
	_ =	sdelay $0x1  }
0x385: {  	v13 =	vadd.f32 v22, v13;
	v12 =	vmul.f32 v12, v46;
	v48 =	vmul.f32 v45, v47;
	_ =	sdelay $0x1  }
0x386: {  	[tilespmem:s1+$0xFFFFFF3D] =	vst v13;
	v12 =	vadd.f32 v48, v12  }
0x387: {  	v13 =	vld [tilespmem:s19+$0xFFFFFF50]  }
0x388: {  	v49 =	vld [tilespmem:s3+$0xFFFFFF50];
	[tilespmem:s2+$0xFFFFFF3D] =	vst v12  }
0x389: {  	v12 =	vld [tilespmem:s17+$0xFFFFFF50]  }
0x38a: {  	v50 =	vld [tilespmem:s0+$0xFFFFFF50];
	_ =	sdelay $0x2  }
0x38b: {  	v13 =	vmul.f32 v13, v43;
	v22 =	vmul.f32 v49, v44;
	_ =	sdelay $0x1  }
0x38c: {  	v13 =	vadd.f32 v22, v13;
	v12 =	vmul.f32 v12, v46;
	v51 =	vmul.f32 v50, v47;
	_ =	sdelay $0x1  }
0x38d: {  	[tilespmem:s1+$0xFFFFFF4D] =	vst v13;
	v12 =	vadd.f32 v51, v12  }
0x38e: {  	v13 =	vld [tilespmem:s19+$0xFFFFFF60]  }
0x38f: {  	v52 =	vld [tilespmem:s3+$0xFFFFFF60];
	[tilespmem:s2+$0xFFFFFF4D] =	vst v12  }
0x390: {  	v12 =	vld [tilespmem:s17+$0xFFFFFF60]  }
0x391: {  	v53 =	vld [tilespmem:s0+$0xFFFFFF60];
	_ =	sdelay $0x2  }
0x392: {  	v13 =	vmul.f32 v13, v43;
	v22 =	vmul.f32 v52, v44;
	_ =	sdelay $0x1  }
0x393: {  	v13 =	vadd.f32 v22, v13;
	v12 =	vmul.f32 v12, v46;
	v54 =	vmul.f32 v53, v47;
	_ =	sdelay $0x1  }
0x394: {  	[tilespmem:s1+$0xFFFFFF5D] =	vst v13;
	v12 =	vadd.f32 v54, v12  }
0x395: {  	v13 =	vld [tilespmem:s19+$0xFFFFFF70]  }
0x396: {  	v55 =	vld [tilespmem:s3+$0xFFFFFF70];
	[tilespmem:s2+$0xFFFFFF5D] =	vst v12  }
0x397: {  	v12 =	vld [tilespmem:s17+$0xFFFFFF70]  }
0x398: {  	v56 =	vld [tilespmem:s0+$0xFFFFFF70];
	_ =	sdelay $0x2  }
0x399: {  	v13 =	vmul.f32 v13, v43;
	v22 =	vmul.f32 v55, v44;
	_ =	sdelay $0x1  }
0x39a: {  	v13 =	vadd.f32 v22, v13;
	v12 =	vmul.f32 v12, v46;
	v57 =	vmul.f32 v56, v47;
	_ =	sdelay $0x1  }
0x39b: {  	[tilespmem:s1+$0xFFFFFF6D] =	vst v13;
	v12 =	vadd.f32 v57, v12  }
0x39c: {  	v13 =	vld [tilespmem:s19+$0xFFFFFF80]  }
0x39d: {  	v58 =	vld [tilespmem:s3+$0xFFFFFF80];
	[tilespmem:s2+$0xFFFFFF6D] =	vst v12  }
0x39e: {  	v12 =	vld [tilespmem:s17+$0xFFFFFF80]  }
0x39f: {  	v61 =	vld [tilespmem:s0+$0xFFFFFF80]  }
0x3a0: {  	v60 =	vbroadcast v9, $0x6;
	v59 =	vbroadcast v8, $0x6  }
0x3a1: {  	v62 =	vbroadcast v10, $0x6;
	v63 =	vbroadcast v11, $0x6  }
0x3a2: {  	v13 =	vmul.f32 v13, v59;
	v22 =	vmul.f32 v58, v60;
	_ =	sdelay $0x1  }
0x3a3: {  	v13 =	vadd.f32 v22, v13;
	v12 =	vmul.f32 v12, v62;
	v25 =	vmul.f32 v61, v63;
	_ =	sdelay $0x1  }
0x3a4: {  	[tilespmem:s1+$0xFFFFFF7E] =	vst v13;
	v12 =	vadd.f32 v25, v12  }
0x3a5: {  	v13 =	vld [tilespmem:s19+$0xFFFFFF90]  }
0x3a6: {  	v28 =	vld [tilespmem:s3+$0xFFFFFF90];
	[tilespmem:s2+$0xFFFFFF7E] =	vst v12  }
0x3a7: {  	v12 =	vld [tilespmem:s17+$0xFFFFFF90]  }
0x3a8: {  	v29 =	vld [tilespmem:s0+$0xFFFFFF90];
	_ =	sdelay $0x2  }
0x3a9: {  	v13 =	vmul.f32 v13, v59;
	v22 =	vmul.f32 v28, v60;
	_ =	sdelay $0x1  }
0x3aa: {  	v13 =	vadd.f32 v22, v13;
	v12 =	vmul.f32 v12, v62;
	v30 =	vmul.f32 v29, v63;
	_ =	sdelay $0x1  }
0x3ab: {  	[tilespmem:s1+$0xFFFFFF8E] =	vst v13;
	v12 =	vadd.f32 v30, v12  }
0x3ac: {  	v13 =	vld [tilespmem:s19+$0xFFFFFFA0]  }
0x3ad: {  	v31 =	vld [tilespmem:s3+$0xFFFFFFA0];
	[tilespmem:s2+$0xFFFFFF8E] =	vst v12  }
0x3ae: {  	v12 =	vld [tilespmem:s17+$0xFFFFFFA0]  }
0x3af: {  	v32 =	vld [tilespmem:s0+$0xFFFFFFA0];
	_ =	sdelay $0x2  }
0x3b0: {  	v13 =	vmul.f32 v13, v59;
	v22 =	vmul.f32 v31, v60;
	_ =	sdelay $0x1  }
0x3b1: {  	v13 =	vadd.f32 v22, v13;
	v12 =	vmul.f32 v12, v62;
	v33 =	vmul.f32 v32, v63;
	_ =	sdelay $0x1  }
0x3b2: {  	[tilespmem:s1+$0xFFFFFF9E] =	vst v13;
	v12 =	vadd.f32 v33, v12  }
0x3b3: {  	v13 =	vld [tilespmem:s19+$0xFFFFFFB0]  }
0x3b4: {  	v34 =	vld [tilespmem:s3+$0xFFFFFFB0];
	[tilespmem:s2+$0xFFFFFF9E] =	vst v12  }
0x3b5: {  	v12 =	vld [tilespmem:s17+$0xFFFFFFB0]  }
0x3b6: {  	v35 =	vld [tilespmem:s0+$0xFFFFFFB0];
	_ =	sdelay $0x2  }
0x3b7: {  	v13 =	vmul.f32 v13, v59;
	v22 =	vmul.f32 v34, v60;
	_ =	sdelay $0x1  }
0x3b8: {  	v13 =	vadd.f32 v22, v13;
	v12 =	vmul.f32 v12, v62;
	v36 =	vmul.f32 v35, v63;
	_ =	sdelay $0x1  }
0x3b9: {  	[tilespmem:s1+$0xFFFFFFAE] =	vst v13;
	v12 =	vadd.f32 v36, v12  }
0x3ba: {  	v13 =	vld [tilespmem:s19+$0xFFFFFFC0]  }
0x3bb: {  	v37 =	vld [tilespmem:s3+$0xFFFFFFC0];
	[tilespmem:s2+$0xFFFFFFAE] =	vst v12  }
0x3bc: {  	v12 =	vld [tilespmem:s17+$0xFFFFFFC0]  }
0x3bd: {  	v40 =	vld [tilespmem:s0+$0xFFFFFFC0]  }
0x3be: {  	v38 =	vbroadcast v8, $0x7;
	v39 =	vbroadcast v9, $0x7  }
0x3bf: {  	v41 =	vbroadcast v10, $0x7;
	v42 =	vbroadcast v11, $0x7  }
0x3c0: {  	v13 =	vmul.f32 v13, v38;
	v22 =	vmul.f32 v37, v39;
	_ =	sdelay $0x1  }
0x3c1: {  	v13 =	vadd.f32 v22, v13;
	v12 =	vmul.f32 v12, v41;
	v43 =	vmul.f32 v40, v42;
	_ =	sdelay $0x1  }
0x3c2: {  	[tilespmem:s1+$0xFFFFFFBF] =	vst v13;
	v12 =	vadd.f32 v43, v12  }
0x3c3: {  	v13 =	vld [tilespmem:s19+$0xFFFFFFD0]  }
0x3c4: {  	v44 =	vld [tilespmem:s3+$0xFFFFFFD0];
	[tilespmem:s2+$0xFFFFFFBF] =	vst v12  }
0x3c5: {  	v12 =	vld [tilespmem:s17+$0xFFFFFFD0]  }
0x3c6: {  	v45 =	vld [tilespmem:s0+$0xFFFFFFD0];
	_ =	sdelay $0x2  }
0x3c7: {  	v13 =	vmul.f32 v13, v38;
	v22 =	vmul.f32 v44, v39;
	_ =	sdelay $0x1  }
0x3c8: {  	v13 =	vadd.f32 v22, v13;
	v12 =	vmul.f32 v12, v41;
	v46 =	vmul.f32 v45, v42;
	_ =	sdelay $0x1  }
0x3c9: {  	[tilespmem:s1+$0xFFFFFFCF] =	vst v13;
	v12 =	vadd.f32 v46, v12  }
0x3ca: {  	v13 =	vld [tilespmem:s19+$0xFFFFFFE0]  }
0x3cb: {  	v47 =	vld [tilespmem:s3+$0xFFFFFFE0];
	[tilespmem:s2+$0xFFFFFFCF] =	vst v12  }
0x3cc: {  	v12 =	vld [tilespmem:s17+$0xFFFFFFE0]  }
0x3cd: {  	v48 =	vld [tilespmem:s0+$0xFFFFFFE0];
	_ =	sdelay $0x2  }
0x3ce: {  	v13 =	vmul.f32 v13, v38;
	v22 =	vmul.f32 v47, v39  }
0x3cf: {  	v49 =	vld [tilespmem:s11+$0xFFFFFFF0]  }
0x3d0: {  	v50 =	vld [tilespmem:s18+$0xFFFFFFF0];
	v13 =	vadd.f32 v22, v13;
	v12 =	vmul.f32 v12, v41;
	v25 =	vmul.f32 v48, v42;
	_ =	sdelay $0x1  }
0x3d1: {  	[tilespmem:s1+$0xFFFFFFDF] =	vst v13;
	v12 =	vadd.f32 v25, v12  }
0x3d2: {  	v13 =	vld [tilespmem:s19+$0xFFFFFFF0]  }
0x3d3: {  	v51 =	vld [tilespmem:s3+$0xFFFFFFF0];
	[tilespmem:s2+$0xFFFFFFDF] =	vst v12  }
0x3d4: {  	v52 =	vmul.f32 v49, v20;
	v53 =	vmul.f32 v50, v21;
	v54 =	vld [tilespmem:s17+$0xFFFFFFF0]  }
0x3d5: {  	v55 =	vld [tilespmem:s0+$0xFFFFFFF0]  }
0x3d6: {  	v12 =	vadd.f32 v53, v52;
	_ =	sdelay $0x1  }
0x3d7: {  	v13 =	vmul.f32 v13, v38;
	v56 =	vmul.f32 v51, v39;
	[tilespmem:s14+$0xFFFFFFEF] =	vst v12  }
0x3d8: {  	v12 =	vld [tilespmem:s11+$0x0]  }
0x3d9: {  	v13 =	vadd.f32 v56, v13;
	v57 =	vld [tilespmem:s18+$0x0];
	v21 =	vmul.f32 v54, v41;
	v22 =	vmul.f32 v55, v42;
	_ =	sdelay $0x1  }
0x3da: {  	[tilespmem:s1+$0xFFFFFFEF] =	vst v13;
	v21 =	vadd.f32 v22, v21  }
0x3db: {  	v58 =	vbroadcast v7, $0x8;
	v59 =	vbroadcast v6, $0x8;
	v13 =	vld [tilespmem:s19+$0x0]  }
0x3dc: {  	v60 =	vld [tilespmem:s3+$0x0];
	[tilespmem:s2+$0xFFFFFFEF] =	vst v21  }
0x3dd: {  	v12 =	vmul.f32 v12, v58;
	v20 =	vmul.f32 v57, v59;
	v21 =	vld [tilespmem:s17+$0x0]  }
0x3de: {  	v63 =	vld [tilespmem:s0+$0x0]  }
0x3df: {  	v61 =	vbroadcast v8, $0x8;
	v62 =	vbroadcast v9, $0x8;
	v12 =	vadd.f32 v20, v12  }
0x3e0: {  	v33 =	vbroadcast v10, $0x8;
	v34 =	vbroadcast v11, $0x8  }
0x3e1: {  	v13 =	vmul.f32 v13, v61;
	v32 =	vmul.f32 v60, v62;
	[tilespmem:s14+$0x0] =	vst v12  }
0x3e2: {  	v35 =	vld [tilespmem:s11+$0x10]  }
0x3e3: {  	v13 =	vadd.f32 v32, v13;
	v36 =	vld [tilespmem:s18+$0x10];
	v21 =	vmul.f32 v21, v33;
	v27 =	vmul.f32 v63, v34;
	_ =	sdelay $0x1  }
0x3e4: {  	[tilespmem:s1+$0x0] =	vst v13;
	v21 =	vadd.f32 v27, v21  }
0x3e5: {  	v13 =	vld [tilespmem:s19+$0x10]  }
0x3e6: {  	v37 =	vld [tilespmem:s3+$0x10];
	[tilespmem:s2+$0x0] =	vst v21  }
0x3e7: {  	v38 =	vmul.f32 v35, v58;
	v20 =	vmul.f32 v36, v59;
	v39 =	vld [tilespmem:s17+$0x10]  }
0x3e8: {  	v40 =	vld [tilespmem:s0+$0x10]  }
0x3e9: {  	v20 =	vadd.f32 v20, v38;
	_ =	sdelay $0x1  }
0x3ea: {  	v13 =	vmul.f32 v13, v61;
	v41 =	vmul.f32 v37, v62;
	[tilespmem:s14+$0x10] =	vst v20  }
0x3eb: {  	v20 =	vld [tilespmem:s11+$0x20]  }
0x3ec: {  	v13 =	vadd.f32 v41, v13;
	v42 =	vld [tilespmem:s18+$0x20];
	v43 =	vmul.f32 v39, v33;
	v44 =	vmul.f32 v40, v34;
	_ =	sdelay $0x1  }
0x3ed: {  	[tilespmem:s1+$0x10] =	vst v13;
	v27 =	vadd.f32 v44, v43  }
0x3ee: {  	v13 =	vld [tilespmem:s19+$0x20]  }
0x3ef: {  	v45 =	vld [tilespmem:s3+$0x20];
	[tilespmem:s2+$0x10] =	vst v27  }
0x3f0: {  	v20 =	vmul.f32 v20, v58;
	v21 =	vmul.f32 v42, v59;
	v27 =	vld [tilespmem:s17+$0x20]  }
0x3f1: {  	v46 =	vld [tilespmem:s0+$0x20]  }
0x3f2: {  	v20 =	vadd.f32 v21, v20;
	_ =	sdelay $0x1  }
0x3f3: {  	v13 =	vmul.f32 v13, v61;
	v47 =	vmul.f32 v45, v62;
	[tilespmem:s14+$0x20] =	vst v20  }
0x3f4: {  	v20 =	vld [tilespmem:s11+$0x30]  }
0x3f5: {  	v13 =	vadd.f32 v47, v13;
	v48 =	vld [tilespmem:s18+$0x30];
	v27 =	vmul.f32 v27, v33;
	v49 =	vmul.f32 v46, v34;
	_ =	sdelay $0x1  }
0x3f6: {  	[tilespmem:s1+$0x20] =	vst v13;
	v27 =	vadd.f32 v49, v27  }
0x3f7: {  	v13 =	vld [tilespmem:s19+$0x30]  }
0x3f8: {  	v50 =	vld [tilespmem:s3+$0x30];
	[tilespmem:s2+$0x20] =	vst v27  }
0x3f9: {  	v20 =	vmul.f32 v20, v58;
	v21 =	vmul.f32 v48, v59;
	v51 =	vld [tilespmem:s17+$0x30]  }
0x3fa: {  	v52 =	vld [tilespmem:s0+$0x30]  }
0x3fb: {  	v20 =	vadd.f32 v21, v20;
	_ =	sdelay $0x1  }
0x3fc: {  	v13 =	vmul.f32 v13, v61;
	v53 =	vmul.f32 v50, v62;
	[tilespmem:s14+$0x30] =	vst v20  }
0x3fd: {  	v20 =	vld [tilespmem:s11+$0x40]  }
0x3fe: {  	v13 =	vadd.f32 v53, v13;
	v54 =	vld [tilespmem:s18+$0x40];
	v12 =	vmul.f32 v51, v33;
	v55 =	vmul.f32 v52, v34;
	_ =	sdelay $0x1  }
0x3ff: {  	[tilespmem:s1+$0x30] =	vst v13;
	v12 =	vadd.f32 v55, v12  }
0x400: {  	v56 =	vbroadcast v7, $0x9;
	v57 =	vbroadcast v6, $0x9;
	v13 =	vld [tilespmem:s19+$0x40]  }
0x401: {  	v58 =	vld [tilespmem:s3+$0x40];
	[tilespmem:s2+$0x30] =	vst v12  }
0x402: {  	v59 =	vmul.f32 v20, v56;
	v60 =	vmul.f32 v54, v57;
	v61 =	vld [tilespmem:s17+$0x40]  }
0x403: {  	v27 =	vld [tilespmem:s0+$0x40]  }
0x404: {  	v63 =	vbroadcast v9, $0x9;
	v62 =	vbroadcast v8, $0x9;
	v12 =	vadd.f32 v60, v59  }
0x405: {  	v33 =	vbroadcast v10, $0x9;
	v34 =	vbroadcast v11, $0x9  }
0x406: {  	v13 =	vmul.f32 v13, v62;
	v32 =	vmul.f32 v58, v63;
	[tilespmem:s14+$0x41] =	vst v12  }
0x407: {  	v35 =	vld [tilespmem:s11+$0x50]  }
0x408: {  	v13 =	vadd.f32 v32, v13;
	v36 =	vld [tilespmem:s18+$0x50];
	v21 =	vmul.f32 v61, v33;
	v27 =	vmul.f32 v27, v34;
	_ =	sdelay $0x1  }
0x409: {  	[tilespmem:s1+$0x41] =	vst v13;
	v21 =	vadd.f32 v27, v21  }
0x40a: {  	v13 =	vld [tilespmem:s19+$0x50]  }
0x40b: {  	v37 =	vld [tilespmem:s3+$0x50];
	[tilespmem:s2+$0x41] =	vst v21  }
0x40c: {  	v38 =	vmul.f32 v35, v56;
	v20 =	vmul.f32 v36, v57;
	v39 =	vld [tilespmem:s17+$0x50]  }
0x40d: {  	v40 =	vld [tilespmem:s0+$0x50]  }
0x40e: {  	v20 =	vadd.f32 v20, v38;
	_ =	sdelay $0x1  }
0x40f: {  	v13 =	vmul.f32 v13, v62;
	v41 =	vmul.f32 v37, v63;
	[tilespmem:s14+$0x51] =	vst v20  }
0x410: {  	v20 =	vld [tilespmem:s11+$0x60]  }
0x411: {  	v13 =	vadd.f32 v41, v13;
	v42 =	vld [tilespmem:s18+$0x60];
	v43 =	vmul.f32 v39, v33;
	v44 =	vmul.f32 v40, v34;
	_ =	sdelay $0x1  }
0x412: {  	[tilespmem:s1+$0x51] =	vst v13;
	v27 =	vadd.f32 v44, v43  }
0x413: {  	v13 =	vld [tilespmem:s19+$0x60]  }
0x414: {  	v45 =	vld [tilespmem:s3+$0x60];
	[tilespmem:s2+$0x51] =	vst v27  }
0x415: {  	v20 =	vmul.f32 v20, v56;
	v21 =	vmul.f32 v42, v57;
	v27 =	vld [tilespmem:s17+$0x60]  }
0x416: {  	v46 =	vld [tilespmem:s0+$0x60]  }
0x417: {  	v20 =	vadd.f32 v21, v20;
	_ =	sdelay $0x1  }
0x418: {  	v13 =	vmul.f32 v13, v62;
	v47 =	vmul.f32 v45, v63;
	[tilespmem:s14+$0x61] =	vst v20  }
0x419: {  	v20 =	vld [tilespmem:s11+$0x70]  }
0x41a: {  	v13 =	vadd.f32 v47, v13;
	v48 =	vld [tilespmem:s18+$0x70];
	v27 =	vmul.f32 v27, v33;
	v49 =	vmul.f32 v46, v34;
	_ =	sdelay $0x1  }
0x41b: {  	[tilespmem:s1+$0x61] =	vst v13;
	v27 =	vadd.f32 v49, v27  }
0x41c: {  	v13 =	vld [tilespmem:s19+$0x70]  }
0x41d: {  	v50 =	vld [tilespmem:s3+$0x70];
	[tilespmem:s2+$0x61] =	vst v27  }
0x41e: {  	v20 =	vmul.f32 v20, v56;
	v21 =	vmul.f32 v48, v57;
	v51 =	vld [tilespmem:s17+$0x70]  }
0x41f: {  	v52 =	vld [tilespmem:s0+$0x70]  }
0x420: {  	v20 =	vadd.f32 v21, v20;
	_ =	sdelay $0x1  }
0x421: {  	v13 =	vmul.f32 v13, v62;
	v53 =	vmul.f32 v50, v63;
	[tilespmem:s14+$0x71] =	vst v20  }
0x422: {  	v20 =	vld [tilespmem:s11+$0x80]  }
0x423: {  	v13 =	vadd.f32 v53, v13;
	v54 =	vld [tilespmem:s18+$0x80];
	v12 =	vmul.f32 v51, v33;
	v55 =	vmul.f32 v52, v34;
	_ =	sdelay $0x1  }
0x424: {  	[tilespmem:s1+$0x71] =	vst v13;
	v12 =	vadd.f32 v55, v12  }
0x425: {  	v56 =	vbroadcast v7, $0xA;
	v57 =	vbroadcast v6, $0xA;
	v13 =	vld [tilespmem:s19+$0x80]  }
0x426: {  	v58 =	vld [tilespmem:s3+$0x80];
	[tilespmem:s2+$0x71] =	vst v12  }
0x427: {  	v59 =	vmul.f32 v20, v56;
	v60 =	vmul.f32 v54, v57;
	v61 =	vld [tilespmem:s17+$0x80]  }
0x428: {  	v27 =	vld [tilespmem:s0+$0x80]  }
0x429: {  	v62 =	vbroadcast v8, $0xA;
	v63 =	vbroadcast v9, $0xA;
	v12 =	vadd.f32 v60, v59  }
0x42a: {  	v33 =	vbroadcast v10, $0xA;
	v34 =	vbroadcast v11, $0xA  }
0x42b: {  	v13 =	vmul.f32 v13, v62;
	v32 =	vmul.f32 v58, v63;
	[tilespmem:s14+$0x82] =	vst v12  }
0x42c: {  	v35 =	vld [tilespmem:s11+$0x90]  }
0x42d: {  	v13 =	vadd.f32 v32, v13;
	v36 =	vld [tilespmem:s18+$0x90];
	v21 =	vmul.f32 v61, v33;
	v27 =	vmul.f32 v27, v34;
	_ =	sdelay $0x1  }
0x42e: {  	[tilespmem:s1+$0x82] =	vst v13;
	v21 =	vadd.f32 v27, v21  }
0x42f: {  	v13 =	vld [tilespmem:s19+$0x90]  }
0x430: {  	v37 =	vld [tilespmem:s3+$0x90];
	[tilespmem:s2+$0x82] =	vst v21  }
0x431: {  	v38 =	vmul.f32 v35, v56;
	v20 =	vmul.f32 v36, v57;
	v39 =	vld [tilespmem:s17+$0x90]  }
0x432: {  	v40 =	vld [tilespmem:s0+$0x90]  }
0x433: {  	v20 =	vadd.f32 v20, v38;
	_ =	sdelay $0x1  }
0x434: {  	v13 =	vmul.f32 v13, v62;
	v41 =	vmul.f32 v37, v63;
	[tilespmem:s14+$0x92] =	vst v20  }
0x435: {  	v20 =	vld [tilespmem:s11+$0xA0]  }
0x436: {  	v13 =	vadd.f32 v41, v13;
	v42 =	vld [tilespmem:s18+$0xA0];
	v43 =	vmul.f32 v39, v33;
	v44 =	vmul.f32 v40, v34;
	_ =	sdelay $0x1  }
0x437: {  	[tilespmem:s1+$0x92] =	vst v13;
	v27 =	vadd.f32 v44, v43  }
0x438: {  	v13 =	vld [tilespmem:s19+$0xA0]  }
0x439: {  	v45 =	vld [tilespmem:s3+$0xA0];
	[tilespmem:s2+$0x92] =	vst v27  }
0x43a: {  	v20 =	vmul.f32 v20, v56;
	v21 =	vmul.f32 v42, v57;
	v27 =	vld [tilespmem:s17+$0xA0]  }
0x43b: {  	v46 =	vld [tilespmem:s0+$0xA0]  }
0x43c: {  	v20 =	vadd.f32 v21, v20;
	_ =	sdelay $0x1  }
0x43d: {  	v13 =	vmul.f32 v13, v62;
	v47 =	vmul.f32 v45, v63;
	[tilespmem:s14+$0xA2] =	vst v20  }
0x43e: {  	v20 =	vld [tilespmem:s11+$0xB0]  }
0x43f: {  	v13 =	vadd.f32 v47, v13;
	v48 =	vld [tilespmem:s18+$0xB0];
	v27 =	vmul.f32 v27, v33;
	v49 =	vmul.f32 v46, v34;
	_ =	sdelay $0x1  }
0x440: {  	[tilespmem:s1+$0xA2] =	vst v13;
	v27 =	vadd.f32 v49, v27  }
0x441: {  	v13 =	vld [tilespmem:s19+$0xB0]  }
0x442: {  	v50 =	vld [tilespmem:s3+$0xB0];
	[tilespmem:s2+$0xA2] =	vst v27  }
0x443: {  	v18 =	vadd.f32 v19, v18;
	v51 =	vmul.f32 v20, v56;
	v52 =	vmul.f32 v48, v57;
	v53 =	vld [tilespmem:s17+$0xB0]  }
0x444: {  	v54 =	vld [tilespmem:s0+$0xB0]  }
0x445: {  	[tilespmem:s29+$0xB2] =	vst v18;
	v19 =	vadd.f32 v52, v51  }
0x446: {  	v56 =	vld [tilespmem:s13+$0xC0]  }
0x447: {  	v55 =	vld [tilespmem:s12+$0xC0];
	v13 =	vmul.f32 v13, v62;
	v57 =	vmul.f32 v50, v63;
	[tilespmem:s14+$0xB2] =	vst v19  }
0x448: {  	v25 =	vbroadcast v5, $0xB;
	v58 =	vld [tilespmem:s11+$0xC0]  }
0x449: {  	v13 =	vadd.f32 v57, v13;
	v59 =	vld [tilespmem:s18+$0xC0];
	v12 =	vmul.f32 v53, v33;
	v18 =	vmul.f32 v54, v34  }
0x44a: {  	v19 =	vbroadcast v4, $0xB  }
0x44b: {  	v22 =	vbroadcast v6, $0xB;
	[tilespmem:s1+$0xB2] =	vst v13;
	v20 =	vmul.f32 v56, v25;
	v12 =	vadd.f32 v18, v12  }
0x44c: {  	v61 =	vld [tilespmem:s19+$0xC0];
	v60 =	vmul.f32 v55, v19;
	v18 =	vbroadcast v7, $0xB  }
0x44d: {  	v62 =	vld [tilespmem:s3+$0xC0];
	[tilespmem:s2+$0xB2] =	vst v12  }
0x44e: {  	v13 =	vadd.f32 v20, v60;
	v32 =	vmul.f32 v59, v22;
	v63 =	vmul.f32 v58, v18;
	v33 =	vld [tilespmem:s17+$0xC0]  }
0x44f: {  	v27 =	vld [tilespmem:s0+$0xC0]  }
0x450: {  	v35 =	vbroadcast v9, $0xB;
	v34 =	vbroadcast v8, $0xB;
	[tilespmem:s29+$0xC3] =	vst v13;
	v12 =	vadd.f32 v32, v63  }
0x451: {  	v38 =	vbroadcast v10, $0xB;
	v39 =	vbroadcast v11, $0xB;
	v36 =	vld [tilespmem:s12+$0xD0]  }
0x452: {  	v21 =	vmul.f32 v61, v34;
	v24 =	vmul.f32 v62, v35;
	v37 =	vld [tilespmem:s13+$0xD0];
	[tilespmem:s14+$0xC3] =	vst v12  }
0x453: {  	v30 =	vld [tilespmem:s11+$0xD0]  }
0x454: {  	v21 =	vadd.f32 v24, v21;
	v40 =	vld [tilespmem:s18+$0xD0];
	v23 =	vmul.f32 v33, v38;
	v27 =	vmul.f32 v27, v39;
	_ =	sdelay $0x1  }
0x455: {  	[tilespmem:s1+$0xC3] =	vst v21;
	v23 =	vadd.f32 v27, v23  }
0x456: {  	v42 =	vld [tilespmem:s19+$0xD0];
	v41 =	vmul.f32 v36, v19;
	v20 =	vmul.f32 v37, v25  }
0x457: {  	v43 =	vld [tilespmem:s3+$0xD0];
	[tilespmem:s2+$0xC3] =	vst v23  }
0x458: {  	v20 =	vadd.f32 v20, v41;
	v44 =	vmul.f32 v30, v18;
	v45 =	vmul.f32 v40, v22;
	v46 =	vld [tilespmem:s17+$0xD0]  }
0x459: {  	v47 =	vld [tilespmem:s0+$0xD0]  }
0x45a: {  	[tilespmem:s29+$0xD3] =	vst v20;
	v21 =	vadd.f32 v45, v44  }
0x45b: {  	v48 =	vld [tilespmem:s12+$0xE0]  }
0x45c: {  	v28 =	vmul.f32 v42, v34;
	v27 =	vmul.f32 v43, v35;
	v49 =	vld [tilespmem:s13+$0xE0];
	[tilespmem:s14+$0xD3] =	vst v21  }
0x45d: {  	v21 =	vld [tilespmem:s11+$0xE0]  }
0x45e: {  	v27 =	vadd.f32 v27, v28;
	v50 =	vld [tilespmem:s18+$0xE0];
	v24 =	vmul.f32 v46, v38;
	v20 =	vmul.f32 v47, v39;
	_ =	sdelay $0x1  }
0x45f: {  	[tilespmem:s1+$0xD3] =	vst v27;
	v20 =	vadd.f32 v20, v24  }
0x460: {  	v52 =	vld [tilespmem:s19+$0xE0];
	v51 =	vmul.f32 v48, v19;
	v23 =	vmul.f32 v49, v25  }
0x461: {  	v53 =	vld [tilespmem:s3+$0xE0];
	[tilespmem:s2+$0xD3] =	vst v20  }
0x462: {  	v23 =	vadd.f32 v23, v51;
	v54 =	vmul.f32 v21, v18;
	v55 =	vmul.f32 v50, v22;
	v56 =	vld [tilespmem:s17+$0xE0]  }
0x463: {  	v57 =	vld [tilespmem:s0+$0xE0]  }
0x464: {  	[tilespmem:s29+$0xE3] =	vst v23;
	v20 =	vadd.f32 v55, v54  }
0x465: {  	v58 =	vld [tilespmem:s12+$0xF0]  }
0x466: {  	v30 =	vmul.f32 v52, v34;
	v24 =	vmul.f32 v53, v35;
	v59 =	vld [tilespmem:s13+$0xF0];
	[tilespmem:s14+$0xE3] =	vst v20  }
0x467: {  	v20 =	vld [tilespmem:s11+$0xF0]  }
0x468: {  	v24 =	vadd.f32 v24, v30;
	v60 =	vld [tilespmem:s18+$0xF0];
	v27 =	vmul.f32 v56, v38;
	v23 =	vmul.f32 v57, v39;
	_ =	sdelay $0x1  }
0x469: {  	[tilespmem:s1+$0xE3] =	vst v24;
	v23 =	vadd.f32 v23, v27  }
0x46a: {  	v24 =	vld [tilespmem:s19+$0xF0];
	v19 =	vmul.f32 v58, v19;
	v21 =	vmul.f32 v59, v25  }
0x46b: {  	v61 =	vld [tilespmem:s3+$0xF0];
	[tilespmem:s2+$0xE3] =	vst v23  }
0x46c: {  	v19 =	vadd.f32 v21, v19;
	v18 =	vmul.f32 v20, v18;
	v62 =	vmul.f32 v60, v22;
	v63 =	vld [tilespmem:s17+$0xF0]  }
0x46d: {  	v28 =	vld [tilespmem:s0+$0xF0]  }
0x46e: {  	[tilespmem:s29+$0xF3] =	vst v19;
	v18 =	vadd.f32 v62, v18  }
0x46f: {  	v31 =	vld [tilespmem:s13+$0x100]  }
0x470: {  	v13 =	vmul.f32 v24, v34;
	v32 =	vmul.f32 v61, v35;
	v30 =	vld [tilespmem:s12+$0x100];
	[tilespmem:s14+$0xF3] =	vst v18  }
0x471: {  	v24 =	vbroadcast v5, $0xC;
	v33 =	vld [tilespmem:s11+$0x100]  }
0x472: {  	v13 =	vadd.f32 v32, v13;
	v34 =	vld [tilespmem:s18+$0x100];
	v12 =	vmul.f32 v63, v38;
	v19 =	vmul.f32 v28, v39  }
0x473: {  	v18 =	vbroadcast v4, $0xC  }
0x474: {  	v37 =	vbroadcast v6, $0xC;
	[tilespmem:s1+$0xF3] =	vst v13;
	v20 =	vmul.f32 v31, v24;
	v12 =	vadd.f32 v19, v12  }
0x475: {  	v35 =	vmul.f32 v30, v18;
	v38 =	vld [tilespmem:s3+$0x100];
	v19 =	vbroadcast v7, $0xC  }
0x476: {  	v36 =	vld [tilespmem:s19+$0x100];
	[tilespmem:s2+$0xF3] =	vst v12  }
0x477: {  	v13 =	vadd.f32 v20, v35;
	v39 =	vmul.f32 v33, v19;
	v40 =	vmul.f32 v34, v37;
	v41 =	vld [tilespmem:s17+$0x100]  }
0x478: {  	v25 =	vbroadcast v9, $0xC;
	v42 =	vld [tilespmem:s0+$0x100]  }
0x479: {  	[tilespmem:s29+$0x104] =	vst v13;
	v13 =	vbroadcast v8, $0xC;
	v12 =	vadd.f32 v40, v39  }
0x47a: {  	v29 =	vbroadcast v11, $0xC;
	v26 =	vmul.f32 v38, v25  }
0x47b: {  	v21 =	vmul.f32 v36, v13;
	[tilespmem:s14+$0x104] =	vst v12;
	v12 =	vbroadcast v10, $0xC  }
0x47c: {  	v43 =	vld [tilespmem:s12+$0x110]  }
0x47d: {  	v44 =	vld [tilespmem:s13+$0x110];
	v21 =	vadd.f32 v26, v21;
	v23 =	vmul.f32 v41, v12;
	v27 =	vmul.f32 v42, v29  }
0x47e: {  	v45 =	vld [tilespmem:s11+$0x110]  }
0x47f: {  	v46 =	vld [tilespmem:s18+$0x110];
	[tilespmem:s1+$0x104] =	vst v21;
	v23 =	vadd.f32 v27, v23  }
0x480: {  	v48 =	vld [tilespmem:s19+$0x110]  }
0x481: {  	v49 =	vld [tilespmem:s3+$0x110];
	[tilespmem:s2+$0x104] =	vst v23  }
0x482: {  	v47 =	vmul.f32 v43, v18;
	v20 =	vmul.f32 v44, v24;
	v52 =	vld [tilespmem:s17+$0x110]  }
0x483: {  	v53 =	vld [tilespmem:s0+$0x110]  }
0x484: {  	v20 =	vadd.f32 v20, v47;
	v50 =	vmul.f32 v45, v19;
	v51 =	vmul.f32 v46, v37;
	_ =	sdelay $0x1  }
0x485: {  	[tilespmem:s29+$0x114] =	vst v20;
	v21 =	vadd.f32 v51, v50;
	v28 =	vmul.f32 v48, v13;
	v27 =	vmul.f32 v49, v25  }
0x486: {  	v54 =	vld [tilespmem:s12+$0x120]  }
0x487: {  	v55 =	vld [tilespmem:s13+$0x120];
	[tilespmem:s14+$0x114] =	vst v21;
	v27 =	vadd.f32 v27, v28;
	v26 =	vmul.f32 v52, v12;
	v20 =	vmul.f32 v53, v29  }
0x488: {  	v21 =	vld [tilespmem:s11+$0x120]  }
0x489: {  	v56 =	vld [tilespmem:s18+$0x120];
	[tilespmem:s1+$0x114] =	vst v27;
	v20 =	vadd.f32 v20, v26  }
0x48a: {  	v58 =	vld [tilespmem:s19+$0x120]  }
0x48b: {  	v59 =	vld [tilespmem:s3+$0x120];
	[tilespmem:s2+$0x114] =	vst v20  }
0x48c: {  	v57 =	vmul.f32 v54, v18;
	v23 =	vmul.f32 v55, v24;
	v62 =	vld [tilespmem:s17+$0x120]  }
0x48d: {  	v63 =	vld [tilespmem:s0+$0x120]  }
0x48e: {  	v23 =	vadd.f32 v23, v57;
	v60 =	vmul.f32 v21, v19;
	v61 =	vmul.f32 v56, v37;
	_ =	sdelay $0x1  }
0x48f: {  	[tilespmem:s29+$0x124] =	vst v23;
	v20 =	vadd.f32 v61, v60;
	v30 =	vmul.f32 v58, v13;
	v26 =	vmul.f32 v59, v25  }
0x490: {  	v33 =	vld [tilespmem:s12+$0x130]  }
0x491: {  	v34 =	vld [tilespmem:s13+$0x130];
	[tilespmem:s14+$0x124] =	vst v20;
	v26 =	vadd.f32 v26, v30;
	v27 =	vmul.f32 v62, v12;
	v23 =	vmul.f32 v63, v29  }
0x492: {  	v20 =	vld [tilespmem:s11+$0x130]  }
0x493: {  	v35 =	vld [tilespmem:s18+$0x130];
	[tilespmem:s1+$0x124] =	vst v26;
	v23 =	vadd.f32 v23, v27  }
0x494: {  	v36 =	vld [tilespmem:s19+$0x130]  }
0x495: {  	v26 =	vld [tilespmem:s3+$0x130];
	[tilespmem:s2+$0x124] =	vst v23  }
0x496: {  	v18 =	vmul.f32 v33, v18;
	v21 =	vmul.f32 v34, v24;
	v38 =	vld [tilespmem:s17+$0x130]  }
0x497: {  	v39 =	vld [tilespmem:s0+$0x130]  }
0x498: {  	v18 =	vadd.f32 v21, v18;
	v19 =	vmul.f32 v20, v19;
	v37 =	vmul.f32 v35, v37;
	_ =	sdelay $0x1  }
0x499: {  	[tilespmem:s29+$0x134] =	vst v18;
	v19 =	vadd.f32 v37, v19;
	v13 =	vmul.f32 v36, v13;
	v42 =	vmul.f32 v26, v25  }
0x49a: {  	v40 =	vld [tilespmem:s12+$0x140]  }
0x49b: {  	v41 =	vld [tilespmem:s13+$0x140];
	[tilespmem:s14+$0x134] =	vst v19;
	v13 =	vadd.f32 v42, v13;
	v12 =	vmul.f32 v38, v12;
	v18 =	vmul.f32 v39, v29  }
0x49c: {  	v43 =	vld [tilespmem:s11+$0x140]  }
0x49d: {  	v19 =	vbroadcast v4, $0xD;
	v44 =	vld [tilespmem:s18+$0x140];
	[tilespmem:s1+$0x134] =	vst v13;
	v12 =	vadd.f32 v18, v12  }
0x49e: {  	v24 =	vbroadcast v5, $0xD;
	v46 =	vld [tilespmem:s19+$0x140]  }
0x49f: {  	v22 =	vbroadcast v6, $0xD;
	v45 =	vmul.f32 v40, v19;
	v47 =	vld [tilespmem:s3+$0x140];
	[tilespmem:s2+$0x134] =	vst v12  }
0x4a0: {  	v20 =	vmul.f32 v41, v24;
	v18 =	vbroadcast v7, $0xD;
	v51 =	vld [tilespmem:s17+$0x140]  }
0x4a1: {  	v52 =	vbroadcast v8, $0xD;
	v27 =	vbroadcast v9, $0xD;
	v53 =	vld [tilespmem:s0+$0x140]  }
0x4a2: {  	v48 =	vadd.f32 v20, v45;
	v49 =	vmul.f32 v43, v18;
	v50 =	vmul.f32 v44, v22  }
0x4a3: {  	v59 =	vbroadcast v10, $0xD;
	v60 =	vbroadcast v11, $0xD  }
0x4a4: {  	[tilespmem:s29+$0x145] =	vst v48;
	v54 =	vadd.f32 v50, v49;
	v56 =	vmul.f32 v46, v52;
	v57 =	vmul.f32 v47, v27  }
0x4a5: {  	v55 =	vld [tilespmem:s12+$0x150]  }
0x4a6: {  	v58 =	vld [tilespmem:s13+$0x150];
	[tilespmem:s14+$0x145] =	vst v54;
	v20 =	vadd.f32 v57, v56;
	v23 =	vmul.f32 v51, v59;
	v28 =	vmul.f32 v53, v60  }
0x4a7: {  	v61 =	vld [tilespmem:s11+$0x150]  }
0x4a8: {  	v62 =	vld [tilespmem:s18+$0x150];
	[tilespmem:s1+$0x145] =	vst v20;
	v23 =	vadd.f32 v28, v23  }
0x4a9: {  	v20 =	vld [tilespmem:s19+$0x150]  }
0x4aa: {  	v63 =	vld [tilespmem:s3+$0x150];
	[tilespmem:s2+$0x145] =	vst v23  }
0x4ab: {  	v13 =	vmul.f32 v55, v19;
	v26 =	vmul.f32 v58, v24;
	v34 =	vld [tilespmem:s17+$0x150]  }
0x4ac: {  	v35 =	vld [tilespmem:s0+$0x150]  }
0x4ad: {  	v13 =	vadd.f32 v26, v13;
	v33 =	vmul.f32 v61, v18;
	v21 =	vmul.f32 v62, v22;
	_ =	sdelay $0x1  }
0x4ae: {  	[tilespmem:s29+$0x155] =	vst v13;
	v36 =	vadd.f32 v21, v33;
	v20 =	vmul.f32 v20, v52;
	v38 =	vmul.f32 v63, v27  }
0x4af: {  	v37 =	vld [tilespmem:s12+$0x160]  }
0x4b0: {  	v39 =	vld [tilespmem:s13+$0x160];
	[tilespmem:s14+$0x155] =	vst v36;
	v20 =	vadd.f32 v38, v20;
	v26 =	vmul.f32 v34, v59;
	v30 =	vmul.f32 v35, v60  }
0x4b1: {  	v13 =	vld [tilespmem:s11+$0x160]  }
0x4b2: {  	v40 =	vld [tilespmem:s18+$0x160];
	[tilespmem:s1+$0x155] =	vst v20;
	v26 =	vadd.f32 v30, v26  }
0x4b3: {  	v20 =	vld [tilespmem:s19+$0x160]  }
0x4b4: {  	v41 =	vld [tilespmem:s3+$0x160];
	[tilespmem:s2+$0x155] =	vst v26  }
0x4b5: {  	v21 =	vmul.f32 v37, v19;
	v28 =	vmul.f32 v39, v24;
	v26 =	vld [tilespmem:s17+$0x160]  }
0x4b6: {  	v42 =	vld [tilespmem:s0+$0x160]  }
0x4b7: {  	v21 =	vadd.f32 v28, v21;
	v13 =	vmul.f32 v13, v18;
	v23 =	vmul.f32 v40, v22;
	_ =	sdelay $0x1  }
0x4b8: {  	[tilespmem:s29+$0x165] =	vst v21;
	v13 =	vadd.f32 v23, v13;
	v20 =	vmul.f32 v20, v52;
	v43 =	vmul.f32 v41, v27  }
0x4b9: {  	v21 =	vld [tilespmem:s12+$0x170]  }
0x4ba: {  	v44 =	vld [tilespmem:s13+$0x170];
	[tilespmem:s14+$0x165] =	vst v13;
	v20 =	vadd.f32 v43, v20;
	v26 =	vmul.f32 v26, v59;
	v28 =	vmul.f32 v42, v60  }
0x4bb: {  	v13 =	vld [tilespmem:s11+$0x170]  }
0x4bc: {  	v45 =	vld [tilespmem:s18+$0x170];
	[tilespmem:s1+$0x165] =	vst v20;
	v26 =	vadd.f32 v28, v26  }
0x4bd: {  	v20 =	vld [tilespmem:s19+$0x170]  }
0x4be: {  	v47 =	vld [tilespmem:s3+$0x170];
	[tilespmem:s2+$0x165] =	vst v26  }
0x4bf: {  	v19 =	vmul.f32 v21, v19;
	v46 =	vmul.f32 v44, v24;
	v49 =	vld [tilespmem:s17+$0x170]  }
0x4c0: {  	v50 =	vld [tilespmem:s0+$0x170]  }
0x4c1: {  	v19 =	vadd.f32 v46, v19;
	v13 =	vmul.f32 v13, v18;
	v48 =	vmul.f32 v45, v22;
	_ =	sdelay $0x1  }
0x4c2: {  	[tilespmem:s29+$0x175] =	vst v19;
	v13 =	vadd.f32 v48, v13;
	v52 =	vmul.f32 v20, v52;
	v53 =	vmul.f32 v47, v27  }
0x4c3: {  	v51 =	vld [tilespmem:s12+$0x180]  }
0x4c4: {  	v54 =	vld [tilespmem:s13+$0x180];
	[tilespmem:s14+$0x175] =	vst v13;
	v19 =	vadd.f32 v53, v52;
	v12 =	vmul.f32 v49, v59;
	v56 =	vmul.f32 v50, v60  }
0x4c5: {  	v13 =	vld [tilespmem:s11+$0x180]  }
0x4c6: {  	v16 =	vmul.f32 v16, v14;
	v17 =	vmul.f32 v17, v15;
	v55 =	vld [tilespmem:s18+$0x180];
	[tilespmem:s1+$0x175] =	vst v19;
	v12 =	vadd.f32 v56, v12  }
0x4c7: {  	v22 =	vbroadcast v5, $0xE;
	v19 =	vbroadcast v4, $0xE;
	v57 =	vld [tilespmem:s19+$0x180]  }
0x4c8: {  	v25 =	vbroadcast v6, $0xE;
	v21 =	vbroadcast v7, $0xE;
	v58 =	vld [tilespmem:s3+$0x180];
	[tilespmem:s2+$0x175] =	vst v12  }
0x4c9: {  	v16 =	vadd.f32 v17, v16;
	v60 =	vmul.f32 v54, v22;
	v59 =	vmul.f32 v51, v19;
	v63 =	vld [tilespmem:s17+$0x180]  }
0x4ca: {  	v17 =	vbroadcast v8, $0xE;
	v18 =	vbroadcast v9, $0xE;
	v33 =	vld [tilespmem:s0+$0x180]  }
0x4cb: {  	[tilespmem:s25+$0x186] =	vst v16;
	v61 =	vmul.f32 v13, v21;
	v62 =	vmul.f32 v55, v25;
	v32 =	vadd.f32 v60, v59  }
0x4cc: {  	v29 =	vbroadcast v11, $0xE;
	v34 =	vld [tilespmem:s26+$0x190];
	v26 =	vbroadcast v10, $0xE  }
0x4cd: {  	v35 =	vld [tilespmem:s28+$0x190];
	[tilespmem:s29+$0x186] =	vst v32;
	v12 =	vadd.f32 v62, v61;
	v36 =	vmul.f32 v57, v17;
	v37 =	vmul.f32 v58, v18  }
0x4ce: {  	v38 =	vld [tilespmem:s12+$0x190]  }
0x4cf: {  	v39 =	vld [tilespmem:s13+$0x190];
	[tilespmem:s14+$0x186] =	vst v12;
	v40 =	vadd.f32 v37, v36;
	v42 =	vmul.f32 v63, v26;
	v43 =	vmul.f32 v33, v29  }
0x4d0: {  	v41 =	vld [tilespmem:s11+$0x190]  }
0x4d1: {  	v44 =	vld [tilespmem:s18+$0x190];
	[tilespmem:s1+$0x186] =	vst v40;
	v16 =	vadd.f32 v43, v42  }
0x4d2: {  	v46 =	vmul.f32 v35, v15;
	v45 =	vmul.f32 v34, v14;
	v47 =	vld [tilespmem:s19+$0x190]  }
0x4d3: {  	v48 =	vld [tilespmem:s3+$0x190];
	[tilespmem:s2+$0x186] =	vst v16  }
0x4d4: {  	v12 =	vadd.f32 v46, v45;
	v24 =	vmul.f32 v38, v19;
	v49 =	vmul.f32 v39, v22;
	v16 =	vld [tilespmem:s17+$0x190]  }
0x4d5: {  	v51 =	vld [tilespmem:s0+$0x190]  }
0x4d6: {  	[tilespmem:s25+$0x196] =	vst v12;
	v50 =	vadd.f32 v49, v24;
	v13 =	vmul.f32 v41, v21;
	v23 =	vmul.f32 v44, v25  }
0x4d7: {  	v52 =	vld [tilespmem:s26+$0x1A0]  }
0x4d8: {  	v53 =	vld [tilespmem:s28+$0x1A0];
	[tilespmem:s29+$0x196] =	vst v50;
	v54 =	vadd.f32 v23, v13;
	v55 =	vmul.f32 v47, v17;
	v20 =	vmul.f32 v48, v18  }
0x4d9: {  	v56 =	vld [tilespmem:s12+$0x1A0]  }
0x4da: {  	v57 =	vld [tilespmem:s13+$0x1A0];
	[tilespmem:s14+$0x196] =	vst v54;
	v58 =	vadd.f32 v20, v55;
	v16 =	vmul.f32 v16, v26;
	v60 =	vmul.f32 v51, v29  }
0x4db: {  	v59 =	vld [tilespmem:s11+$0x1A0]  }
0x4dc: {  	v61 =	vld [tilespmem:s18+$0x1A0];
	[tilespmem:s1+$0x196] =	vst v58;
	v16 =	vadd.f32 v60, v16  }
0x4dd: {  	v62 =	vmul.f32 v52, v14;
	v63 =	vmul.f32 v53, v15;
	v33 =	vld [tilespmem:s19+$0x1A0]  }
0x4de: {  	v34 =	vld [tilespmem:s3+$0x1A0];
	[tilespmem:s2+$0x196] =	vst v16  }
0x4df: {  	v12 =	vadd.f32 v63, v62;
	v23 =	vmul.f32 v56, v19;
	v35 =	vmul.f32 v57, v22;
	v16 =	vld [tilespmem:s17+$0x1A0]  }
0x4e0: {  	v38 =	vld [tilespmem:s0+$0x1A0]  }
0x4e1: {  	[tilespmem:s25+$0x1A6] =	vst v12;
	v36 =	vadd.f32 v35, v23;
	v13 =	vmul.f32 v59, v21;
	v37 =	vmul.f32 v61, v25  }
0x4e2: {  	v39 =	vld [tilespmem:s26+$0x1B0]  }
0x4e3: {  	v40 =	vld [tilespmem:s28+$0x1B0];
	[tilespmem:s29+$0x1A6] =	vst v36;
	v41 =	vadd.f32 v37, v13;
	v42 =	vmul.f32 v33, v17;
	v20 =	vmul.f32 v34, v18  }
0x4e4: {  	v43 =	vld [tilespmem:s12+$0x1B0]  }
0x4e5: {  	v44 =	vld [tilespmem:s13+$0x1B0];
	[tilespmem:s14+$0x1A6] =	vst v41;
	v45 =	vadd.f32 v20, v42;
	v16 =	vmul.f32 v16, v26;
	v47 =	vmul.f32 v38, v29  }
0x4e6: {  	v46 =	vld [tilespmem:s11+$0x1B0]  }
0x4e7: {  	v48 =	vld [tilespmem:s18+$0x1B0];
	[tilespmem:s1+$0x1A6] =	vst v45;
	v16 =	vadd.f32 v47, v16  }
0x4e8: {  	v49 =	vmul.f32 v39, v14;
	v50 =	vmul.f32 v40, v15;
	v51 =	vld [tilespmem:s19+$0x1B0]  }
0x4e9: {  	v52 =	vld [tilespmem:s3+$0x1B0];
	[tilespmem:s2+$0x1A6] =	vst v16  }
0x4ea: {  	v12 =	vadd.f32 v50, v49;
	v53 =	vmul.f32 v43, v19;
	v54 =	vmul.f32 v44, v22;
	v16 =	vld [tilespmem:s17+$0x1B0]  }
0x4eb: {  	v57 =	vld [tilespmem:s0+$0x1B0]  }
0x4ec: {  	[tilespmem:s25+$0x1B6] =	vst v12;
	v55 =	vadd.f32 v54, v53;
	v13 =	vmul.f32 v46, v21;
	v56 =	vmul.f32 v48, v25  }
0x4ed: {  	v58 =	vld [tilespmem:s26+$0x1C0]  }
0x4ee: {  	v59 =	vld [tilespmem:s28+$0x1C0];
	[tilespmem:s29+$0x1B6] =	vst v55;
	v60 =	vadd.f32 v56, v13;
	v61 =	vmul.f32 v51, v17;
	v62 =	vmul.f32 v52, v18  }
0x4ef: {  	v63 =	vld [tilespmem:s12+$0x1C0]  }
0x4f0: {  	v24 =	vld [tilespmem:s13+$0x1C0];
	[tilespmem:s14+$0x1B6] =	vst v60;
	v25 =	vadd.f32 v62, v61;
	v28 =	vmul.f32 v16, v26;
	v30 =	vmul.f32 v57, v29  }
0x4f1: {  	v2 =	vbroadcast v2, $0xF;
	v3 =	vbroadcast v3, $0xF;
	v27 =	vld [tilespmem:s11+$0x1C0]  }
0x4f2: {  	v5 =	vbroadcast v5, $0xF;
	v4 =	vbroadcast v4, $0xF;
	v31 =	vld [tilespmem:s18+$0x1C0];
	[tilespmem:s1+$0x1B6] =	vst v25;
	v14 =	vadd.f32 v30, v28  }
0x4f3: {  	v32 =	vmul.f32 v58, v2;
	v33 =	vmul.f32 v59, v3;
	v12 =	vld [tilespmem:s19+$0x1C0]  }
0x4f4: {  	v6 =	vbroadcast v6, $0xF;
	v7 =	vbroadcast v7, $0xF;
	v34 =	vld [tilespmem:s3+$0x1C0];
	[tilespmem:s2+$0x1B6] =	vst v14  }
0x4f5: {  	v35 =	vadd.f32 v33, v32;
	v15 =	vmul.f32 v63, v4;
	v17 =	vmul.f32 v24, v5;
	v36 =	vld [tilespmem:s17+$0x1C0]  }
0x4f6: {  	v8 =	vbroadcast v8, $0xF;
	v9 =	vbroadcast v9, $0xF;
	v37 =	vld [tilespmem:s0+$0x1C0]  }
0x4f7: {  	[tilespmem:s25+$0x1C7] =	vst v35;
	v38 =	vadd.f32 v17, v15;
	v13 =	vmul.f32 v27, v7;
	v39 =	vmul.f32 v31, v6  }
0x4f8: {  	v11 =	vbroadcast v11, $0xF;
	v10 =	vbroadcast v10, $0xF;
	v40 =	vld [tilespmem:s26+$0x1D0]  }
0x4f9: {  	v42 =	vld [tilespmem:s28+$0x1D0];
	v12 =	vmul.f32 v12, v8;
	v41 =	vmul.f32 v34, v9;
	[tilespmem:s29+$0x1C7] =	vst v38;
	v13 =	vadd.f32 v39, v13  }
0x4fa: {  	v14 =	vld [tilespmem:s12+$0x1D0]  }
0x4fb: {  	v43 =	vld [tilespmem:s13+$0x1D0];
	[tilespmem:s14+$0x1C7] =	vst v13;
	v12 =	vadd.f32 v41, v12;
	v44 =	vmul.f32 v36, v10;
	v45 =	vmul.f32 v37, v11  }
0x4fc: {  	v46 =	vld [tilespmem:s11+$0x1D0]  }
0x4fd: {  	v47 =	vld [tilespmem:s18+$0x1D0];
	[tilespmem:s1+$0x1C7] =	vst v12;
	v48 =	vadd.f32 v45, v44  }
0x4fe: {  	v49 =	vmul.f32 v40, v2;
	v50 =	vmul.f32 v42, v3;
	v51 =	vld [tilespmem:s19+$0x1D0]  }
0x4ff: {  	v52 =	vld [tilespmem:s3+$0x1D0];
	[tilespmem:s2+$0x1C7] =	vst v48  }
0x500: {  	v53 =	vadd.f32 v50, v49;
	v54 =	vmul.f32 v14, v4;
	v55 =	vmul.f32 v43, v5;
	v56 =	vld [tilespmem:s17+$0x1D0]  }
0x501: {  	v57 =	vld [tilespmem:s0+$0x1D0]  }
0x502: {  	[tilespmem:s25+$0x1D7] =	vst v53;
	v58 =	vadd.f32 v55, v54;
	v59 =	vmul.f32 v46, v7;
	v60 =	vmul.f32 v47, v6  }
0x503: {  	v61 =	vld [tilespmem:s26+$0x1E0]  }
0x504: {  	v62 =	vld [tilespmem:s28+$0x1E0];
	[tilespmem:s29+$0x1D7] =	vst v58;
	v63 =	vadd.f32 v60, v59;
	v24 =	vmul.f32 v51, v8;
	v25 =	vmul.f32 v52, v9  }
0x505: {  	v26 =	vld [tilespmem:s12+$0x1E0]  }
0x506: {  	v27 =	vld [tilespmem:s13+$0x1E0];
	[tilespmem:s14+$0x1D7] =	vst v63;
	v28 =	vadd.f32 v25, v24;
	v29 =	vmul.f32 v56, v10;
	v30 =	vmul.f32 v57, v11  }
0x507: {  	v31 =	vld [tilespmem:s11+$0x1E0]  }
0x508: {  	v32 =	vld [tilespmem:s18+$0x1E0];
	[tilespmem:s1+$0x1D7] =	vst v28;
	v33 =	vadd.f32 v30, v29  }
0x509: {  	v34 =	vmul.f32 v61, v2;
	v35 =	vmul.f32 v62, v3;
	v36 =	vld [tilespmem:s19+$0x1E0]  }
0x50a: {  	v37 =	vld [tilespmem:s3+$0x1E0];
	[tilespmem:s2+$0x1D7] =	vst v33  }
0x50b: {  	v38 =	vadd.f32 v35, v34;
	v39 =	vmul.f32 v26, v4;
	v40 =	vmul.f32 v27, v5;
	v41 =	vld [tilespmem:s17+$0x1E0]  }
0x50c: {  	v42 =	vld [tilespmem:s0+$0x1E0]  }
0x50d: {  	[tilespmem:s25+$0x1E7] =	vst v38;
	v43 =	vadd.f32 v40, v39;
	v44 =	vmul.f32 v31, v7;
	v45 =	vmul.f32 v32, v6  }
0x50e: {  	v46 =	vld [tilespmem:s26+$0x1F0]  }
0x50f: {  	v47 =	vld [tilespmem:s28+$0x1F0];
	[tilespmem:s29+$0x1E7] =	vst v43;
	v48 =	vadd.f32 v45, v44;
	v49 =	vmul.f32 v36, v8;
	v50 =	vmul.f32 v37, v9  }
0x510: {  	v51 =	vld [tilespmem:s12+$0x1F0]  }
0x511: {  	v52 =	vld [tilespmem:s13+$0x1F0];
	[tilespmem:s14+$0x1E7] =	vst v48;
	v53 =	vadd.f32 v50, v49;
	v54 =	vmul.f32 v41, v10;
	v55 =	vmul.f32 v42, v11  }
0x512: {  	v56 =	vld [tilespmem:s11+$0x1F0]  }
0x513: {  	v57 =	vld [tilespmem:s18+$0x1F0];
	[tilespmem:s1+$0x1E7] =	vst v53;
	v58 =	vadd.f32 v55, v54  }
0x514: {  	v59 =	vld [tilespmem:s19+$0x1F0]  }
0x515: {  	v60 =	vld [tilespmem:s3+$0x1F0];
	[tilespmem:s2+$0x1E7] =	vst v58  }
0x516: {  	v12 =	vld [tilespmem:s17+$0x1F0]  }
0x517: {  	v2 =	vmul.f32 v46, v2;
	v3 =	vmul.f32 v47, v3;
	v61 =	vld [tilespmem:s0+$0x1F0]  }
0x518: {  	v4 =	vmul.f32 v51, v4;
	v5 =	vmul.f32 v52, v5  }
0x519: {  	v2 =	vadd.f32 v3, v2;
	v3 =	vmul.f32 v56, v7;
	v6 =	vmul.f32 v57, v6  }
0x51a: {  	v4 =	vadd.f32 v5, v4;
	v5 =	vmul.f32 v59, v8;
	v62 =	vmul.f32 v60, v9  }
0x51b: {  	[tilespmem:s25+$0x1F7] =	vst v2;
	v2 =	vadd.f32 v6, v3  }
0x51c: {  	s28 =	smul.u32 $0x8400, s23;
	[tilespmem:s29+$0x1F7] =	vst v4;
	v4 =	vadd.f32 v62, v5;
	v3 =	vmul.f32 v12, v10;
	v63 =	vmul.f32 v61, v11  }
0x51d: {  	[tilespmem:s14+$0x1F7] =	vst v2  }
0x51e: {  	[tilespmem:s1+$0x1F7] =	vst v4;
	s1 =	sshrl.u32 s28, $0x2;
	v2 =	vadd.f32 v63, v3  }
0x51f: {  	s29 =	sshll.u32 s23, $0x7;
	s0 =	sadd.s32 $0xCA00, s1  }
0x520: {  	s5 =	simm.s32 $0x0;
	s3 =	simm.s32 $0x0;
	v3 =	vmov s0;
	[tilespmem:s2+$0x1F7] =	vst v2;
	s2 =	sadd.s32 $0xAA00, s1;
	v2 =	vmov s29  }
.LBB2_11:
0x521: {  	s6 =	sshll.u32 s5, $0x4  }
0x522: {  	v4 =	vmov s6  }
0x523: {  	v4 =	vmul.u32 $0x41, v4;
	_ =	sdelay $0x1  }
0x524: {  	v7 =	vbroadcast v4, $0x0;
	_ =	sdelay $0x1  }
0x525: {  	s8 =	simm.s32 $0x3;
	v4 =	vadd.s32 v0, v7  }
0x526: {  	s9 =	simm.s32 $0x1;
	v5 =	vadd.s32 s8, v4  }
0x527: {  	s25 =	simm.s32 $0x2;
	v6 =	vadd.s32 s9, v4  }
0x528: {  	v9 =	vadd.s32 s25, v4;
	_ =	sdelay $0x1  }
0x529: {  	s26 =	simm.s32 $0x7  }
0x52a: {  	s28 =	simm.s32 $0x5;
	v12 =	vadd.s32 s26, v4;
	v5 =	vld.idx.msk [tilespmem:v5+s31+$0x0], $0xffff  }
0x52b: {  	s29 =	simm.s32 $0x6;
	v13 =	vadd.s32 s28, v4;
	v6 =	vld.idx.msk [tilespmem:v6+s31+$0x0], $0xffff  }
0x52c: {  	v8 =	vadd.s32 v1, v7;
	v10 =	vadd.s32 s29, v4;
	v7 =	vld.idx.msk [tilespmem:v9+s31+$0x0], $0xffff  }
0x52d: {  	s10 =	simm.s32 $0x4;
	s11 =	simm.s32 $0x8;
	v11 =	vadd.s32 s3, v8;
	s8 =	smov.u32 s22;
	v9 =	vld.idx.msk [tilespmem:v4+s31+$0x0], $0xffff  }
.LBB2_12:
0x52e: {  	s9 =	sadd.s32 $0x3, s11  }
0x52f: {  	p1 =	slt.u32 s11, $0x3C;
	[tilespmem:s8+$0x80] =	vst v5;
	v5 =	vld.idx.msk [tilespmem:v12+s31+$0x0], $0xffff;
	s12 =	smov.u32 s11;
	s11 =	sadd.s32 $0x4, s11  }
.Ltmp5:
0x530: {  	s13 =	sadd.s32 $0x1, s12;
	v12 =	vadd.s32 s9, v4;
	[tilespmem:s8+$0xFFFFFF80] =	vst v6;
	v6 =	vld.idx.msk [tilespmem:v13+s31+$0x0], $0xffff;
	(pc) =	sbr.rel @p1 .LBB2_12-.Ltmp5, $4  }
0x531: {  	s9 =	sadd.s32 $0x2, s12;
	v13 =	vadd.s32 s13, v4;
	[tilespmem:s8+$0x0] =	vst v7;
	v7 =	vld.idx.msk [tilespmem:v10+s31+$0x0], $0xffff  }
0x532: {  	v10 =	vadd.s32 s9, v4;
	[tilespmem:s8+$0xFFFFFF00] =	vst v9;
	v9 =	vld.idx.msk [tilespmem:v11+s31+$0x0], $0xffff  }
0x533: {  	v11 =	vadd.s32 s10, v8;
	s10 =	smov.u32 s12  }
0x534: {  	s8 =	sadd.s32 $0x200, s8  }
0x535: {  	_ =	sdelay $0x3  }
0x536: {  	v4 =	vld.idx.msk [tilespmem:v12+s31+$0x0], $0xffff  }
0x537: {  	[tilespmem:s8+$0x80] =	vst v5;
	v5 =	vld.idx.msk [tilespmem:v13+s31+$0x0], $0xffff  }
0x538: {  	[tilespmem:s8+$0xFFFFFF80] =	vst v6;
	v62 =	vld.idx.msk [tilespmem:v10+s31+$0x0], $0xffff  }
0x539: {  	v63 =	vld.idx.msk [tilespmem:v11+s31+$0x0], $0xffff;
	[tilespmem:s8+$0x0] =	vst v7  }
0x53a: {  	s29 =	sadd.s32 $0x200, s8;
	[tilespmem:s8+$0xFFFFFF00] =	vst v9  }
0x53b: {  	[tilespmem:s29+$0x80] =	vst v4  }
0x53c: {  	[tilespmem:s29+$0xFFFFFF80] =	vst v5  }
0x53d: {  	[tilespmem:s29+$0x0] =	vst v62  }
0x53e: {  	[tilespmem:s29+$0xFFFFFF00] =	vst v63  }
0x53f: {  	v4 =	vld.idx.msk [tilespmem:v2+s6+$0x780 ss:$0x1], $0xffff;
	_ =	sdelay $0x4  }
0x540: {  	s5 =	sadd.s32 $0x1, s5;
	[tilespmem:v3+s6+$0x0 ss:$0x1] =	vst.idx.msk $0xffff, v4  }
0x541: {  	p1 =	sne.s32 s5, $0x8;
	v4 =	vld.idx.msk [tilespmem:v2+s6+$0x880 ss:$0x1], $0xffff  }
.Ltmp6:
0x542: {  	_ = 	snop;
	(pc) =	sbr.rel @p1 .LBB2_11-.Ltmp6, $2  }
0x543: {  	_ =	sdelay $0x2  }
0x544: {  	s22 =	sadd.s32 $0x10, s22;
	[tilespmem:v3+s6+$0x80 ss:$0x1] =	vst.idx.msk $0xffff, v4  }
0x545: {  	s3 =	rddreg [dreg:$0x7]  }
0x546: {  	s3 =	sadd.s32 s3, s21  }
0x547: {  	s5 =	sshrl.u32 s3, $0x7  }
0x548: {  	s3 =	sshll.u32 s3, $0xA;
	s5 =	smul.u32 $0x120000, s5  }
0x549: {  	s3 =	sand.u32 $0x1FC00, s3  }
0x54a: {  	s3 =	sor.u32 s3, s5  }
0x54b: {  	s8 =	rddreg [dreg:$0x1];
	s3 =	sshrl.u32 s3, $0x3  }
0x54c: {  	s3 =	sadd.s32 s8, s3  }
0x54d: {  	[hbm4b:s3+s4] =	stream.linear.scatter [tilespmem:s2], [sflag:$0x4], $0x400, $0x38;
	[tilespmem:$0xEC00] =	vst v63  }
0x54e: {  	s10 =	sadd.s32 $0xAE00, s1;
	s9 =	sadd.s32 $0x4000, s3  }
0x54f: {  	[hbm4b:s9+s4] =	stream.linear.scatter [tilespmem:s10], [sflag:$0x4], $0x400, $0x38;
	[tilespmem:$0xEC00] =	vst v63  }
0x550: {  	s12 =	sadd.s32 $0xB200, s1;
	s11 =	sadd.s32 $0x8000, s3  }
0x551: {  	[hbm4b:s11+s4] =	stream.linear.scatter [tilespmem:s12], [sflag:$0x4], $0x400, $0x38;
	[tilespmem:$0xEC00] =	vst v63  }
0x552: {  	s14 =	sadd.s32 $0xB600, s1;
	s13 =	sadd.s32 $0xC000, s3  }
0x553: {  	[hbm4b:s13+s4] =	stream.linear.scatter [tilespmem:s14], [sflag:$0x4], $0x400, $0x38;
	[tilespmem:$0xEC00] =	vst v63  }
0x554: {  	s18 =	sadd.s32 $0xBA00, s1;
	s17 =	sadd.s32 $0x10000, s3  }
0x555: {  	[hbm4b:s17+s4] =	stream.linear.scatter [tilespmem:s18], [sflag:$0x4], $0x400, $0x38;
	[tilespmem:$0xEC00] =	vst v63  }
0x556: {  	s22 =	sadd.s32 $0xBE00, s1;
	s21 =	sadd.s32 $0x1, s21;
	s19 =	sadd.s32 $0x14000, s3  }
0x557: {  	[hbm4b:s19+s4] =	stream.linear.scatter [tilespmem:s22], [sflag:$0x4], $0x400, $0x38;
	[tilespmem:$0xEC00] =	vst v63  }
0x558: {  	s25 =	sadd.s32 $0xC200, s1;
	p1 =	sne.s32 s21, $0x50;
	s23 =	sadd.s32 $0x18000, s3  }
0x559: {  	[hbm4b:s23+s4] =	stream.linear.scatter [tilespmem:s25], [sflag:$0x4], $0x400, $0x38;
	[tilespmem:$0xEC00] =	vst v63  }
.Ltmp7:
0x55a: {  	s28 =	sadd.s32 $0xC600, s1;
	(pc) =	sbr.rel @p1 .LBB2_2-.Ltmp7, $4  }
0x55b: {  	s20 =	sadd.s32 $0x80, s20;
	s16 =	sadd.s32 $0x80, s16;
	s26 =	sadd.s32 $0x1C000, s3  }
0x55c: {  	[hbm4b:s26+s4] =	stream.linear.scatter [tilespmem:s28], [sflag:$0x4], $0x400, $0x38;
	[tilespmem:$0xEC00] =	vst v63  }
0x55d: {  	p0 =	por !p0, !p0;
	s8 =	rddreg [dreg:$0x6];
	s29 =	sadd.s32 $0x20000, s3  }
0x55e: {  	[hbm4b:s29+s4] =	stream.linear.scatter [tilespmem:s0], [sflag:$0x4], $0x100, $0x38;
	[tilespmem:$0xEC00] =	vst v63  }
0x55f: {  	s1 =	simm.s32 $0x4  }
0x560: {  	_ =	swait.ge [sflag:s1], $0x400  }
0x561: {  	[sflag:s1] =	ssyncset.done $0x0  }
0x562: {  	[sflag:s1] =	ssyncadd.s32 $0xFFFFFC00  }
0x563: {  	_ =	swait.ge [sflag:s1], $0x400  }
0x564: {  	[sflag:s1] =	ssyncset.done $0x0  }
0x565: {  	[sflag:s1] =	ssyncadd.s32 $0xFFFFFC00  }
0x566: {  	_ =	swait.ge [sflag:s1], $0x400  }
0x567: {  	[sflag:s1] =	ssyncset.done $0x0  }
0x568: {  	[sflag:s1] =	ssyncadd.s32 $0xFFFFFC00  }
0x569: {  	_ =	swait.ge [sflag:s1], $0x400  }
0x56a: {  	[sflag:s1] =	ssyncset.done $0x0  }
0x56b: {  	[sflag:s1] =	ssyncadd.s32 $0xFFFFFC00  }
0x56c: {  	_ =	swait.ge [sflag:s1], $0x400  }
0x56d: {  	[sflag:s1] =	ssyncset.done $0x0  }
0x56e: {  	[sflag:s1] =	ssyncadd.s32 $0xFFFFFC00  }
0x56f: {  	_ =	swait.ge [sflag:s1], $0x400  }
0x570: {  	[sflag:s1] =	ssyncset.done $0x0  }
0x571: {  	[sflag:s1] =	ssyncadd.s32 $0xFFFFFC00  }
0x572: {  	_ =	swait.ge [sflag:s1], $0x400  }
0x573: {  	[sflag:s1] =	ssyncset.done $0x0  }
0x574: {  	[sflag:s1] =	ssyncadd.s32 $0xFFFFFC00  }
0x575: {  	_ =	swait.ge [sflag:s1], $0x400  }
0x576: {  	[sflag:s1] =	ssyncset.done $0x0  }
0x577: {  	[sflag:s1] =	ssyncadd.s32 $0xFFFFFC00  }
0x578: {  	_ =	swait.ge [sflag:s1], $0x100  }
0x579: {  	[sflag:s1] =	ssyncset.done $0x0  }
0x57a: {  	[sflag:s1] =	ssyncadd.s32 $0xFFFFFF00  }
0x57b: {  	_ =	swait.ge [sflag:s1], $0x400  }
0x57c: {  	[sflag:s1] =	ssyncset.done $0x0  }
0x57d: {  	[sflag:s1] =	ssyncadd.s32 $0xFFFFFC00  }
0x57e: {  	_ =	swait.ge [sflag:s1], $0x400  }
0x57f: {  	[sflag:s1] =	ssyncset.done $0x0  }
0x580: {  	[sflag:s1] =	ssyncadd.s32 $0xFFFFFC00  }
0x581: {  	_ =	swait.ge [sflag:s1], $0x400  }
0x582: {  	[sflag:s1] =	ssyncset.done $0x0  }
0x583: {  	[sflag:s1] =	ssyncadd.s32 $0xFFFFFC00  }
0x584: {  	_ =	swait.ge [sflag:s1], $0x400  }
0x585: {  	[sflag:s1] =	ssyncset.done $0x0  }
0x586: {  	[sflag:s1] =	ssyncadd.s32 $0xFFFFFC00  }
0x587: {  	_ =	swait.ge [sflag:s1], $0x400  }
0x588: {  	[sflag:s1] =	ssyncset.done $0x0  }
0x589: {  	[sflag:s1] =	ssyncadd.s32 $0xFFFFFC00  }
0x58a: {  	_ =	swait.ge [sflag:s1], $0x400  }
0x58b: {  	[sflag:s1] =	ssyncset.done $0x0  }
0x58c: {  	[sflag:s1] =	ssyncadd.s32 $0xFFFFFC00  }
0x58d: {  	_ =	swait.ge [sflag:s1], $0x400  }
0x58e: {  	[sflag:s1] =	ssyncset.done $0x0  }
0x58f: {  	[sflag:s1] =	ssyncadd.s32 $0xFFFFFC00  }
0x590: {  	_ =	swait.ge [sflag:s1], $0x400  }
0x591: {  	[sflag:s1] =	ssyncset.done $0x0  }
0x592: {  	[sflag:s1] =	ssyncadd.s32 $0xFFFFFC00  }
0x593: {  	_ =	swait.ge [sflag:s1], $0x100  }
0x594: {  	s2 =	rddreg [dreg:$0xc]  }
0x595: {  	s0 =	rddreg [dreg:$0xb];
	s2 =	sadd.s32 $0x1, s2  }
0x596: {  	p0 =	sne.s32 s2, s0  }
.Ltmp8:
0x597: {  	_ = 	snop;
	(pc) =	sbr.rel @p0 .LBB2_1-.Ltmp8, $3  }
0x598: {  	_ =	sdelay $0x1  }
0x599: {  	[sflag:s1] =	ssyncset.done $0x0  }
0x59a: {  	[sflag:s1] =	ssyncadd.s32 $0xFFFFFF00  }
0x59b: {  	_ =	sfence.sel $0x180000  }
0x59c: {  	[bflag:$0x0] =	sbarrier.arrive $0xFFFF  }
0x59d: {  	_ =	strace $0x90000047  }
0x59e: {  	s0 =	stileid.u32;
	[bflag:$0x2] =	sbarrier.arrive $0xFFFF  }
0x59f: {  	p0 =	sne.s32 s0, $0x0;
	s0 =	rddreg [dreg:$0x2]  }
0x5a0: {  	s0 =	sadd.s32 @!p0 $0x100000, s0  }
0x5a1: {  	[sflag:s0] =	ssyncadd.tile.s32 @!p0 $0x1;
	_ =	shalt  }
.Lfunc_end2:
_tile_overlayer_lowered:
.L_overlay_start_2:
0x5a2: {  	(tag) =	ssettag $0x2  }
0x5a3: {  	s0 =	rddreg [dreg:$0x0];
	s2 =	stileid.u32  }
0x5a4: {  	s1 =	rddreg [dreg:$0x1];
	p0 =	sne.s32 s2, $0x0  }
0x5a5: {  	s3 =	rddreg [dreg:$0x2];
	[bflag:$0x3] =	sbarrier.arrive $0xFFFF;
	s2 =	simm.s32 @!p0 $0x1C05  }
0x5a6: {  	[timem:s3], [sflag:s2] =	dma.local @!p0 [hbm:s0], s1  }
0x5a7: {  	s0 =	simm.s32 @!p0 $0x5  }
0x5a8: {  	_ =	swait.ge @!p0 [sflag:s0], s1  }
0x5a9: {  	s1 =	ssub.s32 @!p0 $0x0, s1;
	[sflag:s0] =	ssyncset.done @!p0 $0x0  }
0x5aa: {  	[sflag:s0] =	ssyncadd.s32 @!p0 s1  }
0x5ab: {  	[bflag:$0x3] =	sbarrier.arrive $0xFFFF  }
0x5ac: {  	_ =	shalt  }

</sc_bundles>
